<compile_context>
chip_gen: v7x
topology: tpu7x:2x2x1
jax: 0.10.2.dev20260603
libtpu: 0.0.44.dev20260713+nightly
codegen_flags: <defaults>
</compile_context>

<pallas_src>
import functools

import jax
import jax.numpy as jnp
from jax import lax
from jax.experimental import pallas as pl
from jax.experimental.pallas import tpu as pltpu
from jax.experimental.pallas import tpu_sc as plsc

N = 10000
E = 320000
NF = 128
NEF = 16
MSG = 128
HID = 300
NH = 128
NP = 2
NG = 64

NC = 2
NS = 16
NW = NC * NS

C = 80
PWS = (2240, 2960, 2960, 1840)
GOFFS = tuple(sum(PWS[:i]) * NW for i in range(len(PWS)))
ESS = tuple(p * NW for p in PWS)
NSLICES = len(PWS)
NAGG = 10240
ROWS_PER_TILE = NAGG // NS


def _maybe_when(cond, fn):
    if isinstance(cond, bool):
        if cond:
            fn()
    else:
        pl.when(cond)(fn)


def _gather_body(goff, per_w, x_hbm, src_hbm, dst_hbm, xji_hbm,
                 idx_s, idx_d, rows_s, rows_d, sem_is, sem_id, sem_g, sem_w):
    c = lax.axis_index("c")
    s = lax.axis_index("s")
    wbase = (c * NS + s) * per_w
    nchunks = per_w // C

    def wb(p, o):
        pltpu.async_copy(rows_d[p], xji_hbm.at[pl.ds(o, C), pl.ds(0, NF)],
                         sem_w[p])
        pltpu.async_copy(rows_s[p], xji_hbm.at[pl.ds(o, C), pl.ds(NF, NF)],
                         sem_w[p])

    def stage(j, b):
        o = wbase + j * C
        g = goff + o

        def drain_prev_wb():
            pltpu.make_async_copy(rows_s[b], xji_hbm.at[pl.ds(0, C),
                                                        pl.ds(0, NF)],
                                  sem_w[b]).wait()
            pltpu.make_async_copy(rows_d[b], xji_hbm.at[pl.ds(0, C),
                                                        pl.ds(0, NF)],
                                  sem_w[b]).wait()

        _maybe_when(j >= 2, drain_prev_wb)

        ci = pltpu.async_copy(src_hbm.at[pl.ds(g, C)], idx_s[b], sem_is[b])
        cd = pltpu.async_copy(dst_hbm.at[pl.ds(g, C)], idx_d[b], sem_id[b])
        ci.wait()
        pltpu.async_copy(x_hbm.at[idx_s[b]], rows_s[b], sem_g[b])
        cd.wait()
        pltpu.async_copy(x_hbm.at[idx_d[b]], rows_d[b], sem_g[b])

        def wb_prev():
            ob = wbase + (j - 1) * C
            p = 1 - b
            pltpu.make_async_copy(x_hbm.at[idx_s[p]], rows_s[p],
                                  sem_g[p]).wait()
            pltpu.make_async_copy(x_hbm.at[idx_d[p]], rows_d[p],
                                  sem_g[p]).wait()
            wb(p, ob)

        _maybe_when(j >= 1, wb_prev)

    @pl.loop(0, nchunks // 2)
    def _(i):
        stage(2 * i, 0)
        stage(2 * i + 1, 1)

    if nchunks % 2:
        stage(nchunks - 1, 0)
    bl = (nchunks - 1) % 2
    ol = wbase + (nchunks - 1) * C
    pltpu.make_async_copy(x_hbm.at[idx_s[bl]], rows_s[bl], sem_g[bl]).wait()
    pltpu.make_async_copy(x_hbm.at[idx_d[bl]], rows_d[bl], sem_g[bl]).wait()
    pltpu.sync_copy(rows_d[bl], xji_hbm.at[pl.ds(ol, C), pl.ds(0, NF)])
    pltpu.sync_copy(rows_s[bl], xji_hbm.at[pl.ds(ol, C), pl.ds(NF, NF)])
    pltpu.make_async_copy(rows_s[1 - bl], xji_hbm.at[pl.ds(0, C),
                                                     pl.ds(0, NF)],
                          sem_w[1 - bl]).wait()
    pltpu.make_async_copy(rows_d[1 - bl], xji_hbm.at[pl.ds(0, C),
                                                     pl.ds(0, NF)],
                          sem_w[1 - bl]).wait()


def _sc_gather(x, src, dst, sl):
    goff, per_w, es = GOFFS[sl], PWS[sl], ESS[sl]
    mesh = plsc.VectorSubcoreMesh(core_axis_name="c", subcore_axis_name="s")
    f = pl.kernel(
        functools.partial(_gather_body, goff, per_w),
        out_type=jax.ShapeDtypeStruct((es, 2 * NF), jnp.float32),
        mesh=mesh,
        scratch_types=[
            [pltpu.VMEM((C,), jnp.int32)] * 2,
            [pltpu.VMEM((C,), jnp.int32)] * 2,
            [pltpu.VMEM((C, NF), jnp.float32)] * 2,
            [pltpu.VMEM((C, NF), jnp.float32)] * 2,
            [pltpu.SemaphoreType.DMA] * 2,
            [pltpu.SemaphoreType.DMA] * 2,
            [pltpu.SemaphoreType.DMA] * 2,
            [pltpu.SemaphoreType.DMA] * 2,
        ],
        name=f"sc_gather_{sl}",
    )
    return f(x, src, dst)


def _scatter_body(goff, per_w, msg_hbm, dst_hbm, z_hbm, out_hbm,
                  idx_v, rows_v, acc_sh, sem_i, sem_m, sem_a):
    c = lax.axis_index("c")
    s = lax.axis_index("s")
    pltpu.sync_copy(z_hbm, acc_sh.at[pl.ds(s * ROWS_PER_TILE, ROWS_PER_TILE)])
    plsc.subcore_barrier()

    wbase = (c * NS + s) * per_w
    nchunks = per_w // C

    def stage(j, b):
        o = wbase + j * C
        g = goff + o

        def drain_prev_add():
            pltpu.make_async_copy(rows_v[b], acc_sh.at[idx_v[b]],
                                  sem_a[b]).wait()

        _maybe_when(j >= 2, drain_prev_add)

        ci = pltpu.async_copy(dst_hbm.at[pl.ds(g, C)], idx_v[b], sem_i[b])
        cm = pltpu.async_copy(msg_hbm.at[pl.ds(o, C)], rows_v[b], sem_m[b])
        ci.wait()
        cm.wait()
        pltpu.async_copy(rows_v[b], acc_sh.at[idx_v[b]], sem_a[b], add=True)

    @pl.loop(0, nchunks // 2)
    def _(i):
        stage(2 * i, 0)
        stage(2 * i + 1, 1)

    if nchunks % 2:
        stage(nchunks - 1, 0)
    bl = (nchunks - 1) % 2
    pltpu.make_async_copy(rows_v[bl], acc_sh.at[idx_v[bl]], sem_a[bl]).wait()
    if nchunks >= 2:
        pltpu.make_async_copy(rows_v[1 - bl], acc_sh.at[idx_v[1 - bl]],
                              sem_a[1 - bl]).wait()

    plsc.subcore_barrier()
    pltpu.sync_copy(
        acc_sh.at[pl.ds(s * ROWS_PER_TILE, ROWS_PER_TILE)],
        out_hbm.at[c].at[pl.ds(s * ROWS_PER_TILE, ROWS_PER_TILE)],
    )


def _sc_scatter(msg, dst, sl):
    goff, per_w = GOFFS[sl], PWS[sl]
    mesh = plsc.VectorSubcoreMesh(core_axis_name="c", subcore_axis_name="s")
    z = jnp.zeros((ROWS_PER_TILE, MSG), jnp.float32)
    f = pl.kernel(
        functools.partial(_scatter_body, goff, per_w),
        out_type=jax.ShapeDtypeStruct((NC, NAGG, MSG), jnp.float32),
        mesh=mesh,
        scratch_types=[
            [pltpu.VMEM((C,), jnp.int32)] * 2,
            [pltpu.VMEM((C, MSG), jnp.float32)] * 2,
            pltpu.VMEM_SHARED((NAGG, MSG), jnp.float32),
            [pltpu.SemaphoreType.DMA] * 2,
            [pltpu.SemaphoreType.DMA] * 2,
            [pltpu.SemaphoreType.DMA] * 2,
        ],
        name=f"sc_scatter_{sl}",
    )
    return f(msg, dst, z)


def _silu(v):
    return v * jax.nn.sigmoid(v)


def _silu_b(v):
    vb = v.astype(jnp.bfloat16)
    return vb * jax.nn.sigmoid(vb)


def _bdot(a, b):
    return jnp.dot(a.astype(jnp.bfloat16), b.astype(jnp.bfloat16),
                   preferred_element_type=jnp.float32)


def _emlp_body(xji_ref, eat_ref, w1ab, w1c, b1, w2, b2, w3, b3, out_ref):
    eac = lax.dot_general(
        eat_ref[...].astype(jnp.bfloat16), w1c[...].astype(jnp.bfloat16),
        dimension_numbers=(((0,), (0,)), ((), ())),
        preferred_element_type=jnp.float32)
    h = _bdot(xji_ref[...], w1ab[...]) + eac + b1[...]
    h = _silu_b(h)
    h = _silu_b(_bdot(h, w2[...]) + b2[...])
    out_ref[...] = _bdot(h, w3[...]) + b3[...]


def _tc_edge_mlp(xji, ea_t, sl, mW1, mb1, mW2, mb2, mW3, mb3):
    BE = 1280
    es = xji.shape[0]
    grid = (es // BE,)
    ea_off = GOFFS[sl] // BE
    w1ab = mW1[:2 * NF]
    w1c = mW1[2 * NF:]
    full = lambda shape: pl.BlockSpec(shape, lambda i: (0,) * len(shape))
    return pl.pallas_call(
        _emlp_body,
        grid=grid,
        in_specs=[
            pl.BlockSpec((BE, 2 * NF), lambda i: (i, 0)),
            pl.BlockSpec((NEF, BE), lambda i: (0, i + ea_off)),
            full((2 * NF, HID)),
            full((NEF, HID)),
            full((1, HID)),
            full((HID, HID)),
            full((1, HID)),
            full((HID, MSG)),
            full((1, MSG)),
        ],
        out_specs=pl.BlockSpec((BE, MSG), lambda i: (i, 0)),
        out_shape=jax.ShapeDtypeStruct((es, MSG), jnp.float32),
        name=f"tc_edge_mlp_{sl}",
    )(xji, ea_t, w1ab, w1c, mb1.reshape(1, HID), mW2,
      mb2.reshape(1, HID), mW3, mb3.reshape(1, MSG))


def _nmlp_body(a0_ref, a1_ref, a2_ref, a3_ref, x_ref, batch_ref, w1a, w1b,
               b1, w2, b2, w3, b3, lw, lb, out_ref, pool_acc, cnt_acc):
    i = pl.program_id(0)
    nb = pl.num_programs(0)

    @pl.when(i == 0)
    def _():
        pool_acc[...] = jnp.zeros_like(pool_acc)
        cnt_acc[...] = jnp.zeros_like(cnt_acc)

    aggr = ((a0_ref[0] + a0_ref[1]) + (a1_ref[0] + a1_ref[1])
            + (a2_ref[0] + a2_ref[1]) + (a3_ref[0] + a3_ref[1]))
    h = (_bdot(x_ref[...], w1a[...])
         + _bdot(aggr, w1b[...])
         + b1[...])
    h = _silu(h)
    h = _silu(_bdot(h, w2[...]) + b2[...])
    h = _bdot(h, w3[...]) + b3[...]

    ids = batch_ref[...].reshape(1, -1)
    iota = lax.broadcasted_iota(jnp.int32, (NG, ids.shape[1]), 0)
    onehot = (iota == ids).astype(jnp.float32)
    pool_acc[...] += jnp.dot(onehot, h, preferred_element_type=jnp.float32)
    cnt = jnp.sum(onehot, axis=1, keepdims=True)
    cnt_acc[...] += jnp.broadcast_to(cnt, cnt_acc.shape)

    @pl.when(i == nb - 1)
    def _():
        pooled = pool_acc[...] / jnp.maximum(cnt_acc[...], 1.0)
        out_ref[...] = (
            jnp.dot(pooled, lw[...], preferred_element_type=jnp.float32)
            + lb[...])


def _tc_node_mlp(a0, a1, a2, a3, x, batch, nW1, nb1, nW2, nb2, nW3, nb3,
                 lW, lb):
    BN = 400
    nblocks = N // BN
    batch3 = batch.reshape(nblocks, 1, BN)
    w1a = nW1[:NF]
    w1b = nW1[NF:]
    full = lambda shape: pl.BlockSpec(shape, lambda i: (0,) * len(shape))
    return pl.pallas_call(
        _nmlp_body,
        grid=(nblocks,),
        in_specs=[
            pl.BlockSpec((NC, BN, MSG), lambda i: (0, i, 0)),
            pl.BlockSpec((NC, BN, MSG), lambda i: (0, i, 0)),
            pl.BlockSpec((NC, BN, MSG), lambda i: (0, i, 0)),
            pl.BlockSpec((NC, BN, MSG), lambda i: (0, i, 0)),
            pl.BlockSpec((BN, NF), lambda i: (i, 0)),
            pl.BlockSpec((1, 1, BN), lambda i: (i, 0, 0)),
            full((NF, HID)),
            full((MSG, HID)),
            full((1, HID)),
            full((HID, HID)),
            full((1, HID)),
            full((HID, NH)),
            full((1, NH)),
            full((NH, NP)),
            full((1, NP)),
        ],
        out_specs=pl.BlockSpec((NG, NP), lambda i: (0, 0)),
        out_shape=jax.ShapeDtypeStruct((NG, NP), jnp.float32),
        scratch_shapes=[
            pltpu.VMEM((NG, NH), jnp.float32),
            pltpu.VMEM((NG, NH), jnp.float32),
        ],
        name="tc_node_mlp",
    )(a0, a1, a2, a3, x, batch3, w1a, w1b, nb1.reshape(1, HID), nW2,
      nb2.reshape(1, HID), nW3, nb3.reshape(1, NH), lW, lb.reshape(1, NP))


def kernel(x, edge_index, edge_attr, batch,
           mW1, mb1, mW2, mb2, mW3, mb3,
           nW1, nb1, nW2, nb2, nW3, nb3,
           lW, lb):
    src = edge_index[0]
    dst = edge_index[1]
    ea_t = edge_attr.T
    xjis = [_sc_gather(x, src, dst, sl) for sl in range(NSLICES)]
    msgs = [_tc_edge_mlp(xjis[sl], ea_t, sl, mW1, mb1, mW2, mb2, mW3, mb3)
            for sl in range(NSLICES)]
    aggs = [_sc_scatter(msgs[sl], dst, sl) for sl in range(NSLICES)]
    return _tc_node_mlp(*aggs, x, batch, nW1, nb1, nW2, nb2, nW3, nb3,
                        lW, lb)

# --- scband reference (transcript-rebuilt; emitter-appended) ---
"""Pipeline reference for scband-gnpoolswish-60730837565914 (READ-ONLY COPY).

The authoritative reference and input builder live on the scoring server;
editing this copy changes nothing except your own understanding.
"""

import jax, jax.numpy as jnp
import numpy as np

N = 10000
E = 320000
NF = 128
NEF = 16
MSG = 128
HID = 300
NH = 128
NP = 2
NG = 64


def _mlp3(t, W1, b1, W2, b2, W3, b3):
    h = jax.nn.silu(t @ W1 + b1)
    h = jax.nn.silu(h @ W2 + b2)
    return h @ W3 + b3


def _lin_init(key, fan_in, fan_out):
    s = 1.0 / np.sqrt(fan_in)
    kW, kb = jax.random.split(key)
    W = jax.random.uniform(kW, (fan_in, fan_out), jnp.float32, -s, s)
    b = jax.random.uniform(kb, (fan_out,), jnp.float32, -s, s)
    return W, b


def setup_inputs(seed: int = 0) -> dict:
    key = jax.random.key(seed)
    ks = jax.random.split(key, 12)
    x = jax.random.normal(ks[0], (N, NF), jnp.float32)
    edge_index = jax.random.randint(ks[1], (2, E), 0, N, dtype=jnp.int32)
    edge_attr = jax.random.normal(ks[2], (E, NEF), jnp.float32)
    batch = jnp.sort(jax.random.randint(ks[3], (N,), 0, NG, dtype=jnp.int32))
    # msg_fnc: Lin(2*NF+NEF, HID) -> SiLU -> Lin(HID, HID) -> SiLU -> Lin(HID, MSG)
    mW1, mb1 = _lin_init(ks[4], 2 * NF + NEF, HID)
    mW2, mb2 = _lin_init(ks[5], HID, HID)
    mW3, mb3 = _lin_init(ks[6], HID, MSG)
    # node_fnc: Lin(MSG+NF, HID) -> SiLU -> Lin(HID, HID) -> SiLU -> Lin(HID, NH)
    nW1, nb1 = _lin_init(ks[7], MSG + NF, HID)
    nW2, nb2 = _lin_init(ks[8], HID, HID)
    nW3, nb3 = _lin_init(ks[9], HID, NH)
    # final lin: NH -> NP
    lW, lb = _lin_init(ks[10], NH, NP)
    return {
        "x": x, "edge_index": edge_index, "edge_attr": edge_attr, "batch": batch,
        "mW1": mW1, "mb1": mb1, "mW2": mW2, "mb2": mb2, "mW3": mW3, "mb3": mb3,
        "nW1": nW1, "nb1": nb1, "nW2": nW2, "nb2": nb2, "nW3": nW3, "nb3": nb3,
        "lW": lW, "lb": lb,
    }


def reference(x, edge_index, edge_attr, batch,
              mW1, mb1, mW2, mb2, mW3, mb3,
              nW1, nb1, nW2, nb2, nW3, nb3,
              lW, lb):
    src = edge_index[0]
    dst = edge_index[1]
    # PyG source_to_target flow: x_j = x[src], x_i = x[dst], aggregate into dst
    x_i = jnp.take(x, dst, axis=0)
    x_j = jnp.take(x, src, axis=0)
    msg_in = jnp.concatenate([x_i, x_j, edge_attr], axis=1)
    msg = _mlp3(msg_in, mW1, mb1, mW2, mb2, mW3, mb3)
    aggr = jax.ops.segment_sum(msg, dst, num_segments=N)
    node_in = jnp.concatenate([x, aggr], axis=1)
    node_out = _mlp3(node_in, nW1, nb1, nW2, nb2, nW3, nb3)
    # global_mean_pool over batch ids
    counts = jax.ops.segment_sum(jnp.ones((N, 1), jnp.float32), batch, num_segments=NG)
    pooled = jax.ops.segment_sum(node_out, batch, num_segments=NG) / jnp.maximum(counts, 1.0)
    # dropout p=0.5 is identity in eval mode
    out = pooled @ lW + lb
    return out

if __name__ == "__main__":
    import jax
    _d = setup_inputs()
    print(jax.jit(kernel)(*tuple(_d.values())))

</pallas_src>

<mosaic_0001>
#map = affine_map<(d0, d1) -> (0, 0)>
#map1 = affine_map<(d0, d1) -> (0)>
module attributes {stable_mosaic.version = 14 : i64} {
  func.func @sc_gather_2(%arg0: i32, %arg1: i32, %arg2: memref<10000x128xf32, #tpu.memory_space<hbm>>, %arg3: memref<320000xi32, #tpu.memory_space<hbm>>, %arg4: memref<320000xi32, #tpu.memory_space<hbm>>, %arg5: memref<94720x256xf32, #tpu.memory_space<hbm>>, %arg6: memref<80xi32, #tpu.memory_space<vmem>>, %arg7: memref<80xi32, #tpu.memory_space<vmem>>, %arg8: memref<80xi32, #tpu.memory_space<vmem>>, %arg9: memref<80xi32, #tpu.memory_space<vmem>>, %arg10: memref<80x128xf32, #tpu.memory_space<vmem>>, %arg11: memref<80x128xf32, #tpu.memory_space<vmem>>, %arg12: memref<80x128xf32, #tpu.memory_space<vmem>>, %arg13: memref<80x128xf32, #tpu.memory_space<vmem>>, %arg14: memref<!tpu.dma_semaphore, #tpu.memory_space<semaphore_mem>>, %arg15: memref<!tpu.dma_semaphore, #tpu.memory_space<semaphore_mem>>, %arg16: memref<!tpu.dma_semaphore, #tpu.memory_space<semaphore_mem>>, %arg17: memref<!tpu.dma_semaphore, #tpu.memory_space<semaphore_mem>>, %arg18: memref<!tpu.dma_semaphore, #tpu.memory_space<semaphore_mem>>, %arg19: memref<!tpu.dma_semaphore, #tpu.memory_space<semaphore_mem>>, %arg20: memref<!tpu.dma_semaphore, #tpu.memory_space<semaphore_mem>>, %arg21: memref<!tpu.dma_semaphore, #tpu.memory_space<semaphore_mem>>) attributes {dimension_semantics = [#tpu.dimension_semantics<core_parallel>, #tpu.dimension_semantics<subcore_parallel>], iteration_bounds = array<i64: 2, 16>, scalar_prefetch = 0 : i64, scratch_operands = 16 : i64, tpu.core_type = #tpu.core_type<sc_vector_subcore>, window_params = [{transform_indices = #map}, {transform_indices = #map1}, {transform_indices = #map1}, {transform_indices = #map}]} {
    %mul3A = arith.constant 16 : i32
    %mul3A_0 = arith.muli %arg0, %mul3A : i32
    %add3A = arith.addi %mul3A_0, %arg1 : i32
    %mul3A_1 = arith.constant 2960 : i32
    %mul3A_2 = arith.muli %add3A, %mul3A_1 : i32
    %scan3A = arith.constant 0 : i32
    %scan3A_3 = arith.constant 18 : i32
    %scan3A_4 = arith.addi %scan3A, %scan3A_3 : i32
    %scan3A_5 = arith.constant 1 : i32
    scf.for %scan3A_71 = %scan3A to %scan3A_4 step %scan3A_5  : i32 {
      %mul3A_72 = arith.constant 1 : i32
      %mul3A_73 = arith.muli %scan3A_71, %mul3A_72 : i32
      %add3A_74 = arith.constant 0 : i32
      %add3A_75 = arith.addi %add3A_74, %mul3A_73 : i32
      %mul3A_76 = arith.constant 2 : i32
      %mul3A_77 = arith.muli %mul3A_76, %add3A_75 : i32
      %mul3A_78 = arith.constant 80 : i32
      %mul3A_79 = arith.muli %mul3A_77, %mul3A_78 : i32
      %add3A_80 = arith.addi %mul3A_2, %mul3A_79 : i32
      %add3A_81 = arith.constant 166400 : i32
      %add3A_82 = arith.addi %add3A_81, %add3A_80 : i32
      %ge3A = arith.constant 2 : i32
      %ge3A_83 = arith.cmpi sge, %mul3A_77, %ge3A : i32
      %convert_element_type3A = arith.extui %ge3A_83 : i1 to i32
      %cond3A = arith.constant 0 : i32
      %cond3A_84 = arith.cmpi ne, %convert_element_type3A, %cond3A : i32
      scf.if %cond3A_84 {
        %dma_wait3A_137 = arith.constant 0 : i32
        %dma_wait3A_138 = arith.constant 0 : i32
        %dma_wait3A_139 = tpu.memref_slice %arg5[%dma_wait3A_137, %dma_wait3A_138] : memref<94720x256xf32, #tpu.memory_space<hbm>> -> memref<80x128xf32, #tpu.memory_space<hbm>>
        %dma_wait3A_140 = arith.constant 0 : i32
        %dma_wait3A_141 = arith.constant 0 : i32
        %dma_wait3A_142 = tpu.memref_slice %arg5[%dma_wait3A_140, %dma_wait3A_141] : memref<94720x256xf32, #tpu.memory_space<hbm>> -> memref<80x128xf32, #tpu.memory_space<hbm>>
        tpu.wait_dma2 semaphore(%arg20 : memref<!tpu.dma_semaphore, #tpu.memory_space<semaphore_mem>>) src(%arg10 : memref<80x128xf32, #tpu.memory_space<vmem>>) dst(%dma_wait3A_142 : memref<80x128xf32, #tpu.memory_space<hbm>>)
        %dma_wait3A_143 = arith.constant 0 : i32
        %dma_wait3A_144 = arith.constant 0 : i32
        %dma_wait3A_145 = tpu.memref_slice %arg5[%dma_wait3A_143, %dma_wait3A_144] : memref<94720x256xf32, #tpu.memory_space<hbm>> -> memref<80x128xf32, #tpu.memory_space<hbm>>
        %dma_wait3A_146 = arith.constant 0 : i32
        %dma_wait3A_147 = arith.constant 0 : i32
        %dma_wait3A_148 = tpu.memref_slice %arg5[%dma_wait3A_146, %dma_wait3A_147] : memref<94720x256xf32, #tpu.memory_space<hbm>> -> memref<80x128xf32, #tpu.memory_space<hbm>>
        tpu.wait_dma2 semaphore(%arg20 : memref<!tpu.dma_semaphore, #tpu.memory_space<semaphore_mem>>) src(%arg12 : memref<80x128xf32, #tpu.memory_space<vmem>>) dst(%dma_wait3A_148 : memref<80x128xf32, #tpu.memory_space<hbm>>)
      } else {
      }
      %dma_start3A_85 = tpu.memref_slice %arg3[%add3A_82] : memref<320000xi32, #tpu.memory_space<hbm>> -> memref<80xi32, #tpu.memory_space<hbm>>
      %dma_start3A_86 = tpu.memref_slice %arg3[%add3A_82] : memref<320000xi32, #tpu.memory_space<hbm>> -> memref<80xi32, #tpu.memory_space<hbm>>
      tpu.enqueue_dma source(%dma_start3A_86 : memref<80xi32, #tpu.memory_space<hbm>>) target(%arg6 : memref<80xi32, #tpu.memory_space<vmem>>) target_semaphore(%arg14 : memref<!tpu.dma_semaphore, #tpu.memory_space<semaphore_mem>>)
      %dma_start3A_87 = tpu.memref_slice %arg4[%add3A_82] : memref<320000xi32, #tpu.memory_space<hbm>> -> memref<80xi32, #tpu.memory_space<hbm>>
      %dma_start3A_88 = tpu.memref_slice %arg4[%add3A_82] : memref<320000xi32, #tpu.memory_space<hbm>> -> memref<80xi32, #tpu.memory_space<hbm>>
      tpu.enqueue_dma source(%dma_start3A_88 : memref<80xi32, #tpu.memory_space<hbm>>) target(%arg8 : memref<80xi32, #tpu.memory_space<vmem>>) target_semaphore(%arg16 : memref<!tpu.dma_semaphore, #tpu.memory_space<semaphore_mem>>)
      %dma_wait3A_89 = tpu.memref_slice %arg3[%add3A_82] : memref<320000xi32, #tpu.memory_space<hbm>> -> memref<80xi32, #tpu.memory_space<hbm>>
      %dma_wait3A_90 = tpu.memref_slice %arg3[%add3A_82] : memref<320000xi32, #tpu.memory_space<hbm>> -> memref<80xi32, #tpu.memory_space<hbm>>
      tpu.wait_dma2 semaphore(%arg14 : memref<!tpu.dma_semaphore, #tpu.memory_space<semaphore_mem>>) src(%dma_wait3A_90 : memref<80xi32, #tpu.memory_space<hbm>>) dst(%arg6 : memref<80xi32, #tpu.memory_space<vmem>>)
      %dma_start3A_91 = arith.constant 0 : i32
      %dma_start3A_92 = arith.constant 0 : i32
      %dma_start3A_93 = tpu.memref_slice %arg2[%dma_start3A_91, %dma_start3A_92] : memref<10000x128xf32, #tpu.memory_space<hbm>> -> memref<10000x128xf32, #tpu.memory_space<hbm>>
      tpu.enqueue_indirect_dma source(%dma_start3A_93 : memref<10000x128xf32, #tpu.memory_space<hbm>>) target(%arg10 : memref<80x128xf32, #tpu.memory_space<vmem>>) offsets(%arg6 : memref<80xi32, #tpu.memory_space<vmem>>) semaphore(%arg18 : memref<!tpu.dma_semaphore, #tpu.memory_space<semaphore_mem>>)
      %dma_wait3A_94 = tpu.memref_slice %arg4[%add3A_82] : memref<320000xi32, #tpu.memory_space<hbm>> -> memref<80xi32, #tpu.memory_space<hbm>>
      %dma_wait3A_95 = tpu.memref_slice %arg4[%add3A_82] : memref<320000xi32, #tpu.memory_space<hbm>> -> memref<80xi32, #tpu.memory_space<hbm>>
      tpu.wait_dma2 semaphore(%arg16 : memref<!tpu.dma_semaphore, #tpu.memory_space<semaphore_mem>>) src(%dma_wait3A_95 : memref<80xi32, #tpu.memory_space<hbm>>) dst(%arg8 : memref<80xi32, #tpu.memory_space<vmem>>)
      %dma_start3A_96 = arith.constant 0 : i32
      %dma_start3A_97 = arith.constant 0 : i32
      %dma_start3A_98 = tpu.memref_slice %arg2[%dma_start3A_96, %dma_start3A_97] : memref<10000x128xf32, #tpu.memory_space<hbm>> -> memref<10000x128xf32, #tpu.memory_space<hbm>>
      tpu.enqueue_indirect_dma source(%dma_start3A_98 : memref<10000x128xf32, #tpu.memory_space<hbm>>) target(%arg12 : memref<80x128xf32, #tpu.memory_space<vmem>>) offsets(%arg8 : memref<80xi32, #tpu.memory_space<vmem>>) semaphore(%arg18 : memref<!tpu.dma_semaphore, #tpu.memory_space<semaphore_mem>>)
      %ge3A_99 = arith.constant 1 : i32
      %ge3A_100 = arith.cmpi sge, %mul3A_77, %ge3A_99 : i32
      %convert_element_type3A_101 = arith.extui %ge3A_100 : i1 to i32
      %cond3A_102 = arith.constant 0 : i32
      %cond3A_103 = arith.cmpi ne, %convert_element_type3A_101, %cond3A_102 : i32
      scf.if %cond3A_103 {
        %sub3A = arith.constant 1 : i32
        %sub3A_137 = arith.subi %mul3A_77, %sub3A : i32
        %mul3A_138 = arith.constant 80 : i32
        %mul3A_139 = arith.muli %sub3A_137, %mul3A_138 : i32
        %add3A_140 = arith.addi %mul3A_2, %mul3A_139 : i32
        %dma_wait3A_141 = arith.constant 0 : i32
        %dma_wait3A_142 = arith.constant 0 : i32
        %dma_wait3A_143 = tpu.memref_slice %arg2[%dma_wait3A_141, %dma_wait3A_142] : memref<10000x128xf32, #tpu.memory_space<hbm>> -> memref<10000x128xf32, #tpu.memory_space<hbm>>
        tpu.wait_indirect_dma semaphore(%arg19 : memref<!tpu.dma_semaphore, #tpu.memory_space<semaphore_mem>>) src(%dma_wait3A_143 : memref<10000x128xf32, #tpu.memory_space<hbm>>) dst(%arg11 : memref<80x128xf32, #tpu.memory_space<vmem>>)
        %dma_wait3A_144 = arith.constant 0 : i32
        %dma_wait3A_145 = arith.constant 0 : i32
        %dma_wait3A_146 = tpu.memref_slice %arg2[%dma_wait3A_144, %dma_wait3A_145] : memref<10000x128xf32, #tpu.memory_space<hbm>> -> memref<10000x128xf32, #tpu.memory_space<hbm>>
        tpu.wait_indirect_dma semaphore(%arg19 : memref<!tpu.dma_semaphore, #tpu.memory_space<semaphore_mem>>) src(%dma_wait3A_146 : memref<10000x128xf32, #tpu.memory_space<hbm>>) dst(%arg13 : memref<80x128xf32, #tpu.memory_space<vmem>>)
        %dma_start3A_147 = arith.constant 0 : i32
        %dma_start3A_148 = tpu.memref_slice %arg5[%add3A_140, %dma_start3A_147] : memref<94720x256xf32, #tpu.memory_space<hbm>> -> memref<80x128xf32, #tpu.memory_space<hbm>>
        %dma_start3A_149 = arith.constant 0 : i32
        %dma_start3A_150 = tpu.memref_slice %arg5[%add3A_140, %dma_start3A_149] : memref<94720x256xf32, #tpu.memory_space<hbm>> -> memref<80x128xf32, #tpu.memory_space<hbm>>
        tpu.enqueue_dma source(%arg13 : memref<80x128xf32, #tpu.memory_space<vmem>>) target(%dma_start3A_150 : memref<80x128xf32, #tpu.memory_space<hbm>>) target_semaphore(%arg21 : memref<!tpu.dma_semaphore, #tpu.memory_space<semaphore_mem>>)
        %dma_start3A_151 = arith.constant 128 : i32
        %dma_start3A_152 = tpu.memref_slice %arg5[%add3A_140, %dma_start3A_151] : memref<94720x256xf32, #tpu.memory_space<hbm>> -> memref<80x128xf32, #tpu.memory_space<hbm>>
        %dma_start3A_153 = arith.constant 128 : i32
        %dma_start3A_154 = tpu.memref_slice %arg5[%add3A_140, %dma_start3A_153] : memref<94720x256xf32, #tpu.memory_space<hbm>> -> memref<80x128xf32, #tpu.memory_space<hbm>>
        tpu.enqueue_dma source(%arg11 : memref<80x128xf32, #tpu.memory_space<vmem>>) target(%dma_start3A_154 : memref<80x128xf32, #tpu.memory_space<hbm>>) target_semaphore(%arg21 : memref<!tpu.dma_semaphore, #tpu.memory_space<semaphore_mem>>)
      } else {
      }
      %mul3A_104 = arith.constant 2 : i32
      %mul3A_105 = arith.muli %mul3A_104, %add3A_75 : i32
      %add3A_106 = arith.constant 1 : i32
      %add3A_107 = arith.addi %mul3A_105, %add3A_106 : i32
      %mul3A_108 = arith.constant 80 : i32
      %mul3A_109 = arith.muli %add3A_107, %mul3A_108 : i32
      %add3A_110 = arith.addi %mul3A_2, %mul3A_109 : i32
      %add3A_111 = arith.constant 166400 : i32
      %add3A_112 = arith.addi %add3A_111, %add3A_110 : i32
      %ge3A_113 = arith.constant 2 : i32
      %ge3A_114 = arith.cmpi sge, %add3A_107, %ge3A_113 : i32
      %convert_element_type3A_115 = arith.extui %ge3A_114 : i1 to i32
      %cond3A_116 = arith.constant 0 : i32
      %cond3A_117 = arith.cmpi ne, %convert_element_type3A_115, %cond3A_116 : i32
      scf.if %cond3A_117 {
        %dma_wait3A_137 = arith.constant 0 : i32
        %dma_wait3A_138 = arith.constant 0 : i32
        %dma_wait3A_139 = tpu.memref_slice %arg5[%dma_wait3A_137, %dma_wait3A_138] : memref<94720x256xf32, #tpu.memory_space<hbm>> -> memref<80x128xf32, #tpu.memory_space<hbm>>
        %dma_wait3A_140 = arith.constant 0 : i32
        %dma_wait3A_141 = arith.constant 0 : i32
        %dma_wait3A_142 = tpu.memref_slice %arg5[%dma_wait3A_140, %dma_wait3A_141] : memref<94720x256xf32, #tpu.memory_space<hbm>> -> memref<80x128xf32, #tpu.memory_space<hbm>>
        tpu.wait_dma2 semaphore(%arg21 : memref<!tpu.dma_semaphore, #tpu.memory_space<semaphore_mem>>) src(%arg11 : memref<80x128xf32, #tpu.memory_space<vmem>>) dst(%dma_wait3A_142 : memref<80x128xf32, #tpu.memory_space<hbm>>)
        %dma_wait3A_143 = arith.constant 0 : i32
        %dma_wait3A_144 = arith.constant 0 : i32
        %dma_wait3A_145 = tpu.memref_slice %arg5[%dma_wait3A_143, %dma_wait3A_144] : memref<94720x256xf32, #tpu.memory_space<hbm>> -> memref<80x128xf32, #tpu.memory_space<hbm>>
        %dma_wait3A_146 = arith.constant 0 : i32
        %dma_wait3A_147 = arith.constant 0 : i32
        %dma_wait3A_148 = tpu.memref_slice %arg5[%dma_wait3A_146, %dma_wait3A_147] : memref<94720x256xf32, #tpu.memory_space<hbm>> -> memref<80x128xf32, #tpu.memory_space<hbm>>
        tpu.wait_dma2 semaphore(%arg21 : memref<!tpu.dma_semaphore, #tpu.memory_space<semaphore_mem>>) src(%arg13 : memref<80x128xf32, #tpu.memory_space<vmem>>) dst(%dma_wait3A_148 : memref<80x128xf32, #tpu.memory_space<hbm>>)
      } else {
      }
      %dma_start3A_118 = tpu.memref_slice %arg3[%add3A_112] : memref<320000xi32, #tpu.memory_space<hbm>> -> memref<80xi32, #tpu.memory_space<hbm>>
      %dma_start3A_119 = tpu.memref_slice %arg3[%add3A_112] : memref<320000xi32, #tpu.memory_space<hbm>> -> memref<80xi32, #tpu.memory_space<hbm>>
      tpu.enqueue_dma source(%dma_start3A_119 : memref<80xi32, #tpu.memory_space<hbm>>) target(%arg7 : memref<80xi32, #tpu.memory_space<vmem>>) target_semaphore(%arg15 : memref<!tpu.dma_semaphore, #tpu.memory_space<semaphore_mem>>)
      %dma_start3A_120 = tpu.memref_slice %arg4[%add3A_112] : memref<320000xi32, #tpu.memory_space<hbm>> -> memref<80xi32, #tpu.memory_space<hbm>>
      %dma_start3A_121 = tpu.memref_slice %arg4[%add3A_112] : memref<320000xi32, #tpu.memory_space<hbm>> -> memref<80xi32, #tpu.memory_space<hbm>>
      tpu.enqueue_dma source(%dma_start3A_121 : memref<80xi32, #tpu.memory_space<hbm>>) target(%arg9 : memref<80xi32, #tpu.memory_space<vmem>>) target_semaphore(%arg17 : memref<!tpu.dma_semaphore, #tpu.memory_space<semaphore_mem>>)
      %dma_wait3A_122 = tpu.memref_slice %arg3[%add3A_112] : memref<320000xi32, #tpu.memory_space<hbm>> -> memref<80xi32, #tpu.memory_space<hbm>>
      %dma_wait3A_123 = tpu.memref_slice %arg3[%add3A_112] : memref<320000xi32, #tpu.memory_space<hbm>> -> memref<80xi32, #tpu.memory_space<hbm>>
      tpu.wait_dma2 semaphore(%arg15 : memref<!tpu.dma_semaphore, #tpu.memory_space<semaphore_mem>>) src(%dma_wait3A_123 : memref<80xi32, #tpu.memory_space<hbm>>) dst(%arg7 : memref<80xi32, #tpu.memory_space<vmem>>)
      %dma_start3A_124 = arith.constant 0 : i32
      %dma_start3A_125 = arith.constant 0 : i32
      %dma_start3A_126 = tpu.memref_slice %arg2[%dma_start3A_124, %dma_start3A_125] : memref<10000x128xf32, #tpu.memory_space<hbm>> -> memref<10000x128xf32, #tpu.memory_space<hbm>>
      tpu.enqueue_indirect_dma source(%dma_start3A_126 : memref<10000x128xf32, #tpu.memory_space<hbm>>) target(%arg11 : memref<80x128xf32, #tpu.memory_space<vmem>>) offsets(%arg7 : memref<80xi32, #tpu.memory_space<vmem>>) semaphore(%arg19 : memref<!tpu.dma_semaphore, #tpu.memory_space<semaphore_mem>>)
      %dma_wait3A_127 = tpu.memref_slice %arg4[%add3A_112] : memref<320000xi32, #tpu.memory_space<hbm>> -> memref<80xi32, #tpu.memory_space<hbm>>
      %dma_wait3A_128 = tpu.memref_slice %arg4[%add3A_112] : memref<320000xi32, #tpu.memory_space<hbm>> -> memref<80xi32, #tpu.memory_space<hbm>>
      tpu.wait_dma2 semaphore(%arg17 : memref<!tpu.dma_semaphore, #tpu.memory_space<semaphore_mem>>) src(%dma_wait3A_128 : memref<80xi32, #tpu.memory_space<hbm>>) dst(%arg9 : memref<80xi32, #tpu.memory_space<vmem>>)
      %dma_start3A_129 = arith.constant 0 : i32
      %dma_start3A_130 = arith.constant 0 : i32
      %dma_start3A_131 = tpu.memref_slice %arg2[%dma_start3A_129, %dma_start3A_130] : memref<10000x128xf32, #tpu.memory_space<hbm>> -> memref<10000x128xf32, #tpu.memory_space<hbm>>
      tpu.enqueue_indirect_dma source(%dma_start3A_131 : memref<10000x128xf32, #tpu.memory_space<hbm>>) target(%arg13 : memref<80x128xf32, #tpu.memory_space<vmem>>) offsets(%arg9 : memref<80xi32, #tpu.memory_space<vmem>>) semaphore(%arg19 : memref<!tpu.dma_semaphore, #tpu.memory_space<semaphore_mem>>)
      %ge3A_132 = arith.constant 1 : i32
      %ge3A_133 = arith.cmpi sge, %add3A_107, %ge3A_132 : i32
      %convert_element_type3A_134 = arith.extui %ge3A_133 : i1 to i32
      %cond3A_135 = arith.constant 0 : i32
      %cond3A_136 = arith.cmpi ne, %convert_element_type3A_134, %cond3A_135 : i32
      scf.if %cond3A_136 {
        %sub3A = arith.constant 1 : i32
        %sub3A_137 = arith.subi %add3A_107, %sub3A : i32
        %mul3A_138 = arith.constant 80 : i32
        %mul3A_139 = arith.muli %sub3A_137, %mul3A_138 : i32
        %add3A_140 = arith.addi %mul3A_2, %mul3A_139 : i32
        %dma_wait3A_141 = arith.constant 0 : i32
        %dma_wait3A_142 = arith.constant 0 : i32
        %dma_wait3A_143 = tpu.memref_slice %arg2[%dma_wait3A_141, %dma_wait3A_142] : memref<10000x128xf32, #tpu.memory_space<hbm>> -> memref<10000x128xf32, #tpu.memory_space<hbm>>
        tpu.wait_indirect_dma semaphore(%arg18 : memref<!tpu.dma_semaphore, #tpu.memory_space<semaphore_mem>>) src(%dma_wait3A_143 : memref<10000x128xf32, #tpu.memory_space<hbm>>) dst(%arg10 : memref<80x128xf32, #tpu.memory_space<vmem>>)
        %dma_wait3A_144 = arith.constant 0 : i32
        %dma_wait3A_145 = arith.constant 0 : i32
        %dma_wait3A_146 = tpu.memref_slice %arg2[%dma_wait3A_144, %dma_wait3A_145] : memref<10000x128xf32, #tpu.memory_space<hbm>> -> memref<10000x128xf32, #tpu.memory_space<hbm>>
        tpu.wait_indirect_dma semaphore(%arg18 : memref<!tpu.dma_semaphore, #tpu.memory_space<semaphore_mem>>) src(%dma_wait3A_146 : memref<10000x128xf32, #tpu.memory_space<hbm>>) dst(%arg12 : memref<80x128xf32, #tpu.memory_space<vmem>>)
        %dma_start3A_147 = arith.constant 0 : i32
        %dma_start3A_148 = tpu.memref_slice %arg5[%add3A_140, %dma_start3A_147] : memref<94720x256xf32, #tpu.memory_space<hbm>> -> memref<80x128xf32, #tpu.memory_space<hbm>>
        %dma_start3A_149 = arith.constant 0 : i32
        %dma_start3A_150 = tpu.memref_slice %arg5[%add3A_140, %dma_start3A_149] : memref<94720x256xf32, #tpu.memory_space<hbm>> -> memref<80x128xf32, #tpu.memory_space<hbm>>
        tpu.enqueue_dma source(%arg12 : memref<80x128xf32, #tpu.memory_space<vmem>>) target(%dma_start3A_150 : memref<80x128xf32, #tpu.memory_space<hbm>>) target_semaphore(%arg20 : memref<!tpu.dma_semaphore, #tpu.memory_space<semaphore_mem>>)
        %dma_start3A_151 = arith.constant 128 : i32
        %dma_start3A_152 = tpu.memref_slice %arg5[%add3A_140, %dma_start3A_151] : memref<94720x256xf32, #tpu.memory_space<hbm>> -> memref<80x128xf32, #tpu.memory_space<hbm>>
        %dma_start3A_153 = arith.constant 128 : i32
        %dma_start3A_154 = tpu.memref_slice %arg5[%add3A_140, %dma_start3A_153] : memref<94720x256xf32, #tpu.memory_space<hbm>> -> memref<80x128xf32, #tpu.memory_space<hbm>>
        tpu.enqueue_dma source(%arg10 : memref<80x128xf32, #tpu.memory_space<vmem>>) target(%dma_start3A_154 : memref<80x128xf32, #tpu.memory_space<hbm>>) target_semaphore(%arg20 : memref<!tpu.dma_semaphore, #tpu.memory_space<semaphore_mem>>)
      } else {
      }
    }
    %scan3A_6 = arith.constant 18 : i32
    %add3A_7 = arith.constant 2880 : i32
    %add3A_8 = arith.addi %mul3A_2, %add3A_7 : i32
    %add3A_9 = arith.constant 166400 : i32
    %add3A_10 = arith.addi %add3A_9, %add3A_8 : i32
    %dma_wait3A = arith.constant 0 : i32
    %dma_wait3A_11 = arith.constant 0 : i32
    %dma_wait3A_12 = tpu.memref_slice %arg5[%dma_wait3A, %dma_wait3A_11] : memref<94720x256xf32, #tpu.memory_space<hbm>> -> memref<80x128xf32, #tpu.memory_space<hbm>>
    %dma_wait3A_13 = arith.constant 0 : i32
    %dma_wait3A_14 = arith.constant 0 : i32
    %dma_wait3A_15 = tpu.memref_slice %arg5[%dma_wait3A_13, %dma_wait3A_14] : memref<94720x256xf32, #tpu.memory_space<hbm>> -> memref<80x128xf32, #tpu.memory_space<hbm>>
    tpu.wait_dma2 semaphore(%arg20 : memref<!tpu.dma_semaphore, #tpu.memory_space<semaphore_mem>>) src(%arg10 : memref<80x128xf32, #tpu.memory_space<vmem>>) dst(%dma_wait3A_15 : memref<80x128xf32, #tpu.memory_space<hbm>>)
    %dma_wait3A_16 = arith.constant 0 : i32
    %dma_wait3A_17 = arith.constant 0 : i32
    %dma_wait3A_18 = tpu.memref_slice %arg5[%dma_wait3A_16, %dma_wait3A_17] : memref<94720x256xf32, #tpu.memory_space<hbm>> -> memref<80x128xf32, #tpu.memory_space<hbm>>
    %dma_wait3A_19 = arith.constant 0 : i32
    %dma_wait3A_20 = arith.constant 0 : i32
    %dma_wait3A_21 = tpu.memref_slice %arg5[%dma_wait3A_19, %dma_wait3A_20] : memref<94720x256xf32, #tpu.memory_space<hbm>> -> memref<80x128xf32, #tpu.memory_space<hbm>>
    tpu.wait_dma2 semaphore(%arg20 : memref<!tpu.dma_semaphore, #tpu.memory_space<semaphore_mem>>) src(%arg12 : memref<80x128xf32, #tpu.memory_space<vmem>>) dst(%dma_wait3A_21 : memref<80x128xf32, #tpu.memory_space<hbm>>)
    %dma_start3A = tpu.memref_slice %arg3[%add3A_10] : memref<320000xi32, #tpu.memory_space<hbm>> -> memref<80xi32, #tpu.memory_space<hbm>>
    %dma_start3A_22 = tpu.memref_slice %arg3[%add3A_10] : memref<320000xi32, #tpu.memory_space<hbm>> -> memref<80xi32, #tpu.memory_space<hbm>>
    tpu.enqueue_dma source(%dma_start3A_22 : memref<80xi32, #tpu.memory_space<hbm>>) target(%arg6 : memref<80xi32, #tpu.memory_space<vmem>>) target_semaphore(%arg14 : memref<!tpu.dma_semaphore, #tpu.memory_space<semaphore_mem>>)
    %dma_start3A_23 = tpu.memref_slice %arg4[%add3A_10] : memref<320000xi32, #tpu.memory_space<hbm>> -> memref<80xi32, #tpu.memory_space<hbm>>
    %dma_start3A_24 = tpu.memref_slice %arg4[%add3A_10] : memref<320000xi32, #tpu.memory_space<hbm>> -> memref<80xi32, #tpu.memory_space<hbm>>
    tpu.enqueue_dma source(%dma_start3A_24 : memref<80xi32, #tpu.memory_space<hbm>>) target(%arg8 : memref<80xi32, #tpu.memory_space<vmem>>) target_semaphore(%arg16 : memref<!tpu.dma_semaphore, #tpu.memory_space<semaphore_mem>>)
    %dma_wait3A_25 = tpu.memref_slice %arg3[%add3A_10] : memref<320000xi32, #tpu.memory_space<hbm>> -> memref<80xi32, #tpu.memory_space<hbm>>
    %dma_wait3A_26 = tpu.memref_slice %arg3[%add3A_10] : memref<320000xi32, #tpu.memory_space<hbm>> -> memref<80xi32, #tpu.memory_space<hbm>>
    tpu.wait_dma2 semaphore(%arg14 : memref<!tpu.dma_semaphore, #tpu.memory_space<semaphore_mem>>) src(%dma_wait3A_26 : memref<80xi32, #tpu.memory_space<hbm>>) dst(%arg6 : memref<80xi32, #tpu.memory_space<vmem>>)
    %dma_start3A_27 = arith.constant 0 : i32
    %dma_start3A_28 = arith.constant 0 : i32
    %dma_start3A_29 = tpu.memref_slice %arg2[%dma_start3A_27, %dma_start3A_28] : memref<10000x128xf32, #tpu.memory_space<hbm>> -> memref<10000x128xf32, #tpu.memory_space<hbm>>
    tpu.enqueue_indirect_dma source(%dma_start3A_29 : memref<10000x128xf32, #tpu.memory_space<hbm>>) target(%arg10 : memref<80x128xf32, #tpu.memory_space<vmem>>) offsets(%arg6 : memref<80xi32, #tpu.memory_space<vmem>>) semaphore(%arg18 : memref<!tpu.dma_semaphore, #tpu.memory_space<semaphore_mem>>)
    %dma_wait3A_30 = tpu.memref_slice %arg4[%add3A_10] : memref<320000xi32, #tpu.memory_space<hbm>> -> memref<80xi32, #tpu.memory_space<hbm>>
    %dma_wait3A_31 = tpu.memref_slice %arg4[%add3A_10] : memref<320000xi32, #tpu.memory_space<hbm>> -> memref<80xi32, #tpu.memory_space<hbm>>
    tpu.wait_dma2 semaphore(%arg16 : memref<!tpu.dma_semaphore, #tpu.memory_space<semaphore_mem>>) src(%dma_wait3A_31 : memref<80xi32, #tpu.memory_space<hbm>>) dst(%arg8 : memref<80xi32, #tpu.memory_space<vmem>>)
    %dma_start3A_32 = arith.constant 0 : i32
    %dma_start3A_33 = arith.constant 0 : i32
    %dma_start3A_34 = tpu.memref_slice %arg2[%dma_start3A_32, %dma_start3A_33] : memref<10000x128xf32, #tpu.memory_space<hbm>> -> memref<10000x128xf32, #tpu.memory_space<hbm>>
    tpu.enqueue_indirect_dma source(%dma_start3A_34 : memref<10000x128xf32, #tpu.memory_space<hbm>>) target(%arg12 : memref<80x128xf32, #tpu.memory_space<vmem>>) offsets(%arg8 : memref<80xi32, #tpu.memory_space<vmem>>) semaphore(%arg18 : memref<!tpu.dma_semaphore, #tpu.memory_space<semaphore_mem>>)
    %add3A_35 = arith.constant 2800 : i32
    %add3A_36 = arith.addi %mul3A_2, %add3A_35 : i32
    %dma_wait3A_37 = arith.constant 0 : i32
    %dma_wait3A_38 = arith.constant 0 : i32
    %dma_wait3A_39 = tpu.memref_slice %arg2[%dma_wait3A_37, %dma_wait3A_38] : memref<10000x128xf32, #tpu.memory_space<hbm>> -> memref<10000x128xf32, #tpu.memory_space<hbm>>
    tpu.wait_indirect_dma semaphore(%arg19 : memref<!tpu.dma_semaphore, #tpu.memory_space<semaphore_mem>>) src(%dma_wait3A_39 : memref<10000x128xf32, #tpu.memory_space<hbm>>) dst(%arg11 : memref<80x128xf32, #tpu.memory_space<vmem>>)
    %dma_wait3A_40 = arith.constant 0 : i32
    %dma_wait3A_41 = arith.constant 0 : i32
    %dma_wait3A_42 = tpu.memref_slice %arg2[%dma_wait3A_40, %dma_wait3A_41] : memref<10000x128xf32, #tpu.memory_space<hbm>> -> memref<10000x128xf32, #tpu.memory_space<hbm>>
    tpu.wait_indirect_dma semaphore(%arg19 : memref<!tpu.dma_semaphore, #tpu.memory_space<semaphore_mem>>) src(%dma_wait3A_42 : memref<10000x128xf32, #tpu.memory_space<hbm>>) dst(%arg13 : memref<80x128xf32, #tpu.memory_space<vmem>>)
    %dma_start3A_43 = arith.constant 0 : i32
    %dma_start3A_44 = tpu.memref_slice %arg5[%add3A_36, %dma_start3A_43] : memref<94720x256xf32, #tpu.memory_space<hbm>> -> memref<80x128xf32, #tpu.memory_space<hbm>>
    %dma_start3A_45 = arith.constant 0 : i32
    %dma_start3A_46 = tpu.memref_slice %arg5[%add3A_36, %dma_start3A_45] : memref<94720x256xf32, #tpu.memory_space<hbm>> -> memref<80x128xf32, #tpu.memory_space<hbm>>
    tpu.enqueue_dma source(%arg13 : memref<80x128xf32, #tpu.memory_space<vmem>>) target(%dma_start3A_46 : memref<80x128xf32, #tpu.memory_space<hbm>>) target_semaphore(%arg21 : memref<!tpu.dma_semaphore, #tpu.memory_space<semaphore_mem>>)
    %dma_start3A_47 = arith.constant 128 : i32
    %dma_start3A_48 = tpu.memref_slice %arg5[%add3A_36, %dma_start3A_47] : memref<94720x256xf32, #tpu.memory_space<hbm>> -> memref<80x128xf32, #tpu.memory_space<hbm>>
    %dma_start3A_49 = arith.constant 128 : i32
    %dma_start3A_50 = tpu.memref_slice %arg5[%add3A_36, %dma_start3A_49] : memref<94720x256xf32, #tpu.memory_space<hbm>> -> memref<80x128xf32, #tpu.memory_space<hbm>>
    tpu.enqueue_dma source(%arg11 : memref<80x128xf32, #tpu.memory_space<vmem>>) target(%dma_start3A_50 : memref<80x128xf32, #tpu.memory_space<hbm>>) target_semaphore(%arg21 : memref<!tpu.dma_semaphore, #tpu.memory_space<semaphore_mem>>)
    %add3A_51 = arith.constant 2880 : i32
    %add3A_52 = arith.addi %mul3A_2, %add3A_51 : i32
    %dma_wait3A_53 = arith.constant 0 : i32
    %dma_wait3A_54 = arith.constant 0 : i32
    %dma_wait3A_55 = tpu.memref_slice %arg2[%dma_wait3A_53, %dma_wait3A_54] : memref<10000x128xf32, #tpu.memory_space<hbm>> -> memref<10000x128xf32, #tpu.memory_space<hbm>>
    tpu.wait_indirect_dma semaphore(%arg18 : memref<!tpu.dma_semaphore, #tpu.memory_space<semaphore_mem>>) src(%dma_wait3A_55 : memref<10000x128xf32, #tpu.memory_space<hbm>>) dst(%arg10 : memref<80x128xf32, #tpu.memory_space<vmem>>)
    %dma_wait3A_56 = arith.constant 0 : i32
    %dma_wait3A_57 = arith.constant 0 : i32
    %dma_wait3A_58 = tpu.memref_slice %arg2[%dma_wait3A_56, %dma_wait3A_57] : memref<10000x128xf32, #tpu.memory_space<hbm>> -> memref<10000x128xf32, #tpu.memory_space<hbm>>
    tpu.wait_indirect_dma semaphore(%arg18 : memref<!tpu.dma_semaphore, #tpu.memory_space<semaphore_mem>>) src(%dma_wait3A_58 : memref<10000x128xf32, #tpu.memory_space<hbm>>) dst(%arg12 : memref<80x128xf32, #tpu.memory_space<vmem>>)
    "tpu.region"() ({
      %run_scoped3A = tpu.sem_alloc : memref<!tpu.dma_semaphore, #tpu.memory_space<semaphore_mem>>
      %dma_start3A_71 = arith.constant 0 : i32
      %dma_start3A_72 = tpu.memref_slice %arg5[%add3A_52, %dma_start3A_71] : memref<94720x256xf32, #tpu.memory_space<hbm>> -> memref<80x128xf32, #tpu.memory_space<hbm>>
      %dma_start3A_73 = arith.constant 0 : i32
      %dma_start3A_74 = tpu.memref_slice %arg5[%add3A_52, %dma_start3A_73] : memref<94720x256xf32, #tpu.memory_space<hbm>> -> memref<80x128xf32, #tpu.memory_space<hbm>>
      tpu.enqueue_dma source(%arg12 : memref<80x128xf32, #tpu.memory_space<vmem>>) target(%dma_start3A_74 : memref<80x128xf32, #tpu.memory_space<hbm>>) target_semaphore(%run_scoped3A : memref<!tpu.dma_semaphore, #tpu.memory_space<semaphore_mem>>)
      %dma_wait3A_75 = arith.constant 0 : i32
      %dma_wait3A_76 = tpu.memref_slice %arg5[%add3A_52, %dma_wait3A_75] : memref<94720x256xf32, #tpu.memory_space<hbm>> -> memref<80x128xf32, #tpu.memory_space<hbm>>
      %dma_wait3A_77 = arith.constant 0 : i32
      %dma_wait3A_78 = tpu.memref_slice %arg5[%add3A_52, %dma_wait3A_77] : memref<94720x256xf32, #tpu.memory_space<hbm>> -> memref<80x128xf32, #tpu.memory_space<hbm>>
      tpu.wait_dma2 semaphore(%run_scoped3A : memref<!tpu.dma_semaphore, #tpu.memory_space<semaphore_mem>>) src(%arg12 : memref<80x128xf32, #tpu.memory_space<vmem>>) dst(%dma_wait3A_78 : memref<80x128xf32, #tpu.memory_space<hbm>>)
      tpu.yield
    }) : () -> ()
    "tpu.region"() ({
      %run_scoped3A = tpu.sem_alloc : memref<!tpu.dma_semaphore, #tpu.memory_space<semaphore_mem>>
      %dma_start3A_71 = arith.constant 128 : i32
      %dma_start3A_72 = tpu.memref_slice %arg5[%add3A_52, %dma_start3A_71] : memref<94720x256xf32, #tpu.memory_space<hbm>> -> memref<80x128xf32, #tpu.memory_space<hbm>>
      %dma_start3A_73 = arith.constant 128 : i32
      %dma_start3A_74 = tpu.memref_slice %arg5[%add3A_52, %dma_start3A_73] : memref<94720x256xf32, #tpu.memory_space<hbm>> -> memref<80x128xf32, #tpu.memory_space<hbm>>
      tpu.enqueue_dma source(%arg10 : memref<80x128xf32, #tpu.memory_space<vmem>>) target(%dma_start3A_74 : memref<80x128xf32, #tpu.memory_space<hbm>>) target_semaphore(%run_scoped3A : memref<!tpu.dma_semaphore, #tpu.memory_space<semaphore_mem>>)
      %dma_wait3A_75 = arith.constant 128 : i32
      %dma_wait3A_76 = tpu.memref_slice %arg5[%add3A_52, %dma_wait3A_75] : memref<94720x256xf32, #tpu.memory_space<hbm>> -> memref<80x128xf32, #tpu.memory_space<hbm>>
      %dma_wait3A_77 = arith.constant 128 : i32
      %dma_wait3A_78 = tpu.memref_slice %arg5[%add3A_52, %dma_wait3A_77] : memref<94720x256xf32, #tpu.memory_space<hbm>> -> memref<80x128xf32, #tpu.memory_space<hbm>>
      tpu.wait_dma2 semaphore(%run_scoped3A : memref<!tpu.dma_semaphore, #tpu.memory_space<semaphore_mem>>) src(%arg10 : memref<80x128xf32, #tpu.memory_space<vmem>>) dst(%dma_wait3A_78 : memref<80x128xf32, #tpu.memory_space<hbm>>)
      tpu.yield
    }) : () -> ()
    %dma_wait3A_59 = arith.constant 0 : i32
    %dma_wait3A_60 = arith.constant 0 : i32
    %dma_wait3A_61 = tpu.memref_slice %arg5[%dma_wait3A_59, %dma_wait3A_60] : memref<94720x256xf32, #tpu.memory_space<hbm>> -> memref<80x128xf32, #tpu.memory_space<hbm>>
    %dma_wait3A_62 = arith.constant 0 : i32
    %dma_wait3A_63 = arith.constant 0 : i32
    %dma_wait3A_64 = tpu.memref_slice %arg5[%dma_wait3A_62, %dma_wait3A_63] : memref<94720x256xf32, #tpu.memory_space<hbm>> -> memref<80x128xf32, #tpu.memory_space<hbm>>
    tpu.wait_dma2 semaphore(%arg21 : memref<!tpu.dma_semaphore, #tpu.memory_space<semaphore_mem>>) src(%arg11 : memref<80x128xf32, #tpu.memory_space<vmem>>) dst(%dma_wait3A_64 : memref<80x128xf32, #tpu.memory_space<hbm>>)
    %dma_wait3A_65 = arith.constant 0 : i32
    %dma_wait3A_66 = arith.constant 0 : i32
    %dma_wait3A_67 = tpu.memref_slice %arg5[%dma_wait3A_65, %dma_wait3A_66] : memref<94720x256xf32, #tpu.memory_space<hbm>> -> memref<80x128xf32, #tpu.memory_space<hbm>>
    %dma_wait3A_68 = arith.constant 0 : i32
    %dma_wait3A_69 = arith.constant 0 : i32
    %dma_wait3A_70 = tpu.memref_slice %arg5[%dma_wait3A_68, %dma_wait3A_69] : memref<94720x256xf32, #tpu.memory_space<hbm>> -> memref<80x128xf32, #tpu.memory_space<hbm>>
    tpu.wait_dma2 semaphore(%arg21 : memref<!tpu.dma_semaphore, #tpu.memory_space<semaphore_mem>>) src(%arg13 : memref<80x128xf32, #tpu.memory_space<vmem>>) dst(%dma_wait3A_70 : memref<80x128xf32, #tpu.memory_space<hbm>>)
    return
  }
}

#map = affine_map<(d0, d1) -> (0, 0)>
#map1 = affine_map<(d0, d1) -> (0)>
module attributes {stable_mosaic.version = 14 : i64} {
  func.func @sc_gather_0(%arg0: i32, %arg1: i32, %arg2: memref<10000x128xf32, #tpu.memory_space<hbm>>, %arg3: memref<320000xi32, #tpu.memory_space<hbm>>, %arg4: memref<320000xi32, #tpu.memory_space<hbm>>, %arg5: memref<71680x256xf32, #tpu.memory_space<hbm>>, %arg6: memref<80xi32, #tpu.memory_space<vmem>>, %arg7: memref<80xi32, #tpu.memory_space<vmem>>, %arg8: memref<80xi32, #tpu.memory_space<vmem>>, %arg9: memref<80xi32, #tpu.memory_space<vmem>>, %arg10: memref<80x128xf32, #tpu.memory_space<vmem>>, %arg11: memref<80x128xf32, #tpu.memory_space<vmem>>, %arg12: memref<80x128xf32, #tpu.memory_space<vmem>>, %arg13: memref<80x128xf32, #tpu.memory_space<vmem>>, %arg14: memref<!tpu.dma_semaphore, #tpu.memory_space<semaphore_mem>>, %arg15: memref<!tpu.dma_semaphore, #tpu.memory_space<semaphore_mem>>, %arg16: memref<!tpu.dma_semaphore, #tpu.memory_space<semaphore_mem>>, %arg17: memref<!tpu.dma_semaphore, #tpu.memory_space<semaphore_mem>>, %arg18: memref<!tpu.dma_semaphore, #tpu.memory_space<semaphore_mem>>, %arg19: memref<!tpu.dma_semaphore, #tpu.memory_space<semaphore_mem>>, %arg20: memref<!tpu.dma_semaphore, #tpu.memory_space<semaphore_mem>>, %arg21: memref<!tpu.dma_semaphore, #tpu.memory_space<semaphore_mem>>) attributes {dimension_semantics = [#tpu.dimension_semantics<core_parallel>, #tpu.dimension_semantics<subcore_parallel>], iteration_bounds = array<i64: 2, 16>, scalar_prefetch = 0 : i64, scratch_operands = 16 : i64, tpu.core_type = #tpu.core_type<sc_vector_subcore>, window_params = [{transform_indices = #map}, {transform_indices = #map1}, {transform_indices = #map1}, {transform_indices = #map}]} {
    %mul3A = arith.constant 16 : i32
    %mul3A_0 = arith.muli %arg0, %mul3A : i32
    %add3A = arith.addi %mul3A_0, %arg1 : i32
    %mul3A_1 = arith.constant 2240 : i32
    %mul3A_2 = arith.muli %add3A, %mul3A_1 : i32
    %scan3A = arith.constant 0 : i32
    %scan3A_3 = arith.constant 14 : i32
    %scan3A_4 = arith.addi %scan3A, %scan3A_3 : i32
    %scan3A_5 = arith.constant 1 : i32
    scf.for %scan3A_26 = %scan3A to %scan3A_4 step %scan3A_5  : i32 {
      %mul3A_27 = arith.constant 1 : i32
      %mul3A_28 = arith.muli %scan3A_26, %mul3A_27 : i32
      %add3A_29 = arith.constant 0 : i32
      %add3A_30 = arith.addi %add3A_29, %mul3A_28 : i32
      %mul3A_31 = arith.constant 2 : i32
      %mul3A_32 = arith.muli %mul3A_31, %add3A_30 : i32
      %mul3A_33 = arith.constant 80 : i32
      %mul3A_34 = arith.muli %mul3A_32, %mul3A_33 : i32
      %add3A_35 = arith.addi %mul3A_2, %mul3A_34 : i32
      %add3A_36 = arith.constant 0 : i32
      %add3A_37 = arith.addi %add3A_36, %add3A_35 : i32
      %ge3A = arith.constant 2 : i32
      %ge3A_38 = arith.cmpi sge, %mul3A_32, %ge3A : i32
      %convert_element_type3A = arith.extui %ge3A_38 : i1 to i32
      %cond3A = arith.constant 0 : i32
      %cond3A_39 = arith.cmpi ne, %convert_element_type3A, %cond3A : i32
      scf.if %cond3A_39 {
        %dma_wait3A_91 = arith.constant 0 : i32
        %dma_wait3A_92 = arith.constant 0 : i32
        %dma_wait3A_93 = tpu.memref_slice %arg5[%dma_wait3A_91, %dma_wait3A_92] : memref<71680x256xf32, #tpu.memory_space<hbm>> -> memref<80x128xf32, #tpu.memory_space<hbm>>
        %dma_wait3A_94 = arith.constant 0 : i32
        %dma_wait3A_95 = arith.constant 0 : i32
        %dma_wait3A_96 = tpu.memref_slice %arg5[%dma_wait3A_94, %dma_wait3A_95] : memref<71680x256xf32, #tpu.memory_space<hbm>> -> memref<80x128xf32, #tpu.memory_space<hbm>>
        tpu.wait_dma2 semaphore(%arg20 : memref<!tpu.dma_semaphore, #tpu.memory_space<semaphore_mem>>) src(%arg10 : memref<80x128xf32, #tpu.memory_space<vmem>>) dst(%dma_wait3A_96 : memref<80x128xf32, #tpu.memory_space<hbm>>)
        %dma_wait3A_97 = arith.constant 0 : i32
        %dma_wait3A_98 = arith.constant 0 : i32
        %dma_wait3A_99 = tpu.memref_slice %arg5[%dma_wait3A_97, %dma_wait3A_98] : memref<71680x256xf32, #tpu.memory_space<hbm>> -> memref<80x128xf32, #tpu.memory_space<hbm>>
        %dma_wait3A_100 = arith.constant 0 : i32
        %dma_wait3A_101 = arith.constant 0 : i32
        %dma_wait3A_102 = tpu.memref_slice %arg5[%dma_wait3A_100, %dma_wait3A_101] : memref<71680x256xf32, #tpu.memory_space<hbm>> -> memref<80x128xf32, #tpu.memory_space<hbm>>
        tpu.wait_dma2 semaphore(%arg20 : memref<!tpu.dma_semaphore, #tpu.memory_space<semaphore_mem>>) src(%arg12 : memref<80x128xf32, #tpu.memory_space<vmem>>) dst(%dma_wait3A_102 : memref<80x128xf32, #tpu.memory_space<hbm>>)
      } else {
      }
      %dma_start3A = tpu.memref_slice %arg3[%add3A_37] : memref<320000xi32, #tpu.memory_space<hbm>> -> memref<80xi32, #tpu.memory_space<hbm>>
      %dma_start3A_40 = tpu.memref_slice %arg3[%add3A_37] : memref<320000xi32, #tpu.memory_space<hbm>> -> memref<80xi32, #tpu.memory_space<hbm>>
      tpu.enqueue_dma source(%dma_start3A_40 : memref<80xi32, #tpu.memory_space<hbm>>) target(%arg6 : memref<80xi32, #tpu.memory_space<vmem>>) target_semaphore(%arg14 : memref<!tpu.dma_semaphore, #tpu.memory_space<semaphore_mem>>)
      %dma_start3A_41 = tpu.memref_slice %arg4[%add3A_37] : memref<320000xi32, #tpu.memory_space<hbm>> -> memref<80xi32, #tpu.memory_space<hbm>>
      %dma_start3A_42 = tpu.memref_slice %arg4[%add3A_37] : memref<320000xi32, #tpu.memory_space<hbm>> -> memref<80xi32, #tpu.memory_space<hbm>>
      tpu.enqueue_dma source(%dma_start3A_42 : memref<80xi32, #tpu.memory_space<hbm>>) target(%arg8 : memref<80xi32, #tpu.memory_space<vmem>>) target_semaphore(%arg16 : memref<!tpu.dma_semaphore, #tpu.memory_space<semaphore_mem>>)
      %dma_wait3A_43 = tpu.memref_slice %arg3[%add3A_37] : memref<320000xi32, #tpu.memory_space<hbm>> -> memref<80xi32, #tpu.memory_space<hbm>>
      %dma_wait3A_44 = tpu.memref_slice %arg3[%add3A_37] : memref<320000xi32, #tpu.memory_space<hbm>> -> memref<80xi32, #tpu.memory_space<hbm>>
      tpu.wait_dma2 semaphore(%arg14 : memref<!tpu.dma_semaphore, #tpu.memory_space<semaphore_mem>>) src(%dma_wait3A_44 : memref<80xi32, #tpu.memory_space<hbm>>) dst(%arg6 : memref<80xi32, #tpu.memory_space<vmem>>)
      %dma_start3A_45 = arith.constant 0 : i32
      %dma_start3A_46 = arith.constant 0 : i32
      %dma_start3A_47 = tpu.memref_slice %arg2[%dma_start3A_45, %dma_start3A_46] : memref<10000x128xf32, #tpu.memory_space<hbm>> -> memref<10000x128xf32, #tpu.memory_space<hbm>>
      tpu.enqueue_indirect_dma source(%dma_start3A_47 : memref<10000x128xf32, #tpu.memory_space<hbm>>) target(%arg10 : memref<80x128xf32, #tpu.memory_space<vmem>>) offsets(%arg6 : memref<80xi32, #tpu.memory_space<vmem>>) semaphore(%arg18 : memref<!tpu.dma_semaphore, #tpu.memory_space<semaphore_mem>>)
      %dma_wait3A_48 = tpu.memref_slice %arg4[%add3A_37] : memref<320000xi32, #tpu.memory_space<hbm>> -> memref<80xi32, #tpu.memory_space<hbm>>
      %dma_wait3A_49 = tpu.memref_slice %arg4[%add3A_37] : memref<320000xi32, #tpu.memory_space<hbm>> -> memref<80xi32, #tpu.memory_space<hbm>>
      tpu.wait_dma2 semaphore(%arg16 : memref<!tpu.dma_semaphore, #tpu.memory_space<semaphore_mem>>) src(%dma_wait3A_49 : memref<80xi32, #tpu.memory_space<hbm>>) dst(%arg8 : memref<80xi32, #tpu.memory_space<vmem>>)
      %dma_start3A_50 = arith.constant 0 : i32
      %dma_start3A_51 = arith.constant 0 : i32
      %dma_start3A_52 = tpu.memref_slice %arg2[%dma_start3A_50, %dma_start3A_51] : memref<10000x128xf32, #tpu.memory_space<hbm>> -> memref<10000x128xf32, #tpu.memory_space<hbm>>
      tpu.enqueue_indirect_dma source(%dma_start3A_52 : memref<10000x128xf32, #tpu.memory_space<hbm>>) target(%arg12 : memref<80x128xf32, #tpu.memory_space<vmem>>) offsets(%arg8 : memref<80xi32, #tpu.memory_space<vmem>>) semaphore(%arg18 : memref<!tpu.dma_semaphore, #tpu.memory_space<semaphore_mem>>)
      %ge3A_53 = arith.constant 1 : i32
      %ge3A_54 = arith.cmpi sge, %mul3A_32, %ge3A_53 : i32
      %convert_element_type3A_55 = arith.extui %ge3A_54 : i1 to i32
      %cond3A_56 = arith.constant 0 : i32
      %cond3A_57 = arith.cmpi ne, %convert_element_type3A_55, %cond3A_56 : i32
      scf.if %cond3A_57 {
        %sub3A = arith.constant 1 : i32
        %sub3A_91 = arith.subi %mul3A_32, %sub3A : i32
        %mul3A_92 = arith.constant 80 : i32
        %mul3A_93 = arith.muli %sub3A_91, %mul3A_92 : i32
        %add3A_94 = arith.addi %mul3A_2, %mul3A_93 : i32
        %dma_wait3A_95 = arith.constant 0 : i32
        %dma_wait3A_96 = arith.constant 0 : i32
        %dma_wait3A_97 = tpu.memref_slice %arg2[%dma_wait3A_95, %dma_wait3A_96] : memref<10000x128xf32, #tpu.memory_space<hbm>> -> memref<10000x128xf32, #tpu.memory_space<hbm>>
        tpu.wait_indirect_dma semaphore(%arg19 : memref<!tpu.dma_semaphore, #tpu.memory_space<semaphore_mem>>) src(%dma_wait3A_97 : memref<10000x128xf32, #tpu.memory_space<hbm>>) dst(%arg11 : memref<80x128xf32, #tpu.memory_space<vmem>>)
        %dma_wait3A_98 = arith.constant 0 : i32
        %dma_wait3A_99 = arith.constant 0 : i32
        %dma_wait3A_100 = tpu.memref_slice %arg2[%dma_wait3A_98, %dma_wait3A_99] : memref<10000x128xf32, #tpu.memory_space<hbm>> -> memref<10000x128xf32, #tpu.memory_space<hbm>>
        tpu.wait_indirect_dma semaphore(%arg19 : memref<!tpu.dma_semaphore, #tpu.memory_space<semaphore_mem>>) src(%dma_wait3A_100 : memref<10000x128xf32, #tpu.memory_space<hbm>>) dst(%arg13 : memref<80x128xf32, #tpu.memory_space<vmem>>)
        %dma_start3A_101 = arith.constant 0 : i32
        %dma_start3A_102 = tpu.memref_slice %arg5[%add3A_94, %dma_start3A_101] : memref<71680x256xf32, #tpu.memory_space<hbm>> -> memref<80x128xf32, #tpu.memory_space<hbm>>
        %dma_start3A_103 = arith.constant 0 : i32
        %dma_start3A_104 = tpu.memref_slice %arg5[%add3A_94, %dma_start3A_103] : memref<71680x256xf32, #tpu.memory_space<hbm>> -> memref<80x128xf32, #tpu.memory_space<hbm>>
        tpu.enqueue_dma source(%arg13 : memref<80x128xf32, #tpu.memory_space<vmem>>) target(%dma_start3A_104 : memref<80x128xf32, #tpu.memory_space<hbm>>) target_semaphore(%arg21 : memref<!tpu.dma_semaphore, #tpu.memory_space<semaphore_mem>>)
        %dma_start3A_105 = arith.constant 128 : i32
        %dma_start3A_106 = tpu.memref_slice %arg5[%add3A_94, %dma_start3A_105] : memref<71680x256xf32, #tpu.memory_space<hbm>> -> memref<80x128xf32, #tpu.memory_space<hbm>>
        %dma_start3A_107 = arith.constant 128 : i32
        %dma_start3A_108 = tpu.memref_slice %arg5[%add3A_94, %dma_start3A_107] : memref<71680x256xf32, #tpu.memory_space<hbm>> -> memref<80x128xf32, #tpu.memory_space<hbm>>
        tpu.enqueue_dma source(%arg11 : memref<80x128xf32, #tpu.memory_space<vmem>>) target(%dma_start3A_108 : memref<80x128xf32, #tpu.memory_space<hbm>>) target_semaphore(%arg21 : memref<!tpu.dma_semaphore, #tpu.memory_space<semaphore_mem>>)
      } else {
      }
      %mul3A_58 = arith.constant 2 : i32
      %mul3A_59 = arith.muli %mul3A_58, %add3A_30 : i32
      %add3A_60 = arith.constant 1 : i32
      %add3A_61 = arith.addi %mul3A_59, %add3A_60 : i32
      %mul3A_62 = arith.constant 80 : i32
      %mul3A_63 = arith.muli %add3A_61, %mul3A_62 : i32
      %add3A_64 = arith.addi %mul3A_2, %mul3A_63 : i32
      %add3A_65 = arith.constant 0 : i32
      %add3A_66 = arith.addi %add3A_65, %add3A_64 : i32
      %ge3A_67 = arith.constant 2 : i32
      %ge3A_68 = arith.cmpi sge, %add3A_61, %ge3A_67 : i32
      %convert_element_type3A_69 = arith.extui %ge3A_68 : i1 to i32
      %cond3A_70 = arith.constant 0 : i32
      %cond3A_71 = arith.cmpi ne, %convert_element_type3A_69, %cond3A_70 : i32
      scf.if %cond3A_71 {
        %dma_wait3A_91 = arith.constant 0 : i32
        %dma_wait3A_92 = arith.constant 0 : i32
        %dma_wait3A_93 = tpu.memref_slice %arg5[%dma_wait3A_91, %dma_wait3A_92] : memref<71680x256xf32, #tpu.memory_space<hbm>> -> memref<80x128xf32, #tpu.memory_space<hbm>>
        %dma_wait3A_94 = arith.constant 0 : i32
        %dma_wait3A_95 = arith.constant 0 : i32
        %dma_wait3A_96 = tpu.memref_slice %arg5[%dma_wait3A_94, %dma_wait3A_95] : memref<71680x256xf32, #tpu.memory_space<hbm>> -> memref<80x128xf32, #tpu.memory_space<hbm>>
        tpu.wait_dma2 semaphore(%arg21 : memref<!tpu.dma_semaphore, #tpu.memory_space<semaphore_mem>>) src(%arg11 : memref<80x128xf32, #tpu.memory_space<vmem>>) dst(%dma_wait3A_96 : memref<80x128xf32, #tpu.memory_space<hbm>>)
        %dma_wait3A_97 = arith.constant 0 : i32
        %dma_wait3A_98 = arith.constant 0 : i32
        %dma_wait3A_99 = tpu.memref_slice %arg5[%dma_wait3A_97, %dma_wait3A_98] : memref<71680x256xf32, #tpu.memory_space<hbm>> -> memref<80x128xf32, #tpu.memory_space<hbm>>
        %dma_wait3A_100 = arith.constant 0 : i32
        %dma_wait3A_101 = arith.constant 0 : i32
        %dma_wait3A_102 = tpu.memref_slice %arg5[%dma_wait3A_100, %dma_wait3A_101] : memref<71680x256xf32, #tpu.memory_space<hbm>> -> memref<80x128xf32, #tpu.memory_space<hbm>>
        tpu.wait_dma2 semaphore(%arg21 : memref<!tpu.dma_semaphore, #tpu.memory_space<semaphore_mem>>) src(%arg13 : memref<80x128xf32, #tpu.memory_space<vmem>>) dst(%dma_wait3A_102 : memref<80x128xf32, #tpu.memory_space<hbm>>)
      } else {
      }
      %dma_start3A_72 = tpu.memref_slice %arg3[%add3A_66] : memref<320000xi32, #tpu.memory_space<hbm>> -> memref<80xi32, #tpu.memory_space<hbm>>
      %dma_start3A_73 = tpu.memref_slice %arg3[%add3A_66] : memref<320000xi32, #tpu.memory_space<hbm>> -> memref<80xi32, #tpu.memory_space<hbm>>
      tpu.enqueue_dma source(%dma_start3A_73 : memref<80xi32, #tpu.memory_space<hbm>>) target(%arg7 : memref<80xi32, #tpu.memory_space<vmem>>) target_semaphore(%arg15 : memref<!tpu.dma_semaphore, #tpu.memory_space<semaphore_mem>>)
      %dma_start3A_74 = tpu.memref_slice %arg4[%add3A_66] : memref<320000xi32, #tpu.memory_space<hbm>> -> memref<80xi32, #tpu.memory_space<hbm>>
      %dma_start3A_75 = tpu.memref_slice %arg4[%add3A_66] : memref<320000xi32, #tpu.memory_space<hbm>> -> memref<80xi32, #tpu.memory_space<hbm>>
      tpu.enqueue_dma source(%dma_start3A_75 : memref<80xi32, #tpu.memory_space<hbm>>) target(%arg9 : memref<80xi32, #tpu.memory_space<vmem>>) target_semaphore(%arg17 : memref<!tpu.dma_semaphore, #tpu.memory_space<semaphore_mem>>)
      %dma_wait3A_76 = tpu.memref_slice %arg3[%add3A_66] : memref<320000xi32, #tpu.memory_space<hbm>> -> memref<80xi32, #tpu.memory_space<hbm>>
      %dma_wait3A_77 = tpu.memref_slice %arg3[%add3A_66] : memref<320000xi32, #tpu.memory_space<hbm>> -> memref<80xi32, #tpu.memory_space<hbm>>
      tpu.wait_dma2 semaphore(%arg15 : memref<!tpu.dma_semaphore, #tpu.memory_space<semaphore_mem>>) src(%dma_wait3A_77 : memref<80xi32, #tpu.memory_space<hbm>>) dst(%arg7 : memref<80xi32, #tpu.memory_space<vmem>>)
      %dma_start3A_78 = arith.constant 0 : i32
      %dma_start3A_79 = arith.constant 0 : i32
      %dma_start3A_80 = tpu.memref_slice %arg2[%dma_start3A_78, %dma_start3A_79] : memref<10000x128xf32, #tpu.memory_space<hbm>> -> memref<10000x128xf32, #tpu.memory_space<hbm>>
      tpu.enqueue_indirect_dma source(%dma_start3A_80 : memref<10000x128xf32, #tpu.memory_space<hbm>>) target(%arg11 : memref<80x128xf32, #tpu.memory_space<vmem>>) offsets(%arg7 : memref<80xi32, #tpu.memory_space<vmem>>) semaphore(%arg19 : memref<!tpu.dma_semaphore, #tpu.memory_space<semaphore_mem>>)
      %dma_wait3A_81 = tpu.memref_slice %arg4[%add3A_66] : memref<320000xi32, #tpu.memory_space<hbm>> -> memref<80xi32, #tpu.memory_space<hbm>>
      %dma_wait3A_82 = tpu.memref_slice %arg4[%add3A_66] : memref<320000xi32, #tpu.memory_space<hbm>> -> memref<80xi32, #tpu.memory_space<hbm>>
      tpu.wait_dma2 semaphore(%arg17 : memref<!tpu.dma_semaphore, #tpu.memory_space<semaphore_mem>>) src(%dma_wait3A_82 : memref<80xi32, #tpu.memory_space<hbm>>) dst(%arg9 : memref<80xi32, #tpu.memory_space<vmem>>)
      %dma_start3A_83 = arith.constant 0 : i32
      %dma_start3A_84 = arith.constant 0 : i32
      %dma_start3A_85 = tpu.memref_slice %arg2[%dma_start3A_83, %dma_start3A_84] : memref<10000x128xf32, #tpu.memory_space<hbm>> -> memref<10000x128xf32, #tpu.memory_space<hbm>>
      tpu.enqueue_indirect_dma source(%dma_start3A_85 : memref<10000x128xf32, #tpu.memory_space<hbm>>) target(%arg13 : memref<80x128xf32, #tpu.memory_space<vmem>>) offsets(%arg9 : memref<80xi32, #tpu.memory_space<vmem>>) semaphore(%arg19 : memref<!tpu.dma_semaphore, #tpu.memory_space<semaphore_mem>>)
      %ge3A_86 = arith.constant 1 : i32
      %ge3A_87 = arith.cmpi sge, %add3A_61, %ge3A_86 : i32
      %convert_element_type3A_88 = arith.extui %ge3A_87 : i1 to i32
      %cond3A_89 = arith.constant 0 : i32
      %cond3A_90 = arith.cmpi ne, %convert_element_type3A_88, %cond3A_89 : i32
      scf.if %cond3A_90 {
        %sub3A = arith.constant 1 : i32
        %sub3A_91 = arith.subi %add3A_61, %sub3A : i32
        %mul3A_92 = arith.constant 80 : i32
        %mul3A_93 = arith.muli %sub3A_91, %mul3A_92 : i32
        %add3A_94 = arith.addi %mul3A_2, %mul3A_93 : i32
        %dma_wait3A_95 = arith.constant 0 : i32
        %dma_wait3A_96 = arith.constant 0 : i32
        %dma_wait3A_97 = tpu.memref_slice %arg2[%dma_wait3A_95, %dma_wait3A_96] : memref<10000x128xf32, #tpu.memory_space<hbm>> -> memref<10000x128xf32, #tpu.memory_space<hbm>>
        tpu.wait_indirect_dma semaphore(%arg18 : memref<!tpu.dma_semaphore, #tpu.memory_space<semaphore_mem>>) src(%dma_wait3A_97 : memref<10000x128xf32, #tpu.memory_space<hbm>>) dst(%arg10 : memref<80x128xf32, #tpu.memory_space<vmem>>)
        %dma_wait3A_98 = arith.constant 0 : i32
        %dma_wait3A_99 = arith.constant 0 : i32
        %dma_wait3A_100 = tpu.memref_slice %arg2[%dma_wait3A_98, %dma_wait3A_99] : memref<10000x128xf32, #tpu.memory_space<hbm>> -> memref<10000x128xf32, #tpu.memory_space<hbm>>
        tpu.wait_indirect_dma semaphore(%arg18 : memref<!tpu.dma_semaphore, #tpu.memory_space<semaphore_mem>>) src(%dma_wait3A_100 : memref<10000x128xf32, #tpu.memory_space<hbm>>) dst(%arg12 : memref<80x128xf32, #tpu.memory_space<vmem>>)
        %dma_start3A_101 = arith.constant 0 : i32
        %dma_start3A_102 = tpu.memref_slice %arg5[%add3A_94, %dma_start3A_101] : memref<71680x256xf32, #tpu.memory_space<hbm>> -> memref<80x128xf32, #tpu.memory_space<hbm>>
        %dma_start3A_103 = arith.constant 0 : i32
        %dma_start3A_104 = tpu.memref_slice %arg5[%add3A_94, %dma_start3A_103] : memref<71680x256xf32, #tpu.memory_space<hbm>> -> memref<80x128xf32, #tpu.memory_space<hbm>>
        tpu.enqueue_dma source(%arg12 : memref<80x128xf32, #tpu.memory_space<vmem>>) target(%dma_start3A_104 : memref<80x128xf32, #tpu.memory_space<hbm>>) target_semaphore(%arg20 : memref<!tpu.dma_semaphore, #tpu.memory_space<semaphore_mem>>)
        %dma_start3A_105 = arith.constant 128 : i32
        %dma_start3A_106 = tpu.memref_slice %arg5[%add3A_94, %dma_start3A_105] : memref<71680x256xf32, #tpu.memory_space<hbm>> -> memref<80x128xf32, #tpu.memory_space<hbm>>
        %dma_start3A_107 = arith.constant 128 : i32
        %dma_start3A_108 = tpu.memref_slice %arg5[%add3A_94, %dma_start3A_107] : memref<71680x256xf32, #tpu.memory_space<hbm>> -> memref<80x128xf32, #tpu.memory_space<hbm>>
        tpu.enqueue_dma source(%arg10 : memref<80x128xf32, #tpu.memory_space<vmem>>) target(%dma_start3A_108 : memref<80x128xf32, #tpu.memory_space<hbm>>) target_semaphore(%arg20 : memref<!tpu.dma_semaphore, #tpu.memory_space<semaphore_mem>>)
      } else {
      }
    }
    %scan3A_6 = arith.constant 14 : i32
    %add3A_7 = arith.constant 2160 : i32
    %add3A_8 = arith.addi %mul3A_2, %add3A_7 : i32
    %dma_wait3A = arith.constant 0 : i32
    %dma_wait3A_9 = arith.constant 0 : i32
    %dma_wait3A_10 = tpu.memref_slice %arg2[%dma_wait3A, %dma_wait3A_9] : memref<10000x128xf32, #tpu.memory_space<hbm>> -> memref<10000x128xf32, #tpu.memory_space<hbm>>
    tpu.wait_indirect_dma semaphore(%arg19 : memref<!tpu.dma_semaphore, #tpu.memory_space<semaphore_mem>>) src(%dma_wait3A_10 : memref<10000x128xf32, #tpu.memory_space<hbm>>) dst(%arg11 : memref<80x128xf32, #tpu.memory_space<vmem>>)
    %dma_wait3A_11 = arith.constant 0 : i32
    %dma_wait3A_12 = arith.constant 0 : i32
    %dma_wait3A_13 = tpu.memref_slice %arg2[%dma_wait3A_11, %dma_wait3A_12] : memref<10000x128xf32, #tpu.memory_space<hbm>> -> memref<10000x128xf32, #tpu.memory_space<hbm>>
    tpu.wait_indirect_dma semaphore(%arg19 : memref<!tpu.dma_semaphore, #tpu.memory_space<semaphore_mem>>) src(%dma_wait3A_13 : memref<10000x128xf32, #tpu.memory_space<hbm>>) dst(%arg13 : memref<80x128xf32, #tpu.memory_space<vmem>>)
    "tpu.region"() ({
      %run_scoped3A = tpu.sem_alloc : memref<!tpu.dma_semaphore, #tpu.memory_space<semaphore_mem>>
      %dma_start3A = arith.constant 0 : i32
      %dma_start3A_26 = tpu.memref_slice %arg5[%add3A_8, %dma_start3A] : memref<71680x256xf32, #tpu.memory_space<hbm>> -> memref<80x128xf32, #tpu.memory_space<hbm>>
      %dma_start3A_27 = arith.constant 0 : i32
      %dma_start3A_28 = tpu.memref_slice %arg5[%add3A_8, %dma_start3A_27] : memref<71680x256xf32, #tpu.memory_space<hbm>> -> memref<80x128xf32, #tpu.memory_space<hbm>>
      tpu.enqueue_dma source(%arg13 : memref<80x128xf32, #tpu.memory_space<vmem>>) target(%dma_start3A_28 : memref<80x128xf32, #tpu.memory_space<hbm>>) target_semaphore(%run_scoped3A : memref<!tpu.dma_semaphore, #tpu.memory_space<semaphore_mem>>)
      %dma_wait3A_29 = arith.constant 0 : i32
      %dma_wait3A_30 = tpu.memref_slice %arg5[%add3A_8, %dma_wait3A_29] : memref<71680x256xf32, #tpu.memory_space<hbm>> -> memref<80x128xf32, #tpu.memory_space<hbm>>
      %dma_wait3A_31 = arith.constant 0 : i32
      %dma_wait3A_32 = tpu.memref_slice %arg5[%add3A_8, %dma_wait3A_31] : memref<71680x256xf32, #tpu.memory_space<hbm>> -> memref<80x128xf32, #tpu.memory_space<hbm>>
      tpu.wait_dma2 semaphore(%run_scoped3A : memref<!tpu.dma_semaphore, #tpu.memory_space<semaphore_mem>>) src(%arg13 : memref<80x128xf32, #tpu.memory_space<vmem>>) dst(%dma_wait3A_32 : memref<80x128xf32, #tpu.memory_space<hbm>>)
      tpu.yield
    }) : () -> ()
    "tpu.region"() ({
      %run_scoped3A = tpu.sem_alloc : memref<!tpu.dma_semaphore, #tpu.memory_space<semaphore_mem>>
      %dma_start3A = arith.constant 128 : i32
      %dma_start3A_26 = tpu.memref_slice %arg5[%add3A_8, %dma_start3A] : memref<71680x256xf32, #tpu.memory_space<hbm>> -> memref<80x128xf32, #tpu.memory_space<hbm>>
      %dma_start3A_27 = arith.constant 128 : i32
      %dma_start3A_28 = tpu.memref_slice %arg5[%add3A_8, %dma_start3A_27] : memref<71680x256xf32, #tpu.memory_space<hbm>> -> memref<80x128xf32, #tpu.memory_space<hbm>>
      tpu.enqueue_dma source(%arg11 : memref<80x128xf32, #tpu.memory_space<vmem>>) target(%dma_start3A_28 : memref<80x128xf32, #tpu.memory_space<hbm>>) target_semaphore(%run_scoped3A : memref<!tpu.dma_semaphore, #tpu.memory_space<semaphore_mem>>)
      %dma_wait3A_29 = arith.constant 128 : i32
      %dma_wait3A_30 = tpu.memref_slice %arg5[%add3A_8, %dma_wait3A_29] : memref<71680x256xf32, #tpu.memory_space<hbm>> -> memref<80x128xf32, #tpu.memory_space<hbm>>
      %dma_wait3A_31 = arith.constant 128 : i32
      %dma_wait3A_32 = tpu.memref_slice %arg5[%add3A_8, %dma_wait3A_31] : memref<71680x256xf32, #tpu.memory_space<hbm>> -> memref<80x128xf32, #tpu.memory_space<hbm>>
      tpu.wait_dma2 semaphore(%run_scoped3A : memref<!tpu.dma_semaphore, #tpu.memory_space<semaphore_mem>>) src(%arg11 : memref<80x128xf32, #tpu.memory_space<vmem>>) dst(%dma_wait3A_32 : memref<80x128xf32, #tpu.memory_space<hbm>>)
      tpu.yield
    }) : () -> ()
    %dma_wait3A_14 = arith.constant 0 : i32
    %dma_wait3A_15 = arith.constant 0 : i32
    %dma_wait3A_16 = tpu.memref_slice %arg5[%dma_wait3A_14, %dma_wait3A_15] : memref<71680x256xf32, #tpu.memory_space<hbm>> -> memref<80x128xf32, #tpu.memory_space<hbm>>
    %dma_wait3A_17 = arith.constant 0 : i32
    %dma_wait3A_18 = arith.constant 0 : i32
    %dma_wait3A_19 = tpu.memref_slice %arg5[%dma_wait3A_17, %dma_wait3A_18] : memref<71680x256xf32, #tpu.memory_space<hbm>> -> memref<80x128xf32, #tpu.memory_space<hbm>>
    tpu.wait_dma2 semaphore(%arg20 : memref<!tpu.dma_semaphore, #tpu.memory_space<semaphore_mem>>) src(%arg10 : memref<80x128xf32, #tpu.memory_space<vmem>>) dst(%dma_wait3A_19 : memref<80x128xf32, #tpu.memory_space<hbm>>)
    %dma_wait3A_20 = arith.constant 0 : i32
    %dma_wait3A_21 = arith.constant 0 : i32
    %dma_wait3A_22 = tpu.memref_slice %arg5[%dma_wait3A_20, %dma_wait3A_21] : memref<71680x256xf32, #tpu.memory_space<hbm>> -> memref<80x128xf32, #tpu.memory_space<hbm>>
    %dma_wait3A_23 = arith.constant 0 : i32
    %dma_wait3A_24 = arith.constant 0 : i32
    %dma_wait3A_25 = tpu.memref_slice %arg5[%dma_wait3A_23, %dma_wait3A_24] : memref<71680x256xf32, #tpu.memory_space<hbm>> -> memref<80x128xf32, #tpu.memory_space<hbm>>
    tpu.wait_dma2 semaphore(%arg20 : memref<!tpu.dma_semaphore, #tpu.memory_space<semaphore_mem>>) src(%arg12 : memref<80x128xf32, #tpu.memory_space<vmem>>) dst(%dma_wait3A_25 : memref<80x128xf32, #tpu.memory_space<hbm>>)
    return
  }
}

#map = affine_map<(d0, d1) -> (0, 0)>
#map1 = affine_map<(d0, d1) -> (0)>
module attributes {stable_mosaic.version = 14 : i64} {
  func.func @sc_gather_1(%arg0: i32, %arg1: i32, %arg2: memref<10000x128xf32, #tpu.memory_space<hbm>>, %arg3: memref<320000xi32, #tpu.memory_space<hbm>>, %arg4: memref<320000xi32, #tpu.memory_space<hbm>>, %arg5: memref<94720x256xf32, #tpu.memory_space<hbm>>, %arg6: memref<80xi32, #tpu.memory_space<vmem>>, %arg7: memref<80xi32, #tpu.memory_space<vmem>>, %arg8: memref<80xi32, #tpu.memory_space<vmem>>, %arg9: memref<80xi32, #tpu.memory_space<vmem>>, %arg10: memref<80x128xf32, #tpu.memory_space<vmem>>, %arg11: memref<80x128xf32, #tpu.memory_space<vmem>>, %arg12: memref<80x128xf32, #tpu.memory_space<vmem>>, %arg13: memref<80x128xf32, #tpu.memory_space<vmem>>, %arg14: memref<!tpu.dma_semaphore, #tpu.memory_space<semaphore_mem>>, %arg15: memref<!tpu.dma_semaphore, #tpu.memory_space<semaphore_mem>>, %arg16: memref<!tpu.dma_semaphore, #tpu.memory_space<semaphore_mem>>, %arg17: memref<!tpu.dma_semaphore, #tpu.memory_space<semaphore_mem>>, %arg18: memref<!tpu.dma_semaphore, #tpu.memory_space<semaphore_mem>>, %arg19: memref<!tpu.dma_semaphore, #tpu.memory_space<semaphore_mem>>, %arg20: memref<!tpu.dma_semaphore, #tpu.memory_space<semaphore_mem>>, %arg21: memref<!tpu.dma_semaphore, #tpu.memory_space<semaphore_mem>>) attributes {dimension_semantics = [#tpu.dimension_semantics<core_parallel>, #tpu.dimension_semantics<subcore_parallel>], iteration_bounds = array<i64: 2, 16>, scalar_prefetch = 0 : i64, scratch_operands = 16 : i64, tpu.core_type = #tpu.core_type<sc_vector_subcore>, window_params = [{transform_indices = #map}, {transform_indices = #map1}, {transform_indices = #map1}, {transform_indices = #map}]} {
    %mul3A = arith.constant 16 : i32
    %mul3A_0 = arith.muli %arg0, %mul3A : i32
    %add3A = arith.addi %mul3A_0, %arg1 : i32
    %mul3A_1 = arith.constant 2960 : i32
    %mul3A_2 = arith.muli %add3A, %mul3A_1 : i32
    %scan3A = arith.constant 0 : i32
    %scan3A_3 = arith.constant 18 : i32
    %scan3A_4 = arith.addi %scan3A, %scan3A_3 : i32
    %scan3A_5 = arith.constant 1 : i32
    scf.for %scan3A_71 = %scan3A to %scan3A_4 step %scan3A_5  : i32 {
      %mul3A_72 = arith.constant 1 : i32
      %mul3A_73 = arith.muli %scan3A_71, %mul3A_72 : i32
      %add3A_74 = arith.constant 0 : i32
      %add3A_75 = arith.addi %add3A_74, %mul3A_73 : i32
      %mul3A_76 = arith.constant 2 : i32
      %mul3A_77 = arith.muli %mul3A_76, %add3A_75 : i32
      %mul3A_78 = arith.constant 80 : i32
      %mul3A_79 = arith.muli %mul3A_77, %mul3A_78 : i32
      %add3A_80 = arith.addi %mul3A_2, %mul3A_79 : i32
      %add3A_81 = arith.constant 71680 : i32
      %add3A_82 = arith.addi %add3A_81, %add3A_80 : i32
      %ge3A = arith.constant 2 : i32
      %ge3A_83 = arith.cmpi sge, %mul3A_77, %ge3A : i32
      %convert_element_type3A = arith.extui %ge3A_83 : i1 to i32
      %cond3A = arith.constant 0 : i32
      %cond3A_84 = arith.cmpi ne, %convert_element_type3A, %cond3A : i32
      scf.if %cond3A_84 {
        %dma_wait3A_137 = arith.constant 0 : i32
        %dma_wait3A_138 = arith.constant 0 : i32
        %dma_wait3A_139 = tpu.memref_slice %arg5[%dma_wait3A_137, %dma_wait3A_138] : memref<94720x256xf32, #tpu.memory_space<hbm>> -> memref<80x128xf32, #tpu.memory_space<hbm>>
        %dma_wait3A_140 = arith.constant 0 : i32
        %dma_wait3A_141 = arith.constant 0 : i32
        %dma_wait3A_142 = tpu.memref_slice %arg5[%dma_wait3A_140, %dma_wait3A_141] : memref<94720x256xf32, #tpu.memory_space<hbm>> -> memref<80x128xf32, #tpu.memory_space<hbm>>
        tpu.wait_dma2 semaphore(%arg20 : memref<!tpu.dma_semaphore, #tpu.memory_space<semaphore_mem>>) src(%arg10 : memref<80x128xf32, #tpu.memory_space<vmem>>) dst(%dma_wait3A_142 : memref<80x128xf32, #tpu.memory_space<hbm>>)
        %dma_wait3A_143 = arith.constant 0 : i32
        %dma_wait3A_144 = arith.constant 0 : i32
        %dma_wait3A_145 = tpu.memref_slice %arg5[%dma_wait3A_143, %dma_wait3A_144] : memref<94720x256xf32, #tpu.memory_space<hbm>> -> memref<80x128xf32, #tpu.memory_space<hbm>>
        %dma_wait3A_146 = arith.constant 0 : i32
        %dma_wait3A_147 = arith.constant 0 : i32
        %dma_wait3A_148 = tpu.memref_slice %arg5[%dma_wait3A_146, %dma_wait3A_147] : memref<94720x256xf32, #tpu.memory_space<hbm>> -> memref<80x128xf32, #tpu.memory_space<hbm>>
        tpu.wait_dma2 semaphore(%arg20 : memref<!tpu.dma_semaphore, #tpu.memory_space<semaphore_mem>>) src(%arg12 : memref<80x128xf32, #tpu.memory_space<vmem>>) dst(%dma_wait3A_148 : memref<80x128xf32, #tpu.memory_space<hbm>>)
      } else {
      }
      %dma_start3A_85 = tpu.memref_slice %arg3[%add3A_82] : memref<320000xi32, #tpu.memory_space<hbm>> -> memref<80xi32, #tpu.memory_space<hbm>>
      %dma_start3A_86 = tpu.memref_slice %arg3[%add3A_82] : memref<320000xi32, #tpu.memory_space<hbm>> -> memref<80xi32, #tpu.memory_space<hbm>>
      tpu.enqueue_dma source(%dma_start3A_86 : memref<80xi32, #tpu.memory_space<hbm>>) target(%arg6 : memref<80xi32, #tpu.memory_space<vmem>>) target_semaphore(%arg14 : memref<!tpu.dma_semaphore, #tpu.memory_space<semaphore_mem>>)
      %dma_start3A_87 = tpu.memref_slice %arg4[%add3A_82] : memref<320000xi32, #tpu.memory_space<hbm>> -> memref<80xi32, #tpu.memory_space<hbm>>
      %dma_start3A_88 = tpu.memref_slice %arg4[%add3A_82] : memref<320000xi32, #tpu.memory_space<hbm>> -> memref<80xi32, #tpu.memory_space<hbm>>
      tpu.enqueue_dma source(%dma_start3A_88 : memref<80xi32, #tpu.memory_space<hbm>>) target(%arg8 : memref<80xi32, #tpu.memory_space<vmem>>) target_semaphore(%arg16 : memref<!tpu.dma_semaphore, #tpu.memory_space<semaphore_mem>>)
      %dma_wait3A_89 = tpu.memref_slice %arg3[%add3A_82] : memref<320000xi32, #tpu.memory_space<hbm>> -> memref<80xi32, #tpu.memory_space<hbm>>
      %dma_wait3A_90 = tpu.memref_slice %arg3[%add3A_82] : memref<320000xi32, #tpu.memory_space<hbm>> -> memref<80xi32, #tpu.memory_space<hbm>>
      tpu.wait_dma2 semaphore(%arg14 : memref<!tpu.dma_semaphore, #tpu.memory_space<semaphore_mem>>) src(%dma_wait3A_90 : memref<80xi32, #tpu.memory_space<hbm>>) dst(%arg6 : memref<80xi32, #tpu.memory_space<vmem>>)
      %dma_start3A_91 = arith.constant 0 : i32
      %dma_start3A_92 = arith.constant 0 : i32
      %dma_start3A_93 = tpu.memref_slice %arg2[%dma_start3A_91, %dma_start3A_92] : memref<10000x128xf32, #tpu.memory_space<hbm>> -> memref<10000x128xf32, #tpu.memory_space<hbm>>
      tpu.enqueue_indirect_dma source(%dma_start3A_93 : memref<10000x128xf32, #tpu.memory_space<hbm>>) target(%arg10 : memref<80x128xf32, #tpu.memory_space<vmem>>) offsets(%arg6 : memref<80xi32, #tpu.memory_space<vmem>>) semaphore(%arg18 : memref<!tpu.dma_semaphore, #tpu.memory_space<semaphore_mem>>)
      %dma_wait3A_94 = tpu.memref_slice %arg4[%add3A_82] : memref<320000xi32, #tpu.memory_space<hbm>> -> memref<80xi32, #tpu.memory_space<hbm>>
      %dma_wait3A_95 = tpu.memref_slice %arg4[%add3A_82] : memref<320000xi32, #tpu.memory_space<hbm>> -> memref<80xi32, #tpu.memory_space<hbm>>
      tpu.wait_dma2 semaphore(%arg16 : memref<!tpu.dma_semaphore, #tpu.memory_space<semaphore_mem>>) src(%dma_wait3A_95 : memref<80xi32, #tpu.memory_space<hbm>>) dst(%arg8 : memref<80xi32, #tpu.memory_space<vmem>>)
      %dma_start3A_96 = arith.constant 0 : i32
      %dma_start3A_97 = arith.constant 0 : i32
      %dma_start3A_98 = tpu.memref_slice %arg2[%dma_start3A_96, %dma_start3A_97] : memref<10000x128xf32, #tpu.memory_space<hbm>> -> memref<10000x128xf32, #tpu.memory_space<hbm>>
      tpu.enqueue_indirect_dma source(%dma_start3A_98 : memref<10000x128xf32, #tpu.memory_space<hbm>>) target(%arg12 : memref<80x128xf32, #tpu.memory_space<vmem>>) offsets(%arg8 : memref<80xi32, #tpu.memory_space<vmem>>) semaphore(%arg18 : memref<!tpu.dma_semaphore, #tpu.memory_space<semaphore_mem>>)
      %ge3A_99 = arith.constant 1 : i32
      %ge3A_100 = arith.cmpi sge, %mul3A_77, %ge3A_99 : i32
      %convert_element_type3A_101 = arith.extui %ge3A_100 : i1 to i32
      %cond3A_102 = arith.constant 0 : i32
      %cond3A_103 = arith.cmpi ne, %convert_element_type3A_101, %cond3A_102 : i32
      scf.if %cond3A_103 {
        %sub3A = arith.constant 1 : i32
        %sub3A_137 = arith.subi %mul3A_77, %sub3A : i32
        %mul3A_138 = arith.constant 80 : i32
        %mul3A_139 = arith.muli %sub3A_137, %mul3A_138 : i32
        %add3A_140 = arith.addi %mul3A_2, %mul3A_139 : i32
        %dma_wait3A_141 = arith.constant 0 : i32
        %dma_wait3A_142 = arith.constant 0 : i32
        %dma_wait3A_143 = tpu.memref_slice %arg2[%dma_wait3A_141, %dma_wait3A_142] : memref<10000x128xf32, #tpu.memory_space<hbm>> -> memref<10000x128xf32, #tpu.memory_space<hbm>>
        tpu.wait_indirect_dma semaphore(%arg19 : memref<!tpu.dma_semaphore, #tpu.memory_space<semaphore_mem>>) src(%dma_wait3A_143 : memref<10000x128xf32, #tpu.memory_space<hbm>>) dst(%arg11 : memref<80x128xf32, #tpu.memory_space<vmem>>)
        %dma_wait3A_144 = arith.constant 0 : i32
        %dma_wait3A_145 = arith.constant 0 : i32
        %dma_wait3A_146 = tpu.memref_slice %arg2[%dma_wait3A_144, %dma_wait3A_145] : memref<10000x128xf32, #tpu.memory_space<hbm>> -> memref<10000x128xf32, #tpu.memory_space<hbm>>
        tpu.wait_indirect_dma semaphore(%arg19 : memref<!tpu.dma_semaphore, #tpu.memory_space<semaphore_mem>>) src(%dma_wait3A_146 : memref<10000x128xf32, #tpu.memory_space<hbm>>) dst(%arg13 : memref<80x128xf32, #tpu.memory_space<vmem>>)
        %dma_start3A_147 = arith.constant 0 : i32
        %dma_start3A_148 = tpu.memref_slice %arg5[%add3A_140, %dma_start3A_147] : memref<94720x256xf32, #tpu.memory_space<hbm>> -> memref<80x128xf32, #tpu.memory_space<hbm>>
        %dma_start3A_149 = arith.constant 0 : i32
        %dma_start3A_150 = tpu.memref_slice %arg5[%add3A_140, %dma_start3A_149] : memref<94720x256xf32, #tpu.memory_space<hbm>> -> memref<80x128xf32, #tpu.memory_space<hbm>>
        tpu.enqueue_dma source(%arg13 : memref<80x128xf32, #tpu.memory_space<vmem>>) target(%dma_start3A_150 : memref<80x128xf32, #tpu.memory_space<hbm>>) target_semaphore(%arg21 : memref<!tpu.dma_semaphore, #tpu.memory_space<semaphore_mem>>)
        %dma_start3A_151 = arith.constant 128 : i32
        %dma_start3A_152 = tpu.memref_slice %arg5[%add3A_140, %dma_start3A_151] : memref<94720x256xf32, #tpu.memory_space<hbm>> -> memref<80x128xf32, #tpu.memory_space<hbm>>
        %dma_start3A_153 = arith.constant 128 : i32
        %dma_start3A_154 = tpu.memref_slice %arg5[%add3A_140, %dma_start3A_153] : memref<94720x256xf32, #tpu.memory_space<hbm>> -> memref<80x128xf32, #tpu.memory_space<hbm>>
        tpu.enqueue_dma source(%arg11 : memref<80x128xf32, #tpu.memory_space<vmem>>) target(%dma_start3A_154 : memref<80x128xf32, #tpu.memory_space<hbm>>) target_semaphore(%arg21 : memref<!tpu.dma_semaphore, #tpu.memory_space<semaphore_mem>>)
      } else {
      }
      %mul3A_104 = arith.constant 2 : i32
      %mul3A_105 = arith.muli %mul3A_104, %add3A_75 : i32
      %add3A_106 = arith.constant 1 : i32
      %add3A_107 = arith.addi %mul3A_105, %add3A_106 : i32
      %mul3A_108 = arith.constant 80 : i32
      %mul3A_109 = arith.muli %add3A_107, %mul3A_108 : i32
      %add3A_110 = arith.addi %mul3A_2, %mul3A_109 : i32
      %add3A_111 = arith.constant 71680 : i32
      %add3A_112 = arith.addi %add3A_111, %add3A_110 : i32
      %ge3A_113 = arith.constant 2 : i32
      %ge3A_114 = arith.cmpi sge, %add3A_107, %ge3A_113 : i32
      %convert_element_type3A_115 = arith.extui %ge3A_114 : i1 to i32
      %cond3A_116 = arith.constant 0 : i32
      %cond3A_117 = arith.cmpi ne, %convert_element_type3A_115, %cond3A_116 : i32
      scf.if %cond3A_117 {
        %dma_wait3A_137 = arith.constant 0 : i32
        %dma_wait3A_138 = arith.constant 0 : i32
        %dma_wait3A_139 = tpu.memref_slice %arg5[%dma_wait3A_137, %dma_wait3A_138] : memref<94720x256xf32, #tpu.memory_space<hbm>> -> memref<80x128xf32, #tpu.memory_space<hbm>>
        %dma_wait3A_140 = arith.constant 0 : i32
        %dma_wait3A_141 = arith.constant 0 : i32
        %dma_wait3A_142 = tpu.memref_slice %arg5[%dma_wait3A_140, %dma_wait3A_141] : memref<94720x256xf32, #tpu.memory_space<hbm>> -> memref<80x128xf32, #tpu.memory_space<hbm>>
        tpu.wait_dma2 semaphore(%arg21 : memref<!tpu.dma_semaphore, #tpu.memory_space<semaphore_mem>>) src(%arg11 : memref<80x128xf32, #tpu.memory_space<vmem>>) dst(%dma_wait3A_142 : memref<80x128xf32, #tpu.memory_space<hbm>>)
        %dma_wait3A_143 = arith.constant 0 : i32
        %dma_wait3A_144 = arith.constant 0 : i32
        %dma_wait3A_145 = tpu.memref_slice %arg5[%dma_wait3A_143, %dma_wait3A_144] : memref<94720x256xf32, #tpu.memory_space<hbm>> -> memref<80x128xf32, #tpu.memory_space<hbm>>
        %dma_wait3A_146 = arith.constant 0 : i32
        %dma_wait3A_147 = arith.constant 0 : i32
        %dma_wait3A_148 = tpu.memref_slice %arg5[%dma_wait3A_146, %dma_wait3A_147] : memref<94720x256xf32, #tpu.memory_space<hbm>> -> memref<80x128xf32, #tpu.memory_space<hbm>>
        tpu.wait_dma2 semaphore(%arg21 : memref<!tpu.dma_semaphore, #tpu.memory_space<semaphore_mem>>) src(%arg13 : memref<80x128xf32, #tpu.memory_space<vmem>>) dst(%dma_wait3A_148 : memref<80x128xf32, #tpu.memory_space<hbm>>)
      } else {
      }
      %dma_start3A_118 = tpu.memref_slice %arg3[%add3A_112] : memref<320000xi32, #tpu.memory_space<hbm>> -> memref<80xi32, #tpu.memory_space<hbm>>
      %dma_start3A_119 = tpu.memref_slice %arg3[%add3A_112] : memref<320000xi32, #tpu.memory_space<hbm>> -> memref<80xi32, #tpu.memory_space<hbm>>
      tpu.enqueue_dma source(%dma_start3A_119 : memref<80xi32, #tpu.memory_space<hbm>>) target(%arg7 : memref<80xi32, #tpu.memory_space<vmem>>) target_semaphore(%arg15 : memref<!tpu.dma_semaphore, #tpu.memory_space<semaphore_mem>>)
      %dma_start3A_120 = tpu.memref_slice %arg4[%add3A_112] : memref<320000xi32, #tpu.memory_space<hbm>> -> memref<80xi32, #tpu.memory_space<hbm>>
      %dma_start3A_121 = tpu.memref_slice %arg4[%add3A_112] : memref<320000xi32, #tpu.memory_space<hbm>> -> memref<80xi32, #tpu.memory_space<hbm>>
      tpu.enqueue_dma source(%dma_start3A_121 : memref<80xi32, #tpu.memory_space<hbm>>) target(%arg9 : memref<80xi32, #tpu.memory_space<vmem>>) target_semaphore(%arg17 : memref<!tpu.dma_semaphore, #tpu.memory_space<semaphore_mem>>)
      %dma_wait3A_122 = tpu.memref_slice %arg3[%add3A_112] : memref<320000xi32, #tpu.memory_space<hbm>> -> memref<80xi32, #tpu.memory_space<hbm>>
      %dma_wait3A_123 = tpu.memref_slice %arg3[%add3A_112] : memref<320000xi32, #tpu.memory_space<hbm>> -> memref<80xi32, #tpu.memory_space<hbm>>
      tpu.wait_dma2 semaphore(%arg15 : memref<!tpu.dma_semaphore, #tpu.memory_space<semaphore_mem>>) src(%dma_wait3A_123 : memref<80xi32, #tpu.memory_space<hbm>>) dst(%arg7 : memref<80xi32, #tpu.memory_space<vmem>>)
      %dma_start3A_124 = arith.constant 0 : i32
      %dma_start3A_125 = arith.constant 0 : i32
      %dma_start3A_126 = tpu.memref_slice %arg2[%dma_start3A_124, %dma_start3A_125] : memref<10000x128xf32, #tpu.memory_space<hbm>> -> memref<10000x128xf32, #tpu.memory_space<hbm>>
      tpu.enqueue_indirect_dma source(%dma_start3A_126 : memref<10000x128xf32, #tpu.memory_space<hbm>>) target(%arg11 : memref<80x128xf32, #tpu.memory_space<vmem>>) offsets(%arg7 : memref<80xi32, #tpu.memory_space<vmem>>) semaphore(%arg19 : memref<!tpu.dma_semaphore, #tpu.memory_space<semaphore_mem>>)
      %dma_wait3A_127 = tpu.memref_slice %arg4[%add3A_112] : memref<320000xi32, #tpu.memory_space<hbm>> -> memref<80xi32, #tpu.memory_space<hbm>>
      %dma_wait3A_128 = tpu.memref_slice %arg4[%add3A_112] : memref<320000xi32, #tpu.memory_space<hbm>> -> memref<80xi32, #tpu.memory_space<hbm>>
      tpu.wait_dma2 semaphore(%arg17 : memref<!tpu.dma_semaphore, #tpu.memory_space<semaphore_mem>>) src(%dma_wait3A_128 : memref<80xi32, #tpu.memory_space<hbm>>) dst(%arg9 : memref<80xi32, #tpu.memory_space<vmem>>)
      %dma_start3A_129 = arith.constant 0 : i32
      %dma_start3A_130 = arith.constant 0 : i32
      %dma_start3A_131 = tpu.memref_slice %arg2[%dma_start3A_129, %dma_start3A_130] : memref<10000x128xf32, #tpu.memory_space<hbm>> -> memref<10000x128xf32, #tpu.memory_space<hbm>>
      tpu.enqueue_indirect_dma source(%dma_start3A_131 : memref<10000x128xf32, #tpu.memory_space<hbm>>) target(%arg13 : memref<80x128xf32, #tpu.memory_space<vmem>>) offsets(%arg9 : memref<80xi32, #tpu.memory_space<vmem>>) semaphore(%arg19 : memref<!tpu.dma_semaphore, #tpu.memory_space<semaphore_mem>>)
      %ge3A_132 = arith.constant 1 : i32
      %ge3A_133 = arith.cmpi sge, %add3A_107, %ge3A_132 : i32
      %convert_element_type3A_134 = arith.extui %ge3A_133 : i1 to i32
      %cond3A_135 = arith.constant 0 : i32
      %cond3A_136 = arith.cmpi ne, %convert_element_type3A_134, %cond3A_135 : i32
      scf.if %cond3A_136 {
        %sub3A = arith.constant 1 : i32
        %sub3A_137 = arith.subi %add3A_107, %sub3A : i32
        %mul3A_138 = arith.constant 80 : i32
        %mul3A_139 = arith.muli %sub3A_137, %mul3A_138 : i32
        %add3A_140 = arith.addi %mul3A_2, %mul3A_139 : i32
        %dma_wait3A_141 = arith.constant 0 : i32
        %dma_wait3A_142 = arith.constant 0 : i32
        %dma_wait3A_143 = tpu.memref_slice %arg2[%dma_wait3A_141, %dma_wait3A_142] : memref<10000x128xf32, #tpu.memory_space<hbm>> -> memref<10000x128xf32, #tpu.memory_space<hbm>>
        tpu.wait_indirect_dma semaphore(%arg18 : memref<!tpu.dma_semaphore, #tpu.memory_space<semaphore_mem>>) src(%dma_wait3A_143 : memref<10000x128xf32, #tpu.memory_space<hbm>>) dst(%arg10 : memref<80x128xf32, #tpu.memory_space<vmem>>)
        %dma_wait3A_144 = arith.constant 0 : i32
        %dma_wait3A_145 = arith.constant 0 : i32
        %dma_wait3A_146 = tpu.memref_slice %arg2[%dma_wait3A_144, %dma_wait3A_145] : memref<10000x128xf32, #tpu.memory_space<hbm>> -> memref<10000x128xf32, #tpu.memory_space<hbm>>
        tpu.wait_indirect_dma semaphore(%arg18 : memref<!tpu.dma_semaphore, #tpu.memory_space<semaphore_mem>>) src(%dma_wait3A_146 : memref<10000x128xf32, #tpu.memory_space<hbm>>) dst(%arg12 : memref<80x128xf32, #tpu.memory_space<vmem>>)
        %dma_start3A_147 = arith.constant 0 : i32
        %dma_start3A_148 = tpu.memref_slice %arg5[%add3A_140, %dma_start3A_147] : memref<94720x256xf32, #tpu.memory_space<hbm>> -> memref<80x128xf32, #tpu.memory_space<hbm>>
        %dma_start3A_149 = arith.constant 0 : i32
        %dma_start3A_150 = tpu.memref_slice %arg5[%add3A_140, %dma_start3A_149] : memref<94720x256xf32, #tpu.memory_space<hbm>> -> memref<80x128xf32, #tpu.memory_space<hbm>>
        tpu.enqueue_dma source(%arg12 : memref<80x128xf32, #tpu.memory_space<vmem>>) target(%dma_start3A_150 : memref<80x128xf32, #tpu.memory_space<hbm>>) target_semaphore(%arg20 : memref<!tpu.dma_semaphore, #tpu.memory_space<semaphore_mem>>)
        %dma_start3A_151 = arith.constant 128 : i32
        %dma_start3A_152 = tpu.memref_slice %arg5[%add3A_140, %dma_start3A_151] : memref<94720x256xf32, #tpu.memory_space<hbm>> -> memref<80x128xf32, #tpu.memory_space<hbm>>
        %dma_start3A_153 = arith.constant 128 : i32
        %dma_start3A_154 = tpu.memref_slice %arg5[%add3A_140, %dma_start3A_153] : memref<94720x256xf32, #tpu.memory_space<hbm>> -> memref<80x128xf32, #tpu.memory_space<hbm>>
        tpu.enqueue_dma source(%arg10 : memref<80x128xf32, #tpu.memory_space<vmem>>) target(%dma_start3A_154 : memref<80x128xf32, #tpu.memory_space<hbm>>) target_semaphore(%arg20 : memref<!tpu.dma_semaphore, #tpu.memory_space<semaphore_mem>>)
      } else {
      }
    }
    %scan3A_6 = arith.constant 18 : i32
    %add3A_7 = arith.constant 2880 : i32
    %add3A_8 = arith.addi %mul3A_2, %add3A_7 : i32
    %add3A_9 = arith.constant 71680 : i32
    %add3A_10 = arith.addi %add3A_9, %add3A_8 : i32
    %dma_wait3A = arith.constant 0 : i32
    %dma_wait3A_11 = arith.constant 0 : i32
    %dma_wait3A_12 = tpu.memref_slice %arg5[%dma_wait3A, %dma_wait3A_11] : memref<94720x256xf32, #tpu.memory_space<hbm>> -> memref<80x128xf32, #tpu.memory_space<hbm>>
    %dma_wait3A_13 = arith.constant 0 : i32
    %dma_wait3A_14 = arith.constant 0 : i32
    %dma_wait3A_15 = tpu.memref_slice %arg5[%dma_wait3A_13, %dma_wait3A_14] : memref<94720x256xf32, #tpu.memory_space<hbm>> -> memref<80x128xf32, #tpu.memory_space<hbm>>
    tpu.wait_dma2 semaphore(%arg20 : memref<!tpu.dma_semaphore, #tpu.memory_space<semaphore_mem>>) src(%arg10 : memref<80x128xf32, #tpu.memory_space<vmem>>) dst(%dma_wait3A_15 : memref<80x128xf32, #tpu.memory_space<hbm>>)
    %dma_wait3A_16 = arith.constant 0 : i32
    %dma_wait3A_17 = arith.constant 0 : i32
    %dma_wait3A_18 = tpu.memref_slice %arg5[%dma_wait3A_16, %dma_wait3A_17] : memref<94720x256xf32, #tpu.memory_space<hbm>> -> memref<80x128xf32, #tpu.memory_space<hbm>>
    %dma_wait3A_19 = arith.constant 0 : i32
    %dma_wait3A_20 = arith.constant 0 : i32
    %dma_wait3A_21 = tpu.memref_slice %arg5[%dma_wait3A_19, %dma_wait3A_20] : memref<94720x256xf32, #tpu.memory_space<hbm>> -> memref<80x128xf32, #tpu.memory_space<hbm>>
    tpu.wait_dma2 semaphore(%arg20 : memref<!tpu.dma_semaphore, #tpu.memory_space<semaphore_mem>>) src(%arg12 : memref<80x128xf32, #tpu.memory_space<vmem>>) dst(%dma_wait3A_21 : memref<80x128xf32, #tpu.memory_space<hbm>>)
    %dma_start3A = tpu.memref_slice %arg3[%add3A_10] : memref<320000xi32, #tpu.memory_space<hbm>> -> memref<80xi32, #tpu.memory_space<hbm>>
    %dma_start3A_22 = tpu.memref_slice %arg3[%add3A_10] : memref<320000xi32, #tpu.memory_space<hbm>> -> memref<80xi32, #tpu.memory_space<hbm>>
    tpu.enqueue_dma source(%dma_start3A_22 : memref<80xi32, #tpu.memory_space<hbm>>) target(%arg6 : memref<80xi32, #tpu.memory_space<vmem>>) target_semaphore(%arg14 : memref<!tpu.dma_semaphore, #tpu.memory_space<semaphore_mem>>)
    %dma_start3A_23 = tpu.memref_slice %arg4[%add3A_10] : memref<320000xi32, #tpu.memory_space<hbm>> -> memref<80xi32, #tpu.memory_space<hbm>>
    %dma_start3A_24 = tpu.memref_slice %arg4[%add3A_10] : memref<320000xi32, #tpu.memory_space<hbm>> -> memref<80xi32, #tpu.memory_space<hbm>>
    tpu.enqueue_dma source(%dma_start3A_24 : memref<80xi32, #tpu.memory_space<hbm>>) target(%arg8 : memref<80xi32, #tpu.memory_space<vmem>>) target_semaphore(%arg16 : memref<!tpu.dma_semaphore, #tpu.memory_space<semaphore_mem>>)
    %dma_wait3A_25 = tpu.memref_slice %arg3[%add3A_10] : memref<320000xi32, #tpu.memory_space<hbm>> -> memref<80xi32, #tpu.memory_space<hbm>>
    %dma_wait3A_26 = tpu.memref_slice %arg3[%add3A_10] : memref<320000xi32, #tpu.memory_space<hbm>> -> memref<80xi32, #tpu.memory_space<hbm>>
    tpu.wait_dma2 semaphore(%arg14 : memref<!tpu.dma_semaphore, #tpu.memory_space<semaphore_mem>>) src(%dma_wait3A_26 : memref<80xi32, #tpu.memory_space<hbm>>) dst(%arg6 : memref<80xi32, #tpu.memory_space<vmem>>)
    %dma_start3A_27 = arith.constant 0 : i32
    %dma_start3A_28 = arith.constant 0 : i32
    %dma_start3A_29 = tpu.memref_slice %arg2[%dma_start3A_27, %dma_start3A_28] : memref<10000x128xf32, #tpu.memory_space<hbm>> -> memref<10000x128xf32, #tpu.memory_space<hbm>>
    tpu.enqueue_indirect_dma source(%dma_start3A_29 : memref<10000x128xf32, #tpu.memory_space<hbm>>) target(%arg10 : memref<80x128xf32, #tpu.memory_space<vmem>>) offsets(%arg6 : memref<80xi32, #tpu.memory_space<vmem>>) semaphore(%arg18 : memref<!tpu.dma_semaphore, #tpu.memory_space<semaphore_mem>>)
    %dma_wait3A_30 = tpu.memref_slice %arg4[%add3A_10] : memref<320000xi32, #tpu.memory_space<hbm>> -> memref<80xi32, #tpu.memory_space<hbm>>
    %dma_wait3A_31 = tpu.memref_slice %arg4[%add3A_10] : memref<320000xi32, #tpu.memory_space<hbm>> -> memref<80xi32, #tpu.memory_space<hbm>>
    tpu.wait_dma2 semaphore(%arg16 : memref<!tpu.dma_semaphore, #tpu.memory_space<semaphore_mem>>) src(%dma_wait3A_31 : memref<80xi32, #tpu.memory_space<hbm>>) dst(%arg8 : memref<80xi32, #tpu.memory_space<vmem>>)
    %dma_start3A_32 = arith.constant 0 : i32
    %dma_start3A_33 = arith.constant 0 : i32
    %dma_start3A_34 = tpu.memref_slice %arg2[%dma_start3A_32, %dma_start3A_33] : memref<10000x128xf32, #tpu.memory_space<hbm>> -> memref<10000x128xf32, #tpu.memory_space<hbm>>
    tpu.enqueue_indirect_dma source(%dma_start3A_34 : memref<10000x128xf32, #tpu.memory_space<hbm>>) target(%arg12 : memref<80x128xf32, #tpu.memory_space<vmem>>) offsets(%arg8 : memref<80xi32, #tpu.memory_space<vmem>>) semaphore(%arg18 : memref<!tpu.dma_semaphore, #tpu.memory_space<semaphore_mem>>)
    %add3A_35 = arith.constant 2800 : i32
    %add3A_36 = arith.addi %mul3A_2, %add3A_35 : i32
    %dma_wait3A_37 = arith.constant 0 : i32
    %dma_wait3A_38 = arith.constant 0 : i32
    %dma_wait3A_39 = tpu.memref_slice %arg2[%dma_wait3A_37, %dma_wait3A_38] : memref<10000x128xf32, #tpu.memory_space<hbm>> -> memref<10000x128xf32, #tpu.memory_space<hbm>>
    tpu.wait_indirect_dma semaphore(%arg19 : memref<!tpu.dma_semaphore, #tpu.memory_space<semaphore_mem>>) src(%dma_wait3A_39 : memref<10000x128xf32, #tpu.memory_space<hbm>>) dst(%arg11 : memref<80x128xf32, #tpu.memory_space<vmem>>)
    %dma_wait3A_40 = arith.constant 0 : i32
    %dma_wait3A_41 = arith.constant 0 : i32
    %dma_wait3A_42 = tpu.memref_slice %arg2[%dma_wait3A_40, %dma_wait3A_41] : memref<10000x128xf32, #tpu.memory_space<hbm>> -> memref<10000x128xf32, #tpu.memory_space<hbm>>
    tpu.wait_indirect_dma semaphore(%arg19 : memref<!tpu.dma_semaphore, #tpu.memory_space<semaphore_mem>>) src(%dma_wait3A_42 : memref<10000x128xf32, #tpu.memory_space<hbm>>) dst(%arg13 : memref<80x128xf32, #tpu.memory_space<vmem>>)
    %dma_start3A_43 = arith.constant 0 : i32
    %dma_start3A_44 = tpu.memref_slice %arg5[%add3A_36, %dma_start3A_43] : memref<94720x256xf32, #tpu.memory_space<hbm>> -> memref<80x128xf32, #tpu.memory_space<hbm>>
    %dma_start3A_45 = arith.constant 0 : i32
    %dma_start3A_46 = tpu.memref_slice %arg5[%add3A_36, %dma_start3A_45] : memref<94720x256xf32, #tpu.memory_space<hbm>> -> memref<80x128xf32, #tpu.memory_space<hbm>>
    tpu.enqueue_dma source(%arg13 : memref<80x128xf32, #tpu.memory_space<vmem>>) target(%dma_start3A_46 : memref<80x128xf32, #tpu.memory_space<hbm>>) target_semaphore(%arg21 : memref<!tpu.dma_semaphore, #tpu.memory_space<semaphore_mem>>)
    %dma_start3A_47 = arith.constant 128 : i32
    %dma_start3A_48 = tpu.memref_slice %arg5[%add3A_36, %dma_start3A_47] : memref<94720x256xf32, #tpu.memory_space<hbm>> -> memref<80x128xf32, #tpu.memory_space<hbm>>
    %dma_start3A_49 = arith.constant 128 : i32
    %dma_start3A_50 = tpu.memref_slice %arg5[%add3A_36, %dma_start3A_49] : memref<94720x256xf32, #tpu.memory_space<hbm>> -> memref<80x128xf32, #tpu.memory_space<hbm>>
    tpu.enqueue_dma source(%arg11 : memref<80x128xf32, #tpu.memory_space<vmem>>) target(%dma_start3A_50 : memref<80x128xf32, #tpu.memory_space<hbm>>) target_semaphore(%arg21 : memref<!tpu.dma_semaphore, #tpu.memory_space<semaphore_mem>>)
    %add3A_51 = arith.constant 2880 : i32
    %add3A_52 = arith.addi %mul3A_2, %add3A_51 : i32
    %dma_wait3A_53 = arith.constant 0 : i32
    %dma_wait3A_54 = arith.constant 0 : i32
    %dma_wait3A_55 = tpu.memref_slice %arg2[%dma_wait3A_53, %dma_wait3A_54] : memref<10000x128xf32, #tpu.memory_space<hbm>> -> memref<10000x128xf32, #tpu.memory_space<hbm>>
    tpu.wait_indirect_dma semaphore(%arg18 : memref<!tpu.dma_semaphore, #tpu.memory_space<semaphore_mem>>) src(%dma_wait3A_55 : memref<10000x128xf32, #tpu.memory_space<hbm>>) dst(%arg10 : memref<80x128xf32, #tpu.memory_space<vmem>>)
    %dma_wait3A_56 = arith.constant 0 : i32
    %dma_wait3A_57 = arith.constant 0 : i32
    %dma_wait3A_58 = tpu.memref_slice %arg2[%dma_wait3A_56, %dma_wait3A_57] : memref<10000x128xf32, #tpu.memory_space<hbm>> -> memref<10000x128xf32, #tpu.memory_space<hbm>>
    tpu.wait_indirect_dma semaphore(%arg18 : memref<!tpu.dma_semaphore, #tpu.memory_space<semaphore_mem>>) src(%dma_wait3A_58 : memref<10000x128xf32, #tpu.memory_space<hbm>>) dst(%arg12 : memref<80x128xf32, #tpu.memory_space<vmem>>)
    "tpu.region"() ({
      %run_scoped3A = tpu.sem_alloc : memref<!tpu.dma_semaphore, #tpu.memory_space<semaphore_mem>>
      %dma_start3A_71 = arith.constant 0 : i32
      %dma_start3A_72 = tpu.memref_slice %arg5[%add3A_52, %dma_start3A_71] : memref<94720x256xf32, #tpu.memory_space<hbm>> -> memref<80x128xf32, #tpu.memory_space<hbm>>
      %dma_start3A_73 = arith.constant 0 : i32
      %dma_start3A_74 = tpu.memref_slice %arg5[%add3A_52, %dma_start3A_73] : memref<94720x256xf32, #tpu.memory_space<hbm>> -> memref<80x128xf32, #tpu.memory_space<hbm>>
      tpu.enqueue_dma source(%arg12 : memref<80x128xf32, #tpu.memory_space<vmem>>) target(%dma_start3A_74 : memref<80x128xf32, #tpu.memory_space<hbm>>) target_semaphore(%run_scoped3A : memref<!tpu.dma_semaphore, #tpu.memory_space<semaphore_mem>>)
      %dma_wait3A_75 = arith.constant 0 : i32
      %dma_wait3A_76 = tpu.memref_slice %arg5[%add3A_52, %dma_wait3A_75] : memref<94720x256xf32, #tpu.memory_space<hbm>> -> memref<80x128xf32, #tpu.memory_space<hbm>>
      %dma_wait3A_77 = arith.constant 0 : i32
      %dma_wait3A_78 = tpu.memref_slice %arg5[%add3A_52, %dma_wait3A_77] : memref<94720x256xf32, #tpu.memory_space<hbm>> -> memref<80x128xf32, #tpu.memory_space<hbm>>
      tpu.wait_dma2 semaphore(%run_scoped3A : memref<!tpu.dma_semaphore, #tpu.memory_space<semaphore_mem>>) src(%arg12 : memref<80x128xf32, #tpu.memory_space<vmem>>) dst(%dma_wait3A_78 : memref<80x128xf32, #tpu.memory_space<hbm>>)
      tpu.yield
    }) : () -> ()
    "tpu.region"() ({
      %run_scoped3A = tpu.sem_alloc : memref<!tpu.dma_semaphore, #tpu.memory_space<semaphore_mem>>
      %dma_start3A_71 = arith.constant 128 : i32
      %dma_start3A_72 = tpu.memref_slice %arg5[%add3A_52, %dma_start3A_71] : memref<94720x256xf32, #tpu.memory_space<hbm>> -> memref<80x128xf32, #tpu.memory_space<hbm>>
      %dma_start3A_73 = arith.constant 128 : i32
      %dma_start3A_74 = tpu.memref_slice %arg5[%add3A_52, %dma_start3A_73] : memref<94720x256xf32, #tpu.memory_space<hbm>> -> memref<80x128xf32, #tpu.memory_space<hbm>>
      tpu.enqueue_dma source(%arg10 : memref<80x128xf32, #tpu.memory_space<vmem>>) target(%dma_start3A_74 : memref<80x128xf32, #tpu.memory_space<hbm>>) target_semaphore(%run_scoped3A : memref<!tpu.dma_semaphore, #tpu.memory_space<semaphore_mem>>)
      %dma_wait3A_75 = arith.constant 128 : i32
      %dma_wait3A_76 = tpu.memref_slice %arg5[%add3A_52, %dma_wait3A_75] : memref<94720x256xf32, #tpu.memory_space<hbm>> -> memref<80x128xf32, #tpu.memory_space<hbm>>
      %dma_wait3A_77 = arith.constant 128 : i32
      %dma_wait3A_78 = tpu.memref_slice %arg5[%add3A_52, %dma_wait3A_77] : memref<94720x256xf32, #tpu.memory_space<hbm>> -> memref<80x128xf32, #tpu.memory_space<hbm>>
      tpu.wait_dma2 semaphore(%run_scoped3A : memref<!tpu.dma_semaphore, #tpu.memory_space<semaphore_mem>>) src(%arg10 : memref<80x128xf32, #tpu.memory_space<vmem>>) dst(%dma_wait3A_78 : memref<80x128xf32, #tpu.memory_space<hbm>>)
      tpu.yield
    }) : () -> ()
    %dma_wait3A_59 = arith.constant 0 : i32
    %dma_wait3A_60 = arith.constant 0 : i32
    %dma_wait3A_61 = tpu.memref_slice %arg5[%dma_wait3A_59, %dma_wait3A_60] : memref<94720x256xf32, #tpu.memory_space<hbm>> -> memref<80x128xf32, #tpu.memory_space<hbm>>
    %dma_wait3A_62 = arith.constant 0 : i32
    %dma_wait3A_63 = arith.constant 0 : i32
    %dma_wait3A_64 = tpu.memref_slice %arg5[%dma_wait3A_62, %dma_wait3A_63] : memref<94720x256xf32, #tpu.memory_space<hbm>> -> memref<80x128xf32, #tpu.memory_space<hbm>>
    tpu.wait_dma2 semaphore(%arg21 : memref<!tpu.dma_semaphore, #tpu.memory_space<semaphore_mem>>) src(%arg11 : memref<80x128xf32, #tpu.memory_space<vmem>>) dst(%dma_wait3A_64 : memref<80x128xf32, #tpu.memory_space<hbm>>)
    %dma_wait3A_65 = arith.constant 0 : i32
    %dma_wait3A_66 = arith.constant 0 : i32
    %dma_wait3A_67 = tpu.memref_slice %arg5[%dma_wait3A_65, %dma_wait3A_66] : memref<94720x256xf32, #tpu.memory_space<hbm>> -> memref<80x128xf32, #tpu.memory_space<hbm>>
    %dma_wait3A_68 = arith.constant 0 : i32
    %dma_wait3A_69 = arith.constant 0 : i32
    %dma_wait3A_70 = tpu.memref_slice %arg5[%dma_wait3A_68, %dma_wait3A_69] : memref<94720x256xf32, #tpu.memory_space<hbm>> -> memref<80x128xf32, #tpu.memory_space<hbm>>
    tpu.wait_dma2 semaphore(%arg21 : memref<!tpu.dma_semaphore, #tpu.memory_space<semaphore_mem>>) src(%arg13 : memref<80x128xf32, #tpu.memory_space<vmem>>) dst(%dma_wait3A_70 : memref<80x128xf32, #tpu.memory_space<hbm>>)
    return
  }
}

#map = affine_map<(d0, d1) -> (0, 0)>
#map1 = affine_map<(d0, d1) -> (0)>
module attributes {stable_mosaic.version = 14 : i64} {
  func.func @sc_gather_3(%arg0: i32, %arg1: i32, %arg2: memref<10000x128xf32, #tpu.memory_space<hbm>>, %arg3: memref<320000xi32, #tpu.memory_space<hbm>>, %arg4: memref<320000xi32, #tpu.memory_space<hbm>>, %arg5: memref<58880x256xf32, #tpu.memory_space<hbm>>, %arg6: memref<80xi32, #tpu.memory_space<vmem>>, %arg7: memref<80xi32, #tpu.memory_space<vmem>>, %arg8: memref<80xi32, #tpu.memory_space<vmem>>, %arg9: memref<80xi32, #tpu.memory_space<vmem>>, %arg10: memref<80x128xf32, #tpu.memory_space<vmem>>, %arg11: memref<80x128xf32, #tpu.memory_space<vmem>>, %arg12: memref<80x128xf32, #tpu.memory_space<vmem>>, %arg13: memref<80x128xf32, #tpu.memory_space<vmem>>, %arg14: memref<!tpu.dma_semaphore, #tpu.memory_space<semaphore_mem>>, %arg15: memref<!tpu.dma_semaphore, #tpu.memory_space<semaphore_mem>>, %arg16: memref<!tpu.dma_semaphore, #tpu.memory_space<semaphore_mem>>, %arg17: memref<!tpu.dma_semaphore, #tpu.memory_space<semaphore_mem>>, %arg18: memref<!tpu.dma_semaphore, #tpu.memory_space<semaphore_mem>>, %arg19: memref<!tpu.dma_semaphore, #tpu.memory_space<semaphore_mem>>, %arg20: memref<!tpu.dma_semaphore, #tpu.memory_space<semaphore_mem>>, %arg21: memref<!tpu.dma_semaphore, #tpu.memory_space<semaphore_mem>>) attributes {dimension_semantics = [#tpu.dimension_semantics<core_parallel>, #tpu.dimension_semantics<subcore_parallel>], iteration_bounds = array<i64: 2, 16>, scalar_prefetch = 0 : i64, scratch_operands = 16 : i64, tpu.core_type = #tpu.core_type<sc_vector_subcore>, window_params = [{transform_indices = #map}, {transform_indices = #map1}, {transform_indices = #map1}, {transform_indices = #map}]} {
    %mul3A = arith.constant 16 : i32
    %mul3A_0 = arith.muli %arg0, %mul3A : i32
    %add3A = arith.addi %mul3A_0, %arg1 : i32
    %mul3A_1 = arith.constant 1840 : i32
    %mul3A_2 = arith.muli %add3A, %mul3A_1 : i32
    %scan3A = arith.constant 0 : i32
    %scan3A_3 = arith.constant 11 : i32
    %scan3A_4 = arith.addi %scan3A, %scan3A_3 : i32
    %scan3A_5 = arith.constant 1 : i32
    scf.for %scan3A_71 = %scan3A to %scan3A_4 step %scan3A_5  : i32 {
      %mul3A_72 = arith.constant 1 : i32
      %mul3A_73 = arith.muli %scan3A_71, %mul3A_72 : i32
      %add3A_74 = arith.constant 0 : i32
      %add3A_75 = arith.addi %add3A_74, %mul3A_73 : i32
      %mul3A_76 = arith.constant 2 : i32
      %mul3A_77 = arith.muli %mul3A_76, %add3A_75 : i32
      %mul3A_78 = arith.constant 80 : i32
      %mul3A_79 = arith.muli %mul3A_77, %mul3A_78 : i32
      %add3A_80 = arith.addi %mul3A_2, %mul3A_79 : i32
      %add3A_81 = arith.constant 261120 : i32
      %add3A_82 = arith.addi %add3A_81, %add3A_80 : i32
      %ge3A = arith.constant 2 : i32
      %ge3A_83 = arith.cmpi sge, %mul3A_77, %ge3A : i32
      %convert_element_type3A = arith.extui %ge3A_83 : i1 to i32
      %cond3A = arith.constant 0 : i32
      %cond3A_84 = arith.cmpi ne, %convert_element_type3A, %cond3A : i32
      scf.if %cond3A_84 {
        %dma_wait3A_137 = arith.constant 0 : i32
        %dma_wait3A_138 = arith.constant 0 : i32
        %dma_wait3A_139 = tpu.memref_slice %arg5[%dma_wait3A_137, %dma_wait3A_138] : memref<58880x256xf32, #tpu.memory_space<hbm>> -> memref<80x128xf32, #tpu.memory_space<hbm>>
        %dma_wait3A_140 = arith.constant 0 : i32
        %dma_wait3A_141 = arith.constant 0 : i32
        %dma_wait3A_142 = tpu.memref_slice %arg5[%dma_wait3A_140, %dma_wait3A_141] : memref<58880x256xf32, #tpu.memory_space<hbm>> -> memref<80x128xf32, #tpu.memory_space<hbm>>
        tpu.wait_dma2 semaphore(%arg20 : memref<!tpu.dma_semaphore, #tpu.memory_space<semaphore_mem>>) src(%arg10 : memref<80x128xf32, #tpu.memory_space<vmem>>) dst(%dma_wait3A_142 : memref<80x128xf32, #tpu.memory_space<hbm>>)
        %dma_wait3A_143 = arith.constant 0 : i32
        %dma_wait3A_144 = arith.constant 0 : i32
        %dma_wait3A_145 = tpu.memref_slice %arg5[%dma_wait3A_143, %dma_wait3A_144] : memref<58880x256xf32, #tpu.memory_space<hbm>> -> memref<80x128xf32, #tpu.memory_space<hbm>>
        %dma_wait3A_146 = arith.constant 0 : i32
        %dma_wait3A_147 = arith.constant 0 : i32
        %dma_wait3A_148 = tpu.memref_slice %arg5[%dma_wait3A_146, %dma_wait3A_147] : memref<58880x256xf32, #tpu.memory_space<hbm>> -> memref<80x128xf32, #tpu.memory_space<hbm>>
        tpu.wait_dma2 semaphore(%arg20 : memref<!tpu.dma_semaphore, #tpu.memory_space<semaphore_mem>>) src(%arg12 : memref<80x128xf32, #tpu.memory_space<vmem>>) dst(%dma_wait3A_148 : memref<80x128xf32, #tpu.memory_space<hbm>>)
      } else {
      }
      %dma_start3A_85 = tpu.memref_slice %arg3[%add3A_82] : memref<320000xi32, #tpu.memory_space<hbm>> -> memref<80xi32, #tpu.memory_space<hbm>>
      %dma_start3A_86 = tpu.memref_slice %arg3[%add3A_82] : memref<320000xi32, #tpu.memory_space<hbm>> -> memref<80xi32, #tpu.memory_space<hbm>>
      tpu.enqueue_dma source(%dma_start3A_86 : memref<80xi32, #tpu.memory_space<hbm>>) target(%arg6 : memref<80xi32, #tpu.memory_space<vmem>>) target_semaphore(%arg14 : memref<!tpu.dma_semaphore, #tpu.memory_space<semaphore_mem>>)
      %dma_start3A_87 = tpu.memref_slice %arg4[%add3A_82] : memref<320000xi32, #tpu.memory_space<hbm>> -> memref<80xi32, #tpu.memory_space<hbm>>
      %dma_start3A_88 = tpu.memref_slice %arg4[%add3A_82] : memref<320000xi32, #tpu.memory_space<hbm>> -> memref<80xi32, #tpu.memory_space<hbm>>
      tpu.enqueue_dma source(%dma_start3A_88 : memref<80xi32, #tpu.memory_space<hbm>>) target(%arg8 : memref<80xi32, #tpu.memory_space<vmem>>) target_semaphore(%arg16 : memref<!tpu.dma_semaphore, #tpu.memory_space<semaphore_mem>>)
      %dma_wait3A_89 = tpu.memref_slice %arg3[%add3A_82] : memref<320000xi32, #tpu.memory_space<hbm>> -> memref<80xi32, #tpu.memory_space<hbm>>
      %dma_wait3A_90 = tpu.memref_slice %arg3[%add3A_82] : memref<320000xi32, #tpu.memory_space<hbm>> -> memref<80xi32, #tpu.memory_space<hbm>>
      tpu.wait_dma2 semaphore(%arg14 : memref<!tpu.dma_semaphore, #tpu.memory_space<semaphore_mem>>) src(%dma_wait3A_90 : memref<80xi32, #tpu.memory_space<hbm>>) dst(%arg6 : memref<80xi32, #tpu.memory_space<vmem>>)
      %dma_start3A_91 = arith.constant 0 : i32
      %dma_start3A_92 = arith.constant 0 : i32
      %dma_start3A_93 = tpu.memref_slice %arg2[%dma_start3A_91, %dma_start3A_92] : memref<10000x128xf32, #tpu.memory_space<hbm>> -> memref<10000x128xf32, #tpu.memory_space<hbm>>
      tpu.enqueue_indirect_dma source(%dma_start3A_93 : memref<10000x128xf32, #tpu.memory_space<hbm>>) target(%arg10 : memref<80x128xf32, #tpu.memory_space<vmem>>) offsets(%arg6 : memref<80xi32, #tpu.memory_space<vmem>>) semaphore(%arg18 : memref<!tpu.dma_semaphore, #tpu.memory_space<semaphore_mem>>)
      %dma_wait3A_94 = tpu.memref_slice %arg4[%add3A_82] : memref<320000xi32, #tpu.memory_space<hbm>> -> memref<80xi32, #tpu.memory_space<hbm>>
      %dma_wait3A_95 = tpu.memref_slice %arg4[%add3A_82] : memref<320000xi32, #tpu.memory_space<hbm>> -> memref<80xi32, #tpu.memory_space<hbm>>
      tpu.wait_dma2 semaphore(%arg16 : memref<!tpu.dma_semaphore, #tpu.memory_space<semaphore_mem>>) src(%dma_wait3A_95 : memref<80xi32, #tpu.memory_space<hbm>>) dst(%arg8 : memref<80xi32, #tpu.memory_space<vmem>>)
      %dma_start3A_96 = arith.constant 0 : i32
      %dma_start3A_97 = arith.constant 0 : i32
      %dma_start3A_98 = tpu.memref_slice %arg2[%dma_start3A_96, %dma_start3A_97] : memref<10000x128xf32, #tpu.memory_space<hbm>> -> memref<10000x128xf32, #tpu.memory_space<hbm>>
      tpu.enqueue_indirect_dma source(%dma_start3A_98 : memref<10000x128xf32, #tpu.memory_space<hbm>>) target(%arg12 : memref<80x128xf32, #tpu.memory_space<vmem>>) offsets(%arg8 : memref<80xi32, #tpu.memory_space<vmem>>) semaphore(%arg18 : memref<!tpu.dma_semaphore, #tpu.memory_space<semaphore_mem>>)
      %ge3A_99 = arith.constant 1 : i32
      %ge3A_100 = arith.cmpi sge, %mul3A_77, %ge3A_99 : i32
      %convert_element_type3A_101 = arith.extui %ge3A_100 : i1 to i32
      %cond3A_102 = arith.constant 0 : i32
      %cond3A_103 = arith.cmpi ne, %convert_element_type3A_101, %cond3A_102 : i32
      scf.if %cond3A_103 {
        %sub3A = arith.constant 1 : i32
        %sub3A_137 = arith.subi %mul3A_77, %sub3A : i32
        %mul3A_138 = arith.constant 80 : i32
        %mul3A_139 = arith.muli %sub3A_137, %mul3A_138 : i32
        %add3A_140 = arith.addi %mul3A_2, %mul3A_139 : i32
        %dma_wait3A_141 = arith.constant 0 : i32
        %dma_wait3A_142 = arith.constant 0 : i32
        %dma_wait3A_143 = tpu.memref_slice %arg2[%dma_wait3A_141, %dma_wait3A_142] : memref<10000x128xf32, #tpu.memory_space<hbm>> -> memref<10000x128xf32, #tpu.memory_space<hbm>>
        tpu.wait_indirect_dma semaphore(%arg19 : memref<!tpu.dma_semaphore, #tpu.memory_space<semaphore_mem>>) src(%dma_wait3A_143 : memref<10000x128xf32, #tpu.memory_space<hbm>>) dst(%arg11 : memref<80x128xf32, #tpu.memory_space<vmem>>)
        %dma_wait3A_144 = arith.constant 0 : i32
        %dma_wait3A_145 = arith.constant 0 : i32
        %dma_wait3A_146 = tpu.memref_slice %arg2[%dma_wait3A_144, %dma_wait3A_145] : memref<10000x128xf32, #tpu.memory_space<hbm>> -> memref<10000x128xf32, #tpu.memory_space<hbm>>
        tpu.wait_indirect_dma semaphore(%arg19 : memref<!tpu.dma_semaphore, #tpu.memory_space<semaphore_mem>>) src(%dma_wait3A_146 : memref<10000x128xf32, #tpu.memory_space<hbm>>) dst(%arg13 : memref<80x128xf32, #tpu.memory_space<vmem>>)
        %dma_start3A_147 = arith.constant 0 : i32
        %dma_start3A_148 = tpu.memref_slice %arg5[%add3A_140, %dma_start3A_147] : memref<58880x256xf32, #tpu.memory_space<hbm>> -> memref<80x128xf32, #tpu.memory_space<hbm>>
        %dma_start3A_149 = arith.constant 0 : i32
        %dma_start3A_150 = tpu.memref_slice %arg5[%add3A_140, %dma_start3A_149] : memref<58880x256xf32, #tpu.memory_space<hbm>> -> memref<80x128xf32, #tpu.memory_space<hbm>>
        tpu.enqueue_dma source(%arg13 : memref<80x128xf32, #tpu.memory_space<vmem>>) target(%dma_start3A_150 : memref<80x128xf32, #tpu.memory_space<hbm>>) target_semaphore(%arg21 : memref<!tpu.dma_semaphore, #tpu.memory_space<semaphore_mem>>)
        %dma_start3A_151 = arith.constant 128 : i32
        %dma_start3A_152 = tpu.memref_slice %arg5[%add3A_140, %dma_start3A_151] : memref<58880x256xf32, #tpu.memory_space<hbm>> -> memref<80x128xf32, #tpu.memory_space<hbm>>
        %dma_start3A_153 = arith.constant 128 : i32
        %dma_start3A_154 = tpu.memref_slice %arg5[%add3A_140, %dma_start3A_153] : memref<58880x256xf32, #tpu.memory_space<hbm>> -> memref<80x128xf32, #tpu.memory_space<hbm>>
        tpu.enqueue_dma source(%arg11 : memref<80x128xf32, #tpu.memory_space<vmem>>) target(%dma_start3A_154 : memref<80x128xf32, #tpu.memory_space<hbm>>) target_semaphore(%arg21 : memref<!tpu.dma_semaphore, #tpu.memory_space<semaphore_mem>>)
      } else {
      }
      %mul3A_104 = arith.constant 2 : i32
      %mul3A_105 = arith.muli %mul3A_104, %add3A_75 : i32
      %add3A_106 = arith.constant 1 : i32
      %add3A_107 = arith.addi %mul3A_105, %add3A_106 : i32
      %mul3A_108 = arith.constant 80 : i32
      %mul3A_109 = arith.muli %add3A_107, %mul3A_108 : i32
      %add3A_110 = arith.addi %mul3A_2, %mul3A_109 : i32
      %add3A_111 = arith.constant 261120 : i32
      %add3A_112 = arith.addi %add3A_111, %add3A_110 : i32
      %ge3A_113 = arith.constant 2 : i32
      %ge3A_114 = arith.cmpi sge, %add3A_107, %ge3A_113 : i32
      %convert_element_type3A_115 = arith.extui %ge3A_114 : i1 to i32
      %cond3A_116 = arith.constant 0 : i32
      %cond3A_117 = arith.cmpi ne, %convert_element_type3A_115, %cond3A_116 : i32
      scf.if %cond3A_117 {
        %dma_wait3A_137 = arith.constant 0 : i32
        %dma_wait3A_138 = arith.constant 0 : i32
        %dma_wait3A_139 = tpu.memref_slice %arg5[%dma_wait3A_137, %dma_wait3A_138] : memref<58880x256xf32, #tpu.memory_space<hbm>> -> memref<80x128xf32, #tpu.memory_space<hbm>>
        %dma_wait3A_140 = arith.constant 0 : i32
        %dma_wait3A_141 = arith.constant 0 : i32
        %dma_wait3A_142 = tpu.memref_slice %arg5[%dma_wait3A_140, %dma_wait3A_141] : memref<58880x256xf32, #tpu.memory_space<hbm>> -> memref<80x128xf32, #tpu.memory_space<hbm>>
        tpu.wait_dma2 semaphore(%arg21 : memref<!tpu.dma_semaphore, #tpu.memory_space<semaphore_mem>>) src(%arg11 : memref<80x128xf32, #tpu.memory_space<vmem>>) dst(%dma_wait3A_142 : memref<80x128xf32, #tpu.memory_space<hbm>>)
        %dma_wait3A_143 = arith.constant 0 : i32
        %dma_wait3A_144 = arith.constant 0 : i32
        %dma_wait3A_145 = tpu.memref_slice %arg5[%dma_wait3A_143, %dma_wait3A_144] : memref<58880x256xf32, #tpu.memory_space<hbm>> -> memref<80x128xf32, #tpu.memory_space<hbm>>
        %dma_wait3A_146 = arith.constant 0 : i32
        %dma_wait3A_147 = arith.constant 0 : i32
        %dma_wait3A_148 = tpu.memref_slice %arg5[%dma_wait3A_146, %dma_wait3A_147] : memref<58880x256xf32, #tpu.memory_space<hbm>> -> memref<80x128xf32, #tpu.memory_space<hbm>>
        tpu.wait_dma2 semaphore(%arg21 : memref<!tpu.dma_semaphore, #tpu.memory_space<semaphore_mem>>) src(%arg13 : memref<80x128xf32, #tpu.memory_space<vmem>>) dst(%dma_wait3A_148 : memref<80x128xf32, #tpu.memory_space<hbm>>)
      } else {
      }
      %dma_start3A_118 = tpu.memref_slice %arg3[%add3A_112] : memref<320000xi32, #tpu.memory_space<hbm>> -> memref<80xi32, #tpu.memory_space<hbm>>
      %dma_start3A_119 = tpu.memref_slice %arg3[%add3A_112] : memref<320000xi32, #tpu.memory_space<hbm>> -> memref<80xi32, #tpu.memory_space<hbm>>
      tpu.enqueue_dma source(%dma_start3A_119 : memref<80xi32, #tpu.memory_space<hbm>>) target(%arg7 : memref<80xi32, #tpu.memory_space<vmem>>) target_semaphore(%arg15 : memref<!tpu.dma_semaphore, #tpu.memory_space<semaphore_mem>>)
      %dma_start3A_120 = tpu.memref_slice %arg4[%add3A_112] : memref<320000xi32, #tpu.memory_space<hbm>> -> memref<80xi32, #tpu.memory_space<hbm>>
      %dma_start3A_121 = tpu.memref_slice %arg4[%add3A_112] : memref<320000xi32, #tpu.memory_space<hbm>> -> memref<80xi32, #tpu.memory_space<hbm>>
      tpu.enqueue_dma source(%dma_start3A_121 : memref<80xi32, #tpu.memory_space<hbm>>) target(%arg9 : memref<80xi32, #tpu.memory_space<vmem>>) target_semaphore(%arg17 : memref<!tpu.dma_semaphore, #tpu.memory_space<semaphore_mem>>)
      %dma_wait3A_122 = tpu.memref_slice %arg3[%add3A_112] : memref<320000xi32, #tpu.memory_space<hbm>> -> memref<80xi32, #tpu.memory_space<hbm>>
      %dma_wait3A_123 = tpu.memref_slice %arg3[%add3A_112] : memref<320000xi32, #tpu.memory_space<hbm>> -> memref<80xi32, #tpu.memory_space<hbm>>
      tpu.wait_dma2 semaphore(%arg15 : memref<!tpu.dma_semaphore, #tpu.memory_space<semaphore_mem>>) src(%dma_wait3A_123 : memref<80xi32, #tpu.memory_space<hbm>>) dst(%arg7 : memref<80xi32, #tpu.memory_space<vmem>>)
      %dma_start3A_124 = arith.constant 0 : i32
      %dma_start3A_125 = arith.constant 0 : i32
      %dma_start3A_126 = tpu.memref_slice %arg2[%dma_start3A_124, %dma_start3A_125] : memref<10000x128xf32, #tpu.memory_space<hbm>> -> memref<10000x128xf32, #tpu.memory_space<hbm>>
      tpu.enqueue_indirect_dma source(%dma_start3A_126 : memref<10000x128xf32, #tpu.memory_space<hbm>>) target(%arg11 : memref<80x128xf32, #tpu.memory_space<vmem>>) offsets(%arg7 : memref<80xi32, #tpu.memory_space<vmem>>) semaphore(%arg19 : memref<!tpu.dma_semaphore, #tpu.memory_space<semaphore_mem>>)
      %dma_wait3A_127 = tpu.memref_slice %arg4[%add3A_112] : memref<320000xi32, #tpu.memory_space<hbm>> -> memref<80xi32, #tpu.memory_space<hbm>>
      %dma_wait3A_128 = tpu.memref_slice %arg4[%add3A_112] : memref<320000xi32, #tpu.memory_space<hbm>> -> memref<80xi32, #tpu.memory_space<hbm>>
      tpu.wait_dma2 semaphore(%arg17 : memref<!tpu.dma_semaphore, #tpu.memory_space<semaphore_mem>>) src(%dma_wait3A_128 : memref<80xi32, #tpu.memory_space<hbm>>) dst(%arg9 : memref<80xi32, #tpu.memory_space<vmem>>)
      %dma_start3A_129 = arith.constant 0 : i32
      %dma_start3A_130 = arith.constant 0 : i32
      %dma_start3A_131 = tpu.memref_slice %arg2[%dma_start3A_129, %dma_start3A_130] : memref<10000x128xf32, #tpu.memory_space<hbm>> -> memref<10000x128xf32, #tpu.memory_space<hbm>>
      tpu.enqueue_indirect_dma source(%dma_start3A_131 : memref<10000x128xf32, #tpu.memory_space<hbm>>) target(%arg13 : memref<80x128xf32, #tpu.memory_space<vmem>>) offsets(%arg9 : memref<80xi32, #tpu.memory_space<vmem>>) semaphore(%arg19 : memref<!tpu.dma_semaphore, #tpu.memory_space<semaphore_mem>>)
      %ge3A_132 = arith.constant 1 : i32
      %ge3A_133 = arith.cmpi sge, %add3A_107, %ge3A_132 : i32
      %convert_element_type3A_134 = arith.extui %ge3A_133 : i1 to i32
      %cond3A_135 = arith.constant 0 : i32
      %cond3A_136 = arith.cmpi ne, %convert_element_type3A_134, %cond3A_135 : i32
      scf.if %cond3A_136 {
        %sub3A = arith.constant 1 : i32
        %sub3A_137 = arith.subi %add3A_107, %sub3A : i32
        %mul3A_138 = arith.constant 80 : i32
        %mul3A_139 = arith.muli %sub3A_137, %mul3A_138 : i32
        %add3A_140 = arith.addi %mul3A_2, %mul3A_139 : i32
        %dma_wait3A_141 = arith.constant 0 : i32
        %dma_wait3A_142 = arith.constant 0 : i32
        %dma_wait3A_143 = tpu.memref_slice %arg2[%dma_wait3A_141, %dma_wait3A_142] : memref<10000x128xf32, #tpu.memory_space<hbm>> -> memref<10000x128xf32, #tpu.memory_space<hbm>>
        tpu.wait_indirect_dma semaphore(%arg18 : memref<!tpu.dma_semaphore, #tpu.memory_space<semaphore_mem>>) src(%dma_wait3A_143 : memref<10000x128xf32, #tpu.memory_space<hbm>>) dst(%arg10 : memref<80x128xf32, #tpu.memory_space<vmem>>)
        %dma_wait3A_144 = arith.constant 0 : i32
        %dma_wait3A_145 = arith.constant 0 : i32
        %dma_wait3A_146 = tpu.memref_slice %arg2[%dma_wait3A_144, %dma_wait3A_145] : memref<10000x128xf32, #tpu.memory_space<hbm>> -> memref<10000x128xf32, #tpu.memory_space<hbm>>
        tpu.wait_indirect_dma semaphore(%arg18 : memref<!tpu.dma_semaphore, #tpu.memory_space<semaphore_mem>>) src(%dma_wait3A_146 : memref<10000x128xf32, #tpu.memory_space<hbm>>) dst(%arg12 : memref<80x128xf32, #tpu.memory_space<vmem>>)
        %dma_start3A_147 = arith.constant 0 : i32
        %dma_start3A_148 = tpu.memref_slice %arg5[%add3A_140, %dma_start3A_147] : memref<58880x256xf32, #tpu.memory_space<hbm>> -> memref<80x128xf32, #tpu.memory_space<hbm>>
        %dma_start3A_149 = arith.constant 0 : i32
        %dma_start3A_150 = tpu.memref_slice %arg5[%add3A_140, %dma_start3A_149] : memref<58880x256xf32, #tpu.memory_space<hbm>> -> memref<80x128xf32, #tpu.memory_space<hbm>>
        tpu.enqueue_dma source(%arg12 : memref<80x128xf32, #tpu.memory_space<vmem>>) target(%dma_start3A_150 : memref<80x128xf32, #tpu.memory_space<hbm>>) target_semaphore(%arg20 : memref<!tpu.dma_semaphore, #tpu.memory_space<semaphore_mem>>)
        %dma_start3A_151 = arith.constant 128 : i32
        %dma_start3A_152 = tpu.memref_slice %arg5[%add3A_140, %dma_start3A_151] : memref<58880x256xf32, #tpu.memory_space<hbm>> -> memref<80x128xf32, #tpu.memory_space<hbm>>
        %dma_start3A_153 = arith.constant 128 : i32
        %dma_start3A_154 = tpu.memref_slice %arg5[%add3A_140, %dma_start3A_153] : memref<58880x256xf32, #tpu.memory_space<hbm>> -> memref<80x128xf32, #tpu.memory_space<hbm>>
        tpu.enqueue_dma source(%arg10 : memref<80x128xf32, #tpu.memory_space<vmem>>) target(%dma_start3A_154 : memref<80x128xf32, #tpu.memory_space<hbm>>) target_semaphore(%arg20 : memref<!tpu.dma_semaphore, #tpu.memory_space<semaphore_mem>>)
      } else {
      }
    }
    %scan3A_6 = arith.constant 11 : i32
    %add3A_7 = arith.constant 1760 : i32
    %add3A_8 = arith.addi %mul3A_2, %add3A_7 : i32
    %add3A_9 = arith.constant 261120 : i32
    %add3A_10 = arith.addi %add3A_9, %add3A_8 : i32
    %dma_wait3A = arith.constant 0 : i32
    %dma_wait3A_11 = arith.constant 0 : i32
    %dma_wait3A_12 = tpu.memref_slice %arg5[%dma_wait3A, %dma_wait3A_11] : memref<58880x256xf32, #tpu.memory_space<hbm>> -> memref<80x128xf32, #tpu.memory_space<hbm>>
    %dma_wait3A_13 = arith.constant 0 : i32
    %dma_wait3A_14 = arith.constant 0 : i32
    %dma_wait3A_15 = tpu.memref_slice %arg5[%dma_wait3A_13, %dma_wait3A_14] : memref<58880x256xf32, #tpu.memory_space<hbm>> -> memref<80x128xf32, #tpu.memory_space<hbm>>
    tpu.wait_dma2 semaphore(%arg20 : memref<!tpu.dma_semaphore, #tpu.memory_space<semaphore_mem>>) src(%arg10 : memref<80x128xf32, #tpu.memory_space<vmem>>) dst(%dma_wait3A_15 : memref<80x128xf32, #tpu.memory_space<hbm>>)
    %dma_wait3A_16 = arith.constant 0 : i32
    %dma_wait3A_17 = arith.constant 0 : i32
    %dma_wait3A_18 = tpu.memref_slice %arg5[%dma_wait3A_16, %dma_wait3A_17] : memref<58880x256xf32, #tpu.memory_space<hbm>> -> memref<80x128xf32, #tpu.memory_space<hbm>>
    %dma_wait3A_19 = arith.constant 0 : i32
    %dma_wait3A_20 = arith.constant 0 : i32
    %dma_wait3A_21 = tpu.memref_slice %arg5[%dma_wait3A_19, %dma_wait3A_20] : memref<58880x256xf32, #tpu.memory_space<hbm>> -> memref<80x128xf32, #tpu.memory_space<hbm>>
    tpu.wait_dma2 semaphore(%arg20 : memref<!tpu.dma_semaphore, #tpu.memory_space<semaphore_mem>>) src(%arg12 : memref<80x128xf32, #tpu.memory_space<vmem>>) dst(%dma_wait3A_21 : memref<80x128xf32, #tpu.memory_space<hbm>>)
    %dma_start3A = tpu.memref_slice %arg3[%add3A_10] : memref<320000xi32, #tpu.memory_space<hbm>> -> memref<80xi32, #tpu.memory_space<hbm>>
    %dma_start3A_22 = tpu.memref_slice %arg3[%add3A_10] : memref<320000xi32, #tpu.memory_space<hbm>> -> memref<80xi32, #tpu.memory_space<hbm>>
    tpu.enqueue_dma source(%dma_start3A_22 : memref<80xi32, #tpu.memory_space<hbm>>) target(%arg6 : memref<80xi32, #tpu.memory_space<vmem>>) target_semaphore(%arg14 : memref<!tpu.dma_semaphore, #tpu.memory_space<semaphore_mem>>)
    %dma_start3A_23 = tpu.memref_slice %arg4[%add3A_10] : memref<320000xi32, #tpu.memory_space<hbm>> -> memref<80xi32, #tpu.memory_space<hbm>>
    %dma_start3A_24 = tpu.memref_slice %arg4[%add3A_10] : memref<320000xi32, #tpu.memory_space<hbm>> -> memref<80xi32, #tpu.memory_space<hbm>>
    tpu.enqueue_dma source(%dma_start3A_24 : memref<80xi32, #tpu.memory_space<hbm>>) target(%arg8 : memref<80xi32, #tpu.memory_space<vmem>>) target_semaphore(%arg16 : memref<!tpu.dma_semaphore, #tpu.memory_space<semaphore_mem>>)
    %dma_wait3A_25 = tpu.memref_slice %arg3[%add3A_10] : memref<320000xi32, #tpu.memory_space<hbm>> -> memref<80xi32, #tpu.memory_space<hbm>>
    %dma_wait3A_26 = tpu.memref_slice %arg3[%add3A_10] : memref<320000xi32, #tpu.memory_space<hbm>> -> memref<80xi32, #tpu.memory_space<hbm>>
    tpu.wait_dma2 semaphore(%arg14 : memref<!tpu.dma_semaphore, #tpu.memory_space<semaphore_mem>>) src(%dma_wait3A_26 : memref<80xi32, #tpu.memory_space<hbm>>) dst(%arg6 : memref<80xi32, #tpu.memory_space<vmem>>)
    %dma_start3A_27 = arith.constant 0 : i32
    %dma_start3A_28 = arith.constant 0 : i32
    %dma_start3A_29 = tpu.memref_slice %arg2[%dma_start3A_27, %dma_start3A_28] : memref<10000x128xf32, #tpu.memory_space<hbm>> -> memref<10000x128xf32, #tpu.memory_space<hbm>>
    tpu.enqueue_indirect_dma source(%dma_start3A_29 : memref<10000x128xf32, #tpu.memory_space<hbm>>) target(%arg10 : memref<80x128xf32, #tpu.memory_space<vmem>>) offsets(%arg6 : memref<80xi32, #tpu.memory_space<vmem>>) semaphore(%arg18 : memref<!tpu.dma_semaphore, #tpu.memory_space<semaphore_mem>>)
    %dma_wait3A_30 = tpu.memref_slice %arg4[%add3A_10] : memref<320000xi32, #tpu.memory_space<hbm>> -> memref<80xi32, #tpu.memory_space<hbm>>
    %dma_wait3A_31 = tpu.memref_slice %arg4[%add3A_10] : memref<320000xi32, #tpu.memory_space<hbm>> -> memref<80xi32, #tpu.memory_space<hbm>>
    tpu.wait_dma2 semaphore(%arg16 : memref<!tpu.dma_semaphore, #tpu.memory_space<semaphore_mem>>) src(%dma_wait3A_31 : memref<80xi32, #tpu.memory_space<hbm>>) dst(%arg8 : memref<80xi32, #tpu.memory_space<vmem>>)
    %dma_start3A_32 = arith.constant 0 : i32
    %dma_start3A_33 = arith.constant 0 : i32
    %dma_start3A_34 = tpu.memref_slice %arg2[%dma_start3A_32, %dma_start3A_33] : memref<10000x128xf32, #tpu.memory_space<hbm>> -> memref<10000x128xf32, #tpu.memory_space<hbm>>
    tpu.enqueue_indirect_dma source(%dma_start3A_34 : memref<10000x128xf32, #tpu.memory_space<hbm>>) target(%arg12 : memref<80x128xf32, #tpu.memory_space<vmem>>) offsets(%arg8 : memref<80xi32, #tpu.memory_space<vmem>>) semaphore(%arg18 : memref<!tpu.dma_semaphore, #tpu.memory_space<semaphore_mem>>)
    %add3A_35 = arith.constant 1680 : i32
    %add3A_36 = arith.addi %mul3A_2, %add3A_35 : i32
    %dma_wait3A_37 = arith.constant 0 : i32
    %dma_wait3A_38 = arith.constant 0 : i32
    %dma_wait3A_39 = tpu.memref_slice %arg2[%dma_wait3A_37, %dma_wait3A_38] : memref<10000x128xf32, #tpu.memory_space<hbm>> -> memref<10000x128xf32, #tpu.memory_space<hbm>>
    tpu.wait_indirect_dma semaphore(%arg19 : memref<!tpu.dma_semaphore, #tpu.memory_space<semaphore_mem>>) src(%dma_wait3A_39 : memref<10000x128xf32, #tpu.memory_space<hbm>>) dst(%arg11 : memref<80x128xf32, #tpu.memory_space<vmem>>)
    %dma_wait3A_40 = arith.constant 0 : i32
    %dma_wait3A_41 = arith.constant 0 : i32
    %dma_wait3A_42 = tpu.memref_slice %arg2[%dma_wait3A_40, %dma_wait3A_41] : memref<10000x128xf32, #tpu.memory_space<hbm>> -> memref<10000x128xf32, #tpu.memory_space<hbm>>
    tpu.wait_indirect_dma semaphore(%arg19 : memref<!tpu.dma_semaphore, #tpu.memory_space<semaphore_mem>>) src(%dma_wait3A_42 : memref<10000x128xf32, #tpu.memory_space<hbm>>) dst(%arg13 : memref<80x128xf32, #tpu.memory_space<vmem>>)
    %dma_start3A_43 = arith.constant 0 : i32
    %dma_start3A_44 = tpu.memref_slice %arg5[%add3A_36, %dma_start3A_43] : memref<58880x256xf32, #tpu.memory_space<hbm>> -> memref<80x128xf32, #tpu.memory_space<hbm>>
    %dma_start3A_45 = arith.constant 0 : i32
    %dma_start3A_46 = tpu.memref_slice %arg5[%add3A_36, %dma_start3A_45] : memref<58880x256xf32, #tpu.memory_space<hbm>> -> memref<80x128xf32, #tpu.memory_space<hbm>>
    tpu.enqueue_dma source(%arg13 : memref<80x128xf32, #tpu.memory_space<vmem>>) target(%dma_start3A_46 : memref<80x128xf32, #tpu.memory_space<hbm>>) target_semaphore(%arg21 : memref<!tpu.dma_semaphore, #tpu.memory_space<semaphore_mem>>)
    %dma_start3A_47 = arith.constant 128 : i32
    %dma_start3A_48 = tpu.memref_slice %arg5[%add3A_36, %dma_start3A_47] : memref<58880x256xf32, #tpu.memory_space<hbm>> -> memref<80x128xf32, #tpu.memory_space<hbm>>
    %dma_start3A_49 = arith.constant 128 : i32
    %dma_start3A_50 = tpu.memref_slice %arg5[%add3A_36, %dma_start3A_49] : memref<58880x256xf32, #tpu.memory_space<hbm>> -> memref<80x128xf32, #tpu.memory_space<hbm>>
    tpu.enqueue_dma source(%arg11 : memref<80x128xf32, #tpu.memory_space<vmem>>) target(%dma_start3A_50 : memref<80x128xf32, #tpu.memory_space<hbm>>) target_semaphore(%arg21 : memref<!tpu.dma_semaphore, #tpu.memory_space<semaphore_mem>>)
    %add3A_51 = arith.constant 1760 : i32
    %add3A_52 = arith.addi %mul3A_2, %add3A_51 : i32
    %dma_wait3A_53 = arith.constant 0 : i32
    %dma_wait3A_54 = arith.constant 0 : i32
    %dma_wait3A_55 = tpu.memref_slice %arg2[%dma_wait3A_53, %dma_wait3A_54] : memref<10000x128xf32, #tpu.memory_space<hbm>> -> memref<10000x128xf32, #tpu.memory_space<hbm>>
    tpu.wait_indirect_dma semaphore(%arg18 : memref<!tpu.dma_semaphore, #tpu.memory_space<semaphore_mem>>) src(%dma_wait3A_55 : memref<10000x128xf32, #tpu.memory_space<hbm>>) dst(%arg10 : memref<80x128xf32, #tpu.memory_space<vmem>>)
    %dma_wait3A_56 = arith.constant 0 : i32
    %dma_wait3A_57 = arith.constant 0 : i32
    %dma_wait3A_58 = tpu.memref_slice %arg2[%dma_wait3A_56, %dma_wait3A_57] : memref<10000x128xf32, #tpu.memory_space<hbm>> -> memref<10000x128xf32, #tpu.memory_space<hbm>>
    tpu.wait_indirect_dma semaphore(%arg18 : memref<!tpu.dma_semaphore, #tpu.memory_space<semaphore_mem>>) src(%dma_wait3A_58 : memref<10000x128xf32, #tpu.memory_space<hbm>>) dst(%arg12 : memref<80x128xf32, #tpu.memory_space<vmem>>)
    "tpu.region"() ({
      %run_scoped3A = tpu.sem_alloc : memref<!tpu.dma_semaphore, #tpu.memory_space<semaphore_mem>>
      %dma_start3A_71 = arith.constant 0 : i32
      %dma_start3A_72 = tpu.memref_slice %arg5[%add3A_52, %dma_start3A_71] : memref<58880x256xf32, #tpu.memory_space<hbm>> -> memref<80x128xf32, #tpu.memory_space<hbm>>
      %dma_start3A_73 = arith.constant 0 : i32
      %dma_start3A_74 = tpu.memref_slice %arg5[%add3A_52, %dma_start3A_73] : memref<58880x256xf32, #tpu.memory_space<hbm>> -> memref<80x128xf32, #tpu.memory_space<hbm>>
      tpu.enqueue_dma source(%arg12 : memref<80x128xf32, #tpu.memory_space<vmem>>) target(%dma_start3A_74 : memref<80x128xf32, #tpu.memory_space<hbm>>) target_semaphore(%run_scoped3A : memref<!tpu.dma_semaphore, #tpu.memory_space<semaphore_mem>>)
      %dma_wait3A_75 = arith.constant 0 : i32
      %dma_wait3A_76 = tpu.memref_slice %arg5[%add3A_52, %dma_wait3A_75] : memref<58880x256xf32, #tpu.memory_space<hbm>> -> memref<80x128xf32, #tpu.memory_space<hbm>>
      %dma_wait3A_77 = arith.constant 0 : i32
      %dma_wait3A_78 = tpu.memref_slice %arg5[%add3A_52, %dma_wait3A_77] : memref<58880x256xf32, #tpu.memory_space<hbm>> -> memref<80x128xf32, #tpu.memory_space<hbm>>
      tpu.wait_dma2 semaphore(%run_scoped3A : memref<!tpu.dma_semaphore, #tpu.memory_space<semaphore_mem>>) src(%arg12 : memref<80x128xf32, #tpu.memory_space<vmem>>) dst(%dma_wait3A_78 : memref<80x128xf32, #tpu.memory_space<hbm>>)
      tpu.yield
    }) : () -> ()
    "tpu.region"() ({
      %run_scoped3A = tpu.sem_alloc : memref<!tpu.dma_semaphore, #tpu.memory_space<semaphore_mem>>
      %dma_start3A_71 = arith.constant 128 : i32
      %dma_start3A_72 = tpu.memref_slice %arg5[%add3A_52, %dma_start3A_71] : memref<58880x256xf32, #tpu.memory_space<hbm>> -> memref<80x128xf32, #tpu.memory_space<hbm>>
      %dma_start3A_73 = arith.constant 128 : i32
      %dma_start3A_74 = tpu.memref_slice %arg5[%add3A_52, %dma_start3A_73] : memref<58880x256xf32, #tpu.memory_space<hbm>> -> memref<80x128xf32, #tpu.memory_space<hbm>>
      tpu.enqueue_dma source(%arg10 : memref<80x128xf32, #tpu.memory_space<vmem>>) target(%dma_start3A_74 : memref<80x128xf32, #tpu.memory_space<hbm>>) target_semaphore(%run_scoped3A : memref<!tpu.dma_semaphore, #tpu.memory_space<semaphore_mem>>)
      %dma_wait3A_75 = arith.constant 128 : i32
      %dma_wait3A_76 = tpu.memref_slice %arg5[%add3A_52, %dma_wait3A_75] : memref<58880x256xf32, #tpu.memory_space<hbm>> -> memref<80x128xf32, #tpu.memory_space<hbm>>
      %dma_wait3A_77 = arith.constant 128 : i32
      %dma_wait3A_78 = tpu.memref_slice %arg5[%add3A_52, %dma_wait3A_77] : memref<58880x256xf32, #tpu.memory_space<hbm>> -> memref<80x128xf32, #tpu.memory_space<hbm>>
      tpu.wait_dma2 semaphore(%run_scoped3A : memref<!tpu.dma_semaphore, #tpu.memory_space<semaphore_mem>>) src(%arg10 : memref<80x128xf32, #tpu.memory_space<vmem>>) dst(%dma_wait3A_78 : memref<80x128xf32, #tpu.memory_space<hbm>>)
      tpu.yield
    }) : () -> ()
    %dma_wait3A_59 = arith.constant 0 : i32
    %dma_wait3A_60 = arith.constant 0 : i32
    %dma_wait3A_61 = tpu.memref_slice %arg5[%dma_wait3A_59, %dma_wait3A_60] : memref<58880x256xf32, #tpu.memory_space<hbm>> -> memref<80x128xf32, #tpu.memory_space<hbm>>
    %dma_wait3A_62 = arith.constant 0 : i32
    %dma_wait3A_63 = arith.constant 0 : i32
    %dma_wait3A_64 = tpu.memref_slice %arg5[%dma_wait3A_62, %dma_wait3A_63] : memref<58880x256xf32, #tpu.memory_space<hbm>> -> memref<80x128xf32, #tpu.memory_space<hbm>>
    tpu.wait_dma2 semaphore(%arg21 : memref<!tpu.dma_semaphore, #tpu.memory_space<semaphore_mem>>) src(%arg11 : memref<80x128xf32, #tpu.memory_space<vmem>>) dst(%dma_wait3A_64 : memref<80x128xf32, #tpu.memory_space<hbm>>)
    %dma_wait3A_65 = arith.constant 0 : i32
    %dma_wait3A_66 = arith.constant 0 : i32
    %dma_wait3A_67 = tpu.memref_slice %arg5[%dma_wait3A_65, %dma_wait3A_66] : memref<58880x256xf32, #tpu.memory_space<hbm>> -> memref<80x128xf32, #tpu.memory_space<hbm>>
    %dma_wait3A_68 = arith.constant 0 : i32
    %dma_wait3A_69 = arith.constant 0 : i32
    %dma_wait3A_70 = tpu.memref_slice %arg5[%dma_wait3A_68, %dma_wait3A_69] : memref<58880x256xf32, #tpu.memory_space<hbm>> -> memref<80x128xf32, #tpu.memory_space<hbm>>
    tpu.wait_dma2 semaphore(%arg21 : memref<!tpu.dma_semaphore, #tpu.memory_space<semaphore_mem>>) src(%arg13 : memref<80x128xf32, #tpu.memory_space<vmem>>) dst(%dma_wait3A_70 : memref<80x128xf32, #tpu.memory_space<hbm>>)
    return
  }
}

#map = affine_map<(d0, d1) -> (0, 0)>
#map1 = affine_map<(d0, d1) -> (0)>
#map2 = affine_map<(d0, d1) -> (0, 0, 0)>
module attributes {stable_mosaic.version = 14 : i64} {
  func.func @sc_scatter_1(%arg0: i32, %arg1: i32, %arg2: memref<94720x128xf32, #tpu.memory_space<hbm>>, %arg3: memref<320000xi32, #tpu.memory_space<hbm>>, %arg4: memref<640x128xf32, #tpu.memory_space<hbm>>, %arg5: memref<2x10240x128xf32, #tpu.memory_space<hbm>>, %arg6: memref<80xi32, #tpu.memory_space<vmem>>, %arg7: memref<80xi32, #tpu.memory_space<vmem>>, %arg8: memref<80x128xf32, #tpu.memory_space<vmem>>, %arg9: memref<80x128xf32, #tpu.memory_space<vmem>>, %arg10: memref<10240x128xf32, #tpu.memory_space<vmem_shared>>, %arg11: memref<!tpu.dma_semaphore, #tpu.memory_space<semaphore_mem>>, %arg12: memref<!tpu.dma_semaphore, #tpu.memory_space<semaphore_mem>>, %arg13: memref<!tpu.dma_semaphore, #tpu.memory_space<semaphore_mem>>, %arg14: memref<!tpu.dma_semaphore, #tpu.memory_space<semaphore_mem>>, %arg15: memref<!tpu.dma_semaphore, #tpu.memory_space<semaphore_mem>>, %arg16: memref<!tpu.dma_semaphore, #tpu.memory_space<semaphore_mem>>) attributes {dimension_semantics = [#tpu.dimension_semantics<core_parallel>, #tpu.dimension_semantics<subcore_parallel>], iteration_bounds = array<i64: 2, 16>, scalar_prefetch = 0 : i64, scratch_operands = 11 : i64, tpu.core_type = #tpu.core_type<sc_vector_subcore>, window_params = [{transform_indices = #map}, {transform_indices = #map1}, {transform_indices = #map}, {transform_indices = #map2}]} {
    %mul3A = arith.constant 640 : i32
    %mul3A_0 = arith.muli %arg1, %mul3A : i32
    "tpu.region"() ({
      %run_scoped3A = tpu.sem_alloc : memref<!tpu.dma_semaphore, #tpu.memory_space<semaphore_mem>>
      %dma_start3A_40 = arith.constant 0 : i32
      %dma_start3A_41 = tpu.memref_slice %arg10[%mul3A_0, %dma_start3A_40] : memref<10240x128xf32, #tpu.memory_space<vmem_shared>> -> memref<640x128xf32, #tpu.memory_space<vmem_shared>>
      tpu.enqueue_dma source(%arg4 : memref<640x128xf32, #tpu.memory_space<hbm>>) target(%dma_start3A_41 : memref<640x128xf32, #tpu.memory_space<vmem_shared>>) target_semaphore(%run_scoped3A : memref<!tpu.dma_semaphore, #tpu.memory_space<semaphore_mem>>)
      %dma_wait3A_42 = arith.constant 0 : i32
      %dma_wait3A_43 = tpu.memref_slice %arg10[%mul3A_0, %dma_wait3A_42] : memref<10240x128xf32, #tpu.memory_space<vmem_shared>> -> memref<640x128xf32, #tpu.memory_space<vmem_shared>>
      tpu.wait_dma2 semaphore(%run_scoped3A : memref<!tpu.dma_semaphore, #tpu.memory_space<semaphore_mem>>) src(%arg4 : memref<640x128xf32, #tpu.memory_space<hbm>>) dst(%dma_wait3A_43 : memref<640x128xf32, #tpu.memory_space<vmem_shared>>)
      tpu.yield
    }) : () -> ()
    %barrier3A = arith.constant 0 : index
    tpu.barrier barrier_id(%barrier3A)
    %mul3A_1 = arith.constant 16 : i32
    %mul3A_2 = arith.muli %arg0, %mul3A_1 : i32
    %add3A = arith.addi %mul3A_2, %arg1 : i32
    %mul3A_3 = arith.constant 2960 : i32
    %mul3A_4 = arith.muli %add3A, %mul3A_3 : i32
    %scan3A = arith.constant 0 : i32
    %scan3A_5 = arith.constant 18 : i32
    %scan3A_6 = arith.addi %scan3A, %scan3A_5 : i32
    %scan3A_7 = arith.constant 1 : i32
    scf.for %scan3A_40 = %scan3A to %scan3A_6 step %scan3A_7  : i32 {
      %mul3A_41 = arith.constant 1 : i32
      %mul3A_42 = arith.muli %scan3A_40, %mul3A_41 : i32
      %add3A_43 = arith.constant 0 : i32
      %add3A_44 = arith.addi %add3A_43, %mul3A_42 : i32
      %mul3A_45 = arith.constant 2 : i32
      %mul3A_46 = arith.muli %mul3A_45, %add3A_44 : i32
      %mul3A_47 = arith.constant 80 : i32
      %mul3A_48 = arith.muli %mul3A_46, %mul3A_47 : i32
      %add3A_49 = arith.addi %mul3A_4, %mul3A_48 : i32
      %add3A_50 = arith.constant 71680 : i32
      %add3A_51 = arith.addi %add3A_50, %add3A_49 : i32
      %ge3A = arith.constant 2 : i32
      %ge3A_52 = arith.cmpi sge, %mul3A_46, %ge3A : i32
      %convert_element_type3A = arith.extui %ge3A_52 : i1 to i32
      %cond3A = arith.constant 0 : i32
      %cond3A_53 = arith.cmpi ne, %convert_element_type3A, %cond3A : i32
      scf.if %cond3A_53 {
        %dma_wait3A_98 = arith.constant 0 : i32
        %dma_wait3A_99 = arith.constant 0 : i32
        %dma_wait3A_100 = tpu.memref_slice %arg10[%dma_wait3A_98, %dma_wait3A_99] : memref<10240x128xf32, #tpu.memory_space<vmem_shared>> -> memref<10240x128xf32, #tpu.memory_space<vmem_shared>>
        tpu.wait_indirect_dma semaphore(%arg15 : memref<!tpu.dma_semaphore, #tpu.memory_space<semaphore_mem>>) src(%arg8 : memref<80x128xf32, #tpu.memory_space<vmem>>) dst(%dma_wait3A_100 : memref<10240x128xf32, #tpu.memory_space<vmem_shared>>)
      } else {
      }
      %dma_start3A_54 = tpu.memref_slice %arg3[%add3A_51] : memref<320000xi32, #tpu.memory_space<hbm>> -> memref<80xi32, #tpu.memory_space<hbm>>
      %dma_start3A_55 = tpu.memref_slice %arg3[%add3A_51] : memref<320000xi32, #tpu.memory_space<hbm>> -> memref<80xi32, #tpu.memory_space<hbm>>
      tpu.enqueue_dma source(%dma_start3A_55 : memref<80xi32, #tpu.memory_space<hbm>>) target(%arg6 : memref<80xi32, #tpu.memory_space<vmem>>) target_semaphore(%arg11 : memref<!tpu.dma_semaphore, #tpu.memory_space<semaphore_mem>>)
      %dma_start3A_56 = arith.constant 0 : i32
      %dma_start3A_57 = tpu.memref_slice %arg2[%add3A_49, %dma_start3A_56] : memref<94720x128xf32, #tpu.memory_space<hbm>> -> memref<80x128xf32, #tpu.memory_space<hbm>>
      %dma_start3A_58 = arith.constant 0 : i32
      %dma_start3A_59 = tpu.memref_slice %arg2[%add3A_49, %dma_start3A_58] : memref<94720x128xf32, #tpu.memory_space<hbm>> -> memref<80x128xf32, #tpu.memory_space<hbm>>
      tpu.enqueue_dma source(%dma_start3A_59 : memref<80x128xf32, #tpu.memory_space<hbm>>) target(%arg8 : memref<80x128xf32, #tpu.memory_space<vmem>>) target_semaphore(%arg13 : memref<!tpu.dma_semaphore, #tpu.memory_space<semaphore_mem>>)
      %dma_wait3A_60 = tpu.memref_slice %arg3[%add3A_51] : memref<320000xi32, #tpu.memory_space<hbm>> -> memref<80xi32, #tpu.memory_space<hbm>>
      %dma_wait3A_61 = tpu.memref_slice %arg3[%add3A_51] : memref<320000xi32, #tpu.memory_space<hbm>> -> memref<80xi32, #tpu.memory_space<hbm>>
      tpu.wait_dma2 semaphore(%arg11 : memref<!tpu.dma_semaphore, #tpu.memory_space<semaphore_mem>>) src(%dma_wait3A_61 : memref<80xi32, #tpu.memory_space<hbm>>) dst(%arg6 : memref<80xi32, #tpu.memory_space<vmem>>)
      %dma_wait3A_62 = arith.constant 0 : i32
      %dma_wait3A_63 = tpu.memref_slice %arg2[%add3A_49, %dma_wait3A_62] : memref<94720x128xf32, #tpu.memory_space<hbm>> -> memref<80x128xf32, #tpu.memory_space<hbm>>
      %dma_wait3A_64 = arith.constant 0 : i32
      %dma_wait3A_65 = tpu.memref_slice %arg2[%add3A_49, %dma_wait3A_64] : memref<94720x128xf32, #tpu.memory_space<hbm>> -> memref<80x128xf32, #tpu.memory_space<hbm>>
      tpu.wait_dma2 semaphore(%arg13 : memref<!tpu.dma_semaphore, #tpu.memory_space<semaphore_mem>>) src(%dma_wait3A_65 : memref<80x128xf32, #tpu.memory_space<hbm>>) dst(%arg8 : memref<80x128xf32, #tpu.memory_space<vmem>>)
      %dma_start3A_66 = arith.constant 0 : i32
      %dma_start3A_67 = arith.constant 0 : i32
      %dma_start3A_68 = tpu.memref_slice %arg10[%dma_start3A_66, %dma_start3A_67] : memref<10240x128xf32, #tpu.memory_space<vmem_shared>> -> memref<10240x128xf32, #tpu.memory_space<vmem_shared>>
      tpu.enqueue_indirect_dma source(%arg8 : memref<80x128xf32, #tpu.memory_space<vmem>>) target(%dma_start3A_68 : memref<10240x128xf32, #tpu.memory_space<vmem_shared>>) offsets(%arg6 : memref<80xi32, #tpu.memory_space<vmem>>) semaphore(%arg15 : memref<!tpu.dma_semaphore, #tpu.memory_space<semaphore_mem>>) {add = true}
      %mul3A_69 = arith.constant 2 : i32
      %mul3A_70 = arith.muli %mul3A_69, %add3A_44 : i32
      %add3A_71 = arith.constant 1 : i32
      %add3A_72 = arith.addi %mul3A_70, %add3A_71 : i32
      %mul3A_73 = arith.constant 80 : i32
      %mul3A_74 = arith.muli %add3A_72, %mul3A_73 : i32
      %add3A_75 = arith.addi %mul3A_4, %mul3A_74 : i32
      %add3A_76 = arith.constant 71680 : i32
      %add3A_77 = arith.addi %add3A_76, %add3A_75 : i32
      %ge3A_78 = arith.constant 2 : i32
      %ge3A_79 = arith.cmpi sge, %add3A_72, %ge3A_78 : i32
      %convert_element_type3A_80 = arith.extui %ge3A_79 : i1 to i32
      %cond3A_81 = arith.constant 0 : i32
      %cond3A_82 = arith.cmpi ne, %convert_element_type3A_80, %cond3A_81 : i32
      scf.if %cond3A_82 {
        %dma_wait3A_98 = arith.constant 0 : i32
        %dma_wait3A_99 = arith.constant 0 : i32
        %dma_wait3A_100 = tpu.memref_slice %arg10[%dma_wait3A_98, %dma_wait3A_99] : memref<10240x128xf32, #tpu.memory_space<vmem_shared>> -> memref<10240x128xf32, #tpu.memory_space<vmem_shared>>
        tpu.wait_indirect_dma semaphore(%arg16 : memref<!tpu.dma_semaphore, #tpu.memory_space<semaphore_mem>>) src(%arg9 : memref<80x128xf32, #tpu.memory_space<vmem>>) dst(%dma_wait3A_100 : memref<10240x128xf32, #tpu.memory_space<vmem_shared>>)
      } else {
      }
      %dma_start3A_83 = tpu.memref_slice %arg3[%add3A_77] : memref<320000xi32, #tpu.memory_space<hbm>> -> memref<80xi32, #tpu.memory_space<hbm>>
      %dma_start3A_84 = tpu.memref_slice %arg3[%add3A_77] : memref<320000xi32, #tpu.memory_space<hbm>> -> memref<80xi32, #tpu.memory_space<hbm>>
      tpu.enqueue_dma source(%dma_start3A_84 : memref<80xi32, #tpu.memory_space<hbm>>) target(%arg7 : memref<80xi32, #tpu.memory_space<vmem>>) target_semaphore(%arg12 : memref<!tpu.dma_semaphore, #tpu.memory_space<semaphore_mem>>)
      %dma_start3A_85 = arith.constant 0 : i32
      %dma_start3A_86 = tpu.memref_slice %arg2[%add3A_75, %dma_start3A_85] : memref<94720x128xf32, #tpu.memory_space<hbm>> -> memref<80x128xf32, #tpu.memory_space<hbm>>
      %dma_start3A_87 = arith.constant 0 : i32
      %dma_start3A_88 = tpu.memref_slice %arg2[%add3A_75, %dma_start3A_87] : memref<94720x128xf32, #tpu.memory_space<hbm>> -> memref<80x128xf32, #tpu.memory_space<hbm>>
      tpu.enqueue_dma source(%dma_start3A_88 : memref<80x128xf32, #tpu.memory_space<hbm>>) target(%arg9 : memref<80x128xf32, #tpu.memory_space<vmem>>) target_semaphore(%arg14 : memref<!tpu.dma_semaphore, #tpu.memory_space<semaphore_mem>>)
      %dma_wait3A_89 = tpu.memref_slice %arg3[%add3A_77] : memref<320000xi32, #tpu.memory_space<hbm>> -> memref<80xi32, #tpu.memory_space<hbm>>
      %dma_wait3A_90 = tpu.memref_slice %arg3[%add3A_77] : memref<320000xi32, #tpu.memory_space<hbm>> -> memref<80xi32, #tpu.memory_space<hbm>>
      tpu.wait_dma2 semaphore(%arg12 : memref<!tpu.dma_semaphore, #tpu.memory_space<semaphore_mem>>) src(%dma_wait3A_90 : memref<80xi32, #tpu.memory_space<hbm>>) dst(%arg7 : memref<80xi32, #tpu.memory_space<vmem>>)
      %dma_wait3A_91 = arith.constant 0 : i32
      %dma_wait3A_92 = tpu.memref_slice %arg2[%add3A_75, %dma_wait3A_91] : memref<94720x128xf32, #tpu.memory_space<hbm>> -> memref<80x128xf32, #tpu.memory_space<hbm>>
      %dma_wait3A_93 = arith.constant 0 : i32
      %dma_wait3A_94 = tpu.memref_slice %arg2[%add3A_75, %dma_wait3A_93] : memref<94720x128xf32, #tpu.memory_space<hbm>> -> memref<80x128xf32, #tpu.memory_space<hbm>>
      tpu.wait_dma2 semaphore(%arg14 : memref<!tpu.dma_semaphore, #tpu.memory_space<semaphore_mem>>) src(%dma_wait3A_94 : memref<80x128xf32, #tpu.memory_space<hbm>>) dst(%arg9 : memref<80x128xf32, #tpu.memory_space<vmem>>)
      %dma_start3A_95 = arith.constant 0 : i32
      %dma_start3A_96 = arith.constant 0 : i32
      %dma_start3A_97 = tpu.memref_slice %arg10[%dma_start3A_95, %dma_start3A_96] : memref<10240x128xf32, #tpu.memory_space<vmem_shared>> -> memref<10240x128xf32, #tpu.memory_space<vmem_shared>>
      tpu.enqueue_indirect_dma source(%arg9 : memref<80x128xf32, #tpu.memory_space<vmem>>) target(%dma_start3A_97 : memref<10240x128xf32, #tpu.memory_space<vmem_shared>>) offsets(%arg7 : memref<80xi32, #tpu.memory_space<vmem>>) semaphore(%arg16 : memref<!tpu.dma_semaphore, #tpu.memory_space<semaphore_mem>>) {add = true}
    }
    %scan3A_8 = arith.constant 18 : i32
    %add3A_9 = arith.constant 2880 : i32
    %add3A_10 = arith.addi %mul3A_4, %add3A_9 : i32
    %add3A_11 = arith.constant 71680 : i32
    %add3A_12 = arith.addi %add3A_11, %add3A_10 : i32
    %dma_wait3A = arith.constant 0 : i32
    %dma_wait3A_13 = arith.constant 0 : i32
    %dma_wait3A_14 = tpu.memref_slice %arg10[%dma_wait3A, %dma_wait3A_13] : memref<10240x128xf32, #tpu.memory_space<vmem_shared>> -> memref<10240x128xf32, #tpu.memory_space<vmem_shared>>
    tpu.wait_indirect_dma semaphore(%arg15 : memref<!tpu.dma_semaphore, #tpu.memory_space<semaphore_mem>>) src(%arg8 : memref<80x128xf32, #tpu.memory_space<vmem>>) dst(%dma_wait3A_14 : memref<10240x128xf32, #tpu.memory_space<vmem_shared>>)
    %dma_start3A = tpu.memref_slice %arg3[%add3A_12] : memref<320000xi32, #tpu.memory_space<hbm>> -> memref<80xi32, #tpu.memory_space<hbm>>
    %dma_start3A_15 = tpu.memref_slice %arg3[%add3A_12] : memref<320000xi32, #tpu.memory_space<hbm>> -> memref<80xi32, #tpu.memory_space<hbm>>
    tpu.enqueue_dma source(%dma_start3A_15 : memref<80xi32, #tpu.memory_space<hbm>>) target(%arg6 : memref<80xi32, #tpu.memory_space<vmem>>) target_semaphore(%arg11 : memref<!tpu.dma_semaphore, #tpu.memory_space<semaphore_mem>>)
    %dma_start3A_16 = arith.constant 0 : i32
    %dma_start3A_17 = tpu.memref_slice %arg2[%add3A_10, %dma_start3A_16] : memref<94720x128xf32, #tpu.memory_space<hbm>> -> memref<80x128xf32, #tpu.memory_space<hbm>>
    %dma_start3A_18 = arith.constant 0 : i32
    %dma_start3A_19 = tpu.memref_slice %arg2[%add3A_10, %dma_start3A_18] : memref<94720x128xf32, #tpu.memory_space<hbm>> -> memref<80x128xf32, #tpu.memory_space<hbm>>
    tpu.enqueue_dma source(%dma_start3A_19 : memref<80x128xf32, #tpu.memory_space<hbm>>) target(%arg8 : memref<80x128xf32, #tpu.memory_space<vmem>>) target_semaphore(%arg13 : memref<!tpu.dma_semaphore, #tpu.memory_space<semaphore_mem>>)
    %dma_wait3A_20 = tpu.memref_slice %arg3[%add3A_12] : memref<320000xi32, #tpu.memory_space<hbm>> -> memref<80xi32, #tpu.memory_space<hbm>>
    %dma_wait3A_21 = tpu.memref_slice %arg3[%add3A_12] : memref<320000xi32, #tpu.memory_space<hbm>> -> memref<80xi32, #tpu.memory_space<hbm>>
    tpu.wait_dma2 semaphore(%arg11 : memref<!tpu.dma_semaphore, #tpu.memory_space<semaphore_mem>>) src(%dma_wait3A_21 : memref<80xi32, #tpu.memory_space<hbm>>) dst(%arg6 : memref<80xi32, #tpu.memory_space<vmem>>)
    %dma_wait3A_22 = arith.constant 0 : i32
    %dma_wait3A_23 = tpu.memref_slice %arg2[%add3A_10, %dma_wait3A_22] : memref<94720x128xf32, #tpu.memory_space<hbm>> -> memref<80x128xf32, #tpu.memory_space<hbm>>
    %dma_wait3A_24 = arith.constant 0 : i32
    %dma_wait3A_25 = tpu.memref_slice %arg2[%add3A_10, %dma_wait3A_24] : memref<94720x128xf32, #tpu.memory_space<hbm>> -> memref<80x128xf32, #tpu.memory_space<hbm>>
    tpu.wait_dma2 semaphore(%arg13 : memref<!tpu.dma_semaphore, #tpu.memory_space<semaphore_mem>>) src(%dma_wait3A_25 : memref<80x128xf32, #tpu.memory_space<hbm>>) dst(%arg8 : memref<80x128xf32, #tpu.memory_space<vmem>>)
    %dma_start3A_26 = arith.constant 0 : i32
    %dma_start3A_27 = arith.constant 0 : i32
    %dma_start3A_28 = tpu.memref_slice %arg10[%dma_start3A_26, %dma_start3A_27] : memref<10240x128xf32, #tpu.memory_space<vmem_shared>> -> memref<10240x128xf32, #tpu.memory_space<vmem_shared>>
    tpu.enqueue_indirect_dma source(%arg8 : memref<80x128xf32, #tpu.memory_space<vmem>>) target(%dma_start3A_28 : memref<10240x128xf32, #tpu.memory_space<vmem_shared>>) offsets(%arg6 : memref<80xi32, #tpu.memory_space<vmem>>) semaphore(%arg15 : memref<!tpu.dma_semaphore, #tpu.memory_space<semaphore_mem>>) {add = true}
    %dma_wait3A_29 = arith.constant 0 : i32
    %dma_wait3A_30 = arith.constant 0 : i32
    %dma_wait3A_31 = tpu.memref_slice %arg10[%dma_wait3A_29, %dma_wait3A_30] : memref<10240x128xf32, #tpu.memory_space<vmem_shared>> -> memref<10240x128xf32, #tpu.memory_space<vmem_shared>>
    tpu.wait_indirect_dma semaphore(%arg15 : memref<!tpu.dma_semaphore, #tpu.memory_space<semaphore_mem>>) src(%arg8 : memref<80x128xf32, #tpu.memory_space<vmem>>) dst(%dma_wait3A_31 : memref<10240x128xf32, #tpu.memory_space<vmem_shared>>)
    %dma_wait3A_32 = arith.constant 0 : i32
    %dma_wait3A_33 = arith.constant 0 : i32
    %dma_wait3A_34 = tpu.memref_slice %arg10[%dma_wait3A_32, %dma_wait3A_33] : memref<10240x128xf32, #tpu.memory_space<vmem_shared>> -> memref<10240x128xf32, #tpu.memory_space<vmem_shared>>
    tpu.wait_indirect_dma semaphore(%arg16 : memref<!tpu.dma_semaphore, #tpu.memory_space<semaphore_mem>>) src(%arg9 : memref<80x128xf32, #tpu.memory_space<vmem>>) dst(%dma_wait3A_34 : memref<10240x128xf32, #tpu.memory_space<vmem_shared>>)
    %barrier3A_35 = arith.constant 0 : index
    tpu.barrier barrier_id(%barrier3A_35)
    %mul3A_36 = arith.constant 640 : i32
    %mul3A_37 = arith.muli %arg1, %mul3A_36 : i32
    %mul3A_38 = arith.constant 640 : i32
    %mul3A_39 = arith.muli %arg1, %mul3A_38 : i32
    "tpu.region"() ({
      %run_scoped3A = tpu.sem_alloc : memref<!tpu.dma_semaphore, #tpu.memory_space<semaphore_mem>>
      %dma_start3A_40 = arith.constant 0 : i32
      %dma_start3A_41 = arith.constant 0 : i32
      %dma_start3A_42 = tpu.memref_slice %arg5[%arg0, %dma_start3A_40, %dma_start3A_41] : memref<2x10240x128xf32, #tpu.memory_space<hbm>> -> memref<1x10240x128xf32, #tpu.memory_space<hbm>>
      %dma_start3A_43 = tpu.memref_squeeze %dma_start3A_42 : memref<1x10240x128xf32, #tpu.memory_space<hbm>> -> memref<10240x128xf32, #tpu.memory_space<hbm>>
      %dma_start3A_44 = arith.constant 0 : i32
      %dma_start3A_45 = tpu.memref_slice %dma_start3A_43[%mul3A_39, %dma_start3A_44] : memref<10240x128xf32, #tpu.memory_space<hbm>> -> memref<640x128xf32, #tpu.memory_space<hbm>>
      %dma_start3A_46 = arith.constant 0 : i32
      %dma_start3A_47 = tpu.memref_slice %arg10[%mul3A_37, %dma_start3A_46] : memref<10240x128xf32, #tpu.memory_space<vmem_shared>> -> memref<640x128xf32, #tpu.memory_space<vmem_shared>>
      tpu.enqueue_dma source(%dma_start3A_47 : memref<640x128xf32, #tpu.memory_space<vmem_shared>>) target(%dma_start3A_45 : memref<640x128xf32, #tpu.memory_space<hbm>>) target_semaphore(%run_scoped3A : memref<!tpu.dma_semaphore, #tpu.memory_space<semaphore_mem>>)
      %dma_wait3A_48 = arith.constant 0 : i32
      %dma_wait3A_49 = arith.constant 0 : i32
      %dma_wait3A_50 = tpu.memref_slice %arg5[%arg0, %dma_wait3A_48, %dma_wait3A_49] : memref<2x10240x128xf32, #tpu.memory_space<hbm>> -> memref<1x10240x128xf32, #tpu.memory_space<hbm>>
      %dma_wait3A_51 = tpu.memref_squeeze %dma_wait3A_50 : memref<1x10240x128xf32, #tpu.memory_space<hbm>> -> memref<10240x128xf32, #tpu.memory_space<hbm>>
      %dma_wait3A_52 = arith.constant 0 : i32
      %dma_wait3A_53 = tpu.memref_slice %dma_wait3A_51[%mul3A_39, %dma_wait3A_52] : memref<10240x128xf32, #tpu.memory_space<hbm>> -> memref<640x128xf32, #tpu.memory_space<hbm>>
      %dma_wait3A_54 = arith.constant 0 : i32
      %dma_wait3A_55 = tpu.memref_slice %arg10[%mul3A_37, %dma_wait3A_54] : memref<10240x128xf32, #tpu.memory_space<vmem_shared>> -> memref<640x128xf32, #tpu.memory_space<vmem_shared>>
      tpu.wait_dma2 semaphore(%run_scoped3A : memref<!tpu.dma_semaphore, #tpu.memory_space<semaphore_mem>>) src(%dma_wait3A_55 : memref<640x128xf32, #tpu.memory_space<vmem_shared>>) dst(%dma_wait3A_53 : memref<640x128xf32, #tpu.memory_space<hbm>>)
      tpu.yield
    }) : () -> ()
    return
  }
}

#map = affine_map<(d0, d1) -> (0, 0)>
#map1 = affine_map<(d0, d1) -> (0)>
#map2 = affine_map<(d0, d1) -> (0, 0, 0)>
module attributes {stable_mosaic.version = 14 : i64} {
  func.func @sc_scatter_2(%arg0: i32, %arg1: i32, %arg2: memref<94720x128xf32, #tpu.memory_space<hbm>>, %arg3: memref<320000xi32, #tpu.memory_space<hbm>>, %arg4: memref<640x128xf32, #tpu.memory_space<hbm>>, %arg5: memref<2x10240x128xf32, #tpu.memory_space<hbm>>, %arg6: memref<80xi32, #tpu.memory_space<vmem>>, %arg7: memref<80xi32, #tpu.memory_space<vmem>>, %arg8: memref<80x128xf32, #tpu.memory_space<vmem>>, %arg9: memref<80x128xf32, #tpu.memory_space<vmem>>, %arg10: memref<10240x128xf32, #tpu.memory_space<vmem_shared>>, %arg11: memref<!tpu.dma_semaphore, #tpu.memory_space<semaphore_mem>>, %arg12: memref<!tpu.dma_semaphore, #tpu.memory_space<semaphore_mem>>, %arg13: memref<!tpu.dma_semaphore, #tpu.memory_space<semaphore_mem>>, %arg14: memref<!tpu.dma_semaphore, #tpu.memory_space<semaphore_mem>>, %arg15: memref<!tpu.dma_semaphore, #tpu.memory_space<semaphore_mem>>, %arg16: memref<!tpu.dma_semaphore, #tpu.memory_space<semaphore_mem>>) attributes {dimension_semantics = [#tpu.dimension_semantics<core_parallel>, #tpu.dimension_semantics<subcore_parallel>], iteration_bounds = array<i64: 2, 16>, scalar_prefetch = 0 : i64, scratch_operands = 11 : i64, tpu.core_type = #tpu.core_type<sc_vector_subcore>, window_params = [{transform_indices = #map}, {transform_indices = #map1}, {transform_indices = #map}, {transform_indices = #map2}]} {
    %mul3A = arith.constant 640 : i32
    %mul3A_0 = arith.muli %arg1, %mul3A : i32
    "tpu.region"() ({
      %run_scoped3A = tpu.sem_alloc : memref<!tpu.dma_semaphore, #tpu.memory_space<semaphore_mem>>
      %dma_start3A_40 = arith.constant 0 : i32
      %dma_start3A_41 = tpu.memref_slice %arg10[%mul3A_0, %dma_start3A_40] : memref<10240x128xf32, #tpu.memory_space<vmem_shared>> -> memref<640x128xf32, #tpu.memory_space<vmem_shared>>
      tpu.enqueue_dma source(%arg4 : memref<640x128xf32, #tpu.memory_space<hbm>>) target(%dma_start3A_41 : memref<640x128xf32, #tpu.memory_space<vmem_shared>>) target_semaphore(%run_scoped3A : memref<!tpu.dma_semaphore, #tpu.memory_space<semaphore_mem>>)
      %dma_wait3A_42 = arith.constant 0 : i32
      %dma_wait3A_43 = tpu.memref_slice %arg10[%mul3A_0, %dma_wait3A_42] : memref<10240x128xf32, #tpu.memory_space<vmem_shared>> -> memref<640x128xf32, #tpu.memory_space<vmem_shared>>
      tpu.wait_dma2 semaphore(%run_scoped3A : memref<!tpu.dma_semaphore, #tpu.memory_space<semaphore_mem>>) src(%arg4 : memref<640x128xf32, #tpu.memory_space<hbm>>) dst(%dma_wait3A_43 : memref<640x128xf32, #tpu.memory_space<vmem_shared>>)
      tpu.yield
    }) : () -> ()
    %barrier3A = arith.constant 0 : index
    tpu.barrier barrier_id(%barrier3A)
    %mul3A_1 = arith.constant 16 : i32
    %mul3A_2 = arith.muli %arg0, %mul3A_1 : i32
    %add3A = arith.addi %mul3A_2, %arg1 : i32
    %mul3A_3 = arith.constant 2960 : i32
    %mul3A_4 = arith.muli %add3A, %mul3A_3 : i32
    %scan3A = arith.constant 0 : i32
    %scan3A_5 = arith.constant 18 : i32
    %scan3A_6 = arith.addi %scan3A, %scan3A_5 : i32
    %scan3A_7 = arith.constant 1 : i32
    scf.for %scan3A_40 = %scan3A to %scan3A_6 step %scan3A_7  : i32 {
      %mul3A_41 = arith.constant 1 : i32
      %mul3A_42 = arith.muli %scan3A_40, %mul3A_41 : i32
      %add3A_43 = arith.constant 0 : i32
      %add3A_44 = arith.addi %add3A_43, %mul3A_42 : i32
      %mul3A_45 = arith.constant 2 : i32
      %mul3A_46 = arith.muli %mul3A_45, %add3A_44 : i32
      %mul3A_47 = arith.constant 80 : i32
      %mul3A_48 = arith.muli %mul3A_46, %mul3A_47 : i32
      %add3A_49 = arith.addi %mul3A_4, %mul3A_48 : i32
      %add3A_50 = arith.constant 166400 : i32
      %add3A_51 = arith.addi %add3A_50, %add3A_49 : i32
      %ge3A = arith.constant 2 : i32
      %ge3A_52 = arith.cmpi sge, %mul3A_46, %ge3A : i32
      %convert_element_type3A = arith.extui %ge3A_52 : i1 to i32
      %cond3A = arith.constant 0 : i32
      %cond3A_53 = arith.cmpi ne, %convert_element_type3A, %cond3A : i32
      scf.if %cond3A_53 {
        %dma_wait3A_98 = arith.constant 0 : i32
        %dma_wait3A_99 = arith.constant 0 : i32
        %dma_wait3A_100 = tpu.memref_slice %arg10[%dma_wait3A_98, %dma_wait3A_99] : memref<10240x128xf32, #tpu.memory_space<vmem_shared>> -> memref<10240x128xf32, #tpu.memory_space<vmem_shared>>
        tpu.wait_indirect_dma semaphore(%arg15 : memref<!tpu.dma_semaphore, #tpu.memory_space<semaphore_mem>>) src(%arg8 : memref<80x128xf32, #tpu.memory_space<vmem>>) dst(%dma_wait3A_100 : memref<10240x128xf32, #tpu.memory_space<vmem_shared>>)
      } else {
      }
      %dma_start3A_54 = tpu.memref_slice %arg3[%add3A_51] : memref<320000xi32, #tpu.memory_space<hbm>> -> memref<80xi32, #tpu.memory_space<hbm>>
      %dma_start3A_55 = tpu.memref_slice %arg3[%add3A_51] : memref<320000xi32, #tpu.memory_space<hbm>> -> memref<80xi32, #tpu.memory_space<hbm>>
      tpu.enqueue_dma source(%dma_start3A_55 : memref<80xi32, #tpu.memory_space<hbm>>) target(%arg6 : memref<80xi32, #tpu.memory_space<vmem>>) target_semaphore(%arg11 : memref<!tpu.dma_semaphore, #tpu.memory_space<semaphore_mem>>)
      %dma_start3A_56 = arith.constant 0 : i32
      %dma_start3A_57 = tpu.memref_slice %arg2[%add3A_49, %dma_start3A_56] : memref<94720x128xf32, #tpu.memory_space<hbm>> -> memref<80x128xf32, #tpu.memory_space<hbm>>
      %dma_start3A_58 = arith.constant 0 : i32
      %dma_start3A_59 = tpu.memref_slice %arg2[%add3A_49, %dma_start3A_58] : memref<94720x128xf32, #tpu.memory_space<hbm>> -> memref<80x128xf32, #tpu.memory_space<hbm>>
      tpu.enqueue_dma source(%dma_start3A_59 : memref<80x128xf32, #tpu.memory_space<hbm>>) target(%arg8 : memref<80x128xf32, #tpu.memory_space<vmem>>) target_semaphore(%arg13 : memref<!tpu.dma_semaphore, #tpu.memory_space<semaphore_mem>>)
      %dma_wait3A_60 = tpu.memref_slice %arg3[%add3A_51] : memref<320000xi32, #tpu.memory_space<hbm>> -> memref<80xi32, #tpu.memory_space<hbm>>
      %dma_wait3A_61 = tpu.memref_slice %arg3[%add3A_51] : memref<320000xi32, #tpu.memory_space<hbm>> -> memref<80xi32, #tpu.memory_space<hbm>>
      tpu.wait_dma2 semaphore(%arg11 : memref<!tpu.dma_semaphore, #tpu.memory_space<semaphore_mem>>) src(%dma_wait3A_61 : memref<80xi32, #tpu.memory_space<hbm>>) dst(%arg6 : memref<80xi32, #tpu.memory_space<vmem>>)
      %dma_wait3A_62 = arith.constant 0 : i32
      %dma_wait3A_63 = tpu.memref_slice %arg2[%add3A_49, %dma_wait3A_62] : memref<94720x128xf32, #tpu.memory_space<hbm>> -> memref<80x128xf32, #tpu.memory_space<hbm>>
      %dma_wait3A_64 = arith.constant 0 : i32
      %dma_wait3A_65 = tpu.memref_slice %arg2[%add3A_49, %dma_wait3A_64] : memref<94720x128xf32, #tpu.memory_space<hbm>> -> memref<80x128xf32, #tpu.memory_space<hbm>>
      tpu.wait_dma2 semaphore(%arg13 : memref<!tpu.dma_semaphore, #tpu.memory_space<semaphore_mem>>) src(%dma_wait3A_65 : memref<80x128xf32, #tpu.memory_space<hbm>>) dst(%arg8 : memref<80x128xf32, #tpu.memory_space<vmem>>)
      %dma_start3A_66 = arith.constant 0 : i32
      %dma_start3A_67 = arith.constant 0 : i32
      %dma_start3A_68 = tpu.memref_slice %arg10[%dma_start3A_66, %dma_start3A_67] : memref<10240x128xf32, #tpu.memory_space<vmem_shared>> -> memref<10240x128xf32, #tpu.memory_space<vmem_shared>>
      tpu.enqueue_indirect_dma source(%arg8 : memref<80x128xf32, #tpu.memory_space<vmem>>) target(%dma_start3A_68 : memref<10240x128xf32, #tpu.memory_space<vmem_shared>>) offsets(%arg6 : memref<80xi32, #tpu.memory_space<vmem>>) semaphore(%arg15 : memref<!tpu.dma_semaphore, #tpu.memory_space<semaphore_mem>>) {add = true}
      %mul3A_69 = arith.constant 2 : i32
      %mul3A_70 = arith.muli %mul3A_69, %add3A_44 : i32
      %add3A_71 = arith.constant 1 : i32
      %add3A_72 = arith.addi %mul3A_70, %add3A_71 : i32
      %mul3A_73 = arith.constant 80 : i32
      %mul3A_74 = arith.muli %add3A_72, %mul3A_73 : i32
      %add3A_75 = arith.addi %mul3A_4, %mul3A_74 : i32
      %add3A_76 = arith.constant 166400 : i32
      %add3A_77 = arith.addi %add3A_76, %add3A_75 : i32
      %ge3A_78 = arith.constant 2 : i32
      %ge3A_79 = arith.cmpi sge, %add3A_72, %ge3A_78 : i32
      %convert_element_type3A_80 = arith.extui %ge3A_79 : i1 to i32
      %cond3A_81 = arith.constant 0 : i32
      %cond3A_82 = arith.cmpi ne, %convert_element_type3A_80, %cond3A_81 : i32
      scf.if %cond3A_82 {
        %dma_wait3A_98 = arith.constant 0 : i32
        %dma_wait3A_99 = arith.constant 0 : i32
        %dma_wait3A_100 = tpu.memref_slice %arg10[%dma_wait3A_98, %dma_wait3A_99] : memref<10240x128xf32, #tpu.memory_space<vmem_shared>> -> memref<10240x128xf32, #tpu.memory_space<vmem_shared>>
        tpu.wait_indirect_dma semaphore(%arg16 : memref<!tpu.dma_semaphore, #tpu.memory_space<semaphore_mem>>) src(%arg9 : memref<80x128xf32, #tpu.memory_space<vmem>>) dst(%dma_wait3A_100 : memref<10240x128xf32, #tpu.memory_space<vmem_shared>>)
      } else {
      }
      %dma_start3A_83 = tpu.memref_slice %arg3[%add3A_77] : memref<320000xi32, #tpu.memory_space<hbm>> -> memref<80xi32, #tpu.memory_space<hbm>>
      %dma_start3A_84 = tpu.memref_slice %arg3[%add3A_77] : memref<320000xi32, #tpu.memory_space<hbm>> -> memref<80xi32, #tpu.memory_space<hbm>>
      tpu.enqueue_dma source(%dma_start3A_84 : memref<80xi32, #tpu.memory_space<hbm>>) target(%arg7 : memref<80xi32, #tpu.memory_space<vmem>>) target_semaphore(%arg12 : memref<!tpu.dma_semaphore, #tpu.memory_space<semaphore_mem>>)
      %dma_start3A_85 = arith.constant 0 : i32
      %dma_start3A_86 = tpu.memref_slice %arg2[%add3A_75, %dma_start3A_85] : memref<94720x128xf32, #tpu.memory_space<hbm>> -> memref<80x128xf32, #tpu.memory_space<hbm>>
      %dma_start3A_87 = arith.constant 0 : i32
      %dma_start3A_88 = tpu.memref_slice %arg2[%add3A_75, %dma_start3A_87] : memref<94720x128xf32, #tpu.memory_space<hbm>> -> memref<80x128xf32, #tpu.memory_space<hbm>>
      tpu.enqueue_dma source(%dma_start3A_88 : memref<80x128xf32, #tpu.memory_space<hbm>>) target(%arg9 : memref<80x128xf32, #tpu.memory_space<vmem>>) target_semaphore(%arg14 : memref<!tpu.dma_semaphore, #tpu.memory_space<semaphore_mem>>)
      %dma_wait3A_89 = tpu.memref_slice %arg3[%add3A_77] : memref<320000xi32, #tpu.memory_space<hbm>> -> memref<80xi32, #tpu.memory_space<hbm>>
      %dma_wait3A_90 = tpu.memref_slice %arg3[%add3A_77] : memref<320000xi32, #tpu.memory_space<hbm>> -> memref<80xi32, #tpu.memory_space<hbm>>
      tpu.wait_dma2 semaphore(%arg12 : memref<!tpu.dma_semaphore, #tpu.memory_space<semaphore_mem>>) src(%dma_wait3A_90 : memref<80xi32, #tpu.memory_space<hbm>>) dst(%arg7 : memref<80xi32, #tpu.memory_space<vmem>>)
      %dma_wait3A_91 = arith.constant 0 : i32
      %dma_wait3A_92 = tpu.memref_slice %arg2[%add3A_75, %dma_wait3A_91] : memref<94720x128xf32, #tpu.memory_space<hbm>> -> memref<80x128xf32, #tpu.memory_space<hbm>>
      %dma_wait3A_93 = arith.constant 0 : i32
      %dma_wait3A_94 = tpu.memref_slice %arg2[%add3A_75, %dma_wait3A_93] : memref<94720x128xf32, #tpu.memory_space<hbm>> -> memref<80x128xf32, #tpu.memory_space<hbm>>
      tpu.wait_dma2 semaphore(%arg14 : memref<!tpu.dma_semaphore, #tpu.memory_space<semaphore_mem>>) src(%dma_wait3A_94 : memref<80x128xf32, #tpu.memory_space<hbm>>) dst(%arg9 : memref<80x128xf32, #tpu.memory_space<vmem>>)
      %dma_start3A_95 = arith.constant 0 : i32
      %dma_start3A_96 = arith.constant 0 : i32
      %dma_start3A_97 = tpu.memref_slice %arg10[%dma_start3A_95, %dma_start3A_96] : memref<10240x128xf32, #tpu.memory_space<vmem_shared>> -> memref<10240x128xf32, #tpu.memory_space<vmem_shared>>
      tpu.enqueue_indirect_dma source(%arg9 : memref<80x128xf32, #tpu.memory_space<vmem>>) target(%dma_start3A_97 : memref<10240x128xf32, #tpu.memory_space<vmem_shared>>) offsets(%arg7 : memref<80xi32, #tpu.memory_space<vmem>>) semaphore(%arg16 : memref<!tpu.dma_semaphore, #tpu.memory_space<semaphore_mem>>) {add = true}
    }
    %scan3A_8 = arith.constant 18 : i32
    %add3A_9 = arith.constant 2880 : i32
    %add3A_10 = arith.addi %mul3A_4, %add3A_9 : i32
    %add3A_11 = arith.constant 166400 : i32
    %add3A_12 = arith.addi %add3A_11, %add3A_10 : i32
    %dma_wait3A = arith.constant 0 : i32
    %dma_wait3A_13 = arith.constant 0 : i32
    %dma_wait3A_14 = tpu.memref_slice %arg10[%dma_wait3A, %dma_wait3A_13] : memref<10240x128xf32, #tpu.memory_space<vmem_shared>> -> memref<10240x128xf32, #tpu.memory_space<vmem_shared>>
    tpu.wait_indirect_dma semaphore(%arg15 : memref<!tpu.dma_semaphore, #tpu.memory_space<semaphore_mem>>) src(%arg8 : memref<80x128xf32, #tpu.memory_space<vmem>>) dst(%dma_wait3A_14 : memref<10240x128xf32, #tpu.memory_space<vmem_shared>>)
    %dma_start3A = tpu.memref_slice %arg3[%add3A_12] : memref<320000xi32, #tpu.memory_space<hbm>> -> memref<80xi32, #tpu.memory_space<hbm>>
    %dma_start3A_15 = tpu.memref_slice %arg3[%add3A_12] : memref<320000xi32, #tpu.memory_space<hbm>> -> memref<80xi32, #tpu.memory_space<hbm>>
    tpu.enqueue_dma source(%dma_start3A_15 : memref<80xi32, #tpu.memory_space<hbm>>) target(%arg6 : memref<80xi32, #tpu.memory_space<vmem>>) target_semaphore(%arg11 : memref<!tpu.dma_semaphore, #tpu.memory_space<semaphore_mem>>)
    %dma_start3A_16 = arith.constant 0 : i32
    %dma_start3A_17 = tpu.memref_slice %arg2[%add3A_10, %dma_start3A_16] : memref<94720x128xf32, #tpu.memory_space<hbm>> -> memref<80x128xf32, #tpu.memory_space<hbm>>
    %dma_start3A_18 = arith.constant 0 : i32
    %dma_start3A_19 = tpu.memref_slice %arg2[%add3A_10, %dma_start3A_18] : memref<94720x128xf32, #tpu.memory_space<hbm>> -> memref<80x128xf32, #tpu.memory_space<hbm>>
    tpu.enqueue_dma source(%dma_start3A_19 : memref<80x128xf32, #tpu.memory_space<hbm>>) target(%arg8 : memref<80x128xf32, #tpu.memory_space<vmem>>) target_semaphore(%arg13 : memref<!tpu.dma_semaphore, #tpu.memory_space<semaphore_mem>>)
    %dma_wait3A_20 = tpu.memref_slice %arg3[%add3A_12] : memref<320000xi32, #tpu.memory_space<hbm>> -> memref<80xi32, #tpu.memory_space<hbm>>
    %dma_wait3A_21 = tpu.memref_slice %arg3[%add3A_12] : memref<320000xi32, #tpu.memory_space<hbm>> -> memref<80xi32, #tpu.memory_space<hbm>>
    tpu.wait_dma2 semaphore(%arg11 : memref<!tpu.dma_semaphore, #tpu.memory_space<semaphore_mem>>) src(%dma_wait3A_21 : memref<80xi32, #tpu.memory_space<hbm>>) dst(%arg6 : memref<80xi32, #tpu.memory_space<vmem>>)
    %dma_wait3A_22 = arith.constant 0 : i32
    %dma_wait3A_23 = tpu.memref_slice %arg2[%add3A_10, %dma_wait3A_22] : memref<94720x128xf32, #tpu.memory_space<hbm>> -> memref<80x128xf32, #tpu.memory_space<hbm>>
    %dma_wait3A_24 = arith.constant 0 : i32
    %dma_wait3A_25 = tpu.memref_slice %arg2[%add3A_10, %dma_wait3A_24] : memref<94720x128xf32, #tpu.memory_space<hbm>> -> memref<80x128xf32, #tpu.memory_space<hbm>>
    tpu.wait_dma2 semaphore(%arg13 : memref<!tpu.dma_semaphore, #tpu.memory_space<semaphore_mem>>) src(%dma_wait3A_25 : memref<80x128xf32, #tpu.memory_space<hbm>>) dst(%arg8 : memref<80x128xf32, #tpu.memory_space<vmem>>)
    %dma_start3A_26 = arith.constant 0 : i32
    %dma_start3A_27 = arith.constant 0 : i32
    %dma_start3A_28 = tpu.memref_slice %arg10[%dma_start3A_26, %dma_start3A_27] : memref<10240x128xf32, #tpu.memory_space<vmem_shared>> -> memref<10240x128xf32, #tpu.memory_space<vmem_shared>>
    tpu.enqueue_indirect_dma source(%arg8 : memref<80x128xf32, #tpu.memory_space<vmem>>) target(%dma_start3A_28 : memref<10240x128xf32, #tpu.memory_space<vmem_shared>>) offsets(%arg6 : memref<80xi32, #tpu.memory_space<vmem>>) semaphore(%arg15 : memref<!tpu.dma_semaphore, #tpu.memory_space<semaphore_mem>>) {add = true}
    %dma_wait3A_29 = arith.constant 0 : i32
    %dma_wait3A_30 = arith.constant 0 : i32
    %dma_wait3A_31 = tpu.memref_slice %arg10[%dma_wait3A_29, %dma_wait3A_30] : memref<10240x128xf32, #tpu.memory_space<vmem_shared>> -> memref<10240x128xf32, #tpu.memory_space<vmem_shared>>
    tpu.wait_indirect_dma semaphore(%arg15 : memref<!tpu.dma_semaphore, #tpu.memory_space<semaphore_mem>>) src(%arg8 : memref<80x128xf32, #tpu.memory_space<vmem>>) dst(%dma_wait3A_31 : memref<10240x128xf32, #tpu.memory_space<vmem_shared>>)
    %dma_wait3A_32 = arith.constant 0 : i32
    %dma_wait3A_33 = arith.constant 0 : i32
    %dma_wait3A_34 = tpu.memref_slice %arg10[%dma_wait3A_32, %dma_wait3A_33] : memref<10240x128xf32, #tpu.memory_space<vmem_shared>> -> memref<10240x128xf32, #tpu.memory_space<vmem_shared>>
    tpu.wait_indirect_dma semaphore(%arg16 : memref<!tpu.dma_semaphore, #tpu.memory_space<semaphore_mem>>) src(%arg9 : memref<80x128xf32, #tpu.memory_space<vmem>>) dst(%dma_wait3A_34 : memref<10240x128xf32, #tpu.memory_space<vmem_shared>>)
    %barrier3A_35 = arith.constant 0 : index
    tpu.barrier barrier_id(%barrier3A_35)
    %mul3A_36 = arith.constant 640 : i32
    %mul3A_37 = arith.muli %arg1, %mul3A_36 : i32
    %mul3A_38 = arith.constant 640 : i32
    %mul3A_39 = arith.muli %arg1, %mul3A_38 : i32
    "tpu.region"() ({
      %run_scoped3A = tpu.sem_alloc : memref<!tpu.dma_semaphore, #tpu.memory_space<semaphore_mem>>
      %dma_start3A_40 = arith.constant 0 : i32
      %dma_start3A_41 = arith.constant 0 : i32
      %dma_start3A_42 = tpu.memref_slice %arg5[%arg0, %dma_start3A_40, %dma_start3A_41] : memref<2x10240x128xf32, #tpu.memory_space<hbm>> -> memref<1x10240x128xf32, #tpu.memory_space<hbm>>
      %dma_start3A_43 = tpu.memref_squeeze %dma_start3A_42 : memref<1x10240x128xf32, #tpu.memory_space<hbm>> -> memref<10240x128xf32, #tpu.memory_space<hbm>>
      %dma_start3A_44 = arith.constant 0 : i32
      %dma_start3A_45 = tpu.memref_slice %dma_start3A_43[%mul3A_39, %dma_start3A_44] : memref<10240x128xf32, #tpu.memory_space<hbm>> -> memref<640x128xf32, #tpu.memory_space<hbm>>
      %dma_start3A_46 = arith.constant 0 : i32
      %dma_start3A_47 = tpu.memref_slice %arg10[%mul3A_37, %dma_start3A_46] : memref<10240x128xf32, #tpu.memory_space<vmem_shared>> -> memref<640x128xf32, #tpu.memory_space<vmem_shared>>
      tpu.enqueue_dma source(%dma_start3A_47 : memref<640x128xf32, #tpu.memory_space<vmem_shared>>) target(%dma_start3A_45 : memref<640x128xf32, #tpu.memory_space<hbm>>) target_semaphore(%run_scoped3A : memref<!tpu.dma_semaphore, #tpu.memory_space<semaphore_mem>>)
      %dma_wait3A_48 = arith.constant 0 : i32
      %dma_wait3A_49 = arith.constant 0 : i32
      %dma_wait3A_50 = tpu.memref_slice %arg5[%arg0, %dma_wait3A_48, %dma_wait3A_49] : memref<2x10240x128xf32, #tpu.memory_space<hbm>> -> memref<1x10240x128xf32, #tpu.memory_space<hbm>>
      %dma_wait3A_51 = tpu.memref_squeeze %dma_wait3A_50 : memref<1x10240x128xf32, #tpu.memory_space<hbm>> -> memref<10240x128xf32, #tpu.memory_space<hbm>>
      %dma_wait3A_52 = arith.constant 0 : i32
      %dma_wait3A_53 = tpu.memref_slice %dma_wait3A_51[%mul3A_39, %dma_wait3A_52] : memref<10240x128xf32, #tpu.memory_space<hbm>> -> memref<640x128xf32, #tpu.memory_space<hbm>>
      %dma_wait3A_54 = arith.constant 0 : i32
      %dma_wait3A_55 = tpu.memref_slice %arg10[%mul3A_37, %dma_wait3A_54] : memref<10240x128xf32, #tpu.memory_space<vmem_shared>> -> memref<640x128xf32, #tpu.memory_space<vmem_shared>>
      tpu.wait_dma2 semaphore(%run_scoped3A : memref<!tpu.dma_semaphore, #tpu.memory_space<semaphore_mem>>) src(%dma_wait3A_55 : memref<640x128xf32, #tpu.memory_space<vmem_shared>>) dst(%dma_wait3A_53 : memref<640x128xf32, #tpu.memory_space<hbm>>)
      tpu.yield
    }) : () -> ()
    return
  }
}

#map = affine_map<(d0, d1) -> (0, 0)>
#map1 = affine_map<(d0, d1) -> (0)>
#map2 = affine_map<(d0, d1) -> (0, 0, 0)>
module attributes {stable_mosaic.version = 14 : i64} {
  func.func @sc_scatter_0(%arg0: i32, %arg1: i32, %arg2: memref<71680x128xf32, #tpu.memory_space<hbm>>, %arg3: memref<320000xi32, #tpu.memory_space<hbm>>, %arg4: memref<640x128xf32, #tpu.memory_space<hbm>>, %arg5: memref<2x10240x128xf32, #tpu.memory_space<hbm>>, %arg6: memref<80xi32, #tpu.memory_space<vmem>>, %arg7: memref<80xi32, #tpu.memory_space<vmem>>, %arg8: memref<80x128xf32, #tpu.memory_space<vmem>>, %arg9: memref<80x128xf32, #tpu.memory_space<vmem>>, %arg10: memref<10240x128xf32, #tpu.memory_space<vmem_shared>>, %arg11: memref<!tpu.dma_semaphore, #tpu.memory_space<semaphore_mem>>, %arg12: memref<!tpu.dma_semaphore, #tpu.memory_space<semaphore_mem>>, %arg13: memref<!tpu.dma_semaphore, #tpu.memory_space<semaphore_mem>>, %arg14: memref<!tpu.dma_semaphore, #tpu.memory_space<semaphore_mem>>, %arg15: memref<!tpu.dma_semaphore, #tpu.memory_space<semaphore_mem>>, %arg16: memref<!tpu.dma_semaphore, #tpu.memory_space<semaphore_mem>>) attributes {dimension_semantics = [#tpu.dimension_semantics<core_parallel>, #tpu.dimension_semantics<subcore_parallel>], iteration_bounds = array<i64: 2, 16>, scalar_prefetch = 0 : i64, scratch_operands = 11 : i64, tpu.core_type = #tpu.core_type<sc_vector_subcore>, window_params = [{transform_indices = #map}, {transform_indices = #map1}, {transform_indices = #map}, {transform_indices = #map2}]} {
    %mul3A = arith.constant 640 : i32
    %mul3A_0 = arith.muli %arg1, %mul3A : i32
    "tpu.region"() ({
      %run_scoped3A = tpu.sem_alloc : memref<!tpu.dma_semaphore, #tpu.memory_space<semaphore_mem>>
      %dma_start3A = arith.constant 0 : i32
      %dma_start3A_19 = tpu.memref_slice %arg10[%mul3A_0, %dma_start3A] : memref<10240x128xf32, #tpu.memory_space<vmem_shared>> -> memref<640x128xf32, #tpu.memory_space<vmem_shared>>
      tpu.enqueue_dma source(%arg4 : memref<640x128xf32, #tpu.memory_space<hbm>>) target(%dma_start3A_19 : memref<640x128xf32, #tpu.memory_space<vmem_shared>>) target_semaphore(%run_scoped3A : memref<!tpu.dma_semaphore, #tpu.memory_space<semaphore_mem>>)
      %dma_wait3A_20 = arith.constant 0 : i32
      %dma_wait3A_21 = tpu.memref_slice %arg10[%mul3A_0, %dma_wait3A_20] : memref<10240x128xf32, #tpu.memory_space<vmem_shared>> -> memref<640x128xf32, #tpu.memory_space<vmem_shared>>
      tpu.wait_dma2 semaphore(%run_scoped3A : memref<!tpu.dma_semaphore, #tpu.memory_space<semaphore_mem>>) src(%arg4 : memref<640x128xf32, #tpu.memory_space<hbm>>) dst(%dma_wait3A_21 : memref<640x128xf32, #tpu.memory_space<vmem_shared>>)
      tpu.yield
    }) : () -> ()
    %barrier3A = arith.constant 0 : index
    tpu.barrier barrier_id(%barrier3A)
    %mul3A_1 = arith.constant 16 : i32
    %mul3A_2 = arith.muli %arg0, %mul3A_1 : i32
    %add3A = arith.addi %mul3A_2, %arg1 : i32
    %mul3A_3 = arith.constant 2240 : i32
    %mul3A_4 = arith.muli %add3A, %mul3A_3 : i32
    %scan3A = arith.constant 0 : i32
    %scan3A_5 = arith.constant 14 : i32
    %scan3A_6 = arith.addi %scan3A, %scan3A_5 : i32
    %scan3A_7 = arith.constant 1 : i32
    scf.for %scan3A_19 = %scan3A to %scan3A_6 step %scan3A_7  : i32 {
      %mul3A_20 = arith.constant 1 : i32
      %mul3A_21 = arith.muli %scan3A_19, %mul3A_20 : i32
      %add3A_22 = arith.constant 0 : i32
      %add3A_23 = arith.addi %add3A_22, %mul3A_21 : i32
      %mul3A_24 = arith.constant 2 : i32
      %mul3A_25 = arith.muli %mul3A_24, %add3A_23 : i32
      %mul3A_26 = arith.constant 80 : i32
      %mul3A_27 = arith.muli %mul3A_25, %mul3A_26 : i32
      %add3A_28 = arith.addi %mul3A_4, %mul3A_27 : i32
      %add3A_29 = arith.constant 0 : i32
      %add3A_30 = arith.addi %add3A_29, %add3A_28 : i32
      %ge3A = arith.constant 2 : i32
      %ge3A_31 = arith.cmpi sge, %mul3A_25, %ge3A : i32
      %convert_element_type3A = arith.extui %ge3A_31 : i1 to i32
      %cond3A = arith.constant 0 : i32
      %cond3A_32 = arith.cmpi ne, %convert_element_type3A, %cond3A : i32
      scf.if %cond3A_32 {
        %dma_wait3A_76 = arith.constant 0 : i32
        %dma_wait3A_77 = arith.constant 0 : i32
        %dma_wait3A_78 = tpu.memref_slice %arg10[%dma_wait3A_76, %dma_wait3A_77] : memref<10240x128xf32, #tpu.memory_space<vmem_shared>> -> memref<10240x128xf32, #tpu.memory_space<vmem_shared>>
        tpu.wait_indirect_dma semaphore(%arg15 : memref<!tpu.dma_semaphore, #tpu.memory_space<semaphore_mem>>) src(%arg8 : memref<80x128xf32, #tpu.memory_space<vmem>>) dst(%dma_wait3A_78 : memref<10240x128xf32, #tpu.memory_space<vmem_shared>>)
      } else {
      }
      %dma_start3A = tpu.memref_slice %arg3[%add3A_30] : memref<320000xi32, #tpu.memory_space<hbm>> -> memref<80xi32, #tpu.memory_space<hbm>>
      %dma_start3A_33 = tpu.memref_slice %arg3[%add3A_30] : memref<320000xi32, #tpu.memory_space<hbm>> -> memref<80xi32, #tpu.memory_space<hbm>>
      tpu.enqueue_dma source(%dma_start3A_33 : memref<80xi32, #tpu.memory_space<hbm>>) target(%arg6 : memref<80xi32, #tpu.memory_space<vmem>>) target_semaphore(%arg11 : memref<!tpu.dma_semaphore, #tpu.memory_space<semaphore_mem>>)
      %dma_start3A_34 = arith.constant 0 : i32
      %dma_start3A_35 = tpu.memref_slice %arg2[%add3A_28, %dma_start3A_34] : memref<71680x128xf32, #tpu.memory_space<hbm>> -> memref<80x128xf32, #tpu.memory_space<hbm>>
      %dma_start3A_36 = arith.constant 0 : i32
      %dma_start3A_37 = tpu.memref_slice %arg2[%add3A_28, %dma_start3A_36] : memref<71680x128xf32, #tpu.memory_space<hbm>> -> memref<80x128xf32, #tpu.memory_space<hbm>>
      tpu.enqueue_dma source(%dma_start3A_37 : memref<80x128xf32, #tpu.memory_space<hbm>>) target(%arg8 : memref<80x128xf32, #tpu.memory_space<vmem>>) target_semaphore(%arg13 : memref<!tpu.dma_semaphore, #tpu.memory_space<semaphore_mem>>)
      %dma_wait3A_38 = tpu.memref_slice %arg3[%add3A_30] : memref<320000xi32, #tpu.memory_space<hbm>> -> memref<80xi32, #tpu.memory_space<hbm>>
      %dma_wait3A_39 = tpu.memref_slice %arg3[%add3A_30] : memref<320000xi32, #tpu.memory_space<hbm>> -> memref<80xi32, #tpu.memory_space<hbm>>
      tpu.wait_dma2 semaphore(%arg11 : memref<!tpu.dma_semaphore, #tpu.memory_space<semaphore_mem>>) src(%dma_wait3A_39 : memref<80xi32, #tpu.memory_space<hbm>>) dst(%arg6 : memref<80xi32, #tpu.memory_space<vmem>>)
      %dma_wait3A_40 = arith.constant 0 : i32
      %dma_wait3A_41 = tpu.memref_slice %arg2[%add3A_28, %dma_wait3A_40] : memref<71680x128xf32, #tpu.memory_space<hbm>> -> memref<80x128xf32, #tpu.memory_space<hbm>>
      %dma_wait3A_42 = arith.constant 0 : i32
      %dma_wait3A_43 = tpu.memref_slice %arg2[%add3A_28, %dma_wait3A_42] : memref<71680x128xf32, #tpu.memory_space<hbm>> -> memref<80x128xf32, #tpu.memory_space<hbm>>
      tpu.wait_dma2 semaphore(%arg13 : memref<!tpu.dma_semaphore, #tpu.memory_space<semaphore_mem>>) src(%dma_wait3A_43 : memref<80x128xf32, #tpu.memory_space<hbm>>) dst(%arg8 : memref<80x128xf32, #tpu.memory_space<vmem>>)
      %dma_start3A_44 = arith.constant 0 : i32
      %dma_start3A_45 = arith.constant 0 : i32
      %dma_start3A_46 = tpu.memref_slice %arg10[%dma_start3A_44, %dma_start3A_45] : memref<10240x128xf32, #tpu.memory_space<vmem_shared>> -> memref<10240x128xf32, #tpu.memory_space<vmem_shared>>
      tpu.enqueue_indirect_dma source(%arg8 : memref<80x128xf32, #tpu.memory_space<vmem>>) target(%dma_start3A_46 : memref<10240x128xf32, #tpu.memory_space<vmem_shared>>) offsets(%arg6 : memref<80xi32, #tpu.memory_space<vmem>>) semaphore(%arg15 : memref<!tpu.dma_semaphore, #tpu.memory_space<semaphore_mem>>) {add = true}
      %mul3A_47 = arith.constant 2 : i32
      %mul3A_48 = arith.muli %mul3A_47, %add3A_23 : i32
      %add3A_49 = arith.constant 1 : i32
      %add3A_50 = arith.addi %mul3A_48, %add3A_49 : i32
      %mul3A_51 = arith.constant 80 : i32
      %mul3A_52 = arith.muli %add3A_50, %mul3A_51 : i32
      %add3A_53 = arith.addi %mul3A_4, %mul3A_52 : i32
      %add3A_54 = arith.constant 0 : i32
      %add3A_55 = arith.addi %add3A_54, %add3A_53 : i32
      %ge3A_56 = arith.constant 2 : i32
      %ge3A_57 = arith.cmpi sge, %add3A_50, %ge3A_56 : i32
      %convert_element_type3A_58 = arith.extui %ge3A_57 : i1 to i32
      %cond3A_59 = arith.constant 0 : i32
      %cond3A_60 = arith.cmpi ne, %convert_element_type3A_58, %cond3A_59 : i32
      scf.if %cond3A_60 {
        %dma_wait3A_76 = arith.constant 0 : i32
        %dma_wait3A_77 = arith.constant 0 : i32
        %dma_wait3A_78 = tpu.memref_slice %arg10[%dma_wait3A_76, %dma_wait3A_77] : memref<10240x128xf32, #tpu.memory_space<vmem_shared>> -> memref<10240x128xf32, #tpu.memory_space<vmem_shared>>
        tpu.wait_indirect_dma semaphore(%arg16 : memref<!tpu.dma_semaphore, #tpu.memory_space<semaphore_mem>>) src(%arg9 : memref<80x128xf32, #tpu.memory_space<vmem>>) dst(%dma_wait3A_78 : memref<10240x128xf32, #tpu.memory_space<vmem_shared>>)
      } else {
      }
      %dma_start3A_61 = tpu.memref_slice %arg3[%add3A_55] : memref<320000xi32, #tpu.memory_space<hbm>> -> memref<80xi32, #tpu.memory_space<hbm>>
      %dma_start3A_62 = tpu.memref_slice %arg3[%add3A_55] : memref<320000xi32, #tpu.memory_space<hbm>> -> memref<80xi32, #tpu.memory_space<hbm>>
      tpu.enqueue_dma source(%dma_start3A_62 : memref<80xi32, #tpu.memory_space<hbm>>) target(%arg7 : memref<80xi32, #tpu.memory_space<vmem>>) target_semaphore(%arg12 : memref<!tpu.dma_semaphore, #tpu.memory_space<semaphore_mem>>)
      %dma_start3A_63 = arith.constant 0 : i32
      %dma_start3A_64 = tpu.memref_slice %arg2[%add3A_53, %dma_start3A_63] : memref<71680x128xf32, #tpu.memory_space<hbm>> -> memref<80x128xf32, #tpu.memory_space<hbm>>
      %dma_start3A_65 = arith.constant 0 : i32
      %dma_start3A_66 = tpu.memref_slice %arg2[%add3A_53, %dma_start3A_65] : memref<71680x128xf32, #tpu.memory_space<hbm>> -> memref<80x128xf32, #tpu.memory_space<hbm>>
      tpu.enqueue_dma source(%dma_start3A_66 : memref<80x128xf32, #tpu.memory_space<hbm>>) target(%arg9 : memref<80x128xf32, #tpu.memory_space<vmem>>) target_semaphore(%arg14 : memref<!tpu.dma_semaphore, #tpu.memory_space<semaphore_mem>>)
      %dma_wait3A_67 = tpu.memref_slice %arg3[%add3A_55] : memref<320000xi32, #tpu.memory_space<hbm>> -> memref<80xi32, #tpu.memory_space<hbm>>
      %dma_wait3A_68 = tpu.memref_slice %arg3[%add3A_55] : memref<320000xi32, #tpu.memory_space<hbm>> -> memref<80xi32, #tpu.memory_space<hbm>>
      tpu.wait_dma2 semaphore(%arg12 : memref<!tpu.dma_semaphore, #tpu.memory_space<semaphore_mem>>) src(%dma_wait3A_68 : memref<80xi32, #tpu.memory_space<hbm>>) dst(%arg7 : memref<80xi32, #tpu.memory_space<vmem>>)
      %dma_wait3A_69 = arith.constant 0 : i32
      %dma_wait3A_70 = tpu.memref_slice %arg2[%add3A_53, %dma_wait3A_69] : memref<71680x128xf32, #tpu.memory_space<hbm>> -> memref<80x128xf32, #tpu.memory_space<hbm>>
      %dma_wait3A_71 = arith.constant 0 : i32
      %dma_wait3A_72 = tpu.memref_slice %arg2[%add3A_53, %dma_wait3A_71] : memref<71680x128xf32, #tpu.memory_space<hbm>> -> memref<80x128xf32, #tpu.memory_space<hbm>>
      tpu.wait_dma2 semaphore(%arg14 : memref<!tpu.dma_semaphore, #tpu.memory_space<semaphore_mem>>) src(%dma_wait3A_72 : memref<80x128xf32, #tpu.memory_space<hbm>>) dst(%arg9 : memref<80x128xf32, #tpu.memory_space<vmem>>)
      %dma_start3A_73 = arith.constant 0 : i32
      %dma_start3A_74 = arith.constant 0 : i32
      %dma_start3A_75 = tpu.memref_slice %arg10[%dma_start3A_73, %dma_start3A_74] : memref<10240x128xf32, #tpu.memory_space<vmem_shared>> -> memref<10240x128xf32, #tpu.memory_space<vmem_shared>>
      tpu.enqueue_indirect_dma source(%arg9 : memref<80x128xf32, #tpu.memory_space<vmem>>) target(%dma_start3A_75 : memref<10240x128xf32, #tpu.memory_space<vmem_shared>>) offsets(%arg7 : memref<80xi32, #tpu.memory_space<vmem>>) semaphore(%arg16 : memref<!tpu.dma_semaphore, #tpu.memory_space<semaphore_mem>>) {add = true}
    }
    %scan3A_8 = arith.constant 14 : i32
    %dma_wait3A = arith.constant 0 : i32
    %dma_wait3A_9 = arith.constant 0 : i32
    %dma_wait3A_10 = tpu.memref_slice %arg10[%dma_wait3A, %dma_wait3A_9] : memref<10240x128xf32, #tpu.memory_space<vmem_shared>> -> memref<10240x128xf32, #tpu.memory_space<vmem_shared>>
    tpu.wait_indirect_dma semaphore(%arg16 : memref<!tpu.dma_semaphore, #tpu.memory_space<semaphore_mem>>) src(%arg9 : memref<80x128xf32, #tpu.memory_space<vmem>>) dst(%dma_wait3A_10 : memref<10240x128xf32, #tpu.memory_space<vmem_shared>>)
    %dma_wait3A_11 = arith.constant 0 : i32
    %dma_wait3A_12 = arith.constant 0 : i32
    %dma_wait3A_13 = tpu.memref_slice %arg10[%dma_wait3A_11, %dma_wait3A_12] : memref<10240x128xf32, #tpu.memory_space<vmem_shared>> -> memref<10240x128xf32, #tpu.memory_space<vmem_shared>>
    tpu.wait_indirect_dma semaphore(%arg15 : memref<!tpu.dma_semaphore, #tpu.memory_space<semaphore_mem>>) src(%arg8 : memref<80x128xf32, #tpu.memory_space<vmem>>) dst(%dma_wait3A_13 : memref<10240x128xf32, #tpu.memory_space<vmem_shared>>)
    %barrier3A_14 = arith.constant 0 : index
    tpu.barrier barrier_id(%barrier3A_14)
    %mul3A_15 = arith.constant 640 : i32
    %mul3A_16 = arith.muli %arg1, %mul3A_15 : i32
    %mul3A_17 = arith.constant 640 : i32
    %mul3A_18 = arith.muli %arg1, %mul3A_17 : i32
    "tpu.region"() ({
      %run_scoped3A = tpu.sem_alloc : memref<!tpu.dma_semaphore, #tpu.memory_space<semaphore_mem>>
      %dma_start3A = arith.constant 0 : i32
      %dma_start3A_19 = arith.constant 0 : i32
      %dma_start3A_20 = tpu.memref_slice %arg5[%arg0, %dma_start3A, %dma_start3A_19] : memref<2x10240x128xf32, #tpu.memory_space<hbm>> -> memref<1x10240x128xf32, #tpu.memory_space<hbm>>
      %dma_start3A_21 = tpu.memref_squeeze %dma_start3A_20 : memref<1x10240x128xf32, #tpu.memory_space<hbm>> -> memref<10240x128xf32, #tpu.memory_space<hbm>>
      %dma_start3A_22 = arith.constant 0 : i32
      %dma_start3A_23 = tpu.memref_slice %dma_start3A_21[%mul3A_18, %dma_start3A_22] : memref<10240x128xf32, #tpu.memory_space<hbm>> -> memref<640x128xf32, #tpu.memory_space<hbm>>
      %dma_start3A_24 = arith.constant 0 : i32
      %dma_start3A_25 = tpu.memref_slice %arg10[%mul3A_16, %dma_start3A_24] : memref<10240x128xf32, #tpu.memory_space<vmem_shared>> -> memref<640x128xf32, #tpu.memory_space<vmem_shared>>
      tpu.enqueue_dma source(%dma_start3A_25 : memref<640x128xf32, #tpu.memory_space<vmem_shared>>) target(%dma_start3A_23 : memref<640x128xf32, #tpu.memory_space<hbm>>) target_semaphore(%run_scoped3A : memref<!tpu.dma_semaphore, #tpu.memory_space<semaphore_mem>>)
      %dma_wait3A_26 = arith.constant 0 : i32
      %dma_wait3A_27 = arith.constant 0 : i32
      %dma_wait3A_28 = tpu.memref_slice %arg5[%arg0, %dma_wait3A_26, %dma_wait3A_27] : memref<2x10240x128xf32, #tpu.memory_space<hbm>> -> memref<1x10240x128xf32, #tpu.memory_space<hbm>>
      %dma_wait3A_29 = tpu.memref_squeeze %dma_wait3A_28 : memref<1x10240x128xf32, #tpu.memory_space<hbm>> -> memref<10240x128xf32, #tpu.memory_space<hbm>>
      %dma_wait3A_30 = arith.constant 0 : i32
      %dma_wait3A_31 = tpu.memref_slice %dma_wait3A_29[%mul3A_18, %dma_wait3A_30] : memref<10240x128xf32, #tpu.memory_space<hbm>> -> memref<640x128xf32, #tpu.memory_space<hbm>>
      %dma_wait3A_32 = arith.constant 0 : i32
      %dma_wait3A_33 = tpu.memref_slice %arg10[%mul3A_16, %dma_wait3A_32] : memref<10240x128xf32, #tpu.memory_space<vmem_shared>> -> memref<640x128xf32, #tpu.memory_space<vmem_shared>>
      tpu.wait_dma2 semaphore(%run_scoped3A : memref<!tpu.dma_semaphore, #tpu.memory_space<semaphore_mem>>) src(%dma_wait3A_33 : memref<640x128xf32, #tpu.memory_space<vmem_shared>>) dst(%dma_wait3A_31 : memref<640x128xf32, #tpu.memory_space<hbm>>)
      tpu.yield
    }) : () -> ()
    return
  }
}

#map = affine_map<(d0, d1) -> (0, 0)>
#map1 = affine_map<(d0, d1) -> (0)>
#map2 = affine_map<(d0, d1) -> (0, 0, 0)>
module attributes {stable_mosaic.version = 14 : i64} {
  func.func @sc_scatter_3(%arg0: i32, %arg1: i32, %arg2: memref<58880x128xf32, #tpu.memory_space<hbm>>, %arg3: memref<320000xi32, #tpu.memory_space<hbm>>, %arg4: memref<640x128xf32, #tpu.memory_space<hbm>>, %arg5: memref<2x10240x128xf32, #tpu.memory_space<hbm>>, %arg6: memref<80xi32, #tpu.memory_space<vmem>>, %arg7: memref<80xi32, #tpu.memory_space<vmem>>, %arg8: memref<80x128xf32, #tpu.memory_space<vmem>>, %arg9: memref<80x128xf32, #tpu.memory_space<vmem>>, %arg10: memref<10240x128xf32, #tpu.memory_space<vmem_shared>>, %arg11: memref<!tpu.dma_semaphore, #tpu.memory_space<semaphore_mem>>, %arg12: memref<!tpu.dma_semaphore, #tpu.memory_space<semaphore_mem>>, %arg13: memref<!tpu.dma_semaphore, #tpu.memory_space<semaphore_mem>>, %arg14: memref<!tpu.dma_semaphore, #tpu.memory_space<semaphore_mem>>, %arg15: memref<!tpu.dma_semaphore, #tpu.memory_space<semaphore_mem>>, %arg16: memref<!tpu.dma_semaphore, #tpu.memory_space<semaphore_mem>>) attributes {dimension_semantics = [#tpu.dimension_semantics<core_parallel>, #tpu.dimension_semantics<subcore_parallel>], iteration_bounds = array<i64: 2, 16>, scalar_prefetch = 0 : i64, scratch_operands = 11 : i64, tpu.core_type = #tpu.core_type<sc_vector_subcore>, window_params = [{transform_indices = #map}, {transform_indices = #map1}, {transform_indices = #map}, {transform_indices = #map2}]} {
    %mul3A = arith.constant 640 : i32
    %mul3A_0 = arith.muli %arg1, %mul3A : i32
    "tpu.region"() ({
      %run_scoped3A = tpu.sem_alloc : memref<!tpu.dma_semaphore, #tpu.memory_space<semaphore_mem>>
      %dma_start3A_40 = arith.constant 0 : i32
      %dma_start3A_41 = tpu.memref_slice %arg10[%mul3A_0, %dma_start3A_40] : memref<10240x128xf32, #tpu.memory_space<vmem_shared>> -> memref<640x128xf32, #tpu.memory_space<vmem_shared>>
      tpu.enqueue_dma source(%arg4 : memref<640x128xf32, #tpu.memory_space<hbm>>) target(%dma_start3A_41 : memref<640x128xf32, #tpu.memory_space<vmem_shared>>) target_semaphore(%run_scoped3A : memref<!tpu.dma_semaphore, #tpu.memory_space<semaphore_mem>>)
      %dma_wait3A_42 = arith.constant 0 : i32
      %dma_wait3A_43 = tpu.memref_slice %arg10[%mul3A_0, %dma_wait3A_42] : memref<10240x128xf32, #tpu.memory_space<vmem_shared>> -> memref<640x128xf32, #tpu.memory_space<vmem_shared>>
      tpu.wait_dma2 semaphore(%run_scoped3A : memref<!tpu.dma_semaphore, #tpu.memory_space<semaphore_mem>>) src(%arg4 : memref<640x128xf32, #tpu.memory_space<hbm>>) dst(%dma_wait3A_43 : memref<640x128xf32, #tpu.memory_space<vmem_shared>>)
      tpu.yield
    }) : () -> ()
    %barrier3A = arith.constant 0 : index
    tpu.barrier barrier_id(%barrier3A)
    %mul3A_1 = arith.constant 16 : i32
    %mul3A_2 = arith.muli %arg0, %mul3A_1 : i32
    %add3A = arith.addi %mul3A_2, %arg1 : i32
    %mul3A_3 = arith.constant 1840 : i32
    %mul3A_4 = arith.muli %add3A, %mul3A_3 : i32
    %scan3A = arith.constant 0 : i32
    %scan3A_5 = arith.constant 11 : i32
    %scan3A_6 = arith.addi %scan3A, %scan3A_5 : i32
    %scan3A_7 = arith.constant 1 : i32
    scf.for %scan3A_40 = %scan3A to %scan3A_6 step %scan3A_7  : i32 {
      %mul3A_41 = arith.constant 1 : i32
      %mul3A_42 = arith.muli %scan3A_40, %mul3A_41 : i32
      %add3A_43 = arith.constant 0 : i32
      %add3A_44 = arith.addi %add3A_43, %mul3A_42 : i32
      %mul3A_45 = arith.constant 2 : i32
      %mul3A_46 = arith.muli %mul3A_45, %add3A_44 : i32
      %mul3A_47 = arith.constant 80 : i32
      %mul3A_48 = arith.muli %mul3A_46, %mul3A_47 : i32
      %add3A_49 = arith.addi %mul3A_4, %mul3A_48 : i32
      %add3A_50 = arith.constant 261120 : i32
      %add3A_51 = arith.addi %add3A_50, %add3A_49 : i32
      %ge3A = arith.constant 2 : i32
      %ge3A_52 = arith.cmpi sge, %mul3A_46, %ge3A : i32
      %convert_element_type3A = arith.extui %ge3A_52 : i1 to i32
      %cond3A = arith.constant 0 : i32
      %cond3A_53 = arith.cmpi ne, %convert_element_type3A, %cond3A : i32
      scf.if %cond3A_53 {
        %dma_wait3A_98 = arith.constant 0 : i32
        %dma_wait3A_99 = arith.constant 0 : i32
        %dma_wait3A_100 = tpu.memref_slice %arg10[%dma_wait3A_98, %dma_wait3A_99] : memref<10240x128xf32, #tpu.memory_space<vmem_shared>> -> memref<10240x128xf32, #tpu.memory_space<vmem_shared>>
        tpu.wait_indirect_dma semaphore(%arg15 : memref<!tpu.dma_semaphore, #tpu.memory_space<semaphore_mem>>) src(%arg8 : memref<80x128xf32, #tpu.memory_space<vmem>>) dst(%dma_wait3A_100 : memref<10240x128xf32, #tpu.memory_space<vmem_shared>>)
      } else {
      }
      %dma_start3A_54 = tpu.memref_slice %arg3[%add3A_51] : memref<320000xi32, #tpu.memory_space<hbm>> -> memref<80xi32, #tpu.memory_space<hbm>>
      %dma_start3A_55 = tpu.memref_slice %arg3[%add3A_51] : memref<320000xi32, #tpu.memory_space<hbm>> -> memref<80xi32, #tpu.memory_space<hbm>>
      tpu.enqueue_dma source(%dma_start3A_55 : memref<80xi32, #tpu.memory_space<hbm>>) target(%arg6 : memref<80xi32, #tpu.memory_space<vmem>>) target_semaphore(%arg11 : memref<!tpu.dma_semaphore, #tpu.memory_space<semaphore_mem>>)
      %dma_start3A_56 = arith.constant 0 : i32
      %dma_start3A_57 = tpu.memref_slice %arg2[%add3A_49, %dma_start3A_56] : memref<58880x128xf32, #tpu.memory_space<hbm>> -> memref<80x128xf32, #tpu.memory_space<hbm>>
      %dma_start3A_58 = arith.constant 0 : i32
      %dma_start3A_59 = tpu.memref_slice %arg2[%add3A_49, %dma_start3A_58] : memref<58880x128xf32, #tpu.memory_space<hbm>> -> memref<80x128xf32, #tpu.memory_space<hbm>>
      tpu.enqueue_dma source(%dma_start3A_59 : memref<80x128xf32, #tpu.memory_space<hbm>>) target(%arg8 : memref<80x128xf32, #tpu.memory_space<vmem>>) target_semaphore(%arg13 : memref<!tpu.dma_semaphore, #tpu.memory_space<semaphore_mem>>)
      %dma_wait3A_60 = tpu.memref_slice %arg3[%add3A_51] : memref<320000xi32, #tpu.memory_space<hbm>> -> memref<80xi32, #tpu.memory_space<hbm>>
      %dma_wait3A_61 = tpu.memref_slice %arg3[%add3A_51] : memref<320000xi32, #tpu.memory_space<hbm>> -> memref<80xi32, #tpu.memory_space<hbm>>
      tpu.wait_dma2 semaphore(%arg11 : memref<!tpu.dma_semaphore, #tpu.memory_space<semaphore_mem>>) src(%dma_wait3A_61 : memref<80xi32, #tpu.memory_space<hbm>>) dst(%arg6 : memref<80xi32, #tpu.memory_space<vmem>>)
      %dma_wait3A_62 = arith.constant 0 : i32
      %dma_wait3A_63 = tpu.memref_slice %arg2[%add3A_49, %dma_wait3A_62] : memref<58880x128xf32, #tpu.memory_space<hbm>> -> memref<80x128xf32, #tpu.memory_space<hbm>>
      %dma_wait3A_64 = arith.constant 0 : i32
      %dma_wait3A_65 = tpu.memref_slice %arg2[%add3A_49, %dma_wait3A_64] : memref<58880x128xf32, #tpu.memory_space<hbm>> -> memref<80x128xf32, #tpu.memory_space<hbm>>
      tpu.wait_dma2 semaphore(%arg13 : memref<!tpu.dma_semaphore, #tpu.memory_space<semaphore_mem>>) src(%dma_wait3A_65 : memref<80x128xf32, #tpu.memory_space<hbm>>) dst(%arg8 : memref<80x128xf32, #tpu.memory_space<vmem>>)
      %dma_start3A_66 = arith.constant 0 : i32
      %dma_start3A_67 = arith.constant 0 : i32
      %dma_start3A_68 = tpu.memref_slice %arg10[%dma_start3A_66, %dma_start3A_67] : memref<10240x128xf32, #tpu.memory_space<vmem_shared>> -> memref<10240x128xf32, #tpu.memory_space<vmem_shared>>
      tpu.enqueue_indirect_dma source(%arg8 : memref<80x128xf32, #tpu.memory_space<vmem>>) target(%dma_start3A_68 : memref<10240x128xf32, #tpu.memory_space<vmem_shared>>) offsets(%arg6 : memref<80xi32, #tpu.memory_space<vmem>>) semaphore(%arg15 : memref<!tpu.dma_semaphore, #tpu.memory_space<semaphore_mem>>) {add = true}
      %mul3A_69 = arith.constant 2 : i32
      %mul3A_70 = arith.muli %mul3A_69, %add3A_44 : i32
      %add3A_71 = arith.constant 1 : i32
      %add3A_72 = arith.addi %mul3A_70, %add3A_71 : i32
      %mul3A_73 = arith.constant 80 : i32
      %mul3A_74 = arith.muli %add3A_72, %mul3A_73 : i32
      %add3A_75 = arith.addi %mul3A_4, %mul3A_74 : i32
      %add3A_76 = arith.constant 261120 : i32
      %add3A_77 = arith.addi %add3A_76, %add3A_75 : i32
      %ge3A_78 = arith.constant 2 : i32
      %ge3A_79 = arith.cmpi sge, %add3A_72, %ge3A_78 : i32
      %convert_element_type3A_80 = arith.extui %ge3A_79 : i1 to i32
      %cond3A_81 = arith.constant 0 : i32
      %cond3A_82 = arith.cmpi ne, %convert_element_type3A_80, %cond3A_81 : i32
      scf.if %cond3A_82 {
        %dma_wait3A_98 = arith.constant 0 : i32
        %dma_wait3A_99 = arith.constant 0 : i32
        %dma_wait3A_100 = tpu.memref_slice %arg10[%dma_wait3A_98, %dma_wait3A_99] : memref<10240x128xf32, #tpu.memory_space<vmem_shared>> -> memref<10240x128xf32, #tpu.memory_space<vmem_shared>>
        tpu.wait_indirect_dma semaphore(%arg16 : memref<!tpu.dma_semaphore, #tpu.memory_space<semaphore_mem>>) src(%arg9 : memref<80x128xf32, #tpu.memory_space<vmem>>) dst(%dma_wait3A_100 : memref<10240x128xf32, #tpu.memory_space<vmem_shared>>)
      } else {
      }
      %dma_start3A_83 = tpu.memref_slice %arg3[%add3A_77] : memref<320000xi32, #tpu.memory_space<hbm>> -> memref<80xi32, #tpu.memory_space<hbm>>
      %dma_start3A_84 = tpu.memref_slice %arg3[%add3A_77] : memref<320000xi32, #tpu.memory_space<hbm>> -> memref<80xi32, #tpu.memory_space<hbm>>
      tpu.enqueue_dma source(%dma_start3A_84 : memref<80xi32, #tpu.memory_space<hbm>>) target(%arg7 : memref<80xi32, #tpu.memory_space<vmem>>) target_semaphore(%arg12 : memref<!tpu.dma_semaphore, #tpu.memory_space<semaphore_mem>>)
      %dma_start3A_85 = arith.constant 0 : i32
      %dma_start3A_86 = tpu.memref_slice %arg2[%add3A_75, %dma_start3A_85] : memref<58880x128xf32, #tpu.memory_space<hbm>> -> memref<80x128xf32, #tpu.memory_space<hbm>>
      %dma_start3A_87 = arith.constant 0 : i32
      %dma_start3A_88 = tpu.memref_slice %arg2[%add3A_75, %dma_start3A_87] : memref<58880x128xf32, #tpu.memory_space<hbm>> -> memref<80x128xf32, #tpu.memory_space<hbm>>
      tpu.enqueue_dma source(%dma_start3A_88 : memref<80x128xf32, #tpu.memory_space<hbm>>) target(%arg9 : memref<80x128xf32, #tpu.memory_space<vmem>>) target_semaphore(%arg14 : memref<!tpu.dma_semaphore, #tpu.memory_space<semaphore_mem>>)
      %dma_wait3A_89 = tpu.memref_slice %arg3[%add3A_77] : memref<320000xi32, #tpu.memory_space<hbm>> -> memref<80xi32, #tpu.memory_space<hbm>>
      %dma_wait3A_90 = tpu.memref_slice %arg3[%add3A_77] : memref<320000xi32, #tpu.memory_space<hbm>> -> memref<80xi32, #tpu.memory_space<hbm>>
      tpu.wait_dma2 semaphore(%arg12 : memref<!tpu.dma_semaphore, #tpu.memory_space<semaphore_mem>>) src(%dma_wait3A_90 : memref<80xi32, #tpu.memory_space<hbm>>) dst(%arg7 : memref<80xi32, #tpu.memory_space<vmem>>)
      %dma_wait3A_91 = arith.constant 0 : i32
      %dma_wait3A_92 = tpu.memref_slice %arg2[%add3A_75, %dma_wait3A_91] : memref<58880x128xf32, #tpu.memory_space<hbm>> -> memref<80x128xf32, #tpu.memory_space<hbm>>
      %dma_wait3A_93 = arith.constant 0 : i32
      %dma_wait3A_94 = tpu.memref_slice %arg2[%add3A_75, %dma_wait3A_93] : memref<58880x128xf32, #tpu.memory_space<hbm>> -> memref<80x128xf32, #tpu.memory_space<hbm>>
      tpu.wait_dma2 semaphore(%arg14 : memref<!tpu.dma_semaphore, #tpu.memory_space<semaphore_mem>>) src(%dma_wait3A_94 : memref<80x128xf32, #tpu.memory_space<hbm>>) dst(%arg9 : memref<80x128xf32, #tpu.memory_space<vmem>>)
      %dma_start3A_95 = arith.constant 0 : i32
      %dma_start3A_96 = arith.constant 0 : i32
      %dma_start3A_97 = tpu.memref_slice %arg10[%dma_start3A_95, %dma_start3A_96] : memref<10240x128xf32, #tpu.memory_space<vmem_shared>> -> memref<10240x128xf32, #tpu.memory_space<vmem_shared>>
      tpu.enqueue_indirect_dma source(%arg9 : memref<80x128xf32, #tpu.memory_space<vmem>>) target(%dma_start3A_97 : memref<10240x128xf32, #tpu.memory_space<vmem_shared>>) offsets(%arg7 : memref<80xi32, #tpu.memory_space<vmem>>) semaphore(%arg16 : memref<!tpu.dma_semaphore, #tpu.memory_space<semaphore_mem>>) {add = true}
    }
    %scan3A_8 = arith.constant 11 : i32
    %add3A_9 = arith.constant 1760 : i32
    %add3A_10 = arith.addi %mul3A_4, %add3A_9 : i32
    %add3A_11 = arith.constant 261120 : i32
    %add3A_12 = arith.addi %add3A_11, %add3A_10 : i32
    %dma_wait3A = arith.constant 0 : i32
    %dma_wait3A_13 = arith.constant 0 : i32
    %dma_wait3A_14 = tpu.memref_slice %arg10[%dma_wait3A, %dma_wait3A_13] : memref<10240x128xf32, #tpu.memory_space<vmem_shared>> -> memref<10240x128xf32, #tpu.memory_space<vmem_shared>>
    tpu.wait_indirect_dma semaphore(%arg15 : memref<!tpu.dma_semaphore, #tpu.memory_space<semaphore_mem>>) src(%arg8 : memref<80x128xf32, #tpu.memory_space<vmem>>) dst(%dma_wait3A_14 : memref<10240x128xf32, #tpu.memory_space<vmem_shared>>)
    %dma_start3A = tpu.memref_slice %arg3[%add3A_12] : memref<320000xi32, #tpu.memory_space<hbm>> -> memref<80xi32, #tpu.memory_space<hbm>>
    %dma_start3A_15 = tpu.memref_slice %arg3[%add3A_12] : memref<320000xi32, #tpu.memory_space<hbm>> -> memref<80xi32, #tpu.memory_space<hbm>>
    tpu.enqueue_dma source(%dma_start3A_15 : memref<80xi32, #tpu.memory_space<hbm>>) target(%arg6 : memref<80xi32, #tpu.memory_space<vmem>>) target_semaphore(%arg11 : memref<!tpu.dma_semaphore, #tpu.memory_space<semaphore_mem>>)
    %dma_start3A_16 = arith.constant 0 : i32
    %dma_start3A_17 = tpu.memref_slice %arg2[%add3A_10, %dma_start3A_16] : memref<58880x128xf32, #tpu.memory_space<hbm>> -> memref<80x128xf32, #tpu.memory_space<hbm>>
    %dma_start3A_18 = arith.constant 0 : i32
    %dma_start3A_19 = tpu.memref_slice %arg2[%add3A_10, %dma_start3A_18] : memref<58880x128xf32, #tpu.memory_space<hbm>> -> memref<80x128xf32, #tpu.memory_space<hbm>>
    tpu.enqueue_dma source(%dma_start3A_19 : memref<80x128xf32, #tpu.memory_space<hbm>>) target(%arg8 : memref<80x128xf32, #tpu.memory_space<vmem>>) target_semaphore(%arg13 : memref<!tpu.dma_semaphore, #tpu.memory_space<semaphore_mem>>)
    %dma_wait3A_20 = tpu.memref_slice %arg3[%add3A_12] : memref<320000xi32, #tpu.memory_space<hbm>> -> memref<80xi32, #tpu.memory_space<hbm>>
    %dma_wait3A_21 = tpu.memref_slice %arg3[%add3A_12] : memref<320000xi32, #tpu.memory_space<hbm>> -> memref<80xi32, #tpu.memory_space<hbm>>
    tpu.wait_dma2 semaphore(%arg11 : memref<!tpu.dma_semaphore, #tpu.memory_space<semaphore_mem>>) src(%dma_wait3A_21 : memref<80xi32, #tpu.memory_space<hbm>>) dst(%arg6 : memref<80xi32, #tpu.memory_space<vmem>>)
    %dma_wait3A_22 = arith.constant 0 : i32
    %dma_wait3A_23 = tpu.memref_slice %arg2[%add3A_10, %dma_wait3A_22] : memref<58880x128xf32, #tpu.memory_space<hbm>> -> memref<80x128xf32, #tpu.memory_space<hbm>>
    %dma_wait3A_24 = arith.constant 0 : i32
    %dma_wait3A_25 = tpu.memref_slice %arg2[%add3A_10, %dma_wait3A_24] : memref<58880x128xf32, #tpu.memory_space<hbm>> -> memref<80x128xf32, #tpu.memory_space<hbm>>
    tpu.wait_dma2 semaphore(%arg13 : memref<!tpu.dma_semaphore, #tpu.memory_space<semaphore_mem>>) src(%dma_wait3A_25 : memref<80x128xf32, #tpu.memory_space<hbm>>) dst(%arg8 : memref<80x128xf32, #tpu.memory_space<vmem>>)
    %dma_start3A_26 = arith.constant 0 : i32
    %dma_start3A_27 = arith.constant 0 : i32
    %dma_start3A_28 = tpu.memref_slice %arg10[%dma_start3A_26, %dma_start3A_27] : memref<10240x128xf32, #tpu.memory_space<vmem_shared>> -> memref<10240x128xf32, #tpu.memory_space<vmem_shared>>
    tpu.enqueue_indirect_dma source(%arg8 : memref<80x128xf32, #tpu.memory_space<vmem>>) target(%dma_start3A_28 : memref<10240x128xf32, #tpu.memory_space<vmem_shared>>) offsets(%arg6 : memref<80xi32, #tpu.memory_space<vmem>>) semaphore(%arg15 : memref<!tpu.dma_semaphore, #tpu.memory_space<semaphore_mem>>) {add = true}
    %dma_wait3A_29 = arith.constant 0 : i32
    %dma_wait3A_30 = arith.constant 0 : i32
    %dma_wait3A_31 = tpu.memref_slice %arg10[%dma_wait3A_29, %dma_wait3A_30] : memref<10240x128xf32, #tpu.memory_space<vmem_shared>> -> memref<10240x128xf32, #tpu.memory_space<vmem_shared>>
    tpu.wait_indirect_dma semaphore(%arg15 : memref<!tpu.dma_semaphore, #tpu.memory_space<semaphore_mem>>) src(%arg8 : memref<80x128xf32, #tpu.memory_space<vmem>>) dst(%dma_wait3A_31 : memref<10240x128xf32, #tpu.memory_space<vmem_shared>>)
    %dma_wait3A_32 = arith.constant 0 : i32
    %dma_wait3A_33 = arith.constant 0 : i32
    %dma_wait3A_34 = tpu.memref_slice %arg10[%dma_wait3A_32, %dma_wait3A_33] : memref<10240x128xf32, #tpu.memory_space<vmem_shared>> -> memref<10240x128xf32, #tpu.memory_space<vmem_shared>>
    tpu.wait_indirect_dma semaphore(%arg16 : memref<!tpu.dma_semaphore, #tpu.memory_space<semaphore_mem>>) src(%arg9 : memref<80x128xf32, #tpu.memory_space<vmem>>) dst(%dma_wait3A_34 : memref<10240x128xf32, #tpu.memory_space<vmem_shared>>)
    %barrier3A_35 = arith.constant 0 : index
    tpu.barrier barrier_id(%barrier3A_35)
    %mul3A_36 = arith.constant 640 : i32
    %mul3A_37 = arith.muli %arg1, %mul3A_36 : i32
    %mul3A_38 = arith.constant 640 : i32
    %mul3A_39 = arith.muli %arg1, %mul3A_38 : i32
    "tpu.region"() ({
      %run_scoped3A = tpu.sem_alloc : memref<!tpu.dma_semaphore, #tpu.memory_space<semaphore_mem>>
      %dma_start3A_40 = arith.constant 0 : i32
      %dma_start3A_41 = arith.constant 0 : i32
      %dma_start3A_42 = tpu.memref_slice %arg5[%arg0, %dma_start3A_40, %dma_start3A_41] : memref<2x10240x128xf32, #tpu.memory_space<hbm>> -> memref<1x10240x128xf32, #tpu.memory_space<hbm>>
      %dma_start3A_43 = tpu.memref_squeeze %dma_start3A_42 : memref<1x10240x128xf32, #tpu.memory_space<hbm>> -> memref<10240x128xf32, #tpu.memory_space<hbm>>
      %dma_start3A_44 = arith.constant 0 : i32
      %dma_start3A_45 = tpu.memref_slice %dma_start3A_43[%mul3A_39, %dma_start3A_44] : memref<10240x128xf32, #tpu.memory_space<hbm>> -> memref<640x128xf32, #tpu.memory_space<hbm>>
      %dma_start3A_46 = arith.constant 0 : i32
      %dma_start3A_47 = tpu.memref_slice %arg10[%mul3A_37, %dma_start3A_46] : memref<10240x128xf32, #tpu.memory_space<vmem_shared>> -> memref<640x128xf32, #tpu.memory_space<vmem_shared>>
      tpu.enqueue_dma source(%dma_start3A_47 : memref<640x128xf32, #tpu.memory_space<vmem_shared>>) target(%dma_start3A_45 : memref<640x128xf32, #tpu.memory_space<hbm>>) target_semaphore(%run_scoped3A : memref<!tpu.dma_semaphore, #tpu.memory_space<semaphore_mem>>)
      %dma_wait3A_48 = arith.constant 0 : i32
      %dma_wait3A_49 = arith.constant 0 : i32
      %dma_wait3A_50 = tpu.memref_slice %arg5[%arg0, %dma_wait3A_48, %dma_wait3A_49] : memref<2x10240x128xf32, #tpu.memory_space<hbm>> -> memref<1x10240x128xf32, #tpu.memory_space<hbm>>
      %dma_wait3A_51 = tpu.memref_squeeze %dma_wait3A_50 : memref<1x10240x128xf32, #tpu.memory_space<hbm>> -> memref<10240x128xf32, #tpu.memory_space<hbm>>
      %dma_wait3A_52 = arith.constant 0 : i32
      %dma_wait3A_53 = tpu.memref_slice %dma_wait3A_51[%mul3A_39, %dma_wait3A_52] : memref<10240x128xf32, #tpu.memory_space<hbm>> -> memref<640x128xf32, #tpu.memory_space<hbm>>
      %dma_wait3A_54 = arith.constant 0 : i32
      %dma_wait3A_55 = tpu.memref_slice %arg10[%mul3A_37, %dma_wait3A_54] : memref<10240x128xf32, #tpu.memory_space<vmem_shared>> -> memref<640x128xf32, #tpu.memory_space<vmem_shared>>
      tpu.wait_dma2 semaphore(%run_scoped3A : memref<!tpu.dma_semaphore, #tpu.memory_space<semaphore_mem>>) src(%dma_wait3A_55 : memref<640x128xf32, #tpu.memory_space<vmem_shared>>) dst(%dma_wait3A_53 : memref<640x128xf32, #tpu.memory_space<hbm>>)
      tpu.yield
    }) : () -> ()
    return
  }
}

module attributes {stable_mosaic.version = 14 : i64} {
  func.func @tc_edge_mlp_2(%arg0: i32, %arg1: memref<1280x256xf32, #tpu.memory_space<vmem>>, %arg2: memref<16x1280xf32, #tpu.memory_space<vmem>>, %arg3: memref<256x300xf32, #tpu.memory_space<vmem>>, %arg4: memref<16x300xf32, #tpu.memory_space<vmem>>, %arg5: memref<1x300xf32, #tpu.memory_space<vmem>>, %arg6: memref<300x300xf32, #tpu.memory_space<vmem>>, %arg7: memref<1x300xf32, #tpu.memory_space<vmem>>, %arg8: memref<300x128xf32, #tpu.memory_space<vmem>>, %arg9: memref<1x128xf32, #tpu.memory_space<vmem>>, %arg10: memref<1280x128xf32, #tpu.memory_space<vmem>>) attributes {dimension_semantics = [#tpu.dimension_semantics<arbitrary>], iteration_bounds = array<i64: 74>, scalar_prefetch = 0 : i64, scratch_operands = 0 : i64, tpu.core_type = #tpu.core_type<tc>, window_params = [{transform_indices = @transform_0, window_bounds = array<i64: 1280, 256>}, {transform_indices = @transform_1, window_bounds = array<i64: 16, 1280>}, {pipeline_mode = #tpu.pipeline_mode<synchronous>, transform_indices = @transform_2, window_bounds = array<i64: 256, 300>}, {pipeline_mode = #tpu.pipeline_mode<synchronous>, transform_indices = @transform_3, window_bounds = array<i64: 16, 300>}, {pipeline_mode = #tpu.pipeline_mode<synchronous>, transform_indices = @transform_4, window_bounds = array<i64: 1, 300>}, {pipeline_mode = #tpu.pipeline_mode<synchronous>, transform_indices = @transform_5, window_bounds = array<i64: 300, 300>}, {pipeline_mode = #tpu.pipeline_mode<synchronous>, transform_indices = @transform_6, window_bounds = array<i64: 1, 300>}, {pipeline_mode = #tpu.pipeline_mode<synchronous>, transform_indices = @transform_7, window_bounds = array<i64: 300, 128>}, {pipeline_mode = #tpu.pipeline_mode<synchronous>, transform_indices = @transform_8, window_bounds = array<i64: 1, 128>}, {transform_indices = @transform_9, window_bounds = array<i64: 1280, 128>}]} {
    %get3A = arith.constant 0 : index
    %get3A_0 = arith.constant 0 : index
    %get3A_1 = vector.load %arg2[%get3A, %get3A_0] : memref<16x1280xf32, #tpu.memory_space<vmem>>, vector<16x1280xf32>
    %convert_element_type3A = arith.truncf %get3A_1 : vector<16x1280xf32> to vector<16x1280xbf16>
    %get3A_2 = arith.constant 0 : index
    %get3A_3 = arith.constant 0 : index
    %get3A_4 = vector.load %arg4[%get3A_2, %get3A_3] : memref<16x300xf32, #tpu.memory_space<vmem>>, vector<16x300xf32>
    %convert_element_type3A_5 = arith.truncf %get3A_4 : vector<16x300xf32> to vector<16x300xbf16>
    %dot_general3A = arith.constant dense<0.000000e+00> : vector<1280x300xf32>
    %dot_general3A_6 = tpu.matmul %convert_element_type3A, %convert_element_type3A_5, %dot_general3A {dimension_numbers = #tpu.dot_dimension_numbers<[0], [0], [1], [1], [0, 1, 1, 1], [], []>, transpose_lhs_hint = false} : vector<16x1280xbf16>, vector<16x300xbf16>, vector<1280x300xf32> -> vector<1280x300xf32>
    %get3A_7 = arith.constant 0 : index
    %get3A_8 = arith.constant 0 : index
    %get3A_9 = vector.load %arg1[%get3A_7, %get3A_8] : memref<1280x256xf32, #tpu.memory_space<vmem>>, vector<1280x256xf32>
    %get3A_10 = arith.constant 0 : index
    %get3A_11 = arith.constant 0 : index
    %get3A_12 = vector.load %arg3[%get3A_10, %get3A_11] : memref<256x300xf32, #tpu.memory_space<vmem>>, vector<256x300xf32>
    %convert_element_type3A_13 = arith.truncf %get3A_9 : vector<1280x256xf32> to vector<1280x256xbf16>
    %convert_element_type3A_14 = arith.truncf %get3A_12 : vector<256x300xf32> to vector<256x300xbf16>
    %dot_general3A_15 = arith.constant dense<0.000000e+00> : vector<1280x300xf32>
    %dot_general3A_16 = tpu.matmul %convert_element_type3A_13, %convert_element_type3A_14, %dot_general3A_15 {dimension_numbers = #tpu.dot_dimension_numbers<[1], [0], [0], [1], [0, 0, 1, 1], [], []>, transpose_lhs_hint = false} : vector<1280x256xbf16>, vector<256x300xbf16>, vector<1280x300xf32> -> vector<1280x300xf32>
    %add3A = arith.addf %dot_general3A_16, %dot_general3A_6 : vector<1280x300xf32>
    %get3A_17 = arith.constant 0 : index
    %get3A_18 = arith.constant 0 : index
    %get3A_19 = vector.load %arg5[%get3A_17, %get3A_18] : memref<1x300xf32, #tpu.memory_space<vmem>>, vector<1x300xf32>
    %add3A_20 = vector.broadcast %get3A_19 : vector<1x300xf32> to vector<1280x300xf32>
    %add3A_21 = arith.addf %add3A, %add3A_20 : vector<1280x300xf32>
    %convert_element_type3A_22 = arith.truncf %add3A_21 : vector<1280x300xf32> to vector<1280x300xbf16>
    %logistic3A = arith.negf %convert_element_type3A_22 : vector<1280x300xbf16>
    %logistic3A_23 = math.exp %logistic3A : vector<1280x300xbf16>
    %logistic3A_24 = arith.constant 1.000000e+00 : bf16
    %logistic3A_25 = vector.broadcast %logistic3A_24 : bf16 to vector<1280x300xbf16>
    %logistic3A_26 = arith.addf %logistic3A_25, %logistic3A_23 : vector<1280x300xbf16>
    %logistic3A_27 = arith.divf %logistic3A_25, %logistic3A_26 : vector<1280x300xbf16>
    %mul3A = arith.mulf %convert_element_type3A_22, %logistic3A_27 : vector<1280x300xbf16>
    %get3A_28 = arith.constant 0 : index
    %get3A_29 = arith.constant 0 : index
    %get3A_30 = vector.load %arg6[%get3A_28, %get3A_29] : memref<300x300xf32, #tpu.memory_space<vmem>>, vector<300x300xf32>
    %convert_element_type3A_31 = arith.truncf %get3A_30 : vector<300x300xf32> to vector<300x300xbf16>
    %dot_general3A_32 = arith.constant dense<0.000000e+00> : vector<1280x300xf32>
    %dot_general3A_33 = tpu.matmul %mul3A, %convert_element_type3A_31, %dot_general3A_32 {dimension_numbers = #tpu.dot_dimension_numbers<[1], [0], [0], [1], [0, 0, 1, 1], [], []>, transpose_lhs_hint = false} : vector<1280x300xbf16>, vector<300x300xbf16>, vector<1280x300xf32> -> vector<1280x300xf32>
    %get3A_34 = arith.constant 0 : index
    %get3A_35 = arith.constant 0 : index
    %get3A_36 = vector.load %arg7[%get3A_34, %get3A_35] : memref<1x300xf32, #tpu.memory_space<vmem>>, vector<1x300xf32>
    %add3A_37 = vector.broadcast %get3A_36 : vector<1x300xf32> to vector<1280x300xf32>
    %add3A_38 = arith.addf %dot_general3A_33, %add3A_37 : vector<1280x300xf32>
    %convert_element_type3A_39 = arith.truncf %add3A_38 : vector<1280x300xf32> to vector<1280x300xbf16>
    %logistic3A_40 = arith.negf %convert_element_type3A_39 : vector<1280x300xbf16>
    %logistic3A_41 = math.exp %logistic3A_40 : vector<1280x300xbf16>
    %logistic3A_42 = arith.constant 1.000000e+00 : bf16
    %logistic3A_43 = vector.broadcast %logistic3A_42 : bf16 to vector<1280x300xbf16>
    %logistic3A_44 = arith.addf %logistic3A_43, %logistic3A_41 : vector<1280x300xbf16>
    %logistic3A_45 = arith.divf %logistic3A_43, %logistic3A_44 : vector<1280x300xbf16>
    %mul3A_46 = arith.mulf %convert_element_type3A_39, %logistic3A_45 : vector<1280x300xbf16>
    %get3A_47 = arith.constant 0 : index
    %get3A_48 = arith.constant 0 : index
    %get3A_49 = vector.load %arg8[%get3A_47, %get3A_48] : memref<300x128xf32, #tpu.memory_space<vmem>>, vector<300x128xf32>
    %convert_element_type3A_50 = arith.truncf %get3A_49 : vector<300x128xf32> to vector<300x128xbf16>
    %dot_general3A_51 = arith.constant dense<0.000000e+00> : vector<1280x128xf32>
    %dot_general3A_52 = tpu.matmul %mul3A_46, %convert_element_type3A_50, %dot_general3A_51 {dimension_numbers = #tpu.dot_dimension_numbers<[1], [0], [0], [1], [0, 0, 1, 1], [], []>, transpose_lhs_hint = false} : vector<1280x300xbf16>, vector<300x128xbf16>, vector<1280x128xf32> -> vector<1280x128xf32>
    %get3A_53 = arith.constant 0 : index
    %get3A_54 = arith.constant 0 : index
    %get3A_55 = vector.load %arg9[%get3A_53, %get3A_54] : memref<1x128xf32, #tpu.memory_space<vmem>>, vector<1x128xf32>
    %add3A_56 = vector.broadcast %get3A_55 : vector<1x128xf32> to vector<1280x128xf32>
    %add3A_57 = arith.addf %dot_general3A_52, %add3A_56 : vector<1280x128xf32>
    %swap3A = arith.constant 0 : index
    %swap3A_58 = arith.constant 0 : index
    %swap3A_59 = vector.load %arg10[%swap3A, %swap3A_58] : memref<1280x128xf32, #tpu.memory_space<vmem>>, vector<1280x128xf32>
    tpu.vector_store %arg10[%swap3A, %swap3A_58], %add3A_57 {strides = array<i32>} : memref<1280x128xf32, #tpu.memory_space<vmem>>, vector<1280x128xf32>,
    return
  }
  func.func @transform_0(%arg0: i32) -> (i32, i32) {
    %c0_i32 = arith.constant 0 : i32
    %c0_i32_0 = arith.constant 0 : i32
    return %arg0, %c0_i32 : i32, i32
  }
  func.func @transform_1(%arg0: i32) -> (i32, i32) {
    %add3A = arith.constant 130 : i32
    %add3A_0 = arith.addi %arg0, %add3A : i32
    %c0_i32 = arith.constant 0 : i32
    %c0_i32_1 = arith.constant 0 : i32
    return %c0_i32, %add3A_0 : i32, i32
  }
  func.func @transform_2(%arg0: i32) -> (i32, i32) {
    %c0_i32 = arith.constant 0 : i32
    %c0_i32_0 = arith.constant 0 : i32
    %c0_i32_1 = arith.constant 0 : i32
    return %c0_i32, %c0_i32_0 : i32, i32
  }
  func.func @transform_3(%arg0: i32) -> (i32, i32) {
    %c0_i32 = arith.constant 0 : i32
    %c0_i32_0 = arith.constant 0 : i32
    %c0_i32_1 = arith.constant 0 : i32
    return %c0_i32, %c0_i32_0 : i32, i32
  }
  func.func @transform_4(%arg0: i32) -> (i32, i32) {
    %c0_i32 = arith.constant 0 : i32
    %c0_i32_0 = arith.constant 0 : i32
    %c0_i32_1 = arith.constant 0 : i32
    return %c0_i32, %c0_i32_0 : i32, i32
  }
  func.func @transform_5(%arg0: i32) -> (i32, i32) {
    %c0_i32 = arith.constant 0 : i32
    %c0_i32_0 = arith.constant 0 : i32
    %c0_i32_1 = arith.constant 0 : i32
    return %c0_i32, %c0_i32_0 : i32, i32
  }
  func.func @transform_6(%arg0: i32) -> (i32, i32) {
    %c0_i32 = arith.constant 0 : i32
    %c0_i32_0 = arith.constant 0 : i32
    %c0_i32_1 = arith.constant 0 : i32
    return %c0_i32, %c0_i32_0 : i32, i32
  }
  func.func @transform_7(%arg0: i32) -> (i32, i32) {
    %c0_i32 = arith.constant 0 : i32
    %c0_i32_0 = arith.constant 0 : i32
    %c0_i32_1 = arith.constant 0 : i32
    return %c0_i32, %c0_i32_0 : i32, i32
  }
  func.func @transform_8(%arg0: i32) -> (i32, i32) {
    %c0_i32 = arith.constant 0 : i32
    %c0_i32_0 = arith.constant 0 : i32
    %c0_i32_1 = arith.constant 0 : i32
    return %c0_i32, %c0_i32_0 : i32, i32
  }
  func.func @transform_9(%arg0: i32) -> (i32, i32) {
    %c0_i32 = arith.constant 0 : i32
    %c0_i32_0 = arith.constant 0 : i32
    return %arg0, %c0_i32 : i32, i32
  }
}

module attributes {stable_mosaic.version = 14 : i64} {
  func.func @tc_edge_mlp_1(%arg0: i32, %arg1: memref<1280x256xf32, #tpu.memory_space<vmem>>, %arg2: memref<16x1280xf32, #tpu.memory_space<vmem>>, %arg3: memref<256x300xf32, #tpu.memory_space<vmem>>, %arg4: memref<16x300xf32, #tpu.memory_space<vmem>>, %arg5: memref<1x300xf32, #tpu.memory_space<vmem>>, %arg6: memref<300x300xf32, #tpu.memory_space<vmem>>, %arg7: memref<1x300xf32, #tpu.memory_space<vmem>>, %arg8: memref<300x128xf32, #tpu.memory_space<vmem>>, %arg9: memref<1x128xf32, #tpu.memory_space<vmem>>, %arg10: memref<1280x128xf32, #tpu.memory_space<vmem>>) attributes {dimension_semantics = [#tpu.dimension_semantics<arbitrary>], iteration_bounds = array<i64: 74>, scalar_prefetch = 0 : i64, scratch_operands = 0 : i64, tpu.core_type = #tpu.core_type<tc>, window_params = [{transform_indices = @transform_0, window_bounds = array<i64: 1280, 256>}, {transform_indices = @transform_1, window_bounds = array<i64: 16, 1280>}, {pipeline_mode = #tpu.pipeline_mode<synchronous>, transform_indices = @transform_2, window_bounds = array<i64: 256, 300>}, {pipeline_mode = #tpu.pipeline_mode<synchronous>, transform_indices = @transform_3, window_bounds = array<i64: 16, 300>}, {pipeline_mode = #tpu.pipeline_mode<synchronous>, transform_indices = @transform_4, window_bounds = array<i64: 1, 300>}, {pipeline_mode = #tpu.pipeline_mode<synchronous>, transform_indices = @transform_5, window_bounds = array<i64: 300, 300>}, {pipeline_mode = #tpu.pipeline_mode<synchronous>, transform_indices = @transform_6, window_bounds = array<i64: 1, 300>}, {pipeline_mode = #tpu.pipeline_mode<synchronous>, transform_indices = @transform_7, window_bounds = array<i64: 300, 128>}, {pipeline_mode = #tpu.pipeline_mode<synchronous>, transform_indices = @transform_8, window_bounds = array<i64: 1, 128>}, {transform_indices = @transform_9, window_bounds = array<i64: 1280, 128>}]} {
    %get3A = arith.constant 0 : index
    %get3A_0 = arith.constant 0 : index
    %get3A_1 = vector.load %arg2[%get3A, %get3A_0] : memref<16x1280xf32, #tpu.memory_space<vmem>>, vector<16x1280xf32>
    %convert_element_type3A = arith.truncf %get3A_1 : vector<16x1280xf32> to vector<16x1280xbf16>
    %get3A_2 = arith.constant 0 : index
    %get3A_3 = arith.constant 0 : index
    %get3A_4 = vector.load %arg4[%get3A_2, %get3A_3] : memref<16x300xf32, #tpu.memory_space<vmem>>, vector<16x300xf32>
    %convert_element_type3A_5 = arith.truncf %get3A_4 : vector<16x300xf32> to vector<16x300xbf16>
    %dot_general3A = arith.constant dense<0.000000e+00> : vector<1280x300xf32>
    %dot_general3A_6 = tpu.matmul %convert_element_type3A, %convert_element_type3A_5, %dot_general3A {dimension_numbers = #tpu.dot_dimension_numbers<[0], [0], [1], [1], [0, 1, 1, 1], [], []>, transpose_lhs_hint = false} : vector<16x1280xbf16>, vector<16x300xbf16>, vector<1280x300xf32> -> vector<1280x300xf32>
    %get3A_7 = arith.constant 0 : index
    %get3A_8 = arith.constant 0 : index
    %get3A_9 = vector.load %arg1[%get3A_7, %get3A_8] : memref<1280x256xf32, #tpu.memory_space<vmem>>, vector<1280x256xf32>
    %get3A_10 = arith.constant 0 : index
    %get3A_11 = arith.constant 0 : index
    %get3A_12 = vector.load %arg3[%get3A_10, %get3A_11] : memref<256x300xf32, #tpu.memory_space<vmem>>, vector<256x300xf32>
    %convert_element_type3A_13 = arith.truncf %get3A_9 : vector<1280x256xf32> to vector<1280x256xbf16>
    %convert_element_type3A_14 = arith.truncf %get3A_12 : vector<256x300xf32> to vector<256x300xbf16>
    %dot_general3A_15 = arith.constant dense<0.000000e+00> : vector<1280x300xf32>
    %dot_general3A_16 = tpu.matmul %convert_element_type3A_13, %convert_element_type3A_14, %dot_general3A_15 {dimension_numbers = #tpu.dot_dimension_numbers<[1], [0], [0], [1], [0, 0, 1, 1], [], []>, transpose_lhs_hint = false} : vector<1280x256xbf16>, vector<256x300xbf16>, vector<1280x300xf32> -> vector<1280x300xf32>
    %add3A = arith.addf %dot_general3A_16, %dot_general3A_6 : vector<1280x300xf32>
    %get3A_17 = arith.constant 0 : index
    %get3A_18 = arith.constant 0 : index
    %get3A_19 = vector.load %arg5[%get3A_17, %get3A_18] : memref<1x300xf32, #tpu.memory_space<vmem>>, vector<1x300xf32>
    %add3A_20 = vector.broadcast %get3A_19 : vector<1x300xf32> to vector<1280x300xf32>
    %add3A_21 = arith.addf %add3A, %add3A_20 : vector<1280x300xf32>
    %convert_element_type3A_22 = arith.truncf %add3A_21 : vector<1280x300xf32> to vector<1280x300xbf16>
    %logistic3A = arith.negf %convert_element_type3A_22 : vector<1280x300xbf16>
    %logistic3A_23 = math.exp %logistic3A : vector<1280x300xbf16>
    %logistic3A_24 = arith.constant 1.000000e+00 : bf16
    %logistic3A_25 = vector.broadcast %logistic3A_24 : bf16 to vector<1280x300xbf16>
    %logistic3A_26 = arith.addf %logistic3A_25, %logistic3A_23 : vector<1280x300xbf16>
    %logistic3A_27 = arith.divf %logistic3A_25, %logistic3A_26 : vector<1280x300xbf16>
    %mul3A = arith.mulf %convert_element_type3A_22, %logistic3A_27 : vector<1280x300xbf16>
    %get3A_28 = arith.constant 0 : index
    %get3A_29 = arith.constant 0 : index
    %get3A_30 = vector.load %arg6[%get3A_28, %get3A_29] : memref<300x300xf32, #tpu.memory_space<vmem>>, vector<300x300xf32>
    %convert_element_type3A_31 = arith.truncf %get3A_30 : vector<300x300xf32> to vector<300x300xbf16>
    %dot_general3A_32 = arith.constant dense<0.000000e+00> : vector<1280x300xf32>
    %dot_general3A_33 = tpu.matmul %mul3A, %convert_element_type3A_31, %dot_general3A_32 {dimension_numbers = #tpu.dot_dimension_numbers<[1], [0], [0], [1], [0, 0, 1, 1], [], []>, transpose_lhs_hint = false} : vector<1280x300xbf16>, vector<300x300xbf16>, vector<1280x300xf32> -> vector<1280x300xf32>
    %get3A_34 = arith.constant 0 : index
    %get3A_35 = arith.constant 0 : index
    %get3A_36 = vector.load %arg7[%get3A_34, %get3A_35] : memref<1x300xf32, #tpu.memory_space<vmem>>, vector<1x300xf32>
    %add3A_37 = vector.broadcast %get3A_36 : vector<1x300xf32> to vector<1280x300xf32>
    %add3A_38 = arith.addf %dot_general3A_33, %add3A_37 : vector<1280x300xf32>
    %convert_element_type3A_39 = arith.truncf %add3A_38 : vector<1280x300xf32> to vector<1280x300xbf16>
    %logistic3A_40 = arith.negf %convert_element_type3A_39 : vector<1280x300xbf16>
    %logistic3A_41 = math.exp %logistic3A_40 : vector<1280x300xbf16>
    %logistic3A_42 = arith.constant 1.000000e+00 : bf16
    %logistic3A_43 = vector.broadcast %logistic3A_42 : bf16 to vector<1280x300xbf16>
    %logistic3A_44 = arith.addf %logistic3A_43, %logistic3A_41 : vector<1280x300xbf16>
    %logistic3A_45 = arith.divf %logistic3A_43, %logistic3A_44 : vector<1280x300xbf16>
    %mul3A_46 = arith.mulf %convert_element_type3A_39, %logistic3A_45 : vector<1280x300xbf16>
    %get3A_47 = arith.constant 0 : index
    %get3A_48 = arith.constant 0 : index
    %get3A_49 = vector.load %arg8[%get3A_47, %get3A_48] : memref<300x128xf32, #tpu.memory_space<vmem>>, vector<300x128xf32>
    %convert_element_type3A_50 = arith.truncf %get3A_49 : vector<300x128xf32> to vector<300x128xbf16>
    %dot_general3A_51 = arith.constant dense<0.000000e+00> : vector<1280x128xf32>
    %dot_general3A_52 = tpu.matmul %mul3A_46, %convert_element_type3A_50, %dot_general3A_51 {dimension_numbers = #tpu.dot_dimension_numbers<[1], [0], [0], [1], [0, 0, 1, 1], [], []>, transpose_lhs_hint = false} : vector<1280x300xbf16>, vector<300x128xbf16>, vector<1280x128xf32> -> vector<1280x128xf32>
    %get3A_53 = arith.constant 0 : index
    %get3A_54 = arith.constant 0 : index
    %get3A_55 = vector.load %arg9[%get3A_53, %get3A_54] : memref<1x128xf32, #tpu.memory_space<vmem>>, vector<1x128xf32>
    %add3A_56 = vector.broadcast %get3A_55 : vector<1x128xf32> to vector<1280x128xf32>
    %add3A_57 = arith.addf %dot_general3A_52, %add3A_56 : vector<1280x128xf32>
    %swap3A = arith.constant 0 : index
    %swap3A_58 = arith.constant 0 : index
    %swap3A_59 = vector.load %arg10[%swap3A, %swap3A_58] : memref<1280x128xf32, #tpu.memory_space<vmem>>, vector<1280x128xf32>
    tpu.vector_store %arg10[%swap3A, %swap3A_58], %add3A_57 {strides = array<i32>} : memref<1280x128xf32, #tpu.memory_space<vmem>>, vector<1280x128xf32>,
    return
  }
  func.func @transform_0(%arg0: i32) -> (i32, i32) {
    %c0_i32 = arith.constant 0 : i32
    %c0_i32_0 = arith.constant 0 : i32
    return %arg0, %c0_i32 : i32, i32
  }
  func.func @transform_1(%arg0: i32) -> (i32, i32) {
    %add3A = arith.constant 56 : i32
    %add3A_0 = arith.addi %arg0, %add3A : i32
    %c0_i32 = arith.constant 0 : i32
    %c0_i32_1 = arith.constant 0 : i32
    return %c0_i32, %add3A_0 : i32, i32
  }
  func.func @transform_2(%arg0: i32) -> (i32, i32) {
    %c0_i32 = arith.constant 0 : i32
    %c0_i32_0 = arith.constant 0 : i32
    %c0_i32_1 = arith.constant 0 : i32
    return %c0_i32, %c0_i32_0 : i32, i32
  }
  func.func @transform_3(%arg0: i32) -> (i32, i32) {
    %c0_i32 = arith.constant 0 : i32
    %c0_i32_0 = arith.constant 0 : i32
    %c0_i32_1 = arith.constant 0 : i32
    return %c0_i32, %c0_i32_0 : i32, i32
  }
  func.func @transform_4(%arg0: i32) -> (i32, i32) {
    %c0_i32 = arith.constant 0 : i32
    %c0_i32_0 = arith.constant 0 : i32
    %c0_i32_1 = arith.constant 0 : i32
    return %c0_i32, %c0_i32_0 : i32, i32
  }
  func.func @transform_5(%arg0: i32) -> (i32, i32) {
    %c0_i32 = arith.constant 0 : i32
    %c0_i32_0 = arith.constant 0 : i32
    %c0_i32_1 = arith.constant 0 : i32
    return %c0_i32, %c0_i32_0 : i32, i32
  }
  func.func @transform_6(%arg0: i32) -> (i32, i32) {
    %c0_i32 = arith.constant 0 : i32
    %c0_i32_0 = arith.constant 0 : i32
    %c0_i32_1 = arith.constant 0 : i32
    return %c0_i32, %c0_i32_0 : i32, i32
  }
  func.func @transform_7(%arg0: i32) -> (i32, i32) {
    %c0_i32 = arith.constant 0 : i32
    %c0_i32_0 = arith.constant 0 : i32
    %c0_i32_1 = arith.constant 0 : i32
    return %c0_i32, %c0_i32_0 : i32, i32
  }
  func.func @transform_8(%arg0: i32) -> (i32, i32) {
    %c0_i32 = arith.constant 0 : i32
    %c0_i32_0 = arith.constant 0 : i32
    %c0_i32_1 = arith.constant 0 : i32
    return %c0_i32, %c0_i32_0 : i32, i32
  }
  func.func @transform_9(%arg0: i32) -> (i32, i32) {
    %c0_i32 = arith.constant 0 : i32
    %c0_i32_0 = arith.constant 0 : i32
    return %arg0, %c0_i32 : i32, i32
  }
}

module attributes {stable_mosaic.version = 14 : i64} {
  func.func @tc_edge_mlp_0(%arg0: i32, %arg1: memref<1280x256xf32, #tpu.memory_space<vmem>>, %arg2: memref<16x1280xf32, #tpu.memory_space<vmem>>, %arg3: memref<256x300xf32, #tpu.memory_space<vmem>>, %arg4: memref<16x300xf32, #tpu.memory_space<vmem>>, %arg5: memref<1x300xf32, #tpu.memory_space<vmem>>, %arg6: memref<300x300xf32, #tpu.memory_space<vmem>>, %arg7: memref<1x300xf32, #tpu.memory_space<vmem>>, %arg8: memref<300x128xf32, #tpu.memory_space<vmem>>, %arg9: memref<1x128xf32, #tpu.memory_space<vmem>>, %arg10: memref<1280x128xf32, #tpu.memory_space<vmem>>) attributes {dimension_semantics = [#tpu.dimension_semantics<arbitrary>], iteration_bounds = array<i64: 56>, scalar_prefetch = 0 : i64, scratch_operands = 0 : i64, tpu.core_type = #tpu.core_type<tc>, window_params = [{transform_indices = @transform_0, window_bounds = array<i64: 1280, 256>}, {transform_indices = @transform_1, window_bounds = array<i64: 16, 1280>}, {pipeline_mode = #tpu.pipeline_mode<synchronous>, transform_indices = @transform_2, window_bounds = array<i64: 256, 300>}, {pipeline_mode = #tpu.pipeline_mode<synchronous>, transform_indices = @transform_3, window_bounds = array<i64: 16, 300>}, {pipeline_mode = #tpu.pipeline_mode<synchronous>, transform_indices = @transform_4, window_bounds = array<i64: 1, 300>}, {pipeline_mode = #tpu.pipeline_mode<synchronous>, transform_indices = @transform_5, window_bounds = array<i64: 300, 300>}, {pipeline_mode = #tpu.pipeline_mode<synchronous>, transform_indices = @transform_6, window_bounds = array<i64: 1, 300>}, {pipeline_mode = #tpu.pipeline_mode<synchronous>, transform_indices = @transform_7, window_bounds = array<i64: 300, 128>}, {pipeline_mode = #tpu.pipeline_mode<synchronous>, transform_indices = @transform_8, window_bounds = array<i64: 1, 128>}, {transform_indices = @transform_9, window_bounds = array<i64: 1280, 128>}]} {
    %get3A = arith.constant 0 : index
    %get3A_0 = arith.constant 0 : index
    %get3A_1 = vector.load %arg2[%get3A, %get3A_0] : memref<16x1280xf32, #tpu.memory_space<vmem>>, vector<16x1280xf32>
    %convert_element_type3A = arith.truncf %get3A_1 : vector<16x1280xf32> to vector<16x1280xbf16>
    %get3A_2 = arith.constant 0 : index
    %get3A_3 = arith.constant 0 : index
    %get3A_4 = vector.load %arg4[%get3A_2, %get3A_3] : memref<16x300xf32, #tpu.memory_space<vmem>>, vector<16x300xf32>
    %convert_element_type3A_5 = arith.truncf %get3A_4 : vector<16x300xf32> to vector<16x300xbf16>
    %dot_general3A = arith.constant dense<0.000000e+00> : vector<1280x300xf32>
    %dot_general3A_6 = tpu.matmul %convert_element_type3A, %convert_element_type3A_5, %dot_general3A {dimension_numbers = #tpu.dot_dimension_numbers<[0], [0], [1], [1], [0, 1, 1, 1], [], []>, transpose_lhs_hint = false} : vector<16x1280xbf16>, vector<16x300xbf16>, vector<1280x300xf32> -> vector<1280x300xf32>
    %get3A_7 = arith.constant 0 : index
    %get3A_8 = arith.constant 0 : index
    %get3A_9 = vector.load %arg1[%get3A_7, %get3A_8] : memref<1280x256xf32, #tpu.memory_space<vmem>>, vector<1280x256xf32>
    %get3A_10 = arith.constant 0 : index
    %get3A_11 = arith.constant 0 : index
    %get3A_12 = vector.load %arg3[%get3A_10, %get3A_11] : memref<256x300xf32, #tpu.memory_space<vmem>>, vector<256x300xf32>
    %convert_element_type3A_13 = arith.truncf %get3A_9 : vector<1280x256xf32> to vector<1280x256xbf16>
    %convert_element_type3A_14 = arith.truncf %get3A_12 : vector<256x300xf32> to vector<256x300xbf16>
    %dot_general3A_15 = arith.constant dense<0.000000e+00> : vector<1280x300xf32>
    %dot_general3A_16 = tpu.matmul %convert_element_type3A_13, %convert_element_type3A_14, %dot_general3A_15 {dimension_numbers = #tpu.dot_dimension_numbers<[1], [0], [0], [1], [0, 0, 1, 1], [], []>, transpose_lhs_hint = false} : vector<1280x256xbf16>, vector<256x300xbf16>, vector<1280x300xf32> -> vector<1280x300xf32>
    %add3A = arith.addf %dot_general3A_16, %dot_general3A_6 : vector<1280x300xf32>
    %get3A_17 = arith.constant 0 : index
    %get3A_18 = arith.constant 0 : index
    %get3A_19 = vector.load %arg5[%get3A_17, %get3A_18] : memref<1x300xf32, #tpu.memory_space<vmem>>, vector<1x300xf32>
    %add3A_20 = vector.broadcast %get3A_19 : vector<1x300xf32> to vector<1280x300xf32>
    %add3A_21 = arith.addf %add3A, %add3A_20 : vector<1280x300xf32>
    %convert_element_type3A_22 = arith.truncf %add3A_21 : vector<1280x300xf32> to vector<1280x300xbf16>
    %logistic3A = arith.negf %convert_element_type3A_22 : vector<1280x300xbf16>
    %logistic3A_23 = math.exp %logistic3A : vector<1280x300xbf16>
    %logistic3A_24 = arith.constant 1.000000e+00 : bf16
    %logistic3A_25 = vector.broadcast %logistic3A_24 : bf16 to vector<1280x300xbf16>
    %logistic3A_26 = arith.addf %logistic3A_25, %logistic3A_23 : vector<1280x300xbf16>
    %logistic3A_27 = arith.divf %logistic3A_25, %logistic3A_26 : vector<1280x300xbf16>
    %mul3A = arith.mulf %convert_element_type3A_22, %logistic3A_27 : vector<1280x300xbf16>
    %get3A_28 = arith.constant 0 : index
    %get3A_29 = arith.constant 0 : index
    %get3A_30 = vector.load %arg6[%get3A_28, %get3A_29] : memref<300x300xf32, #tpu.memory_space<vmem>>, vector<300x300xf32>
    %convert_element_type3A_31 = arith.truncf %get3A_30 : vector<300x300xf32> to vector<300x300xbf16>
    %dot_general3A_32 = arith.constant dense<0.000000e+00> : vector<1280x300xf32>
    %dot_general3A_33 = tpu.matmul %mul3A, %convert_element_type3A_31, %dot_general3A_32 {dimension_numbers = #tpu.dot_dimension_numbers<[1], [0], [0], [1], [0, 0, 1, 1], [], []>, transpose_lhs_hint = false} : vector<1280x300xbf16>, vector<300x300xbf16>, vector<1280x300xf32> -> vector<1280x300xf32>
    %get3A_34 = arith.constant 0 : index
    %get3A_35 = arith.constant 0 : index
    %get3A_36 = vector.load %arg7[%get3A_34, %get3A_35] : memref<1x300xf32, #tpu.memory_space<vmem>>, vector<1x300xf32>
    %add3A_37 = vector.broadcast %get3A_36 : vector<1x300xf32> to vector<1280x300xf32>
    %add3A_38 = arith.addf %dot_general3A_33, %add3A_37 : vector<1280x300xf32>
    %convert_element_type3A_39 = arith.truncf %add3A_38 : vector<1280x300xf32> to vector<1280x300xbf16>
    %logistic3A_40 = arith.negf %convert_element_type3A_39 : vector<1280x300xbf16>
    %logistic3A_41 = math.exp %logistic3A_40 : vector<1280x300xbf16>
    %logistic3A_42 = arith.constant 1.000000e+00 : bf16
    %logistic3A_43 = vector.broadcast %logistic3A_42 : bf16 to vector<1280x300xbf16>
    %logistic3A_44 = arith.addf %logistic3A_43, %logistic3A_41 : vector<1280x300xbf16>
    %logistic3A_45 = arith.divf %logistic3A_43, %logistic3A_44 : vector<1280x300xbf16>
    %mul3A_46 = arith.mulf %convert_element_type3A_39, %logistic3A_45 : vector<1280x300xbf16>
    %get3A_47 = arith.constant 0 : index
    %get3A_48 = arith.constant 0 : index
    %get3A_49 = vector.load %arg8[%get3A_47, %get3A_48] : memref<300x128xf32, #tpu.memory_space<vmem>>, vector<300x128xf32>
    %convert_element_type3A_50 = arith.truncf %get3A_49 : vector<300x128xf32> to vector<300x128xbf16>
    %dot_general3A_51 = arith.constant dense<0.000000e+00> : vector<1280x128xf32>
    %dot_general3A_52 = tpu.matmul %mul3A_46, %convert_element_type3A_50, %dot_general3A_51 {dimension_numbers = #tpu.dot_dimension_numbers<[1], [0], [0], [1], [0, 0, 1, 1], [], []>, transpose_lhs_hint = false} : vector<1280x300xbf16>, vector<300x128xbf16>, vector<1280x128xf32> -> vector<1280x128xf32>
    %get3A_53 = arith.constant 0 : index
    %get3A_54 = arith.constant 0 : index
    %get3A_55 = vector.load %arg9[%get3A_53, %get3A_54] : memref<1x128xf32, #tpu.memory_space<vmem>>, vector<1x128xf32>
    %add3A_56 = vector.broadcast %get3A_55 : vector<1x128xf32> to vector<1280x128xf32>
    %add3A_57 = arith.addf %dot_general3A_52, %add3A_56 : vector<1280x128xf32>
    %swap3A = arith.constant 0 : index
    %swap3A_58 = arith.constant 0 : index
    %swap3A_59 = vector.load %arg10[%swap3A, %swap3A_58] : memref<1280x128xf32, #tpu.memory_space<vmem>>, vector<1280x128xf32>
    tpu.vector_store %arg10[%swap3A, %swap3A_58], %add3A_57 {strides = array<i32>} : memref<1280x128xf32, #tpu.memory_space<vmem>>, vector<1280x128xf32>,
    return
  }
  func.func @transform_0(%arg0: i32) -> (i32, i32) {
    %c0_i32 = arith.constant 0 : i32
    %c0_i32_0 = arith.constant 0 : i32
    return %arg0, %c0_i32 : i32, i32
  }
  func.func @transform_1(%arg0: i32) -> (i32, i32) {
    %add3A = arith.constant 0 : i32
    %add3A_0 = arith.addi %arg0, %add3A : i32
    %c0_i32 = arith.constant 0 : i32
    %c0_i32_1 = arith.constant 0 : i32
    return %c0_i32, %add3A_0 : i32, i32
  }
  func.func @transform_2(%arg0: i32) -> (i32, i32) {
    %c0_i32 = arith.constant 0 : i32
    %c0_i32_0 = arith.constant 0 : i32
    %c0_i32_1 = arith.constant 0 : i32
    return %c0_i32, %c0_i32_0 : i32, i32
  }
  func.func @transform_3(%arg0: i32) -> (i32, i32) {
    %c0_i32 = arith.constant 0 : i32
    %c0_i32_0 = arith.constant 0 : i32
    %c0_i32_1 = arith.constant 0 : i32
    return %c0_i32, %c0_i32_0 : i32, i32
  }
  func.func @transform_4(%arg0: i32) -> (i32, i32) {
    %c0_i32 = arith.constant 0 : i32
    %c0_i32_0 = arith.constant 0 : i32
    %c0_i32_1 = arith.constant 0 : i32
    return %c0_i32, %c0_i32_0 : i32, i32
  }
  func.func @transform_5(%arg0: i32) -> (i32, i32) {
    %c0_i32 = arith.constant 0 : i32
    %c0_i32_0 = arith.constant 0 : i32
    %c0_i32_1 = arith.constant 0 : i32
    return %c0_i32, %c0_i32_0 : i32, i32
  }
  func.func @transform_6(%arg0: i32) -> (i32, i32) {
    %c0_i32 = arith.constant 0 : i32
    %c0_i32_0 = arith.constant 0 : i32
    %c0_i32_1 = arith.constant 0 : i32
    return %c0_i32, %c0_i32_0 : i32, i32
  }
  func.func @transform_7(%arg0: i32) -> (i32, i32) {
    %c0_i32 = arith.constant 0 : i32
    %c0_i32_0 = arith.constant 0 : i32
    %c0_i32_1 = arith.constant 0 : i32
    return %c0_i32, %c0_i32_0 : i32, i32
  }
  func.func @transform_8(%arg0: i32) -> (i32, i32) {
    %c0_i32 = arith.constant 0 : i32
    %c0_i32_0 = arith.constant 0 : i32
    %c0_i32_1 = arith.constant 0 : i32
    return %c0_i32, %c0_i32_0 : i32, i32
  }
  func.func @transform_9(%arg0: i32) -> (i32, i32) {
    %c0_i32 = arith.constant 0 : i32
    %c0_i32_0 = arith.constant 0 : i32
    return %arg0, %c0_i32 : i32, i32
  }
}

module attributes {stable_mosaic.version = 14 : i64} {
  func.func @tc_edge_mlp_3(%arg0: i32, %arg1: memref<1280x256xf32, #tpu.memory_space<vmem>>, %arg2: memref<16x1280xf32, #tpu.memory_space<vmem>>, %arg3: memref<256x300xf32, #tpu.memory_space<vmem>>, %arg4: memref<16x300xf32, #tpu.memory_space<vmem>>, %arg5: memref<1x300xf32, #tpu.memory_space<vmem>>, %arg6: memref<300x300xf32, #tpu.memory_space<vmem>>, %arg7: memref<1x300xf32, #tpu.memory_space<vmem>>, %arg8: memref<300x128xf32, #tpu.memory_space<vmem>>, %arg9: memref<1x128xf32, #tpu.memory_space<vmem>>, %arg10: memref<1280x128xf32, #tpu.memory_space<vmem>>) attributes {dimension_semantics = [#tpu.dimension_semantics<arbitrary>], iteration_bounds = array<i64: 46>, scalar_prefetch = 0 : i64, scratch_operands = 0 : i64, tpu.core_type = #tpu.core_type<tc>, window_params = [{transform_indices = @transform_0, window_bounds = array<i64: 1280, 256>}, {transform_indices = @transform_1, window_bounds = array<i64: 16, 1280>}, {pipeline_mode = #tpu.pipeline_mode<synchronous>, transform_indices = @transform_2, window_bounds = array<i64: 256, 300>}, {pipeline_mode = #tpu.pipeline_mode<synchronous>, transform_indices = @transform_3, window_bounds = array<i64: 16, 300>}, {pipeline_mode = #tpu.pipeline_mode<synchronous>, transform_indices = @transform_4, window_bounds = array<i64: 1, 300>}, {pipeline_mode = #tpu.pipeline_mode<synchronous>, transform_indices = @transform_5, window_bounds = array<i64: 300, 300>}, {pipeline_mode = #tpu.pipeline_mode<synchronous>, transform_indices = @transform_6, window_bounds = array<i64: 1, 300>}, {pipeline_mode = #tpu.pipeline_mode<synchronous>, transform_indices = @transform_7, window_bounds = array<i64: 300, 128>}, {pipeline_mode = #tpu.pipeline_mode<synchronous>, transform_indices = @transform_8, window_bounds = array<i64: 1, 128>}, {transform_indices = @transform_9, window_bounds = array<i64: 1280, 128>}]} {
    %get3A = arith.constant 0 : index
    %get3A_0 = arith.constant 0 : index
    %get3A_1 = vector.load %arg2[%get3A, %get3A_0] : memref<16x1280xf32, #tpu.memory_space<vmem>>, vector<16x1280xf32>
    %convert_element_type3A = arith.truncf %get3A_1 : vector<16x1280xf32> to vector<16x1280xbf16>
    %get3A_2 = arith.constant 0 : index
    %get3A_3 = arith.constant 0 : index
    %get3A_4 = vector.load %arg4[%get3A_2, %get3A_3] : memref<16x300xf32, #tpu.memory_space<vmem>>, vector<16x300xf32>
    %convert_element_type3A_5 = arith.truncf %get3A_4 : vector<16x300xf32> to vector<16x300xbf16>
    %dot_general3A = arith.constant dense<0.000000e+00> : vector<1280x300xf32>
    %dot_general3A_6 = tpu.matmul %convert_element_type3A, %convert_element_type3A_5, %dot_general3A {dimension_numbers = #tpu.dot_dimension_numbers<[0], [0], [1], [1], [0, 1, 1, 1], [], []>, transpose_lhs_hint = false} : vector<16x1280xbf16>, vector<16x300xbf16>, vector<1280x300xf32> -> vector<1280x300xf32>
    %get3A_7 = arith.constant 0 : index
    %get3A_8 = arith.constant 0 : index
    %get3A_9 = vector.load %arg1[%get3A_7, %get3A_8] : memref<1280x256xf32, #tpu.memory_space<vmem>>, vector<1280x256xf32>
    %get3A_10 = arith.constant 0 : index
    %get3A_11 = arith.constant 0 : index
    %get3A_12 = vector.load %arg3[%get3A_10, %get3A_11] : memref<256x300xf32, #tpu.memory_space<vmem>>, vector<256x300xf32>
    %convert_element_type3A_13 = arith.truncf %get3A_9 : vector<1280x256xf32> to vector<1280x256xbf16>
    %convert_element_type3A_14 = arith.truncf %get3A_12 : vector<256x300xf32> to vector<256x300xbf16>
    %dot_general3A_15 = arith.constant dense<0.000000e+00> : vector<1280x300xf32>
    %dot_general3A_16 = tpu.matmul %convert_element_type3A_13, %convert_element_type3A_14, %dot_general3A_15 {dimension_numbers = #tpu.dot_dimension_numbers<[1], [0], [0], [1], [0, 0, 1, 1], [], []>, transpose_lhs_hint = false} : vector<1280x256xbf16>, vector<256x300xbf16>, vector<1280x300xf32> -> vector<1280x300xf32>
    %add3A = arith.addf %dot_general3A_16, %dot_general3A_6 : vector<1280x300xf32>
    %get3A_17 = arith.constant 0 : index
    %get3A_18 = arith.constant 0 : index
    %get3A_19 = vector.load %arg5[%get3A_17, %get3A_18] : memref<1x300xf32, #tpu.memory_space<vmem>>, vector<1x300xf32>
    %add3A_20 = vector.broadcast %get3A_19 : vector<1x300xf32> to vector<1280x300xf32>
    %add3A_21 = arith.addf %add3A, %add3A_20 : vector<1280x300xf32>
    %convert_element_type3A_22 = arith.truncf %add3A_21 : vector<1280x300xf32> to vector<1280x300xbf16>
    %logistic3A = arith.negf %convert_element_type3A_22 : vector<1280x300xbf16>
    %logistic3A_23 = math.exp %logistic3A : vector<1280x300xbf16>
    %logistic3A_24 = arith.constant 1.000000e+00 : bf16
    %logistic3A_25 = vector.broadcast %logistic3A_24 : bf16 to vector<1280x300xbf16>
    %logistic3A_26 = arith.addf %logistic3A_25, %logistic3A_23 : vector<1280x300xbf16>
    %logistic3A_27 = arith.divf %logistic3A_25, %logistic3A_26 : vector<1280x300xbf16>
    %mul3A = arith.mulf %convert_element_type3A_22, %logistic3A_27 : vector<1280x300xbf16>
    %get3A_28 = arith.constant 0 : index
    %get3A_29 = arith.constant 0 : index
    %get3A_30 = vector.load %arg6[%get3A_28, %get3A_29] : memref<300x300xf32, #tpu.memory_space<vmem>>, vector<300x300xf32>
    %convert_element_type3A_31 = arith.truncf %get3A_30 : vector<300x300xf32> to vector<300x300xbf16>
    %dot_general3A_32 = arith.constant dense<0.000000e+00> : vector<1280x300xf32>
    %dot_general3A_33 = tpu.matmul %mul3A, %convert_element_type3A_31, %dot_general3A_32 {dimension_numbers = #tpu.dot_dimension_numbers<[1], [0], [0], [1], [0, 0, 1, 1], [], []>, transpose_lhs_hint = false} : vector<1280x300xbf16>, vector<300x300xbf16>, vector<1280x300xf32> -> vector<1280x300xf32>
    %get3A_34 = arith.constant 0 : index
    %get3A_35 = arith.constant 0 : index
    %get3A_36 = vector.load %arg7[%get3A_34, %get3A_35] : memref<1x300xf32, #tpu.memory_space<vmem>>, vector<1x300xf32>
    %add3A_37 = vector.broadcast %get3A_36 : vector<1x300xf32> to vector<1280x300xf32>
    %add3A_38 = arith.addf %dot_general3A_33, %add3A_37 : vector<1280x300xf32>
    %convert_element_type3A_39 = arith.truncf %add3A_38 : vector<1280x300xf32> to vector<1280x300xbf16>
    %logistic3A_40 = arith.negf %convert_element_type3A_39 : vector<1280x300xbf16>
    %logistic3A_41 = math.exp %logistic3A_40 : vector<1280x300xbf16>
    %logistic3A_42 = arith.constant 1.000000e+00 : bf16
    %logistic3A_43 = vector.broadcast %logistic3A_42 : bf16 to vector<1280x300xbf16>
    %logistic3A_44 = arith.addf %logistic3A_43, %logistic3A_41 : vector<1280x300xbf16>
    %logistic3A_45 = arith.divf %logistic3A_43, %logistic3A_44 : vector<1280x300xbf16>
    %mul3A_46 = arith.mulf %convert_element_type3A_39, %logistic3A_45 : vector<1280x300xbf16>
    %get3A_47 = arith.constant 0 : index
    %get3A_48 = arith.constant 0 : index
    %get3A_49 = vector.load %arg8[%get3A_47, %get3A_48] : memref<300x128xf32, #tpu.memory_space<vmem>>, vector<300x128xf32>
    %convert_element_type3A_50 = arith.truncf %get3A_49 : vector<300x128xf32> to vector<300x128xbf16>
    %dot_general3A_51 = arith.constant dense<0.000000e+00> : vector<1280x128xf32>
    %dot_general3A_52 = tpu.matmul %mul3A_46, %convert_element_type3A_50, %dot_general3A_51 {dimension_numbers = #tpu.dot_dimension_numbers<[1], [0], [0], [1], [0, 0, 1, 1], [], []>, transpose_lhs_hint = false} : vector<1280x300xbf16>, vector<300x128xbf16>, vector<1280x128xf32> -> vector<1280x128xf32>
    %get3A_53 = arith.constant 0 : index
    %get3A_54 = arith.constant 0 : index
    %get3A_55 = vector.load %arg9[%get3A_53, %get3A_54] : memref<1x128xf32, #tpu.memory_space<vmem>>, vector<1x128xf32>
    %add3A_56 = vector.broadcast %get3A_55 : vector<1x128xf32> to vector<1280x128xf32>
    %add3A_57 = arith.addf %dot_general3A_52, %add3A_56 : vector<1280x128xf32>
    %swap3A = arith.constant 0 : index
    %swap3A_58 = arith.constant 0 : index
    %swap3A_59 = vector.load %arg10[%swap3A, %swap3A_58] : memref<1280x128xf32, #tpu.memory_space<vmem>>, vector<1280x128xf32>
    tpu.vector_store %arg10[%swap3A, %swap3A_58], %add3A_57 {strides = array<i32>} : memref<1280x128xf32, #tpu.memory_space<vmem>>, vector<1280x128xf32>,
    return
  }
  func.func @transform_0(%arg0: i32) -> (i32, i32) {
    %c0_i32 = arith.constant 0 : i32
    %c0_i32_0 = arith.constant 0 : i32
    return %arg0, %c0_i32 : i32, i32
  }
  func.func @transform_1(%arg0: i32) -> (i32, i32) {
    %add3A = arith.constant 204 : i32
    %add3A_0 = arith.addi %arg0, %add3A : i32
    %c0_i32 = arith.constant 0 : i32
    %c0_i32_1 = arith.constant 0 : i32
    return %c0_i32, %add3A_0 : i32, i32
  }
  func.func @transform_2(%arg0: i32) -> (i32, i32) {
    %c0_i32 = arith.constant 0 : i32
    %c0_i32_0 = arith.constant 0 : i32
    %c0_i32_1 = arith.constant 0 : i32
    return %c0_i32, %c0_i32_0 : i32, i32
  }
  func.func @transform_3(%arg0: i32) -> (i32, i32) {
    %c0_i32 = arith.constant 0 : i32
    %c0_i32_0 = arith.constant 0 : i32
    %c0_i32_1 = arith.constant 0 : i32
    return %c0_i32, %c0_i32_0 : i32, i32
  }
  func.func @transform_4(%arg0: i32) -> (i32, i32) {
    %c0_i32 = arith.constant 0 : i32
    %c0_i32_0 = arith.constant 0 : i32
    %c0_i32_1 = arith.constant 0 : i32
    return %c0_i32, %c0_i32_0 : i32, i32
  }
  func.func @transform_5(%arg0: i32) -> (i32, i32) {
    %c0_i32 = arith.constant 0 : i32
    %c0_i32_0 = arith.constant 0 : i32
    %c0_i32_1 = arith.constant 0 : i32
    return %c0_i32, %c0_i32_0 : i32, i32
  }
  func.func @transform_6(%arg0: i32) -> (i32, i32) {
    %c0_i32 = arith.constant 0 : i32
    %c0_i32_0 = arith.constant 0 : i32
    %c0_i32_1 = arith.constant 0 : i32
    return %c0_i32, %c0_i32_0 : i32, i32
  }
  func.func @transform_7(%arg0: i32) -> (i32, i32) {
    %c0_i32 = arith.constant 0 : i32
    %c0_i32_0 = arith.constant 0 : i32
    %c0_i32_1 = arith.constant 0 : i32
    return %c0_i32, %c0_i32_0 : i32, i32
  }
  func.func @transform_8(%arg0: i32) -> (i32, i32) {
    %c0_i32 = arith.constant 0 : i32
    %c0_i32_0 = arith.constant 0 : i32
    %c0_i32_1 = arith.constant 0 : i32
    return %c0_i32, %c0_i32_0 : i32, i32
  }
  func.func @transform_9(%arg0: i32) -> (i32, i32) {
    %c0_i32 = arith.constant 0 : i32
    %c0_i32_0 = arith.constant 0 : i32
    return %arg0, %c0_i32 : i32, i32
  }
}

module attributes {stable_mosaic.version = 14 : i64} {
  func.func @tc_node_mlp(%arg0: i32, %arg1: memref<2x400x128xf32, #tpu.memory_space<vmem>>, %arg2: memref<2x400x128xf32, #tpu.memory_space<vmem>>, %arg3: memref<2x400x128xf32, #tpu.memory_space<vmem>>, %arg4: memref<2x400x128xf32, #tpu.memory_space<vmem>>, %arg5: memref<400x128xf32, #tpu.memory_space<vmem>>, %arg6: memref<1x1x400xi32, #tpu.memory_space<vmem>>, %arg7: memref<128x300xf32, #tpu.memory_space<vmem>>, %arg8: memref<128x300xf32, #tpu.memory_space<vmem>>, %arg9: memref<1x300xf32, #tpu.memory_space<vmem>>, %arg10: memref<300x300xf32, #tpu.memory_space<vmem>>, %arg11: memref<1x300xf32, #tpu.memory_space<vmem>>, %arg12: memref<300x128xf32, #tpu.memory_space<vmem>>, %arg13: memref<1x128xf32, #tpu.memory_space<vmem>>, %arg14: memref<128x2xf32, #tpu.memory_space<vmem>>, %arg15: memref<1x2xf32, #tpu.memory_space<vmem>>, %arg16: memref<64x2xf32, #tpu.memory_space<vmem>>, %arg17: memref<64x128xf32, #tpu.memory_space<vmem>>, %arg18: memref<64x128xf32, #tpu.memory_space<vmem>>) attributes {dimension_semantics = [#tpu.dimension_semantics<arbitrary>], iteration_bounds = array<i64: 25>, scalar_prefetch = 0 : i64, scratch_operands = 2 : i64, tpu.core_type = #tpu.core_type<tc>, window_params = [{transform_indices = @transform_0, window_bounds = array<i64: 2, 400, 128>}, {transform_indices = @transform_1, window_bounds = array<i64: 2, 400, 128>}, {transform_indices = @transform_2, window_bounds = array<i64: 2, 400, 128>}, {transform_indices = @transform_3, window_bounds = array<i64: 2, 400, 128>}, {transform_indices = @transform_4, window_bounds = array<i64: 400, 128>}, {transform_indices = @transform_5, window_bounds = array<i64: 1, 1, 400>}, {pipeline_mode = #tpu.pipeline_mode<synchronous>, transform_indices = @transform_6, window_bounds = array<i64: 128, 300>}, {pipeline_mode = #tpu.pipeline_mode<synchronous>, transform_indices = @transform_7, window_bounds = array<i64: 128, 300>}, {pipeline_mode = #tpu.pipeline_mode<synchronous>, transform_indices = @transform_8, window_bounds = array<i64: 1, 300>}, {pipeline_mode = #tpu.pipeline_mode<synchronous>, transform_indices = @transform_9, window_bounds = array<i64: 300, 300>}, {pipeline_mode = #tpu.pipeline_mode<synchronous>, transform_indices = @transform_10, window_bounds = array<i64: 1, 300>}, {pipeline_mode = #tpu.pipeline_mode<synchronous>, transform_indices = @transform_11, window_bounds = array<i64: 300, 128>}, {pipeline_mode = #tpu.pipeline_mode<synchronous>, transform_indices = @transform_12, window_bounds = array<i64: 1, 128>}, {pipeline_mode = #tpu.pipeline_mode<synchronous>, transform_indices = @transform_13, window_bounds = array<i64: 128, 2>}, {pipeline_mode = #tpu.pipeline_mode<synchronous>, transform_indices = @transform_14, window_bounds = array<i64: 1, 2>}, {pipeline_mode = #tpu.pipeline_mode<synchronous>, transform_indices = @transform_15, window_bounds = array<i64: 64, 2>}]} {
    %eq3A = arith.constant 0 : i32
    %eq3A_0 = arith.cmpi eq, %arg0, %eq3A : i32
    %convert_element_type3A = arith.extui %eq3A_0 : i1 to i32
    %cond3A = arith.constant 0 : i32
    %cond3A_1 = arith.cmpi ne, %convert_element_type3A, %cond3A : i32
    scf.if %cond3A_1 {
      %broadcast_in_dim3A_136 = arith.constant 0.000000e+00 : f32
      %broadcast_in_dim3A_137 = vector.broadcast %broadcast_in_dim3A_136 : f32 to vector<64x128xf32>
      %swap3A_138 = arith.constant 0 : index
      %swap3A_139 = arith.constant 0 : index
      %swap3A_140 = vector.load %arg17[%swap3A_138, %swap3A_139] : memref<64x128xf32, #tpu.memory_space<vmem>>, vector<64x128xf32>
      tpu.vector_store %arg17[%swap3A_138, %swap3A_139], %broadcast_in_dim3A_137 {strides = array<i32>} : memref<64x128xf32, #tpu.memory_space<vmem>>, vector<64x128xf32>,
      %broadcast_in_dim3A_141 = arith.constant 0.000000e+00 : f32
      %broadcast_in_dim3A_142 = vector.broadcast %broadcast_in_dim3A_141 : f32 to vector<64x128xf32>
      %swap3A_143 = arith.constant 0 : index
      %swap3A_144 = arith.constant 0 : index
      %swap3A_145 = vector.load %arg18[%swap3A_143, %swap3A_144] : memref<64x128xf32, #tpu.memory_space<vmem>>, vector<64x128xf32>
      tpu.vector_store %arg18[%swap3A_143, %swap3A_144], %broadcast_in_dim3A_142 {strides = array<i32>} : memref<64x128xf32, #tpu.memory_space<vmem>>, vector<64x128xf32>,
    } else {
    }
    %get3A = arith.constant 0 : index
    %get3A_2 = arith.constant 0 : index
    %get3A_3 = arith.constant 0 : index
    %get3A_4 = vector.load %arg1[%get3A, %get3A_2, %get3A_3] : memref<2x400x128xf32, #tpu.memory_space<vmem>>, vector<1x400x128xf32>
    %get3A_5 = vector.shape_cast %get3A_4 : vector<1x400x128xf32> to vector<400x128xf32>
    %get3A_6 = arith.constant 1 : index
    %get3A_7 = arith.constant 0 : index
    %get3A_8 = arith.constant 0 : index
    %get3A_9 = vector.load %arg1[%get3A_6, %get3A_7, %get3A_8] : memref<2x400x128xf32, #tpu.memory_space<vmem>>, vector<1x400x128xf32>
    %get3A_10 = vector.shape_cast %get3A_9 : vector<1x400x128xf32> to vector<400x128xf32>
    %add3A = arith.addf %get3A_5, %get3A_10 : vector<400x128xf32>
    %get3A_11 = arith.constant 0 : index
    %get3A_12 = arith.constant 0 : index
    %get3A_13 = arith.constant 0 : index
    %get3A_14 = vector.load %arg2[%get3A_11, %get3A_12, %get3A_13] : memref<2x400x128xf32, #tpu.memory_space<vmem>>, vector<1x400x128xf32>
    %get3A_15 = vector.shape_cast %get3A_14 : vector<1x400x128xf32> to vector<400x128xf32>
    %get3A_16 = arith.constant 1 : index
    %get3A_17 = arith.constant 0 : index
    %get3A_18 = arith.constant 0 : index
    %get3A_19 = vector.load %arg2[%get3A_16, %get3A_17, %get3A_18] : memref<2x400x128xf32, #tpu.memory_space<vmem>>, vector<1x400x128xf32>
    %get3A_20 = vector.shape_cast %get3A_19 : vector<1x400x128xf32> to vector<400x128xf32>
    %add3A_21 = arith.addf %get3A_15, %get3A_20 : vector<400x128xf32>
    %add3A_22 = arith.addf %add3A, %add3A_21 : vector<400x128xf32>
    %get3A_23 = arith.constant 0 : index
    %get3A_24 = arith.constant 0 : index
    %get3A_25 = arith.constant 0 : index
    %get3A_26 = vector.load %arg3[%get3A_23, %get3A_24, %get3A_25] : memref<2x400x128xf32, #tpu.memory_space<vmem>>, vector<1x400x128xf32>
    %get3A_27 = vector.shape_cast %get3A_26 : vector<1x400x128xf32> to vector<400x128xf32>
    %get3A_28 = arith.constant 1 : index
    %get3A_29 = arith.constant 0 : index
    %get3A_30 = arith.constant 0 : index
    %get3A_31 = vector.load %arg3[%get3A_28, %get3A_29, %get3A_30] : memref<2x400x128xf32, #tpu.memory_space<vmem>>, vector<1x400x128xf32>
    %get3A_32 = vector.shape_cast %get3A_31 : vector<1x400x128xf32> to vector<400x128xf32>
    %add3A_33 = arith.addf %get3A_27, %get3A_32 : vector<400x128xf32>
    %add3A_34 = arith.addf %add3A_22, %add3A_33 : vector<400x128xf32>
    %get3A_35 = arith.constant 0 : index
    %get3A_36 = arith.constant 0 : index
    %get3A_37 = arith.constant 0 : index
    %get3A_38 = vector.load %arg4[%get3A_35, %get3A_36, %get3A_37] : memref<2x400x128xf32, #tpu.memory_space<vmem>>, vector<1x400x128xf32>
    %get3A_39 = vector.shape_cast %get3A_38 : vector<1x400x128xf32> to vector<400x128xf32>
    %get3A_40 = arith.constant 1 : index
    %get3A_41 = arith.constant 0 : index
    %get3A_42 = arith.constant 0 : index
    %get3A_43 = vector.load %arg4[%get3A_40, %get3A_41, %get3A_42] : memref<2x400x128xf32, #tpu.memory_space<vmem>>, vector<1x400x128xf32>
    %get3A_44 = vector.shape_cast %get3A_43 : vector<1x400x128xf32> to vector<400x128xf32>
    %add3A_45 = arith.addf %get3A_39, %get3A_44 : vector<400x128xf32>
    %add3A_46 = arith.addf %add3A_34, %add3A_45 : vector<400x128xf32>
    %get3A_47 = arith.constant 0 : index
    %get3A_48 = arith.constant 0 : index
    %get3A_49 = vector.load %arg5[%get3A_47, %get3A_48] : memref<400x128xf32, #tpu.memory_space<vmem>>, vector<400x128xf32>
    %get3A_50 = arith.constant 0 : index
    %get3A_51 = arith.constant 0 : index
    %get3A_52 = vector.load %arg7[%get3A_50, %get3A_51] : memref<128x300xf32, #tpu.memory_space<vmem>>, vector<128x300xf32>
    %convert_element_type3A_53 = arith.truncf %get3A_49 : vector<400x128xf32> to vector<400x128xbf16>
    %convert_element_type3A_54 = arith.truncf %get3A_52 : vector<128x300xf32> to vector<128x300xbf16>
    %dot_general3A = arith.constant dense<0.000000e+00> : vector<400x300xf32>
    %dot_general3A_55 = tpu.matmul %convert_element_type3A_53, %convert_element_type3A_54, %dot_general3A {dimension_numbers = #tpu.dot_dimension_numbers<[1], [0], [0], [1], [0, 0, 1, 1], [], []>, transpose_lhs_hint = false} : vector<400x128xbf16>, vector<128x300xbf16>, vector<400x300xf32> -> vector<400x300xf32>
    %get3A_56 = arith.constant 0 : index
    %get3A_57 = arith.constant 0 : index
    %get3A_58 = vector.load %arg8[%get3A_56, %get3A_57] : memref<128x300xf32, #tpu.memory_space<vmem>>, vector<128x300xf32>
    %convert_element_type3A_59 = arith.truncf %add3A_46 : vector<400x128xf32> to vector<400x128xbf16>
    %convert_element_type3A_60 = arith.truncf %get3A_58 : vector<128x300xf32> to vector<128x300xbf16>
    %dot_general3A_61 = arith.constant dense<0.000000e+00> : vector<400x300xf32>
    %dot_general3A_62 = tpu.matmul %convert_element_type3A_59, %convert_element_type3A_60, %dot_general3A_61 {dimension_numbers = #tpu.dot_dimension_numbers<[1], [0], [0], [1], [0, 0, 1, 1], [], []>, transpose_lhs_hint = false} : vector<400x128xbf16>, vector<128x300xbf16>, vector<400x300xf32> -> vector<400x300xf32>
    %add3A_63 = arith.addf %dot_general3A_55, %dot_general3A_62 : vector<400x300xf32>
    %get3A_64 = arith.constant 0 : index
    %get3A_65 = arith.constant 0 : index
    %get3A_66 = vector.load %arg9[%get3A_64, %get3A_65] : memref<1x300xf32, #tpu.memory_space<vmem>>, vector<1x300xf32>
    %add3A_67 = vector.broadcast %get3A_66 : vector<1x300xf32> to vector<400x300xf32>
    %add3A_68 = arith.addf %add3A_63, %add3A_67 : vector<400x300xf32>
    %logistic3A = arith.negf %add3A_68 : vector<400x300xf32>
    %logistic3A_69 = math.exp %logistic3A : vector<400x300xf32>
    %logistic3A_70 = arith.constant 1.000000e+00 : f32
    %logistic3A_71 = vector.broadcast %logistic3A_70 : f32 to vector<400x300xf32>
    %logistic3A_72 = arith.addf %logistic3A_71, %logistic3A_69 : vector<400x300xf32>
    %logistic3A_73 = arith.divf %logistic3A_71, %logistic3A_72 : vector<400x300xf32>
    %mul3A = arith.mulf %add3A_68, %logistic3A_73 : vector<400x300xf32>
    %get3A_74 = arith.constant 0 : index
    %get3A_75 = arith.constant 0 : index
    %get3A_76 = vector.load %arg10[%get3A_74, %get3A_75] : memref<300x300xf32, #tpu.memory_space<vmem>>, vector<300x300xf32>
    %convert_element_type3A_77 = arith.truncf %mul3A : vector<400x300xf32> to vector<400x300xbf16>
    %convert_element_type3A_78 = arith.truncf %get3A_76 : vector<300x300xf32> to vector<300x300xbf16>
    %dot_general3A_79 = arith.constant dense<0.000000e+00> : vector<400x300xf32>
    %dot_general3A_80 = tpu.matmul %convert_element_type3A_77, %convert_element_type3A_78, %dot_general3A_79 {dimension_numbers = #tpu.dot_dimension_numbers<[1], [0], [0], [1], [0, 0, 1, 1], [], []>, transpose_lhs_hint = false} : vector<400x300xbf16>, vector<300x300xbf16>, vector<400x300xf32> -> vector<400x300xf32>
    %get3A_81 = arith.constant 0 : index
    %get3A_82 = arith.constant 0 : index
    %get3A_83 = vector.load %arg11[%get3A_81, %get3A_82] : memref<1x300xf32, #tpu.memory_space<vmem>>, vector<1x300xf32>
    %add3A_84 = vector.broadcast %get3A_83 : vector<1x300xf32> to vector<400x300xf32>
    %add3A_85 = arith.addf %dot_general3A_80, %add3A_84 : vector<400x300xf32>
    %logistic3A_86 = arith.negf %add3A_85 : vector<400x300xf32>
    %logistic3A_87 = math.exp %logistic3A_86 : vector<400x300xf32>
    %logistic3A_88 = arith.constant 1.000000e+00 : f32
    %logistic3A_89 = vector.broadcast %logistic3A_88 : f32 to vector<400x300xf32>
    %logistic3A_90 = arith.addf %logistic3A_89, %logistic3A_87 : vector<400x300xf32>
    %logistic3A_91 = arith.divf %logistic3A_89, %logistic3A_90 : vector<400x300xf32>
    %mul3A_92 = arith.mulf %add3A_85, %logistic3A_91 : vector<400x300xf32>
    %get3A_93 = arith.constant 0 : index
    %get3A_94 = arith.constant 0 : index
    %get3A_95 = vector.load %arg12[%get3A_93, %get3A_94] : memref<300x128xf32, #tpu.memory_space<vmem>>, vector<300x128xf32>
    %convert_element_type3A_96 = arith.truncf %mul3A_92 : vector<400x300xf32> to vector<400x300xbf16>
    %convert_element_type3A_97 = arith.truncf %get3A_95 : vector<300x128xf32> to vector<300x128xbf16>
    %dot_general3A_98 = arith.constant dense<0.000000e+00> : vector<400x128xf32>
    %dot_general3A_99 = tpu.matmul %convert_element_type3A_96, %convert_element_type3A_97, %dot_general3A_98 {dimension_numbers = #tpu.dot_dimension_numbers<[1], [0], [0], [1], [0, 0, 1, 1], [], []>, transpose_lhs_hint = false} : vector<400x300xbf16>, vector<300x128xbf16>, vector<400x128xf32> -> vector<400x128xf32>
    %get3A_100 = arith.constant 0 : index
    %get3A_101 = arith.constant 0 : index
    %get3A_102 = vector.load %arg13[%get3A_100, %get3A_101] : memref<1x128xf32, #tpu.memory_space<vmem>>, vector<1x128xf32>
    %add3A_103 = vector.broadcast %get3A_102 : vector<1x128xf32> to vector<400x128xf32>
    %add3A_104 = arith.addf %dot_general3A_99, %add3A_103 : vector<400x128xf32>
    %get3A_105 = arith.constant 0 : index
    %get3A_106 = arith.constant 0 : index
    %get3A_107 = arith.constant 0 : index
    %get3A_108 = vector.load %arg6[%get3A_105, %get3A_106, %get3A_107] : memref<1x1x400xi32, #tpu.memory_space<vmem>>, vector<1x1x400xi32>
    %reshape3A = vector.shape_cast %get3A_108 : vector<1x1x400xi32> to vector<1x400xi32>
    %iota3A = tpu.iota {dimensions = array<i32: 0>} : vector<64x400xi32>
    %eq3A_109 = vector.broadcast %reshape3A : vector<1x400xi32> to vector<64x400xi32>
    %eq3A_110 = arith.cmpi eq, %iota3A, %eq3A_109 : vector<64x400xi32>
    %convert_element_type3A_111 = arith.extui %eq3A_110 : vector<64x400xi1> to vector<64x400xi32>
    %convert_element_type3A_112 = arith.sitofp %convert_element_type3A_111 : vector<64x400xi32> to vector<64x400xf32>
    %get3A_113 = arith.constant 0 : index
    %get3A_114 = arith.constant 0 : index
    %get3A_115 = vector.load %arg17[%get3A_113, %get3A_114] : memref<64x128xf32, #tpu.memory_space<vmem>>, vector<64x128xf32>
    %dot_general3A_116 = arith.constant dense<0.000000e+00> : vector<64x128xf32>
    %dot_general3A_117 = tpu.matmul %convert_element_type3A_112, %add3A_104, %dot_general3A_116 {dimension_numbers = #tpu.dot_dimension_numbers<[1], [0], [0], [1], [0, 0, 1, 1], [], []>, transpose_lhs_hint = false} : vector<64x400xf32>, vector<400x128xf32>, vector<64x128xf32> -> vector<64x128xf32>
    %add3A_118 = arith.addf %get3A_115, %dot_general3A_117 : vector<64x128xf32>
    %swap3A = arith.constant 0 : index
    %swap3A_119 = arith.constant 0 : index
    %swap3A_120 = vector.load %arg17[%swap3A, %swap3A_119] : memref<64x128xf32, #tpu.memory_space<vmem>>, vector<64x128xf32>
    tpu.vector_store %arg17[%swap3A, %swap3A_119], %add3A_118 {strides = array<i32>} : memref<64x128xf32, #tpu.memory_space<vmem>>, vector<64x128xf32>,
    %reduce_sum3A = arith.constant dense<0.000000e+00> : vector<64xf32>
    %reduce_sum3A_121 = vector.multi_reduction <add>, %convert_element_type3A_112, %reduce_sum3A [1] : vector<64x400xf32> to vector<64xf32>
    %broadcast_in_dim3A = vector.shape_cast %reduce_sum3A_121 : vector<64xf32> to vector<64x1xf32>
    %get3A_122 = arith.constant 0 : index
    %get3A_123 = arith.constant 0 : index
    %get3A_124 = vector.load %arg18[%get3A_122, %get3A_123] : memref<64x128xf32, #tpu.memory_space<vmem>>, vector<64x128xf32>
    %broadcast_in_dim3A_125 = vector.shape_cast %broadcast_in_dim3A : vector<64x1xf32> to vector<64x1xf32>
    %broadcast_in_dim3A_126 = vector.broadcast %broadcast_in_dim3A_125 : vector<64x1xf32> to vector<64x128xf32>
    %add3A_127 = arith.addf %get3A_124, %broadcast_in_dim3A_126 : vector<64x128xf32>
    %swap3A_128 = arith.constant 0 : index
    %swap3A_129 = arith.constant 0 : index
    %swap3A_130 = vector.load %arg18[%swap3A_128, %swap3A_129] : memref<64x128xf32, #tpu.memory_space<vmem>>, vector<64x128xf32>
    tpu.vector_store %arg18[%swap3A_128, %swap3A_129], %add3A_127 {strides = array<i32>} : memref<64x128xf32, #tpu.memory_space<vmem>>, vector<64x128xf32>,
    %eq3A_131 = arith.constant 24 : i32
    %eq3A_132 = arith.cmpi eq, %arg0, %eq3A_131 : i32
    %convert_element_type3A_133 = arith.extui %eq3A_132 : i1 to i32
    %cond3A_134 = arith.constant 0 : i32
    %cond3A_135 = arith.cmpi ne, %convert_element_type3A_133, %cond3A_134 : i32
    scf.if %cond3A_135 {
      %get3A_136 = arith.constant 0 : index
      %get3A_137 = arith.constant 0 : index
      %get3A_138 = vector.load %arg17[%get3A_136, %get3A_137] : memref<64x128xf32, #tpu.memory_space<vmem>>, vector<64x128xf32>
      %get3A_139 = arith.constant 0 : index
      %get3A_140 = arith.constant 0 : index
      %get3A_141 = vector.load %arg18[%get3A_139, %get3A_140] : memref<64x128xf32, #tpu.memory_space<vmem>>, vector<64x128xf32>
      %max3A = arith.constant 1.000000e+00 : f32
      %max3A_142 = vector.broadcast %max3A : f32 to vector<64x128xf32>
      %max3A_143 = arith.maximumf %get3A_141, %max3A_142 : vector<64x128xf32>
      %div3A = arith.divf %get3A_138, %max3A_143 : vector<64x128xf32>
      %get3A_144 = arith.constant 0 : index
      %get3A_145 = arith.constant 0 : index
      %get3A_146 = vector.load %arg14[%get3A_144, %get3A_145] : memref<128x2xf32, #tpu.memory_space<vmem>>, vector<128x2xf32>
      %dot_general3A_147 = arith.constant dense<0.000000e+00> : vector<64x2xf32>
      %dot_general3A_148 = tpu.matmul %div3A, %get3A_146, %dot_general3A_147 {dimension_numbers = #tpu.dot_dimension_numbers<[1], [0], [0], [1], [0, 0, 1, 1], [], []>, transpose_lhs_hint = false} : vector<64x128xf32>, vector<128x2xf32>, vector<64x2xf32> -> vector<64x2xf32>
      %get3A_149 = arith.constant 0 : index
      %get3A_150 = arith.constant 0 : index
      %get3A_151 = vector.load %arg15[%get3A_149, %get3A_150] : memref<1x2xf32, #tpu.memory_space<vmem>>, vector<1x2xf32>
      %add3A_152 = vector.broadcast %get3A_151 : vector<1x2xf32> to vector<64x2xf32>
      %add3A_153 = arith.addf %dot_general3A_148, %add3A_152 : vector<64x2xf32>
      %swap3A_154 = arith.constant 0 : index
      %swap3A_155 = arith.constant 0 : index
      %swap3A_156 = vector.load %arg16[%swap3A_154, %swap3A_155] : memref<64x2xf32, #tpu.memory_space<vmem>>, vector<64x2xf32>
      tpu.vector_store %arg16[%swap3A_154, %swap3A_155], %add3A_153 {strides = array<i32>} : memref<64x2xf32, #tpu.memory_space<vmem>>, vector<64x2xf32>,
    } else {
    }
    return
  }
  func.func @transform_0(%arg0: i32) -> (i32, i32, i32) {
    %c0_i32 = arith.constant 0 : i32
    %c0_i32_0 = arith.constant 0 : i32
    %c0_i32_1 = arith.constant 0 : i32
    return %c0_i32, %arg0, %c0_i32_0 : i32, i32, i32
  }
  func.func @transform_1(%arg0: i32) -> (i32, i32, i32) {
    %c0_i32 = arith.constant 0 : i32
    %c0_i32_0 = arith.constant 0 : i32
    %c0_i32_1 = arith.constant 0 : i32
    return %c0_i32, %arg0, %c0_i32_0 : i32, i32, i32
  }
  func.func @transform_2(%arg0: i32) -> (i32, i32, i32) {
    %c0_i32 = arith.constant 0 : i32
    %c0_i32_0 = arith.constant 0 : i32
    %c0_i32_1 = arith.constant 0 : i32
    return %c0_i32, %arg0, %c0_i32_0 : i32, i32, i32
  }
  func.func @transform_3(%arg0: i32) -> (i32, i32, i32) {
    %c0_i32 = arith.constant 0 : i32
    %c0_i32_0 = arith.constant 0 : i32
    %c0_i32_1 = arith.constant 0 : i32
    return %c0_i32, %arg0, %c0_i32_0 : i32, i32, i32
  }
  func.func @transform_4(%arg0: i32) -> (i32, i32) {
    %c0_i32 = arith.constant 0 : i32
    %c0_i32_0 = arith.constant 0 : i32
    return %arg0, %c0_i32 : i32, i32
  }
  func.func @transform_5(%arg0: i32) -> (i32, i32, i32) {
    %c0_i32 = arith.constant 0 : i32
    %c0_i32_0 = arith.constant 0 : i32
    %c0_i32_1 = arith.constant 0 : i32
    return %arg0, %c0_i32, %c0_i32_0 : i32, i32, i32
  }
  func.func @transform_6(%arg0: i32) -> (i32, i32) {
    %c0_i32 = arith.constant 0 : i32
    %c0_i32_0 = arith.constant 0 : i32
    %c0_i32_1 = arith.constant 0 : i32
    return %c0_i32, %c0_i32_0 : i32, i32
  }
  func.func @transform_7(%arg0: i32) -> (i32, i32) {
    %c0_i32 = arith.constant 0 : i32
    %c0_i32_0 = arith.constant 0 : i32
    %c0_i32_1 = arith.constant 0 : i32
    return %c0_i32, %c0_i32_0 : i32, i32
  }
  func.func @transform_8(%arg0: i32) -> (i32, i32) {
    %c0_i32 = arith.constant 0 : i32
    %c0_i32_0 = arith.constant 0 : i32
    %c0_i32_1 = arith.constant 0 : i32
    return %c0_i32, %c0_i32_0 : i32, i32
  }
  func.func @transform_9(%arg0: i32) -> (i32, i32) {
    %c0_i32 = arith.constant 0 : i32
    %c0_i32_0 = arith.constant 0 : i32
    %c0_i32_1 = arith.constant 0 : i32
    return %c0_i32, %c0_i32_0 : i32, i32
  }
  func.func @transform_10(%arg0: i32) -> (i32, i32) {
    %c0_i32 = arith.constant 0 : i32
    %c0_i32_0 = arith.constant 0 : i32
    %c0_i32_1 = arith.constant 0 : i32
    return %c0_i32, %c0_i32_0 : i32, i32
  }
  func.func @transform_11(%arg0: i32) -> (i32, i32) {
    %c0_i32 = arith.constant 0 : i32
    %c0_i32_0 = arith.constant 0 : i32
    %c0_i32_1 = arith.constant 0 : i32
    return %c0_i32, %c0_i32_0 : i32, i32
  }
  func.func @transform_12(%arg0: i32) -> (i32, i32) {
    %c0_i32 = arith.constant 0 : i32
    %c0_i32_0 = arith.constant 0 : i32
    %c0_i32_1 = arith.constant 0 : i32
    return %c0_i32, %c0_i32_0 : i32, i32
  }
  func.func @transform_13(%arg0: i32) -> (i32, i32) {
    %c0_i32 = arith.constant 0 : i32
    %c0_i32_0 = arith.constant 0 : i32
    %c0_i32_1 = arith.constant 0 : i32
    return %c0_i32, %c0_i32_0 : i32, i32
  }
  func.func @transform_14(%arg0: i32) -> (i32, i32) {
    %c0_i32 = arith.constant 0 : i32
    %c0_i32_0 = arith.constant 0 : i32
    %c0_i32_1 = arith.constant 0 : i32
    return %c0_i32, %c0_i32_0 : i32, i32
  }
  func.func @transform_15(%arg0: i32) -> (i32, i32) {
    %c0_i32 = arith.constant 0 : i32
    %c0_i32_0 = arith.constant 0 : i32
    %c0_i32_1 = arith.constant 0 : i32
    return %c0_i32, %c0_i32_0 : i32, i32
  }
}

</mosaic_0001>

<sc_bundles>
// kernel: sc_gather_0.3.cloned.1.call-start
scs
__scs_entry_jumppad:
0x0: {  	(pc) =	sbr.rel $0x88, $3  }
0x1: {  	(tag) =	ssettag $0x0;
	lr =	simm.s32 $0x1  }
0x2: {  	[smem:$0x3F8F] =	sst lr;
	_ =	strace $0xD0000000  }
0x3: {  	_ = 	snop  }
0x4: {  	_ = 	snop  }
0x5: {  	_ = 	snop  }
0x6: {  	_ = 	snop  }
0x7: {  	_ = 	snop  }
__scs_overlays_trampoline_lowered:
0x8: {  	[smem:$0x3F9E] =	sst s0  }
0x9: {  	[smem:$0x3F9F] =	sst s1  }
0xa: {  	[smem:$0x3FA0] =	sst s2  }
0xb: {  	[smem:$0x3FA1] =	sst s3  }
0xc: {  	[smem:$0x3FA2] =	sst s4  }
0xd: {  	[smem:$0x3FA3] =	sst s5  }
0xe: {  	[smem:$0x3FA4] =	sst s6  }
0xf: {  	[smem:$0x3FA5] =	sst s7  }
0x10: {  	[smem:$0x3FA6] =	sst s8  }
0x11: {  	[smem:$0x3FA7] =	sst s9;
	s0 =	simm.s32 @!p0 $0x0  }
0x12: {  	s1 =	sld [smem:$0x3F8D];
	s0 =	simm.s32 @p0 $0x1  }
0x13: {  	[smem:$0x3FA8] =	sst s0;
	s0 =	simm.s32 @!p1 $0x0  }
0x14: {  	s2 =	sld [smem:$0x3F8C];
	s0 =	simm.s32 @p1 $0x1  }
0x15: {  	[smem:$0x3FA9] =	sst s0;
	s0 =	simm.s32 @!p2 $0x0  }
0x16: {  	s3 =	sld [smem:$0x3FDB];
	s0 =	simm.s32 @p2 $0x1  }
0x17: {  	s4 =	simm.s32 $0x1BF5;
	[smem:$0x3FAB] =	sst s0  }
0x18: {  	s0 =	sld [smem:$0x3F8E];
	_ =	swait.ge [sflag:s4], $0x0  }
0x19: {  	s7 =	sld [smem:$0x3F8F]  }
0x1a: {  	s8 =	sadd.s32 $0xFFFFE003, lr  }
0x1b: {  	s9 =	sadd.s32 $0xFFFFFEF7, lr;
	s5 =	simm.s32 $0xFFFFFFFF;
	p2 =	slt.u32 s8, $0xFFFFF086  }
0x1c: {  	p1 =	slt.u32 s9, $0xF7A;
	s5 =	simm.s32 @!p2 $0x0  }
0x1d: {  	s5 =	simm.s32 @p1 $0x1;
	p0 =	seq.s32 s7, s2  }
0x1e: {  	s7 =	smul.u32 @!p0 $0xF7A, s2;
	p2 =	seq.s32 @!p0 s5, $0x0  }
0x1f: {  	s9 =	smul.u32 $0xF7A, s1;
	s8 =	simm.s32 @!p0 $0x1BF5;
	p2 =	por !p2, p0  }
0x20: {  	[sflag:s8] =	ssyncset.s32 @!p0 $0xFFFFF086;
	s6 =	sadd.s32 @!p0 s3, s7;
	s7 =	simm.s32 @!p0 $0x108  }
0x21: {  	s3 =	sadd.s32 s3, s9;
	s6 =	sadd.s32 @!p0 $0x88, s6;
	s7 =	simm.s32 @p2 $0x1082  }
0x22: {  	[simem:s7], [sflag:s8] =	dma.local @!p0 [hbm:s6], $0xF7A  }
0x23: {  	s9 =	sor.u32 $0xD0000000, s2;
	s6 =	simm.s32 $0x108;
	_ =	swait.ge @!p0 [sflag:s8], $0x0  }
0x24: {  	s3 =	sadd.s32 $0x88, s3;
	s6 =	simm.s32 @!p1 $0x1082;
	[sflag:s4] =	ssyncset.s32 $0xFFFFF086  }
0x25: {  	[simem:s6], [sflag:s4] =	dma.local [hbm:s3], $0xF7A  }
0x26: {  	[smem:$0x3F8F] =	sst s1;
	(tag) =	ssettag s2;
	_ =	strace s9  }
0x27: {  	s1 =	sld [smem:$0x3F9F]  }
0x28: {  	s2 =	sld [smem:$0x3FA0]  }
0x29: {  	s4 =	sld [smem:$0x3FA2]  }
0x2a: {  	p0 =	seq.s32 s5, $0x0;
	s5 =	sld [smem:$0x3FA3]  }
0x2b: {  	s6 =	sld [smem:$0x3FA4]  }
0x2c: {  	s7 =	sld [smem:$0x3FA5]  }
0x2d: {  	s3 =	simm.s32 $0x108;
	s8 =	sld [smem:$0x3FA6]  }
0x2e: {  	s3 =	simm.s32 @!p0 $0x1082;
	s9 =	sld [smem:$0x3FA7]  }
0x2f: {  	lr =	sadd.s32 s0, s3;
	s0 =	sld [smem:$0x3F9E]  }
0x30: {  	s3 =	sld [smem:$0x3FA1]  }
0x31: {  	[smem:$0x3FAA] =	sst s10  }
0x32: {  	s10 =	sld [smem:$0x3FA8];
	_ =	sdelay $0x3  }
0x33: {  	p0 =	seq.s32 s10, $0x1;
	s10 =	sld [smem:$0x3FAA];
	_ =	sdelay $0x3  }
0x34: {  	[smem:$0x3FAA] =	sst s10  }
0x35: {  	s10 =	sld [smem:$0x3FA9];
	_ =	sdelay $0x3  }
0x36: {  	p1 =	seq.s32 s10, $0x1;
	s10 =	sld [smem:$0x3FAA];
	_ =	sdelay $0x3  }
0x37: {  	[smem:$0x3FAA] =	sst s10  }
0x38: {  	s10 =	sld [smem:$0x3FAB]  }
0x39: {  	_ = 	snop;
	(pc) =	sbr.ind lr, $3  }
0x3a: {  	_ = 	snop  }
0x3b: {  	_ = 	snop  }
0x3c: {  	p2 =	seq.s32 s10, $0x1;
	s10 =	sld [smem:$0x3FAA]  }
0x3d: {  	_ =	shalt  }
0x3e: {  	_ =	shalt  }
0x3f: {  	_ =	shalt  }
0x40: {  	_ =	shalt  }
0x41: {  	_ =	shalt  }
0x42: {  	_ =	shalt  }
0x43: {  	_ =	shalt  }
0x44: {  	_ =	shalt  }
0x45: {  	_ =	shalt  }
0x46: {  	_ =	shalt  }
0x47: {  	_ =	shalt  }
0x48: {  	_ =	shalt  }
0x49: {  	_ =	shalt  }
0x4a: {  	_ =	shalt  }
0x4b: {  	_ =	shalt  }
0x4c: {  	_ =	shalt  }
0x4d: {  	_ =	shalt  }
0x4e: {  	_ =	shalt  }
0x4f: {  	_ =	shalt  }
0x50: {  	_ =	shalt  }
0x51: {  	_ =	shalt  }
0x52: {  	_ =	shalt  }
0x53: {  	_ =	shalt  }
0x54: {  	_ =	shalt  }
0x55: {  	_ =	shalt  }
0x56: {  	_ =	shalt  }
0x57: {  	_ =	shalt  }
0x58: {  	_ =	shalt  }
0x59: {  	_ =	shalt  }
0x5a: {  	_ =	shalt  }
0x5b: {  	_ =	shalt  }
0x5c: {  	_ =	shalt  }
0x5d: {  	_ =	shalt  }
0x5e: {  	_ =	shalt  }
0x5f: {  	_ =	shalt  }
0x60: {  	_ =	shalt  }
0x61: {  	_ =	shalt  }
0x62: {  	_ =	shalt  }
0x63: {  	_ =	shalt  }
0x64: {  	_ =	shalt  }
0x65: {  	_ =	shalt  }
0x66: {  	_ =	shalt  }
0x67: {  	_ =	shalt  }
0x68: {  	_ =	shalt  }
0x69: {  	_ =	shalt  }
0x6a: {  	_ =	shalt  }
0x6b: {  	_ =	shalt  }
0x6c: {  	_ =	shalt  }
0x6d: {  	_ =	shalt  }
0x6e: {  	_ =	shalt  }
0x6f: {  	_ =	shalt  }
0x70: {  	_ =	shalt  }
0x71: {  	_ =	shalt  }
0x72: {  	_ =	shalt  }
0x73: {  	_ =	shalt  }
0x74: {  	_ =	shalt  }
0x75: {  	_ =	shalt  }
0x76: {  	_ =	shalt  }
0x77: {  	_ =	shalt  }
0x78: {  	_ =	shalt  }
0x79: {  	_ =	shalt  }
0x7a: {  	_ =	shalt  }
0x7b: {  	_ =	shalt  }
0x7c: {  	_ =	shalt  }
0x7d: {  	_ =	shalt  }
0x7e: {  	_ =	shalt  }
0x7f: {  	_ =	shalt  }
0x80: {  	_ =	shalt  }
0x81: {  	_ =	shalt  }
0x82: {  	_ =	shalt  }
0x83: {  	_ =	shalt  }
0x84: {  	_ =	shalt  }
0x85: {  	_ =	shalt  }
0x86: {  	_ =	shalt  }
0x87: {  	_ =	shalt  }
.Lfunc_end0:
.L_simem_size_0:
called_computation_lowered:
.L_overlay_start_0:
0x88: {  	s2 =	sld [smem:$0x3FD9]  }
0x89: {  	s3 =	sld [smem:$0x3FFE];
	_ =	sdelay $0x1  }
0x8a: {  	s1 =	srdreg.scid  }
0x8b: {  	s0 =	sand.u32 $0x1, s1  }
0x8c: {  	s17 =	sshll.u32 s0, $0xA;
	s2 =	sadd.s32 s3, s2  }
0x8d: {  	s2 =	sadd.s32 s2, s17  }
0x8e: {  	[smem:$0x3FB6] =	sst s2  }
0x8f: {  	_ = 	snop  }
0x90: {  	s18 =	sld [smem:$0x3FC9];
	(tm) =	ssettm $0x1  }
0x91: {  	s19 =	sld [smem:$0x3FFB];
	_ =	sdelay $0x3  }
0x92: {  	_ =	strace s19  }
0x93: {  	s2 =	sld [smem:$0x3FFC];
	_ =	sdelay $0x3  }
0x94: {  	_ =	strace s2  }
0x95: {  	s2 =	sld [smem:$0x3FFD];
	_ =	sdelay $0x3  }
0x96: {  	_ =	strace s2  }
0x97: {  	_ =	strace $0x8FFFFFFF  }
0x98: {  	s20 =	sld [smem:$0x3FDB];
	_ =	sdelay $0x1  }
0x99: {  	s4 =	simm.s32 $_scs_section_size  }
0x9a: {  	s5 =	simm.s32 $_size__tile_overlayer_lowered;
	s6 =	simm.s32 $_tile_overlayer_lowered  }
0x9b: {  	s7 =	simm.s32 $0x1BFF;
	s21 =	sshll.u32 s6, $0x1;
	s4 =	sadd.s32 s4, s20  }
0x9c: {  	s22 =	simm.s32 $0x0;
	s5 =	sshll.u32 s5, $0x1;
	s6 =	sadd.s32 s21, s4  }
0x9d: {  	[timem:s22], [sflag:s7] =	dma.local [hbm:s6], s5  }
0x9e: {  	_ =	swait.ge [sflag:s7], s5  }
0x9f: {  	s5 =	ssub.s32 $0x0, s5;
	[sflag:s7] =	ssyncset.done $0x0  }
0xa0: {  	[sflag:s7] =	ssyncadd.s32 s5;
	_ =	sdelay $0x1  }
0xa1: {  	s23 =	simm.s32 $0x1B8B  }
0xa2: {  	_ =	swait.ge [sflag:s23], $0x1  }
0xa3: {  	[sflag:s23] =	ssyncset.done $0x0  }
0xa4: {  	[sflag:s23] =	ssyncadd.s32 $0xFFFFFFFF  }
0xa5: {  	s5 =	sld [smem:$0x0]  }
0xa6: {  	s6 =	sand.u32 $0xFFFFFFFE, s1  }
0xa7: {  	p0 =	sne.s32 s1, s6  }
0xa8: {  	s6 =	sshll.u32 @p0 s6, $0xE  }
0xa9: {  	s6 =	sadd.s32 @p0 $0x11B8D, s6;
	s7 =	sshll.u32 @p0 s5, $0x11  }
0xaa: {  	s6 =	sor.u32 @p0 s7, s6  }
0xab: {  	[sflag:s6] =	ssyncadd.remote.s32 @p0 $0x1;
	_ =	sdelay $0x1  }
0xac: {  	s6 =	simm.s32 @p0 $0x1B8D  }
0xad: {  	_ =	swait.eq @p0 [sflag:s6], $0x1  }
0xae: {  	[sflag:s6] =	ssyncadd.s32 @p0 $0xFFFFFFFF  }
0xaf: {  	s7 =	sshll.u32 @!p0 s1, $0xE  }
0xb0: {  	s7 =	sor.u32 @!p0 $0x4000, s7;
	s6 =	simm.s32 @!p0 $0x1B8D  }
0xb1: {  	s5 =	sshll.u32 @!p0 s5, $0x11;
	s7 =	sadd.s32 @!p0 $0x11B8D, s7;
	_ =	swait.eq @!p0 [sflag:s6], $0x1  }
0xb2: {  	s5 =	sor.u32 @!p0 s5, s7;
	[sflag:s6] =	ssyncadd.s32 @!p0 $0xFFFFFFFF  }
0xb3: {  	s25 =	simm.s32 $0x1B8E;
	s24 =	sld [smem:$0x3FFE];
	[sflag:s5] =	ssyncadd.remote.s32 @!p0 $0x1  }
0xb4: {  	s26 =	simm.s32 $execute0_lowered;
	[smem:$0x3FD2] =	sst s25  }
0xb5: {  	s6 =	sshll.u32 s26, $0x1;
	_ =	strace $0x8000004C;
	[dreg:$0x1] =	wrdreg $0xFFFFFFFF  }
0xb6: {  	s28 =	simm.s32 $_size_execute0_lowered;
	s4 =	sadd.s32 s4, s6;
	[dreg:$0x0] =	wrdreg $0x0  }
0xb7: {  	s6 =	sshll.u32 s28, $0x1;
	[dreg:$0x2] =	wrdreg s4  }
0xb8: {  	[dreg:$0x3] =	wrdreg s6  }
0xb9: {  	[dreg:$0x4] =	wrdreg $0xC0  }
0xba: {  	_ =	task [dreg:s22], $0x5FFFF  }
0xbb: {  	[dreg:$0x1] =	wrdreg $0xFFFFFFFF  }
0xbc: {  	[dreg:$0x0] =	wrdreg $0x60  }
0xbd: {  	[dreg:$0x2] =	wrdreg s18  }
0xbe: {  	[dreg:$0x3] =	wrdreg s24  }
0xbf: {  	[dreg:$0x4] =	wrdreg $0xB  }
0xc0: {  	_ =	task.clear_ibuf [dreg:s22], $0x5FFFF;
	_ =	strace $0x9000004C  }
0xc1: {  	s29 =	simm.s32 $0xB;
	_ =	strace $0x8000004E  }
0xc2: {  	_ =	swait.ge [sflag:s29], $0x1  }
0xc3: {  	[sflag:s29] =	ssyncadd.s32 $0xFFFFFFFF  }
0xc4: {  	_ =	strace $0x9000004E  }
0xc5: {  	_ =	sfence  }
0xc6: {  	s30 =	sld [smem:$0x0];
	_ =	sdelay $0x2  }
0xc7: {  	s31 =	sshll.u32 s1, $0xD;
	s1 =	sshrl.u32 s1, $0x2  }
0xc8: {  	s4 =	sand.u32 $0x4000, s31;
	s1 =	sadd.s32 s1, s30  }
0xc9: {  	s0 =	sor.u32 s4, s0;
	s1 =	sshll.u32 s1, $0x11  }
0xca: {  	s0 =	sor.u32 s1, s0  }
0xcb: {  	s0 =	sadd.s32 $0x8F2B, s0  }
0xcc: {  	[sflag:s0] =	ssyncadd.remote.s32 $0x1  }
0xcd: {  	_ =	sfence.sel $0xFFFF  }
0xce: {  	[dreg:$0x0] =	wrdreg $0xFFFFFFFF;
	(pc) =	sbr.abs _section_cstart, $3  }
0xcf: {  	[dreg:$0x1] =	wrdreg $0xFFFFFFFF  }
0xd0: {  	_ =	task.clear_ibuf [dreg:s22], $0x2FFFF;
	_ =	strace $0x9FFFFFFF  }
0xd1: {  	(tm) =	ssettm $0x7FFFFFFF  }
tec
execute0_lowered:
.L_overlay_start_1:
0x0: {  	(tag) =	ssettag $0x1  }
0x1: {  	s1 =	rddreg [dreg:$0x0]  }
0x2: {  	s0 =	rddreg [dreg:$0x1];
	s2 =	srdreg.scid;
	s3 =	simm.s32 $0x0  }
0x3: {  	s11 =	stileid.u32;
	s13 =	simm.s32 $0x100;
	s14 =	simm.s32 $0x1  }
0x4: {  	s15 =	simm.s32 $0x50;
	s16 =	simm.s32 $0x200;
	s17 =	simm.s32 $0x3  }
0x5: {  	s18 =	simm.s32 $0x5200;
	s19 =	simm.s32 $0x80;
	s20 =	simm.s32 $0x180  }
0x6: {  	s21 =	simm.s32 $0x2;
	s22 =	simm.s32 $0x2A00;
	s28 =	simm.s32 $0x800  }
0x7: {  	s2 =	sand.u32 $0x1, s2;
	[smem:$0x7FF] =	sst s3;
	s10 =	smul.u32 $0x8C0, s11  }
0x8: {  	s5 =	sadd.s32 $0xF400, s0;
	s25 =	smul.u32 $0x11800, s11;
	s4 =	sshll.u32 s2, $0x4  }
0x9: {  	_ =	strace $0x8000004D;
	s7 =	ssub.s32 $0x2, s2;
	s23 =	smul.u32 $0x8C00, s2  }
0xa: {  	s2 =	smul.u32 $0x118000, s2;
	s6 =	sor.u32 s11, s4;
	s4 =	sadd.s32 $0x5600, s0  }
0xb: {  	s9 =	sshrl.u32 s7, $0x1;
	s0 =	sadd.s32 $0x5E1200, s0;
	s8 =	smul.u32 $0x8C0, s6  }
0xc: {  	s6 =	smul.u32 $0x8C000, s6;
	s7 =	ssub.s32 s7, s9;
	s26 =	sadd.s32 s10, s23  }
0xd: {  	s23 =	simm.s32 $0x4;
	s7 =	smax.u32 s7, $0x1;
	s29 =	sadd.s32 $0x50, s26  }
0xe: {  	s30 =	sshrl.u32 s26, $0x3;
	s26 =	simm.s32 $0x400;
	[dreg:$0x6] =	wrdreg s7  }
0xf: {  	s8 =	sadd.s32 $0x50, s8;
	s6 =	sshrl.u32 s6, $0x3;
	[dreg:$0x7] =	wrdreg s29  }
0x10: {  	s31 =	sadd.s32 s30, s5;
	[dreg:$0x3] =	wrdreg s8;
	s6 =	sadd.s32 s0, s6  }
0x11: {  	s0 =	sadd.s32 s2, s0;
	[dreg:$0x8] =	wrdreg s31;
	s24 =	sadd.s32 $0x10E00, s6  }
0x12: {  	s6 =	sadd.s32 $0x10E80, s6;
	s10 =	sadd.s32 s25, s0;
	[dreg:$0x4] =	wrdreg s24  }
0x13: {  	s0 =	sadd.s32 s30, s4;
	s25 =	simm.s32 $0x5;
	[dreg:$0x5] =	wrdreg s6  }
0x14: {  	[dreg:$0x9] =	wrdreg s0;
	s24 =	simm.s32 $0x7A00;
	s6 =	simm.s32 $0x0  }
.LBB2_1:
0x15: {  	p0 =	por $0x1, $0x1  }
0x16: {  	[dreg:$0xa] =	wrdreg s6;
	s2 =	simm.s32 @!p0 $0x7  }
0x17: {  	_ =	swait.ge @!p0 [sflag:s2], $0x2800  }
0x18: {  	[sflag:s2] =	ssyncset.done @!p0 $0x0  }
0x19: {  	[sflag:s2] =	ssyncadd.s32 @!p0 $0xFFFFD800  }
0x1a: {  	_ =	swait.ge @!p0 [sflag:s2], $0x2800  }
0x1b: {  	[sflag:s2] =	ssyncset.done @!p0 $0x0  }
0x1c: {  	s29 =	rddreg [dreg:$0x9];
	[sflag:s2] =	ssyncadd.s32 @!p0 $0xFFFFD800  }
0x1d: {  	[tilespmem:s3], [sflag:$0x1] =	stream.linear.gather [hbm4b:s29+s3], $0x50, $0x38;
	[tilespmem:$0xA200] =	vst v63  }
0x1e: {  	s12 =	rddreg [dreg:$0x8]  }
0x1f: {  	[tilespmem:s13], [sflag:$0x3] =	stream.linear.gather [hbm4b:s12+s3], $0x50, $0x38;
	[tilespmem:$0xA200] =	vst v63  }
0x20: {  	_ =	swait.ge [sflag:s14], $0x50  }
0x21: {  	[sflag:s14] =	ssyncset.done $0x0  }
0x22: {  	[sflag:s14] =	ssyncadd.s32 $0xFFFFFFB0  }
0x23: {  	[tilespmem:s16], [sflag:$0x5] =	stream.indirect.gather [hbm4b:s1+s15], $0x80, s3, s15, $0xb8;
	[tilespmem:$0xA200] =	vst v63  }
0x24: {  	_ =	swait.ge [sflag:s17], $0x50  }
0x25: {  	[sflag:s17] =	ssyncset.done $0x0  }
0x26: {  	s2 =	simm.s32 @!p0 $0x6;
	[sflag:s17] =	ssyncadd.s32 $0xFFFFFFB0  }
0x27: {  	[tilespmem:s18], [sflag:$0x5] =	stream.indirect.gather [hbm4b:s1+s15], $0x80, s13, s15, $0xb8;
	[tilespmem:$0xA200] =	vst v63  }
0x28: {  	_ =	swait.ge @!p0 [sflag:s2], $0x2800  }
0x29: {  	[sflag:s2] =	ssyncset.done @!p0 $0x0  }
0x2a: {  	[sflag:s2] =	ssyncadd.s32 @!p0 $0xFFFFD800  }
0x2b: {  	s6 =	sadd.s32 @!p0 $0x0, s10;
	_ =	swait.ge @!p0 [sflag:s2], $0x2800  }
0x2c: {  	s7 =	simm.s32 @!p0 $0x7A00;
	s8 =	simm.s32 @!p0 $0x400;
	[sflag:s2] =	ssyncset.done @!p0 $0x0  }
0x2d: {  	s9 =	simm.s32 @!p0 $0x800;
	[sflag:s2] =	ssyncadd.s32 @!p0 $0xFFFFD800;
	s2 =	sadd.s32 @!p0 $0xFFFFF600, s6  }
0x2e: {  	[hbm4b:s2+s8] =	stream.strided.scatter @!p0 [tilespmem:s7], [sflag:$0x8], $0x2800, s9, s8, $0x38;
	[tilespmem:$0xA200] =	vst v63  }
0x2f: {  	s2 =	sadd.s32 @!p0 $0xFFFFF680, s6;
	s6 =	simm.s32 @!p0 $0x2A00;
	s7 =	simm.s32 @!p0 $0x8  }
0x30: {  	[hbm4b:s2+s8] =	stream.strided.scatter @!p0 [tilespmem:s6], [sflag:$0x8], $0x2800, s9, s8, $0x38;
	[tilespmem:$0xA200] =	vst v63  }
0x31: {  	_ =	swait.ge @!p0 [sflag:s7], $0x2800  }
0x32: {  	[sflag:s7] =	ssyncset.done @!p0 $0x0  }
0x33: {  	[sflag:s7] =	ssyncadd.s32 @!p0 $0xFFFFD800  }
0x34: {  	_ =	swait.ge @!p0 [sflag:s7], $0x2800  }
0x35: {  	s0 =	rddreg [dreg:$0x7]  }
0x36: {  	s2 =	rddreg [dreg:$0x3];
	s6 =	smov.u32 s0  }
0x37: {  	s6 =	smov.u32 @p0 s2  }
0x38: {  	[sflag:s7] =	ssyncset.done @!p0 $0x0;
	s2 =	sshrl.u32 s6, $0x3  }
0x39: {  	[sflag:s7] =	ssyncadd.s32 @!p0 $0xFFFFD800;
	s6 =	sadd.s32 s4, s2  }
0x3a: {  	[tilespmem:s19], [sflag:$0x2] =	stream.linear.gather [hbm4b:s6+s3], $0x50, $0x38;
	[tilespmem:$0xA200] =	vst v63  }
0x3b: {  	s2 =	sadd.s32 s5, s2  }
0x3c: {  	[tilespmem:s20], [sflag:$0x4] =	stream.linear.gather [hbm4b:s2+s3], $0x50, $0x38;
	[tilespmem:$0xA200] =	vst v63  }
0x3d: {  	_ =	swait.ge [sflag:s21], $0x50  }
0x3e: {  	[sflag:s21] =	ssyncset.done $0x0  }
0x3f: {  	[sflag:s21] =	ssyncadd.s32 $0xFFFFFFB0  }
0x40: {  	[tilespmem:s22], [sflag:$0x6] =	stream.indirect.gather [hbm4b:s1+s15], $0x80, s19, s15, $0xb8;
	[tilespmem:$0xA200] =	vst v63  }
0x41: {  	_ =	swait.ge [sflag:s23], $0x50  }
0x42: {  	[sflag:s23] =	ssyncset.done $0x0  }
0x43: {  	[sflag:s23] =	ssyncadd.s32 $0xFFFFFFB0  }
0x44: {  	[tilespmem:s24], [sflag:$0x6] =	stream.indirect.gather [hbm4b:s1+s15], $0x80, s20, s15, $0xb8;
	[tilespmem:$0xA200] =	vst v63  }
0x45: {  	_ =	swait.ge [sflag:s25], $0x2800  }
0x46: {  	s11 =	simm.s32 $0x2800;
	[sflag:s25] =	ssyncset.done $0x0  }
0x47: {  	s8 =	sadd.s32 $0x14, s12;
	s9 =	sadd.s32 $0x0, s10;
	[sflag:s25] =	ssyncadd.s32 $0xFFFFD800  }
0x48: {  	s7 =	sadd.s32 $0x14, s29;
	p0 =	por $0x0, $0x0;
	_ =	swait.ge [sflag:s25], $0x2800  }
0x49: {  	s29 =	sadd.s32 $0x80, s9;
	s12 =	sadd.s32 @!p0 $0x1400, s10;
	[sflag:s25] =	ssyncset.done $0x0  }
0x4a: {  	s6 =	sadd.s32 $0xA0, s0;
	s2 =	simm.s32 $0x1400;
	[sflag:s25] =	ssyncadd.s32 $0xFFFFD800  }
.LBB2_2:
0x4b: {  	[hbm4b:s9+s26] =	stream.strided.scatter [tilespmem:s18], [sflag:$0x7], $0x2800, s28, s26, $0x38;
	[tilespmem:$0xA200] =	vst v63  }
0x4c: {  	s30 =	simm.s32 @!p0 $0x7  }
0x4d: {  	[hbm4b:s29+s26] =	stream.strided.scatter [tilespmem:s16], [sflag:$0x7], $0x2800, s28, s26, $0x38;
	[tilespmem:$0xA200] =	vst v63  }
0x4e: {  	_ =	swait.ge @!p0 [sflag:s30], $0x2800  }
0x4f: {  	[sflag:s30] =	ssyncset.done @!p0 $0x0  }
0x50: {  	[sflag:s30] =	ssyncadd.s32 @!p0 $0xFFFFD800  }
0x51: {  	_ =	swait.ge @!p0 [sflag:s30], $0x2800  }
0x52: {  	[sflag:s30] =	ssyncset.done @!p0 $0x0  }
0x53: {  	[sflag:s30] =	ssyncadd.s32 @!p0 $0xFFFFD800  }
0x54: {  	[tilespmem:s3], [sflag:$0x1] =	stream.linear.gather [hbm4b:s7+s3], $0x50, $0x38;
	[tilespmem:$0xA200] =	vst v63  }
0x55: {  	_ = 	snop  }
0x56: {  	[tilespmem:s13], [sflag:$0x3] =	stream.linear.gather [hbm4b:s8+s3], $0x50, $0x38;
	[tilespmem:$0xA200] =	vst v63  }
0x57: {  	_ =	swait.ge [sflag:s14], $0x50  }
0x58: {  	[sflag:s14] =	ssyncset.done $0x0  }
0x59: {  	[sflag:s14] =	ssyncadd.s32 $0xFFFFFFB0  }
0x5a: {  	[tilespmem:s16], [sflag:$0x5] =	stream.indirect.gather [hbm4b:s1+s15], $0x80, s3, s15, $0xb8;
	[tilespmem:$0xA200] =	vst v63  }
0x5b: {  	_ =	swait.ge [sflag:s17], $0x50  }
0x5c: {  	[sflag:s17] =	ssyncset.done $0x0  }
0x5d: {  	s29 =	simm.s32 @!p0 $0x6;
	[sflag:s17] =	ssyncadd.s32 $0xFFFFFFB0  }
0x5e: {  	[tilespmem:s18], [sflag:$0x5] =	stream.indirect.gather [hbm4b:s1+s15], $0x80, s13, s15, $0xb8;
	[tilespmem:$0xA200] =	vst v63  }
0x5f: {  	_ =	swait.ge @!p0 [sflag:s29], $0x2800  }
0x60: {  	[sflag:s29] =	ssyncset.done @!p0 $0x0  }
0x61: {  	[sflag:s29] =	ssyncadd.s32 @!p0 $0xFFFFD800  }
0x62: {  	_ =	swait.ge @!p0 [sflag:s29], $0x2800  }
0x63: {  	s31 =	simm.s32 @!p0 $0x400;
	s0 =	simm.s32 @!p0 $0x800;
	[sflag:s29] =	ssyncset.done @!p0 $0x0  }
0x64: {  	s30 =	simm.s32 @!p0 $0x7A00;
	[sflag:s29] =	ssyncadd.s32 @!p0 $0xFFFFD800;
	s29 =	sadd.s32 @!p0 $0xFFFFF600, s12  }
0x65: {  	[hbm4b:s29+s31] =	stream.strided.scatter @!p0 [tilespmem:s30], [sflag:$0x8], $0x2800, s0, s31, $0x38;
	[tilespmem:$0xA200] =	vst v63  }
0x66: {  	s12 =	sadd.s32 @!p0 $0xFFFFF680, s12;
	s29 =	simm.s32 @!p0 $0x2A00;
	s30 =	simm.s32 @!p0 $0x8  }
0x67: {  	[hbm4b:s12+s31] =	stream.strided.scatter @!p0 [tilespmem:s29], [sflag:$0x8], $0x2800, s0, s31, $0x38;
	[tilespmem:$0xA200] =	vst v63  }
0x68: {  	_ =	swait.ge @!p0 [sflag:s30], $0x2800  }
0x69: {  	[sflag:s30] =	ssyncset.done @!p0 $0x0  }
0x6a: {  	[sflag:s30] =	ssyncadd.s32 @!p0 $0xFFFFD800  }
0x6b: {  	_ =	swait.ge @!p0 [sflag:s30], $0x2800  }
0x6c: {  	s12 =	smov.u32 s6;
	s0 =	rddreg [dreg:$0x3]  }
0x6d: {  	s12 =	smov.u32 @p0 s0  }
0x6e: {  	[sflag:s30] =	ssyncset.done @!p0 $0x0;
	s0 =	sshrl.u32 s12, $0x3  }
0x6f: {  	[sflag:s30] =	ssyncadd.s32 @!p0 $0xFFFFD800;
	s12 =	sadd.s32 s4, s0  }
0x70: {  	[tilespmem:s19], [sflag:$0x2] =	stream.linear.gather [hbm4b:s12+s3], $0x50, $0x38;
	[tilespmem:$0xA200] =	vst v63  }
0x71: {  	s0 =	sadd.s32 s5, s0  }
0x72: {  	[tilespmem:s20], [sflag:$0x4] =	stream.linear.gather [hbm4b:s0+s3], $0x50, $0x38;
	[tilespmem:$0xA200] =	vst v63  }
0x73: {  	_ =	swait.ge [sflag:s21], $0x50  }
0x74: {  	[sflag:s21] =	ssyncset.done $0x0  }
0x75: {  	[sflag:s21] =	ssyncadd.s32 $0xFFFFFFB0  }
0x76: {  	[tilespmem:s22], [sflag:$0x6] =	stream.indirect.gather [hbm4b:s1+s15], $0x80, s19, s15, $0xb8;
	[tilespmem:$0xA200] =	vst v63  }
0x77: {  	_ =	swait.ge [sflag:s23], $0x50  }
0x78: {  	s9 =	smov.u32 s2;
	[sflag:s23] =	ssyncset.done $0x0  }
0x79: {  	s2 =	smov.u32 s11;
	s11 =	sadd.s32 $0x1400, s11;
	[sflag:s23] =	ssyncadd.s32 $0xFFFFFFB0  }
0x7a: {  	[tilespmem:s24], [sflag:$0x6] =	stream.indirect.gather [hbm4b:s1+s15], $0x80, s20, s15, $0xb8;
	[tilespmem:$0xA200] =	vst v63  }
0x7b: {  	p1 =	sne.s32 s11, $0x11800;
	_ =	swait.ge [sflag:s25], $0x2800  }
.Ltmp0:
0x7c: {  	[sflag:s25] =	ssyncset.done $0x0;
	(pc) =	sbr.rel @p1 .LBB2_2-.Ltmp0, $4  }
0x7d: {  	s9 =	sadd.s32 s9, s10;
	[sflag:s25] =	ssyncadd.s32 $0xFFFFD800  }
0x7e: {  	s7 =	sadd.s32 $0x14, s7;
	s8 =	sadd.s32 $0x14, s8;
	_ =	swait.ge [sflag:s25], $0x2800  }
0x7f: {  	s6 =	sadd.s32 $0xA0, s6;
	p0 =	seq.s32 s2, $0x0;
	[sflag:s25] =	ssyncset.done $0x0  }
0x80: {  	s29 =	sadd.s32 $0x80, s9;
	s12 =	sadd.s32 @!p0 s2, s10;
	[sflag:s25] =	ssyncadd.s32 $0xFFFFD800  }
0x81: {  	[hbm4b:s9+s26] =	stream.strided.scatter [tilespmem:s18], [sflag:$0x7], $0x2800, s28, s26, $0x38;
	[tilespmem:$0xA200] =	vst v63  }
0x82: {  	s0 =	simm.s32 @!p0 $0x7  }
0x83: {  	[hbm4b:s29+s26] =	stream.strided.scatter [tilespmem:s16], [sflag:$0x7], $0x2800, s28, s26, $0x38;
	[tilespmem:$0xA200] =	vst v63  }
0x84: {  	_ =	swait.ge @!p0 [sflag:s0], $0x2800  }
0x85: {  	[sflag:s0] =	ssyncset.done @!p0 $0x0  }
0x86: {  	[sflag:s0] =	ssyncadd.s32 @!p0 $0xFFFFD800  }
0x87: {  	_ =	swait.ge @!p0 [sflag:s0], $0x2800  }
0x88: {  	[sflag:s0] =	ssyncset.done @!p0 $0x0  }
0x89: {  	[sflag:s0] =	ssyncadd.s32 @!p0 $0xFFFFD800  }
0x8a: {  	[tilespmem:s3], [sflag:$0x1] =	stream.linear.gather [hbm4b:s7+s3], $0x50, $0x38;
	[tilespmem:$0xA200] =	vst v63  }
0x8b: {  	_ = 	snop  }
0x8c: {  	[tilespmem:s13], [sflag:$0x3] =	stream.linear.gather [hbm4b:s8+s3], $0x50, $0x38;
	[tilespmem:$0xA200] =	vst v63  }
0x8d: {  	_ =	swait.ge [sflag:s14], $0x50  }
0x8e: {  	[sflag:s14] =	ssyncset.done $0x0  }
0x8f: {  	[sflag:s14] =	ssyncadd.s32 $0xFFFFFFB0  }
0x90: {  	[tilespmem:s16], [sflag:$0x5] =	stream.indirect.gather [hbm4b:s1+s15], $0x80, s3, s15, $0xb8;
	[tilespmem:$0xA200] =	vst v63  }
0x91: {  	_ =	swait.ge [sflag:s17], $0x50  }
0x92: {  	[sflag:s17] =	ssyncset.done $0x0  }
0x93: {  	s0 =	simm.s32 @!p0 $0x6;
	[sflag:s17] =	ssyncadd.s32 $0xFFFFFFB0  }
0x94: {  	[tilespmem:s18], [sflag:$0x5] =	stream.indirect.gather [hbm4b:s1+s15], $0x80, s13, s15, $0xb8;
	[tilespmem:$0xA200] =	vst v63  }
0x95: {  	_ =	swait.ge @!p0 [sflag:s0], $0x2800  }
0x96: {  	[sflag:s0] =	ssyncset.done @!p0 $0x0  }
0x97: {  	[sflag:s0] =	ssyncadd.s32 @!p0 $0xFFFFD800  }
0x98: {  	_ =	swait.ge @!p0 [sflag:s0], $0x2800  }
0x99: {  	s9 =	simm.s32 @!p0 $0x800;
	s7 =	simm.s32 @!p0 $0x7A00;
	[sflag:s0] =	ssyncset.done @!p0 $0x0  }
0x9a: {  	s8 =	simm.s32 @!p0 $0x400;
	[sflag:s0] =	ssyncadd.s32 @!p0 $0xFFFFD800;
	s0 =	sadd.s32 @!p0 $0xFFFFF600, s12  }
0x9b: {  	[hbm4b:s0+s8] =	stream.strided.scatter @!p0 [tilespmem:s7], [sflag:$0x8], $0x2800, s9, s8, $0x38;
	[tilespmem:$0xA200] =	vst v63  }
0x9c: {  	s0 =	sadd.s32 @!p0 $0xFFFFF680, s12;
	s7 =	simm.s32 @!p0 $0x2A00  }
0x9d: {  	[hbm4b:s0+s8] =	stream.strided.scatter @!p0 [tilespmem:s7], [sflag:$0x8], $0x2800, s9, s8, $0x38;
	[tilespmem:$0xA200] =	vst v63  }
0x9e: {  	s0 =	simm.s32 @!p0 $0x8  }
0x9f: {  	_ =	swait.ge @!p0 [sflag:s0], $0x2800  }
0xa0: {  	[sflag:s0] =	ssyncset.done @!p0 $0x0  }
0xa1: {  	[sflag:s0] =	ssyncadd.s32 @!p0 $0xFFFFD800  }
0xa2: {  	_ =	swait.ge @!p0 [sflag:s0], $0x2800  }
0xa3: {  	s7 =	rddreg [dreg:$0x3]  }
0xa4: {  	s6 =	smov.u32 @p0 s7  }
0xa5: {  	[sflag:s0] =	ssyncset.done @!p0 $0x0;
	s6 =	sshrl.u32 s6, $0x3  }
0xa6: {  	[sflag:s0] =	ssyncadd.s32 @!p0 $0xFFFFD800;
	s31 =	sadd.s32 s4, s6  }
0xa7: {  	[tilespmem:s19], [sflag:$0x2] =	stream.linear.gather [hbm4b:s31+s3], $0x50, $0x38;
	[tilespmem:$0xA200] =	vst v63  }
0xa8: {  	s6 =	sadd.s32 s5, s6  }
0xa9: {  	[tilespmem:s20], [sflag:$0x4] =	stream.linear.gather [hbm4b:s6+s3], $0x50, $0x38;
	[tilespmem:$0xA200] =	vst v63  }
0xaa: {  	_ =	swait.ge [sflag:s21], $0x50  }
0xab: {  	[sflag:s21] =	ssyncset.done $0x0  }
0xac: {  	[sflag:s21] =	ssyncadd.s32 $0xFFFFFFB0  }
0xad: {  	[tilespmem:s22], [sflag:$0x6] =	stream.indirect.gather [hbm4b:s1+s15], $0x80, s19, s15, $0xb8;
	[tilespmem:$0xA200] =	vst v63  }
0xae: {  	_ =	swait.ge [sflag:s23], $0x50  }
0xaf: {  	[sflag:s23] =	ssyncset.done $0x0  }
0xb0: {  	[sflag:s23] =	ssyncadd.s32 $0xFFFFFFB0  }
0xb1: {  	[tilespmem:s24], [sflag:$0x6] =	stream.indirect.gather [hbm4b:s1+s15], $0x80, s20, s15, $0xb8;
	[tilespmem:$0xA200] =	vst v63  }
0xb2: {  	_ =	swait.ge [sflag:s25], $0x2800  }
0xb3: {  	[sflag:s25] =	ssyncset.done $0x0  }
0xb4: {  	[sflag:s25] =	ssyncadd.s32 $0xFFFFD800  }
0xb5: {  	_ =	swait.ge [sflag:s25], $0x2800  }
0xb6: {  	[sflag:s25] =	ssyncset.done $0x0  }
0xb7: {  	s7 =	sadd.s32 s2, s10;
	[sflag:s25] =	ssyncadd.s32 $0xFFFFD800  }
0xb8: {  	[hbm4b:s7+s26] =	stream.strided.scatter [tilespmem:s18], [sflag:$0x7], $0x2800, s28, s26, $0x38;
	[tilespmem:$0xA200] =	vst v63  }
0xb9: {  	s8 =	simm.s32 $0x6;
	s0 =	sadd.s32 $0x80, s7  }
0xba: {  	[hbm4b:s0+s26] =	stream.strided.scatter [tilespmem:s16], [sflag:$0x7], $0x2800, s28, s26, $0x38;
	[tilespmem:$0xA200] =	vst v63  }
0xbb: {  	_ =	swait.ge [sflag:s8], $0x2800  }
0xbc: {  	[sflag:s8] =	ssyncset.done $0x0  }
0xbd: {  	[sflag:s8] =	ssyncadd.s32 $0xFFFFD800  }
0xbe: {  	_ =	swait.ge [sflag:s8], $0x2800  }
0xbf: {  	[sflag:s8] =	ssyncset.done $0x0  }
0xc0: {  	s11 =	simm.s32 $0x9;
	s9 =	rddreg [dreg:$0x4];
	[sflag:s8] =	ssyncadd.s32 $0xFFFFD800  }
0xc1: {  	[hbm4b:s9+s26] =	stream.strided.scatter [tilespmem:s24], [sflag:$0x9], $0x2800, s28, s26, $0x38;
	[tilespmem:$0xA200] =	vst v63  }
0xc2: {  	_ =	swait.ge [sflag:s11], $0x2800  }
0xc3: {  	[sflag:s11] =	ssyncset.done $0x0  }
0xc4: {  	s12 =	rddreg [dreg:$0x5];
	[sflag:s11] =	ssyncadd.s32 $0xFFFFD800  }
0xc5: {  	[hbm4b:s12+s26] =	stream.strided.scatter [tilespmem:s22], [sflag:$0x9], $0x2800, s28, s26, $0x38;
	[tilespmem:$0xA200] =	vst v63  }
0xc6: {  	_ =	swait.ge [sflag:s11], $0x2800  }
0xc7: {  	[sflag:s11] =	ssyncset.done $0x0  }
0xc8: {  	s29 =	simm.s32 $0x7;
	[sflag:s11] =	ssyncadd.s32 $0xFFFFD800  }
0xc9: {  	_ =	swait.ge [sflag:s29], $0x2800  }
0xca: {  	[sflag:s29] =	ssyncset.done $0x0  }
0xcb: {  	[sflag:s29] =	ssyncadd.s32 $0xFFFFD800  }
0xcc: {  	_ =	swait.ge [sflag:s29], $0x2800  }
0xcd: {  	s30 =	rddreg [dreg:$0xa]  }
0xce: {  	s31 =	rddreg [dreg:$0x6];
	s6 =	sadd.s32 $0x1, s30  }
0xcf: {  	p0 =	sne.s32 s6, s31  }
.Ltmp1:
0xd0: {  	_ = 	snop;
	(pc) =	sbr.rel @p0 .LBB2_1-.Ltmp1, $3  }
0xd1: {  	_ =	sdelay $0x1  }
0xd2: {  	[sflag:s29] =	ssyncset.done $0x0  }
0xd3: {  	[sflag:s29] =	ssyncadd.s32 $0xFFFFD800  }
0xd4: {  	_ =	sfence.sel $0x180000  }
0xd5: {  	[bflag:$0x0] =	sbarrier.arrive $0xFFFF  }
0xd6: {  	_ =	strace $0x9000004D  }
0xd7: {  	s0 =	stileid.u32;
	[bflag:$0x2] =	sbarrier.arrive $0xFFFF  }
0xd8: {  	p0 =	sne.s32 s0, $0x0;
	s0 =	rddreg [dreg:$0x2]  }
0xd9: {  	s0 =	sadd.s32 @!p0 $0x100000, s0  }
0xda: {  	[sflag:s0] =	ssyncadd.tile.s32 @!p0 $0x1;
	_ =	shalt  }
.Lfunc_end2:
_tile_overlayer_lowered:
.L_overlay_start_2:
0xdb: {  	(tag) =	ssettag $0x2  }
0xdc: {  	s0 =	rddreg [dreg:$0x0];
	s2 =	stileid.u32  }
0xdd: {  	s1 =	rddreg [dreg:$0x1];
	p0 =	sne.s32 s2, $0x0  }
0xde: {  	s3 =	rddreg [dreg:$0x2];
	[bflag:$0x3] =	sbarrier.arrive $0xFFFF;
	s2 =	simm.s32 @!p0 $0x1C09  }
0xdf: {  	[timem:s3], [sflag:s2] =	dma.local @!p0 [hbm:s0], s1  }
0xe0: {  	s0 =	simm.s32 @!p0 $0x9  }
0xe1: {  	_ =	swait.ge @!p0 [sflag:s0], s1  }
0xe2: {  	s1 =	ssub.s32 @!p0 $0x0, s1;
	[sflag:s0] =	ssyncset.done @!p0 $0x0  }
0xe3: {  	[sflag:s0] =	ssyncadd.s32 @!p0 s1  }
0xe4: {  	[bflag:$0x3] =	sbarrier.arrive $0xFFFF  }
0xe5: {  	_ =	shalt  }

// kernel: sc_gather_1.3.cloned.1.call-start
scs
__scs_entry_jumppad:
0x0: {  	(pc) =	sbr.rel $0x88, $3  }
0x1: {  	(tag) =	ssettag $0x0;
	lr =	simm.s32 $0x1  }
0x2: {  	[smem:$0x3F8F] =	sst lr;
	_ =	strace $0xD0000000  }
0x3: {  	_ = 	snop  }
0x4: {  	_ = 	snop  }
0x5: {  	_ = 	snop  }
0x6: {  	_ = 	snop  }
0x7: {  	_ = 	snop  }
__scs_overlays_trampoline_lowered:
0x8: {  	[smem:$0x3F9E] =	sst s0  }
0x9: {  	[smem:$0x3F9F] =	sst s1  }
0xa: {  	[smem:$0x3FA0] =	sst s2  }
0xb: {  	[smem:$0x3FA1] =	sst s3  }
0xc: {  	[smem:$0x3FA2] =	sst s4  }
0xd: {  	[smem:$0x3FA3] =	sst s5  }
0xe: {  	[smem:$0x3FA4] =	sst s6  }
0xf: {  	[smem:$0x3FA5] =	sst s7  }
0x10: {  	[smem:$0x3FA6] =	sst s8  }
0x11: {  	[smem:$0x3FA7] =	sst s9;
	s0 =	simm.s32 @!p0 $0x0  }
0x12: {  	s1 =	sld [smem:$0x3F8D];
	s0 =	simm.s32 @p0 $0x1  }
0x13: {  	[smem:$0x3FA8] =	sst s0;
	s0 =	simm.s32 @!p1 $0x0  }
0x14: {  	s2 =	sld [smem:$0x3F8C];
	s0 =	simm.s32 @p1 $0x1  }
0x15: {  	[smem:$0x3FA9] =	sst s0;
	s0 =	simm.s32 @!p2 $0x0  }
0x16: {  	s3 =	sld [smem:$0x3FDB];
	s0 =	simm.s32 @p2 $0x1  }
0x17: {  	s4 =	simm.s32 $0x1BF5;
	[smem:$0x3FAB] =	sst s0  }
0x18: {  	s0 =	sld [smem:$0x3F8E];
	_ =	swait.ge [sflag:s4], $0x0  }
0x19: {  	s7 =	sld [smem:$0x3F8F]  }
0x1a: {  	s8 =	sadd.s32 $0xFFFFE003, lr  }
0x1b: {  	s9 =	sadd.s32 $0xFFFFFEF7, lr;
	s5 =	simm.s32 $0xFFFFFFFF;
	p2 =	slt.u32 s8, $0xFFFFF086  }
0x1c: {  	p1 =	slt.u32 s9, $0xF7A;
	s5 =	simm.s32 @!p2 $0x0  }
0x1d: {  	s5 =	simm.s32 @p1 $0x1;
	p0 =	seq.s32 s7, s2  }
0x1e: {  	s7 =	smul.u32 @!p0 $0xF7A, s2;
	p2 =	seq.s32 @!p0 s5, $0x0  }
0x1f: {  	s9 =	smul.u32 $0xF7A, s1;
	s8 =	simm.s32 @!p0 $0x1BF5;
	p2 =	por !p2, p0  }
0x20: {  	[sflag:s8] =	ssyncset.s32 @!p0 $0xFFFFF086;
	s6 =	sadd.s32 @!p0 s3, s7;
	s7 =	simm.s32 @!p0 $0x108  }
0x21: {  	s3 =	sadd.s32 s3, s9;
	s6 =	sadd.s32 @!p0 $0x88, s6;
	s7 =	simm.s32 @p2 $0x1082  }
0x22: {  	[simem:s7], [sflag:s8] =	dma.local @!p0 [hbm:s6], $0xF7A  }
0x23: {  	s9 =	sor.u32 $0xD0000000, s2;
	s6 =	simm.s32 $0x108;
	_ =	swait.ge @!p0 [sflag:s8], $0x0  }
0x24: {  	s3 =	sadd.s32 $0x88, s3;
	s6 =	simm.s32 @!p1 $0x1082;
	[sflag:s4] =	ssyncset.s32 $0xFFFFF086  }
0x25: {  	[simem:s6], [sflag:s4] =	dma.local [hbm:s3], $0xF7A  }
0x26: {  	[smem:$0x3F8F] =	sst s1;
	(tag) =	ssettag s2;
	_ =	strace s9  }
0x27: {  	s1 =	sld [smem:$0x3F9F]  }
0x28: {  	s2 =	sld [smem:$0x3FA0]  }
0x29: {  	s4 =	sld [smem:$0x3FA2]  }
0x2a: {  	p0 =	seq.s32 s5, $0x0;
	s5 =	sld [smem:$0x3FA3]  }
0x2b: {  	s6 =	sld [smem:$0x3FA4]  }
0x2c: {  	s7 =	sld [smem:$0x3FA5]  }
0x2d: {  	s3 =	simm.s32 $0x108;
	s8 =	sld [smem:$0x3FA6]  }
0x2e: {  	s3 =	simm.s32 @!p0 $0x1082;
	s9 =	sld [smem:$0x3FA7]  }
0x2f: {  	lr =	sadd.s32 s0, s3;
	s0 =	sld [smem:$0x3F9E]  }
0x30: {  	s3 =	sld [smem:$0x3FA1]  }
0x31: {  	[smem:$0x3FAA] =	sst s10  }
0x32: {  	s10 =	sld [smem:$0x3FA8];
	_ =	sdelay $0x3  }
0x33: {  	p0 =	seq.s32 s10, $0x1;
	s10 =	sld [smem:$0x3FAA];
	_ =	sdelay $0x3  }
0x34: {  	[smem:$0x3FAA] =	sst s10  }
0x35: {  	s10 =	sld [smem:$0x3FA9];
	_ =	sdelay $0x3  }
0x36: {  	p1 =	seq.s32 s10, $0x1;
	s10 =	sld [smem:$0x3FAA];
	_ =	sdelay $0x3  }
0x37: {  	[smem:$0x3FAA] =	sst s10  }
0x38: {  	s10 =	sld [smem:$0x3FAB]  }
0x39: {  	_ = 	snop;
	(pc) =	sbr.ind lr, $3  }
0x3a: {  	_ = 	snop  }
0x3b: {  	_ = 	snop  }
0x3c: {  	p2 =	seq.s32 s10, $0x1;
	s10 =	sld [smem:$0x3FAA]  }
0x3d: {  	_ =	shalt  }
0x3e: {  	_ =	shalt  }
0x3f: {  	_ =	shalt  }
0x40: {  	_ =	shalt  }
0x41: {  	_ =	shalt  }
0x42: {  	_ =	shalt  }
0x43: {  	_ =	shalt  }
0x44: {  	_ =	shalt  }
0x45: {  	_ =	shalt  }
0x46: {  	_ =	shalt  }
0x47: {  	_ =	shalt  }
0x48: {  	_ =	shalt  }
0x49: {  	_ =	shalt  }
0x4a: {  	_ =	shalt  }
0x4b: {  	_ =	shalt  }
0x4c: {  	_ =	shalt  }
0x4d: {  	_ =	shalt  }
0x4e: {  	_ =	shalt  }
0x4f: {  	_ =	shalt  }
0x50: {  	_ =	shalt  }
0x51: {  	_ =	shalt  }
0x52: {  	_ =	shalt  }
0x53: {  	_ =	shalt  }
0x54: {  	_ =	shalt  }
0x55: {  	_ =	shalt  }
0x56: {  	_ =	shalt  }
0x57: {  	_ =	shalt  }
0x58: {  	_ =	shalt  }
0x59: {  	_ =	shalt  }
0x5a: {  	_ =	shalt  }
0x5b: {  	_ =	shalt  }
0x5c: {  	_ =	shalt  }
0x5d: {  	_ =	shalt  }
0x5e: {  	_ =	shalt  }
0x5f: {  	_ =	shalt  }
0x60: {  	_ =	shalt  }
0x61: {  	_ =	shalt  }
0x62: {  	_ =	shalt  }
0x63: {  	_ =	shalt  }
0x64: {  	_ =	shalt  }
0x65: {  	_ =	shalt  }
0x66: {  	_ =	shalt  }
0x67: {  	_ =	shalt  }
0x68: {  	_ =	shalt  }
0x69: {  	_ =	shalt  }
0x6a: {  	_ =	shalt  }
0x6b: {  	_ =	shalt  }
0x6c: {  	_ =	shalt  }
0x6d: {  	_ =	shalt  }
0x6e: {  	_ =	shalt  }
0x6f: {  	_ =	shalt  }
0x70: {  	_ =	shalt  }
0x71: {  	_ =	shalt  }
0x72: {  	_ =	shalt  }
0x73: {  	_ =	shalt  }
0x74: {  	_ =	shalt  }
0x75: {  	_ =	shalt  }
0x76: {  	_ =	shalt  }
0x77: {  	_ =	shalt  }
0x78: {  	_ =	shalt  }
0x79: {  	_ =	shalt  }
0x7a: {  	_ =	shalt  }
0x7b: {  	_ =	shalt  }
0x7c: {  	_ =	shalt  }
0x7d: {  	_ =	shalt  }
0x7e: {  	_ =	shalt  }
0x7f: {  	_ =	shalt  }
0x80: {  	_ =	shalt  }
0x81: {  	_ =	shalt  }
0x82: {  	_ =	shalt  }
0x83: {  	_ =	shalt  }
0x84: {  	_ =	shalt  }
0x85: {  	_ =	shalt  }
0x86: {  	_ =	shalt  }
0x87: {  	_ =	shalt  }
.Lfunc_end0:
.L_simem_size_0:
called_computation.1_lowered:
.L_overlay_start_0:
0x88: {  	s2 =	sld [smem:$0x3FD9]  }
0x89: {  	s3 =	sld [smem:$0x3FFE];
	_ =	sdelay $0x1  }
0x8a: {  	s1 =	srdreg.scid  }
0x8b: {  	s0 =	sand.u32 $0x1, s1  }
0x8c: {  	s17 =	sshll.u32 s0, $0xA;
	s2 =	sadd.s32 s3, s2  }
0x8d: {  	s2 =	sadd.s32 s2, s17  }
0x8e: {  	[smem:$0x3FB6] =	sst s2  }
0x8f: {  	_ = 	snop  }
0x90: {  	s2 =	sld [smem:$0x3FC9];
	(tm) =	ssettm $0x1  }
0x91: {  	s18 =	sld [smem:$0x3FFB];
	_ =	sdelay $0x3  }
0x92: {  	_ =	strace s18  }
0x93: {  	s3 =	sld [smem:$0x3FFC];
	_ =	sdelay $0x3  }
0x94: {  	_ =	strace s3  }
0x95: {  	s3 =	sld [smem:$0x3FFD];
	_ =	sdelay $0x3  }
0x96: {  	_ =	strace s3  }
0x97: {  	_ =	strace $0x8FFFFFFF  }
0x98: {  	s19 =	sld [smem:$0x3FDB];
	_ =	sdelay $0x1  }
0x99: {  	s4 =	simm.s32 $_scs_section_size  }
0x9a: {  	s5 =	simm.s32 $_size__tile_overlayer_lowered;
	s6 =	simm.s32 $_tile_overlayer_lowered  }
0x9b: {  	s22 =	simm.s32 $0x1BFF;
	s21 =	sshll.u32 s6, $0x1;
	s3 =	sadd.s32 s4, s19  }
0x9c: {  	s7 =	simm.s32 $0x0;
	s20 =	sshll.u32 s5, $0x1;
	s5 =	sadd.s32 s21, s3  }
0x9d: {  	[timem:s7], [sflag:s22] =	dma.local [hbm:s5], s20  }
0x9e: {  	_ =	swait.ge [sflag:s22], s20  }
0x9f: {  	s4 =	ssub.s32 $0x0, s20;
	[sflag:s22] =	ssyncset.done $0x0  }
0xa0: {  	[sflag:s22] =	ssyncadd.s32 s4;
	_ =	sdelay $0x1  }
0xa1: {  	s23 =	simm.s32 $0x1B8B  }
0xa2: {  	_ =	swait.ge [sflag:s23], $0x1  }
0xa3: {  	[sflag:s23] =	ssyncset.done $0x0  }
0xa4: {  	s25 =	simm.s32 $0x1B8E;
	s24 =	sld [smem:$0x3FFE];
	[sflag:s23] =	ssyncadd.s32 $0xFFFFFFFF  }
0xa5: {  	s26 =	simm.s32 $execute0_lowered;
	[smem:$0x3FD2] =	sst s25  }
0xa6: {  	s5 =	sshll.u32 s26, $0x1;
	_ =	strace $0x80000046;
	[dreg:$0x1] =	wrdreg $0xFFFFFFFF  }
0xa7: {  	s28 =	simm.s32 $_size_execute0_lowered;
	s3 =	sadd.s32 s3, s5;
	[dreg:$0x0] =	wrdreg $0x0  }
0xa8: {  	s5 =	sshll.u32 s28, $0x1;
	[dreg:$0x2] =	wrdreg s3  }
0xa9: {  	[dreg:$0x3] =	wrdreg s5  }
0xaa: {  	[dreg:$0x4] =	wrdreg $0xC0  }
0xab: {  	_ =	task [dreg:s7], $0x5FFFF  }
0xac: {  	[dreg:$0x1] =	wrdreg $0xFFFFFFFF  }
0xad: {  	[dreg:$0x0] =	wrdreg $0x60  }
0xae: {  	[dreg:$0x2] =	wrdreg s2  }
0xaf: {  	[dreg:$0x3] =	wrdreg s24  }
0xb0: {  	[dreg:$0x4] =	wrdreg $0xA  }
0xb1: {  	_ =	task.clear_ibuf [dreg:s7], $0x5FFFF;
	_ =	strace $0x90000046  }
0xb2: {  	s29 =	simm.s32 $0xA;
	_ =	strace $0x80000048  }
0xb3: {  	_ =	swait.ge [sflag:s29], $0x1  }
0xb4: {  	[sflag:s29] =	ssyncadd.s32 $0xFFFFFFFF  }
0xb5: {  	_ =	strace $0x90000048  }
0xb6: {  	_ =	sfence  }
0xb7: {  	s30 =	sld [smem:$0x0];
	_ =	sdelay $0x2  }
0xb8: {  	s31 =	sshll.u32 s1, $0xD;
	s1 =	sshrl.u32 s1, $0x2  }
0xb9: {  	s3 =	sand.u32 $0x4000, s31;
	s1 =	sadd.s32 s1, s30  }
0xba: {  	s0 =	sor.u32 s3, s0;
	s1 =	sshll.u32 s1, $0x11  }
0xbb: {  	s0 =	sor.u32 s1, s0  }
0xbc: {  	s0 =	sadd.s32 $0x8F2B, s0  }
0xbd: {  	[sflag:s0] =	ssyncadd.remote.s32 $0x1  }
0xbe: {  	_ =	sfence.sel $0xFFFF  }
0xbf: {  	[dreg:$0x0] =	wrdreg $0xFFFFFFFF;
	(pc) =	sbr.abs _section_cstart, $3  }
0xc0: {  	[dreg:$0x1] =	wrdreg $0xFFFFFFFF  }
0xc1: {  	_ =	task.clear_ibuf [dreg:s7], $0x2FFFF;
	_ =	strace $0x9FFFFFFF  }
0xc2: {  	(tm) =	ssettm $0x7FFFFFFF  }
0xc3: {  	_ =	shalt  }
tec
execute0_lowered:
.L_overlay_start_1:
0x0: {  	(tag) =	ssettag $0x1  }
0x1: {  	s1 =	rddreg [dreg:$0x0]  }
0x2: {  	s0 =	rddreg [dreg:$0x1];
	s2 =	srdreg.scid  }
0x3: {  	s3 =	simm.s32 $0x0;
	s11 =	stileid.u32;
	s28 =	simm.s32 $0x4  }
0x4: {  	s29 =	simm.s32 $0x7A00;
	s30 =	simm.s32 $0x5;
	s31 =	simm.s32 $0x400  }
0x5: {  	s2 =	sand.u32 $0x1, s2;
	[smem:$0x7FF] =	sst s3;
	s18 =	smul.u32 $0xB90, s11  }
0x6: {  	s5 =	sadd.s32 $0xF400, s0;
	s23 =	smul.u32 $0x17200, s11;
	s4 =	sshll.u32 s2, $0x4  }
0x7: {  	_ =	strace $0x80000047;
	s8 =	ssub.s32 $0x2, s2;
	s16 =	smul.u32 $0xB900, s2  }
0x8: {  	s2 =	smul.u32 $0x172000, s2;
	s6 =	sor.u32 s11, s4;
	s4 =	sadd.s32 $0x5600, s0  }
0x9: {  	s0 =	sadd.s32 $0x19200, s0;
	s9 =	sshrl.u32 s8, $0x1;
	s7 =	smul.u32 $0xB90, s6  }
0xa: {  	s6 =	smul.u32 $0xB9000, s6;
	s8 =	ssub.s32 s8, s9;
	s22 =	sadd.s32 s18, s16  }
0xb: {  	s18 =	simm.s32 $0x1;
	s9 =	sadd.s32 $0x11800, s22;
	s8 =	smax.u32 s8, $0x1  }
0xc: {  	s10 =	sadd.s32 $0x11850, s7;
	s7 =	sshrl.u32 s7, $0x3;
	[dreg:$0xa] =	wrdreg s8  }
0xd: {  	s6 =	sshrl.u32 s6, $0x3;
	s24 =	sshrl.u32 s9, $0x3;
	[dreg:$0x3] =	wrdreg s10  }
0xe: {  	s7 =	sadd.s32 $0x2468, s7;
	s6 =	sadd.s32 s0, s6;
	s25 =	sadd.s32 s24, s5  }
0xf: {  	s0 =	sadd.s32 s2, s0;
	s26 =	sadd.s32 s24, s4;
	[dreg:$0xc] =	wrdreg s25  }
0x10: {  	s24 =	simm.s32 $0x180;
	s17 =	sadd.s32 s4, s7;
	[dreg:$0xd] =	wrdreg s26  }
0x11: {  	s7 =	sadd.s32 s5, s7;
	s19 =	sadd.s32 $0x15E00, s6;
	[dreg:$0x4] =	wrdreg s17  }
0x12: {  	s20 =	sadd.s32 $0x15E80, s6;
	s21 =	sadd.s32 $0x16800, s6;
	[dreg:$0x5] =	wrdreg s7  }
0x13: {  	s6 =	sadd.s32 $0x16880, s6;
	s14 =	sadd.s32 s23, s0;
	[dreg:$0x6] =	wrdreg s19  }
0x14: {  	s23 =	simm.s32 $0x80;
	s25 =	simm.s32 $0x2;
	[dreg:$0x7] =	wrdreg s20  }
0x15: {  	s26 =	simm.s32 $0x2A00;
	s0 =	simm.s32 $0x800;
	[dreg:$0x8] =	wrdreg s21  }
0x16: {  	[dreg:$0x9] =	wrdreg s6;
	s7 =	sadd.s32 $0x11850, s22;
	s17 =	simm.s32 $0x100  }
0x17: {  	s19 =	simm.s32 $0x50;
	s20 =	simm.s32 $0x200;
	s21 =	simm.s32 $0x3  }
0x18: {  	s22 =	simm.s32 $0x5200;
	[dreg:$0xb] =	wrdreg s7;
	s7 =	simm.s32 $0x0  }
.LBB2_1:
0x19: {  	p0 =	por $0x1, $0x1  }
0x1a: {  	[dreg:$0xe] =	wrdreg s7;
	s2 =	simm.s32 @!p0 $0x7  }
0x1b: {  	_ =	swait.ge @!p0 [sflag:s2], $0x2800  }
0x1c: {  	[sflag:s2] =	ssyncset.done @!p0 $0x0  }
0x1d: {  	[sflag:s2] =	ssyncadd.s32 @!p0 $0xFFFFD800  }
0x1e: {  	_ =	swait.ge @!p0 [sflag:s2], $0x2800  }
0x1f: {  	[sflag:s2] =	ssyncset.done @!p0 $0x0  }
0x20: {  	s9 =	rddreg [dreg:$0xd];
	[sflag:s2] =	ssyncadd.s32 @!p0 $0xFFFFD800  }
0x21: {  	[tilespmem:s3], [sflag:$0x1] =	stream.linear.gather [hbm4b:s9+s3], $0x50, $0x38;
	[tilespmem:$0xA200] =	vst v63  }
0x22: {  	s8 =	rddreg [dreg:$0xc]  }
0x23: {  	[tilespmem:s17], [sflag:$0x3] =	stream.linear.gather [hbm4b:s8+s3], $0x50, $0x38;
	[tilespmem:$0xA200] =	vst v63  }
0x24: {  	_ =	swait.ge [sflag:s18], $0x50  }
0x25: {  	[sflag:s18] =	ssyncset.done $0x0  }
0x26: {  	[sflag:s18] =	ssyncadd.s32 $0xFFFFFFB0  }
0x27: {  	[tilespmem:s20], [sflag:$0x5] =	stream.indirect.gather [hbm4b:s1+s19], $0x80, s3, s19, $0xb8;
	[tilespmem:$0xA200] =	vst v63  }
0x28: {  	_ =	swait.ge [sflag:s21], $0x50  }
0x29: {  	[sflag:s21] =	ssyncset.done $0x0  }
0x2a: {  	s2 =	simm.s32 @!p0 $0x6;
	[sflag:s21] =	ssyncadd.s32 $0xFFFFFFB0  }
0x2b: {  	[tilespmem:s22], [sflag:$0x5] =	stream.indirect.gather [hbm4b:s1+s19], $0x80, s17, s19, $0xb8;
	[tilespmem:$0xA200] =	vst v63  }
0x2c: {  	_ =	swait.ge @!p0 [sflag:s2], $0x2800  }
0x2d: {  	[sflag:s2] =	ssyncset.done @!p0 $0x0  }
0x2e: {  	[sflag:s2] =	ssyncadd.s32 @!p0 $0xFFFFD800  }
0x2f: {  	s6 =	sadd.s32 @!p0 $0x0, s14;
	_ =	swait.ge @!p0 [sflag:s2], $0x2800  }
0x30: {  	s10 =	simm.s32 @!p0 $0x7A00;
	s11 =	simm.s32 @!p0 $0x400;
	[sflag:s2] =	ssyncset.done @!p0 $0x0  }
0x31: {  	s12 =	simm.s32 @!p0 $0x800;
	[sflag:s2] =	ssyncadd.s32 @!p0 $0xFFFFD800;
	s2 =	sadd.s32 @!p0 $0xFFFFF600, s6  }
0x32: {  	[hbm4b:s2+s11] =	stream.strided.scatter @!p0 [tilespmem:s10], [sflag:$0x8], $0x2800, s12, s11, $0x38;
	[tilespmem:$0xA200] =	vst v63  }
0x33: {  	s2 =	sadd.s32 @!p0 $0xFFFFF680, s6;
	s6 =	simm.s32 @!p0 $0x2A00;
	s10 =	simm.s32 @!p0 $0x8  }
0x34: {  	[hbm4b:s2+s11] =	stream.strided.scatter @!p0 [tilespmem:s6], [sflag:$0x8], $0x2800, s12, s11, $0x38;
	[tilespmem:$0xA200] =	vst v63  }
0x35: {  	_ =	swait.ge @!p0 [sflag:s10], $0x2800  }
0x36: {  	[sflag:s10] =	ssyncset.done @!p0 $0x0  }
0x37: {  	[sflag:s10] =	ssyncadd.s32 @!p0 $0xFFFFD800  }
0x38: {  	_ =	swait.ge @!p0 [sflag:s10], $0x2800  }
0x39: {  	s15 =	rddreg [dreg:$0xb]  }
0x3a: {  	s2 =	rddreg [dreg:$0x3];
	s6 =	smov.u32 s15  }
0x3b: {  	s6 =	smov.u32 @p0 s2  }
0x3c: {  	[sflag:s10] =	ssyncset.done @!p0 $0x0;
	s2 =	sshrl.u32 s6, $0x3  }
0x3d: {  	[sflag:s10] =	ssyncadd.s32 @!p0 $0xFFFFD800;
	s6 =	sadd.s32 s4, s2  }
0x3e: {  	[tilespmem:s23], [sflag:$0x2] =	stream.linear.gather [hbm4b:s6+s3], $0x50, $0x38;
	[tilespmem:$0xA200] =	vst v63  }
0x3f: {  	s2 =	sadd.s32 s5, s2  }
0x40: {  	[tilespmem:s24], [sflag:$0x4] =	stream.linear.gather [hbm4b:s2+s3], $0x50, $0x38;
	[tilespmem:$0xA200] =	vst v63  }
0x41: {  	_ =	swait.ge [sflag:s25], $0x50  }
0x42: {  	[sflag:s25] =	ssyncset.done $0x0  }
0x43: {  	[sflag:s25] =	ssyncadd.s32 $0xFFFFFFB0  }
0x44: {  	[tilespmem:s26], [sflag:$0x6] =	stream.indirect.gather [hbm4b:s1+s19], $0x80, s23, s19, $0xb8;
	[tilespmem:$0xA200] =	vst v63  }
0x45: {  	_ =	swait.ge [sflag:s28], $0x50  }
0x46: {  	[sflag:s28] =	ssyncset.done $0x0  }
0x47: {  	[sflag:s28] =	ssyncadd.s32 $0xFFFFFFB0  }
0x48: {  	[tilespmem:s29], [sflag:$0x6] =	stream.indirect.gather [hbm4b:s1+s19], $0x80, s24, s19, $0xb8;
	[tilespmem:$0xA200] =	vst v63  }
0x49: {  	_ =	swait.ge [sflag:s30], $0x2800  }
0x4a: {  	s16 =	simm.s32 $0x2800;
	[sflag:s30] =	ssyncset.done $0x0  }
0x4b: {  	s13 =	sadd.s32 $0x0, s14;
	s12 =	sadd.s32 $0x14, s9;
	[sflag:s30] =	ssyncadd.s32 $0xFFFFD800  }
0x4c: {  	s10 =	simm.s32 $0x1400;
	s11 =	sadd.s32 $0xA0, s15;
	_ =	swait.ge [sflag:s30], $0x2800  }
0x4d: {  	s15 =	sadd.s32 $0x14, s8;
	p0 =	por $0x0, $0x0;
	[sflag:s30] =	ssyncset.done $0x0  }
0x4e: {  	s6 =	sadd.s32 $0x80, s13;
	s2 =	sadd.s32 @!p0 $0x1400, s14;
	[sflag:s30] =	ssyncadd.s32 $0xFFFFD800  }
.LBB2_2:
0x4f: {  	[hbm4b:s13+s31] =	stream.strided.scatter [tilespmem:s22], [sflag:$0x7], $0x2800, s0, s31, $0x38;
	[tilespmem:$0xA200] =	vst v63  }
0x50: {  	s7 =	simm.s32 @!p0 $0x7  }
0x51: {  	[hbm4b:s6+s31] =	stream.strided.scatter [tilespmem:s20], [sflag:$0x7], $0x2800, s0, s31, $0x38;
	[tilespmem:$0xA200] =	vst v63  }
0x52: {  	_ =	swait.ge @!p0 [sflag:s7], $0x2800  }
0x53: {  	[sflag:s7] =	ssyncset.done @!p0 $0x0  }
0x54: {  	[sflag:s7] =	ssyncadd.s32 @!p0 $0xFFFFD800  }
0x55: {  	_ =	swait.ge @!p0 [sflag:s7], $0x2800  }
0x56: {  	[sflag:s7] =	ssyncset.done @!p0 $0x0  }
0x57: {  	[sflag:s7] =	ssyncadd.s32 @!p0 $0xFFFFD800  }
0x58: {  	[tilespmem:s3], [sflag:$0x1] =	stream.linear.gather [hbm4b:s12+s3], $0x50, $0x38;
	[tilespmem:$0xA200] =	vst v63  }
0x59: {  	_ = 	snop  }
0x5a: {  	[tilespmem:s17], [sflag:$0x3] =	stream.linear.gather [hbm4b:s15+s3], $0x50, $0x38;
	[tilespmem:$0xA200] =	vst v63  }
0x5b: {  	_ =	swait.ge [sflag:s18], $0x50  }
0x5c: {  	[sflag:s18] =	ssyncset.done $0x0  }
0x5d: {  	[sflag:s18] =	ssyncadd.s32 $0xFFFFFFB0  }
0x5e: {  	[tilespmem:s20], [sflag:$0x5] =	stream.indirect.gather [hbm4b:s1+s19], $0x80, s3, s19, $0xb8;
	[tilespmem:$0xA200] =	vst v63  }
0x5f: {  	_ =	swait.ge [sflag:s21], $0x50  }
0x60: {  	[sflag:s21] =	ssyncset.done $0x0  }
0x61: {  	s6 =	simm.s32 @!p0 $0x6;
	[sflag:s21] =	ssyncadd.s32 $0xFFFFFFB0  }
0x62: {  	[tilespmem:s22], [sflag:$0x5] =	stream.indirect.gather [hbm4b:s1+s19], $0x80, s17, s19, $0xb8;
	[tilespmem:$0xA200] =	vst v63  }
0x63: {  	_ =	swait.ge @!p0 [sflag:s6], $0x2800  }
0x64: {  	[sflag:s6] =	ssyncset.done @!p0 $0x0  }
0x65: {  	[sflag:s6] =	ssyncadd.s32 @!p0 $0xFFFFD800  }
0x66: {  	_ =	swait.ge @!p0 [sflag:s6], $0x2800  }
0x67: {  	s8 =	simm.s32 @!p0 $0x400;
	s9 =	simm.s32 @!p0 $0x800;
	[sflag:s6] =	ssyncset.done @!p0 $0x0  }
0x68: {  	s7 =	simm.s32 @!p0 $0x7A00;
	[sflag:s6] =	ssyncadd.s32 @!p0 $0xFFFFD800;
	s6 =	sadd.s32 @!p0 $0xFFFFF600, s2  }
0x69: {  	[hbm4b:s6+s8] =	stream.strided.scatter @!p0 [tilespmem:s7], [sflag:$0x8], $0x2800, s9, s8, $0x38;
	[tilespmem:$0xA200] =	vst v63  }
0x6a: {  	s2 =	sadd.s32 @!p0 $0xFFFFF680, s2;
	s6 =	simm.s32 @!p0 $0x2A00;
	s7 =	simm.s32 @!p0 $0x8  }
0x6b: {  	[hbm4b:s2+s8] =	stream.strided.scatter @!p0 [tilespmem:s6], [sflag:$0x8], $0x2800, s9, s8, $0x38;
	[tilespmem:$0xA200] =	vst v63  }
0x6c: {  	_ =	swait.ge @!p0 [sflag:s7], $0x2800  }
0x6d: {  	[sflag:s7] =	ssyncset.done @!p0 $0x0  }
0x6e: {  	[sflag:s7] =	ssyncadd.s32 @!p0 $0xFFFFD800  }
0x6f: {  	_ =	swait.ge @!p0 [sflag:s7], $0x2800  }
0x70: {  	s6 =	smov.u32 s11;
	s2 =	rddreg [dreg:$0x3]  }
0x71: {  	s6 =	smov.u32 @p0 s2  }
0x72: {  	[sflag:s7] =	ssyncset.done @!p0 $0x0;
	s2 =	sshrl.u32 s6, $0x3  }
0x73: {  	[sflag:s7] =	ssyncadd.s32 @!p0 $0xFFFFD800;
	s6 =	sadd.s32 s4, s2  }
0x74: {  	[tilespmem:s23], [sflag:$0x2] =	stream.linear.gather [hbm4b:s6+s3], $0x50, $0x38;
	[tilespmem:$0xA200] =	vst v63  }
0x75: {  	s2 =	sadd.s32 s5, s2  }
0x76: {  	[tilespmem:s24], [sflag:$0x4] =	stream.linear.gather [hbm4b:s2+s3], $0x50, $0x38;
	[tilespmem:$0xA200] =	vst v63  }
0x77: {  	_ =	swait.ge [sflag:s25], $0x50  }
0x78: {  	[sflag:s25] =	ssyncset.done $0x0  }
0x79: {  	[sflag:s25] =	ssyncadd.s32 $0xFFFFFFB0  }
0x7a: {  	[tilespmem:s26], [sflag:$0x6] =	stream.indirect.gather [hbm4b:s1+s19], $0x80, s23, s19, $0xb8;
	[tilespmem:$0xA200] =	vst v63  }
0x7b: {  	_ =	swait.ge [sflag:s28], $0x50  }
0x7c: {  	s13 =	smov.u32 s10;
	[sflag:s28] =	ssyncset.done $0x0  }
0x7d: {  	s10 =	smov.u32 s16;
	s16 =	sadd.s32 $0x1400, s16;
	[sflag:s28] =	ssyncadd.s32 $0xFFFFFFB0  }
0x7e: {  	[tilespmem:s29], [sflag:$0x6] =	stream.indirect.gather [hbm4b:s1+s19], $0x80, s24, s19, $0xb8;
	[tilespmem:$0xA200] =	vst v63  }
0x7f: {  	p1 =	sne.s32 s16, $0x16800;
	_ =	swait.ge [sflag:s30], $0x2800  }
.Ltmp0:
0x80: {  	[sflag:s30] =	ssyncset.done $0x0;
	(pc) =	sbr.rel @p1 .LBB2_2-.Ltmp0, $4  }
0x81: {  	s13 =	sadd.s32 s13, s14;
	[sflag:s30] =	ssyncadd.s32 $0xFFFFD800  }
0x82: {  	s12 =	sadd.s32 $0x14, s12;
	s15 =	sadd.s32 $0x14, s15;
	_ =	swait.ge [sflag:s30], $0x2800  }
0x83: {  	s11 =	sadd.s32 $0xA0, s11;
	p0 =	seq.s32 s10, $0x0;
	[sflag:s30] =	ssyncset.done $0x0  }
0x84: {  	s6 =	sadd.s32 $0x80, s13;
	s2 =	sadd.s32 @!p0 s10, s14;
	[sflag:s30] =	ssyncadd.s32 $0xFFFFD800  }
0x85: {  	[hbm4b:s13+s31] =	stream.strided.scatter [tilespmem:s22], [sflag:$0x7], $0x2800, s0, s31, $0x38;
	[tilespmem:$0xA200] =	vst v63  }
0x86: {  	s7 =	simm.s32 @!p0 $0x7  }
0x87: {  	[hbm4b:s6+s31] =	stream.strided.scatter [tilespmem:s20], [sflag:$0x7], $0x2800, s0, s31, $0x38;
	[tilespmem:$0xA200] =	vst v63  }
0x88: {  	_ =	swait.ge @!p0 [sflag:s7], $0x2800  }
0x89: {  	[sflag:s7] =	ssyncset.done @!p0 $0x0  }
0x8a: {  	[sflag:s7] =	ssyncadd.s32 @!p0 $0xFFFFD800  }
0x8b: {  	_ =	swait.ge @!p0 [sflag:s7], $0x2800  }
0x8c: {  	[sflag:s7] =	ssyncset.done @!p0 $0x0  }
0x8d: {  	[sflag:s7] =	ssyncadd.s32 @!p0 $0xFFFFD800  }
0x8e: {  	[tilespmem:s3], [sflag:$0x1] =	stream.linear.gather [hbm4b:s12+s3], $0x50, $0x38;
	[tilespmem:$0xA200] =	vst v63  }
0x8f: {  	_ = 	snop  }
0x90: {  	[tilespmem:s17], [sflag:$0x3] =	stream.linear.gather [hbm4b:s15+s3], $0x50, $0x38;
	[tilespmem:$0xA200] =	vst v63  }
0x91: {  	_ =	swait.ge [sflag:s18], $0x50  }
0x92: {  	[sflag:s18] =	ssyncset.done $0x0  }
0x93: {  	[sflag:s18] =	ssyncadd.s32 $0xFFFFFFB0  }
0x94: {  	[tilespmem:s20], [sflag:$0x5] =	stream.indirect.gather [hbm4b:s1+s19], $0x80, s3, s19, $0xb8;
	[tilespmem:$0xA200] =	vst v63  }
0x95: {  	_ =	swait.ge [sflag:s21], $0x50  }
0x96: {  	[sflag:s21] =	ssyncset.done $0x0  }
0x97: {  	s6 =	simm.s32 @!p0 $0x6;
	[sflag:s21] =	ssyncadd.s32 $0xFFFFFFB0  }
0x98: {  	[tilespmem:s22], [sflag:$0x5] =	stream.indirect.gather [hbm4b:s1+s19], $0x80, s17, s19, $0xb8;
	[tilespmem:$0xA200] =	vst v63  }
0x99: {  	_ =	swait.ge @!p0 [sflag:s6], $0x2800  }
0x9a: {  	[sflag:s6] =	ssyncset.done @!p0 $0x0  }
0x9b: {  	[sflag:s6] =	ssyncadd.s32 @!p0 $0xFFFFD800  }
0x9c: {  	_ =	swait.ge @!p0 [sflag:s6], $0x2800  }
0x9d: {  	s8 =	simm.s32 @!p0 $0x400;
	s9 =	simm.s32 @!p0 $0x800;
	[sflag:s6] =	ssyncset.done @!p0 $0x0  }
0x9e: {  	s7 =	simm.s32 @!p0 $0x7A00;
	[sflag:s6] =	ssyncadd.s32 @!p0 $0xFFFFD800;
	s6 =	sadd.s32 @!p0 $0xFFFFF600, s2  }
0x9f: {  	[hbm4b:s6+s8] =	stream.strided.scatter @!p0 [tilespmem:s7], [sflag:$0x8], $0x2800, s9, s8, $0x38;
	[tilespmem:$0xA200] =	vst v63  }
0xa0: {  	s2 =	sadd.s32 @!p0 $0xFFFFF680, s2;
	s6 =	simm.s32 @!p0 $0x2A00  }
0xa1: {  	[hbm4b:s2+s8] =	stream.strided.scatter @!p0 [tilespmem:s6], [sflag:$0x8], $0x2800, s9, s8, $0x38;
	[tilespmem:$0xA200] =	vst v63  }
0xa2: {  	s2 =	simm.s32 @!p0 $0x8  }
0xa3: {  	_ =	swait.ge @!p0 [sflag:s2], $0x2800  }
0xa4: {  	[sflag:s2] =	ssyncset.done @!p0 $0x0  }
0xa5: {  	[sflag:s2] =	ssyncadd.s32 @!p0 $0xFFFFD800  }
0xa6: {  	_ =	swait.ge @!p0 [sflag:s2], $0x2800  }
0xa7: {  	s6 =	rddreg [dreg:$0x3]  }
0xa8: {  	s11 =	smov.u32 @p0 s6  }
0xa9: {  	[sflag:s2] =	ssyncset.done @!p0 $0x0;
	s6 =	sshrl.u32 s11, $0x3  }
0xaa: {  	[sflag:s2] =	ssyncadd.s32 @!p0 $0xFFFFD800;
	s11 =	sadd.s32 s4, s6  }
0xab: {  	[tilespmem:s23], [sflag:$0x2] =	stream.linear.gather [hbm4b:s11+s3], $0x50, $0x38;
	[tilespmem:$0xA200] =	vst v63  }
0xac: {  	s12 =	sadd.s32 s5, s6  }
0xad: {  	[tilespmem:s24], [sflag:$0x4] =	stream.linear.gather [hbm4b:s12+s3], $0x50, $0x38;
	[tilespmem:$0xA200] =	vst v63  }
0xae: {  	_ =	swait.ge [sflag:s25], $0x50  }
0xaf: {  	[sflag:s25] =	ssyncset.done $0x0  }
0xb0: {  	[sflag:s25] =	ssyncadd.s32 $0xFFFFFFB0  }
0xb1: {  	[tilespmem:s26], [sflag:$0x6] =	stream.indirect.gather [hbm4b:s1+s19], $0x80, s23, s19, $0xb8;
	[tilespmem:$0xA200] =	vst v63  }
0xb2: {  	_ =	swait.ge [sflag:s28], $0x50  }
0xb3: {  	[sflag:s28] =	ssyncset.done $0x0  }
0xb4: {  	[sflag:s28] =	ssyncadd.s32 $0xFFFFFFB0  }
0xb5: {  	[tilespmem:s29], [sflag:$0x6] =	stream.indirect.gather [hbm4b:s1+s19], $0x80, s24, s19, $0xb8;
	[tilespmem:$0xA200] =	vst v63  }
0xb6: {  	_ =	swait.ge [sflag:s30], $0x2800  }
0xb7: {  	[sflag:s30] =	ssyncset.done $0x0  }
0xb8: {  	[sflag:s30] =	ssyncadd.s32 $0xFFFFD800  }
0xb9: {  	_ =	swait.ge [sflag:s30], $0x2800  }
0xba: {  	[sflag:s30] =	ssyncset.done $0x0  }
0xbb: {  	s13 =	sadd.s32 s10, s14;
	[sflag:s30] =	ssyncadd.s32 $0xFFFFD800  }
0xbc: {  	[hbm4b:s13+s31] =	stream.strided.scatter [tilespmem:s22], [sflag:$0x7], $0x2800, s0, s31, $0x38;
	[tilespmem:$0xA200] =	vst v63  }
0xbd: {  	s15 =	simm.s32 $0x7;
	s2 =	sadd.s32 $0x80, s13  }
0xbe: {  	[hbm4b:s2+s31] =	stream.strided.scatter [tilespmem:s20], [sflag:$0x7], $0x2800, s0, s31, $0x38;
	[tilespmem:$0xA200] =	vst v63  }
0xbf: {  	_ =	swait.ge [sflag:s15], $0x2800  }
0xc0: {  	[sflag:s15] =	ssyncset.done $0x0  }
0xc1: {  	[sflag:s15] =	ssyncadd.s32 $0xFFFFD800  }
0xc2: {  	_ =	swait.ge [sflag:s15], $0x2800  }
0xc3: {  	[sflag:s15] =	ssyncset.done $0x0  }
0xc4: {  	s16 =	rddreg [dreg:$0x4];
	[sflag:s15] =	ssyncadd.s32 $0xFFFFD800  }
0xc5: {  	[tilespmem:s3], [sflag:$0x1] =	stream.linear.gather [hbm4b:s16+s3], $0x50, $0x38;
	[tilespmem:$0xA200] =	vst v63  }
0xc6: {  	s6 =	rddreg [dreg:$0x5]  }
0xc7: {  	[tilespmem:s17], [sflag:$0x3] =	stream.linear.gather [hbm4b:s6+s3], $0x50, $0x38;
	[tilespmem:$0xA200] =	vst v63  }
0xc8: {  	_ =	swait.ge [sflag:s18], $0x50  }
0xc9: {  	[sflag:s18] =	ssyncset.done $0x0  }
0xca: {  	[sflag:s18] =	ssyncadd.s32 $0xFFFFFFB0  }
0xcb: {  	[tilespmem:s20], [sflag:$0x5] =	stream.indirect.gather [hbm4b:s1+s19], $0x80, s3, s19, $0xb8;
	[tilespmem:$0xA200] =	vst v63  }
0xcc: {  	_ =	swait.ge [sflag:s21], $0x50  }
0xcd: {  	[sflag:s21] =	ssyncset.done $0x0  }
0xce: {  	s7 =	simm.s32 $0x6;
	[sflag:s21] =	ssyncadd.s32 $0xFFFFFFB0  }
0xcf: {  	[tilespmem:s22], [sflag:$0x5] =	stream.indirect.gather [hbm4b:s1+s19], $0x80, s17, s19, $0xb8;
	[tilespmem:$0xA200] =	vst v63  }
0xd0: {  	_ =	swait.ge [sflag:s7], $0x2800  }
0xd1: {  	[sflag:s7] =	ssyncset.done $0x0  }
0xd2: {  	[sflag:s7] =	ssyncadd.s32 $0xFFFFD800  }
0xd3: {  	_ =	swait.ge [sflag:s7], $0x2800  }
0xd4: {  	[sflag:s7] =	ssyncset.done $0x0  }
0xd5: {  	s8 =	rddreg [dreg:$0x6];
	[sflag:s7] =	ssyncadd.s32 $0xFFFFD800  }
0xd6: {  	[hbm4b:s8+s31] =	stream.strided.scatter [tilespmem:s29], [sflag:$0x8], $0x2800, s0, s31, $0x38;
	[tilespmem:$0xA200] =	vst v63  }
0xd7: {  	s9 =	rddreg [dreg:$0x7]  }
0xd8: {  	[hbm4b:s9+s31] =	stream.strided.scatter [tilespmem:s26], [sflag:$0x8], $0x2800, s0, s31, $0x38;
	[tilespmem:$0xA200] =	vst v63  }
0xd9: {  	_ =	swait.ge [sflag:s30], $0x2800  }
0xda: {  	[sflag:s30] =	ssyncset.done $0x0  }
0xdb: {  	[sflag:s30] =	ssyncadd.s32 $0xFFFFD800  }
0xdc: {  	_ =	swait.ge [sflag:s30], $0x2800  }
0xdd: {  	[sflag:s30] =	ssyncset.done $0x0  }
0xde: {  	s11 =	simm.s32 $0x9;
	s10 =	rddreg [dreg:$0x8];
	[sflag:s30] =	ssyncadd.s32 $0xFFFFD800  }
0xdf: {  	[hbm4b:s10+s31] =	stream.strided.scatter [tilespmem:s22], [sflag:$0x9], $0x2800, s0, s31, $0x38;
	[tilespmem:$0xA200] =	vst v63  }
0xe0: {  	_ =	swait.ge [sflag:s11], $0x2800  }
0xe1: {  	[sflag:s11] =	ssyncset.done $0x0  }
0xe2: {  	s12 =	rddreg [dreg:$0x9];
	[sflag:s11] =	ssyncadd.s32 $0xFFFFD800  }
0xe3: {  	[hbm4b:s12+s31] =	stream.strided.scatter [tilespmem:s20], [sflag:$0x9], $0x2800, s0, s31, $0x38;
	[tilespmem:$0xA200] =	vst v63  }
0xe4: {  	_ =	swait.ge [sflag:s11], $0x2800  }
0xe5: {  	[sflag:s11] =	ssyncset.done $0x0  }
0xe6: {  	s13 =	simm.s32 $0x8;
	[sflag:s11] =	ssyncadd.s32 $0xFFFFD800  }
0xe7: {  	_ =	swait.ge [sflag:s13], $0x2800  }
0xe8: {  	[sflag:s13] =	ssyncset.done $0x0  }
0xe9: {  	[sflag:s13] =	ssyncadd.s32 $0xFFFFD800  }
0xea: {  	_ =	swait.ge [sflag:s13], $0x2800  }
0xeb: {  	s15 =	rddreg [dreg:$0xe]  }
0xec: {  	s16 =	rddreg [dreg:$0xa];
	s7 =	sadd.s32 $0x1, s15  }
0xed: {  	p0 =	sne.s32 s7, s16  }
.Ltmp1:
0xee: {  	_ = 	snop;
	(pc) =	sbr.rel @p0 .LBB2_1-.Ltmp1, $3  }
0xef: {  	_ =	sdelay $0x1  }
0xf0: {  	[sflag:s13] =	ssyncset.done $0x0  }
0xf1: {  	[sflag:s13] =	ssyncadd.s32 $0xFFFFD800  }
0xf2: {  	_ =	sfence.sel $0x180000  }
0xf3: {  	[bflag:$0x0] =	sbarrier.arrive $0xFFFF  }
0xf4: {  	_ =	strace $0x90000047  }
0xf5: {  	s0 =	stileid.u32;
	[bflag:$0x2] =	sbarrier.arrive $0xFFFF  }
0xf6: {  	p0 =	sne.s32 s0, $0x0;
	s0 =	rddreg [dreg:$0x2]  }
0xf7: {  	s0 =	sadd.s32 @!p0 $0x100000, s0  }
0xf8: {  	[sflag:s0] =	ssyncadd.tile.s32 @!p0 $0x1;
	_ =	shalt  }
.Lfunc_end2:
_tile_overlayer_lowered:
.L_overlay_start_2:
0xf9: {  	(tag) =	ssettag $0x2  }
0xfa: {  	s0 =	rddreg [dreg:$0x0];
	s2 =	stileid.u32  }
0xfb: {  	s1 =	rddreg [dreg:$0x1];
	p0 =	sne.s32 s2, $0x0  }
0xfc: {  	s3 =	rddreg [dreg:$0x2];
	[bflag:$0x3] =	sbarrier.arrive $0xFFFF;
	s2 =	simm.s32 @!p0 $0x1C09  }
0xfd: {  	[timem:s3], [sflag:s2] =	dma.local @!p0 [hbm:s0], s1  }
0xfe: {  	s0 =	simm.s32 @!p0 $0x9  }
0xff: {  	_ =	swait.ge @!p0 [sflag:s0], s1  }
0x100: {  	s1 =	ssub.s32 @!p0 $0x0, s1;
	[sflag:s0] =	ssyncset.done @!p0 $0x0  }
0x101: {  	[sflag:s0] =	ssyncadd.s32 @!p0 s1  }
0x102: {  	[bflag:$0x3] =	sbarrier.arrive $0xFFFF  }
0x103: {  	_ =	shalt  }

// kernel: sc_gather_2.3.cloned.1.call-start
scs
__scs_entry_jumppad:
0x0: {  	(pc) =	sbr.rel $0x88, $3  }
0x1: {  	(tag) =	ssettag $0x0;
	lr =	simm.s32 $0x1  }
0x2: {  	[smem:$0x3F8F] =	sst lr;
	_ =	strace $0xD0000000  }
0x3: {  	_ = 	snop  }
0x4: {  	_ = 	snop  }
0x5: {  	_ = 	snop  }
0x6: {  	_ = 	snop  }
0x7: {  	_ = 	snop  }
__scs_overlays_trampoline_lowered:
0x8: {  	[smem:$0x3F9E] =	sst s0  }
0x9: {  	[smem:$0x3F9F] =	sst s1  }
0xa: {  	[smem:$0x3FA0] =	sst s2  }
0xb: {  	[smem:$0x3FA1] =	sst s3  }
0xc: {  	[smem:$0x3FA2] =	sst s4  }
0xd: {  	[smem:$0x3FA3] =	sst s5  }
0xe: {  	[smem:$0x3FA4] =	sst s6  }
0xf: {  	[smem:$0x3FA5] =	sst s7  }
0x10: {  	[smem:$0x3FA6] =	sst s8  }
0x11: {  	[smem:$0x3FA7] =	sst s9;
	s0 =	simm.s32 @!p0 $0x0  }
0x12: {  	s1 =	sld [smem:$0x3F8D];
	s0 =	simm.s32 @p0 $0x1  }
0x13: {  	[smem:$0x3FA8] =	sst s0;
	s0 =	simm.s32 @!p1 $0x0  }
0x14: {  	s2 =	sld [smem:$0x3F8C];
	s0 =	simm.s32 @p1 $0x1  }
0x15: {  	[smem:$0x3FA9] =	sst s0;
	s0 =	simm.s32 @!p2 $0x0  }
0x16: {  	s3 =	sld [smem:$0x3FDB];
	s0 =	simm.s32 @p2 $0x1  }
0x17: {  	s4 =	simm.s32 $0x1BF5;
	[smem:$0x3FAB] =	sst s0  }
0x18: {  	s0 =	sld [smem:$0x3F8E];
	_ =	swait.ge [sflag:s4], $0x0  }
0x19: {  	s7 =	sld [smem:$0x3F8F]  }
0x1a: {  	s8 =	sadd.s32 $0xFFFFE003, lr  }
0x1b: {  	s9 =	sadd.s32 $0xFFFFFEF7, lr;
	s5 =	simm.s32 $0xFFFFFFFF;
	p2 =	slt.u32 s8, $0xFFFFF086  }
0x1c: {  	p1 =	slt.u32 s9, $0xF7A;
	s5 =	simm.s32 @!p2 $0x0  }
0x1d: {  	s5 =	simm.s32 @p1 $0x1;
	p0 =	seq.s32 s7, s2  }
0x1e: {  	s7 =	smul.u32 @!p0 $0xF7A, s2;
	p2 =	seq.s32 @!p0 s5, $0x0  }
0x1f: {  	s9 =	smul.u32 $0xF7A, s1;
	s8 =	simm.s32 @!p0 $0x1BF5;
	p2 =	por !p2, p0  }
0x20: {  	[sflag:s8] =	ssyncset.s32 @!p0 $0xFFFFF086;
	s6 =	sadd.s32 @!p0 s3, s7;
	s7 =	simm.s32 @!p0 $0x108  }
0x21: {  	s3 =	sadd.s32 s3, s9;
	s6 =	sadd.s32 @!p0 $0x88, s6;
	s7 =	simm.s32 @p2 $0x1082  }
0x22: {  	[simem:s7], [sflag:s8] =	dma.local @!p0 [hbm:s6], $0xF7A  }
0x23: {  	s9 =	sor.u32 $0xD0000000, s2;
	s6 =	simm.s32 $0x108;
	_ =	swait.ge @!p0 [sflag:s8], $0x0  }
0x24: {  	s3 =	sadd.s32 $0x88, s3;
	s6 =	simm.s32 @!p1 $0x1082;
	[sflag:s4] =	ssyncset.s32 $0xFFFFF086  }
0x25: {  	[simem:s6], [sflag:s4] =	dma.local [hbm:s3], $0xF7A  }
0x26: {  	[smem:$0x3F8F] =	sst s1;
	(tag) =	ssettag s2;
	_ =	strace s9  }
0x27: {  	s1 =	sld [smem:$0x3F9F]  }
0x28: {  	s2 =	sld [smem:$0x3FA0]  }
0x29: {  	s4 =	sld [smem:$0x3FA2]  }
0x2a: {  	p0 =	seq.s32 s5, $0x0;
	s5 =	sld [smem:$0x3FA3]  }
0x2b: {  	s6 =	sld [smem:$0x3FA4]  }
0x2c: {  	s7 =	sld [smem:$0x3FA5]  }
0x2d: {  	s3 =	simm.s32 $0x108;
	s8 =	sld [smem:$0x3FA6]  }
0x2e: {  	s3 =	simm.s32 @!p0 $0x1082;
	s9 =	sld [smem:$0x3FA7]  }
0x2f: {  	lr =	sadd.s32 s0, s3;
	s0 =	sld [smem:$0x3F9E]  }
0x30: {  	s3 =	sld [smem:$0x3FA1]  }
0x31: {  	[smem:$0x3FAA] =	sst s10  }
0x32: {  	s10 =	sld [smem:$0x3FA8];
	_ =	sdelay $0x3  }
0x33: {  	p0 =	seq.s32 s10, $0x1;
	s10 =	sld [smem:$0x3FAA];
	_ =	sdelay $0x3  }
0x34: {  	[smem:$0x3FAA] =	sst s10  }
0x35: {  	s10 =	sld [smem:$0x3FA9];
	_ =	sdelay $0x3  }
0x36: {  	p1 =	seq.s32 s10, $0x1;
	s10 =	sld [smem:$0x3FAA];
	_ =	sdelay $0x3  }
0x37: {  	[smem:$0x3FAA] =	sst s10  }
0x38: {  	s10 =	sld [smem:$0x3FAB]  }
0x39: {  	_ = 	snop;
	(pc) =	sbr.ind lr, $3  }
0x3a: {  	_ = 	snop  }
0x3b: {  	_ = 	snop  }
0x3c: {  	p2 =	seq.s32 s10, $0x1;
	s10 =	sld [smem:$0x3FAA]  }
0x3d: {  	_ =	shalt  }
0x3e: {  	_ =	shalt  }
0x3f: {  	_ =	shalt  }
0x40: {  	_ =	shalt  }
0x41: {  	_ =	shalt  }
0x42: {  	_ =	shalt  }
0x43: {  	_ =	shalt  }
0x44: {  	_ =	shalt  }
0x45: {  	_ =	shalt  }
0x46: {  	_ =	shalt  }
0x47: {  	_ =	shalt  }
0x48: {  	_ =	shalt  }
0x49: {  	_ =	shalt  }
0x4a: {  	_ =	shalt  }
0x4b: {  	_ =	shalt  }
0x4c: {  	_ =	shalt  }
0x4d: {  	_ =	shalt  }
0x4e: {  	_ =	shalt  }
0x4f: {  	_ =	shalt  }
0x50: {  	_ =	shalt  }
0x51: {  	_ =	shalt  }
0x52: {  	_ =	shalt  }
0x53: {  	_ =	shalt  }
0x54: {  	_ =	shalt  }
0x55: {  	_ =	shalt  }
0x56: {  	_ =	shalt  }
0x57: {  	_ =	shalt  }
0x58: {  	_ =	shalt  }
0x59: {  	_ =	shalt  }
0x5a: {  	_ =	shalt  }
0x5b: {  	_ =	shalt  }
0x5c: {  	_ =	shalt  }
0x5d: {  	_ =	shalt  }
0x5e: {  	_ =	shalt  }
0x5f: {  	_ =	shalt  }
0x60: {  	_ =	shalt  }
0x61: {  	_ =	shalt  }
0x62: {  	_ =	shalt  }
0x63: {  	_ =	shalt  }
0x64: {  	_ =	shalt  }
0x65: {  	_ =	shalt  }
0x66: {  	_ =	shalt  }
0x67: {  	_ =	shalt  }
0x68: {  	_ =	shalt  }
0x69: {  	_ =	shalt  }
0x6a: {  	_ =	shalt  }
0x6b: {  	_ =	shalt  }
0x6c: {  	_ =	shalt  }
0x6d: {  	_ =	shalt  }
0x6e: {  	_ =	shalt  }
0x6f: {  	_ =	shalt  }
0x70: {  	_ =	shalt  }
0x71: {  	_ =	shalt  }
0x72: {  	_ =	shalt  }
0x73: {  	_ =	shalt  }
0x74: {  	_ =	shalt  }
0x75: {  	_ =	shalt  }
0x76: {  	_ =	shalt  }
0x77: {  	_ =	shalt  }
0x78: {  	_ =	shalt  }
0x79: {  	_ =	shalt  }
0x7a: {  	_ =	shalt  }
0x7b: {  	_ =	shalt  }
0x7c: {  	_ =	shalt  }
0x7d: {  	_ =	shalt  }
0x7e: {  	_ =	shalt  }
0x7f: {  	_ =	shalt  }
0x80: {  	_ =	shalt  }
0x81: {  	_ =	shalt  }
0x82: {  	_ =	shalt  }
0x83: {  	_ =	shalt  }
0x84: {  	_ =	shalt  }
0x85: {  	_ =	shalt  }
0x86: {  	_ =	shalt  }
0x87: {  	_ =	shalt  }
.Lfunc_end0:
.L_simem_size_0:
called_computation.2_lowered:
.L_overlay_start_0:
0x88: {  	s2 =	sld [smem:$0x3FD9]  }
0x89: {  	s3 =	sld [smem:$0x3FFE];
	_ =	sdelay $0x1  }
0x8a: {  	s1 =	srdreg.scid  }
0x8b: {  	s0 =	sand.u32 $0x1, s1  }
0x8c: {  	s17 =	sshll.u32 s0, $0xA;
	s2 =	sadd.s32 s3, s2  }
0x8d: {  	s2 =	sadd.s32 s2, s17  }
0x8e: {  	[smem:$0x3FB6] =	sst s2  }
0x8f: {  	_ = 	snop  }
0x90: {  	s18 =	sld [smem:$0x3FC9];
	(tm) =	ssettm $0x1  }
0x91: {  	s19 =	sld [smem:$0x3FFB];
	_ =	sdelay $0x3  }
0x92: {  	_ =	strace s19  }
0x93: {  	s2 =	sld [smem:$0x3FFC];
	_ =	sdelay $0x3  }
0x94: {  	_ =	strace s2  }
0x95: {  	s2 =	sld [smem:$0x3FFD];
	_ =	sdelay $0x3  }
0x96: {  	_ =	strace s2  }
0x97: {  	_ =	strace $0x8FFFFFFF  }
0x98: {  	s20 =	sld [smem:$0x3FDB];
	_ =	sdelay $0x1  }
0x99: {  	s4 =	simm.s32 $_scs_section_size  }
0x9a: {  	s5 =	simm.s32 $_size__tile_overlayer_lowered;
	s6 =	simm.s32 $_tile_overlayer_lowered  }
0x9b: {  	s7 =	simm.s32 $0x1BFF;
	s21 =	sshll.u32 s6, $0x1;
	s4 =	sadd.s32 s4, s20  }
0x9c: {  	s22 =	simm.s32 $0x0;
	s5 =	sshll.u32 s5, $0x1;
	s6 =	sadd.s32 s21, s4  }
0x9d: {  	[timem:s22], [sflag:s7] =	dma.local [hbm:s6], s5  }
0x9e: {  	_ =	swait.ge [sflag:s7], s5  }
0x9f: {  	s5 =	ssub.s32 $0x0, s5;
	[sflag:s7] =	ssyncset.done $0x0  }
0xa0: {  	[sflag:s7] =	ssyncadd.s32 s5;
	_ =	sdelay $0x1  }
0xa1: {  	s23 =	simm.s32 $0x1B8B  }
0xa2: {  	_ =	swait.ge [sflag:s23], $0x1  }
0xa3: {  	[sflag:s23] =	ssyncset.done $0x0  }
0xa4: {  	[sflag:s23] =	ssyncadd.s32 $0xFFFFFFFF  }
0xa5: {  	s5 =	sld [smem:$0x0]  }
0xa6: {  	s6 =	sand.u32 $0xFFFFFFFE, s1  }
0xa7: {  	p0 =	sne.s32 s1, s6  }
0xa8: {  	s6 =	sshll.u32 @p0 s6, $0xE  }
0xa9: {  	s6 =	sadd.s32 @p0 $0x11B8D, s6;
	s7 =	sshll.u32 @p0 s5, $0x11  }
0xaa: {  	s6 =	sor.u32 @p0 s7, s6  }
0xab: {  	[sflag:s6] =	ssyncadd.remote.s32 @p0 $0x1;
	_ =	sdelay $0x1  }
0xac: {  	s6 =	simm.s32 @p0 $0x1B8D  }
0xad: {  	_ =	swait.eq @p0 [sflag:s6], $0x1  }
0xae: {  	[sflag:s6] =	ssyncadd.s32 @p0 $0xFFFFFFFF  }
0xaf: {  	s7 =	sshll.u32 @!p0 s1, $0xE  }
0xb0: {  	s7 =	sor.u32 @!p0 $0x4000, s7;
	s6 =	simm.s32 @!p0 $0x1B8D  }
0xb1: {  	s5 =	sshll.u32 @!p0 s5, $0x11;
	s7 =	sadd.s32 @!p0 $0x11B8D, s7;
	_ =	swait.eq @!p0 [sflag:s6], $0x1  }
0xb2: {  	s5 =	sor.u32 @!p0 s5, s7;
	[sflag:s6] =	ssyncadd.s32 @!p0 $0xFFFFFFFF  }
0xb3: {  	s25 =	simm.s32 $0x1B8E;
	s24 =	sld [smem:$0x3FFE];
	[sflag:s5] =	ssyncadd.remote.s32 @!p0 $0x1  }
0xb4: {  	s26 =	simm.s32 $execute0_lowered;
	[smem:$0x3FD2] =	sst s25  }
0xb5: {  	s6 =	sshll.u32 s26, $0x1;
	_ =	strace $0x80000049;
	[dreg:$0x1] =	wrdreg $0xFFFFFFFF  }
0xb6: {  	s28 =	simm.s32 $_size_execute0_lowered;
	s4 =	sadd.s32 s4, s6;
	[dreg:$0x0] =	wrdreg $0x0  }
0xb7: {  	s6 =	sshll.u32 s28, $0x1;
	[dreg:$0x2] =	wrdreg s4  }
0xb8: {  	[dreg:$0x3] =	wrdreg s6  }
0xb9: {  	[dreg:$0x4] =	wrdreg $0xC0  }
0xba: {  	_ =	task [dreg:s22], $0x5FFFF  }
0xbb: {  	[dreg:$0x1] =	wrdreg $0xFFFFFFFF  }
0xbc: {  	[dreg:$0x0] =	wrdreg $0x60  }
0xbd: {  	[dreg:$0x2] =	wrdreg s18  }
0xbe: {  	[dreg:$0x3] =	wrdreg s24  }
0xbf: {  	[dreg:$0x4] =	wrdreg $0xC  }
0xc0: {  	_ =	task.clear_ibuf [dreg:s22], $0x5FFFF;
	_ =	strace $0x90000049  }
0xc1: {  	s29 =	simm.s32 $0xC;
	_ =	strace $0x8000004B  }
0xc2: {  	_ =	swait.ge [sflag:s29], $0x1  }
0xc3: {  	[sflag:s29] =	ssyncadd.s32 $0xFFFFFFFF  }
0xc4: {  	_ =	strace $0x9000004B  }
0xc5: {  	_ =	sfence  }
0xc6: {  	s30 =	sld [smem:$0x0];
	_ =	sdelay $0x2  }
0xc7: {  	s31 =	sshll.u32 s1, $0xD;
	s1 =	sshrl.u32 s1, $0x2  }
0xc8: {  	s4 =	sand.u32 $0x4000, s31;
	s1 =	sadd.s32 s1, s30  }
0xc9: {  	s0 =	sor.u32 s4, s0;
	s1 =	sshll.u32 s1, $0x11  }
0xca: {  	s0 =	sor.u32 s1, s0  }
0xcb: {  	s0 =	sadd.s32 $0x8F2B, s0  }
0xcc: {  	[sflag:s0] =	ssyncadd.remote.s32 $0x1  }
0xcd: {  	_ =	sfence.sel $0xFFFF  }
0xce: {  	[dreg:$0x0] =	wrdreg $0xFFFFFFFF;
	(pc) =	sbr.abs _section_cstart, $3  }
0xcf: {  	[dreg:$0x1] =	wrdreg $0xFFFFFFFF  }
0xd0: {  	_ =	task.clear_ibuf [dreg:s22], $0x2FFFF;
	_ =	strace $0x9FFFFFFF  }
0xd1: {  	(tm) =	ssettm $0x7FFFFFFF  }
tec
execute0_lowered:
.L_overlay_start_1:
0x0: {  	(tag) =	ssettag $0x1  }
0x1: {  	s1 =	rddreg [dreg:$0x0]  }
0x2: {  	s0 =	rddreg [dreg:$0x1];
	s2 =	srdreg.scid  }
0x3: {  	s3 =	simm.s32 $0x0;
	s11 =	stileid.u32;
	s28 =	simm.s32 $0x4  }
0x4: {  	s29 =	simm.s32 $0x7A00;
	s30 =	simm.s32 $0x5;
	s31 =	simm.s32 $0x400  }
0x5: {  	s2 =	sand.u32 $0x1, s2;
	[smem:$0x7FF] =	sst s3;
	s18 =	smul.u32 $0xB90, s11  }
0x6: {  	s5 =	sadd.s32 $0xF400, s0;
	s23 =	smul.u32 $0x17200, s11;
	s4 =	sshll.u32 s2, $0x4  }
0x7: {  	_ =	strace $0x8000004A;
	s8 =	ssub.s32 $0x2, s2;
	s16 =	smul.u32 $0xB900, s2  }
0x8: {  	s2 =	smul.u32 $0x172000, s2;
	s6 =	sor.u32 s11, s4;
	s4 =	sadd.s32 $0x5600, s0  }
0x9: {  	s0 =	sadd.s32 $0x2FD200, s0;
	s9 =	sshrl.u32 s8, $0x1;
	s7 =	smul.u32 $0xB90, s6  }
0xa: {  	s6 =	smul.u32 $0xB9000, s6;
	s8 =	ssub.s32 s8, s9;
	s22 =	sadd.s32 s18, s16  }
0xb: {  	s18 =	simm.s32 $0x1;
	s9 =	sadd.s32 $0x28A00, s22;
	s8 =	smax.u32 s8, $0x1  }
0xc: {  	s10 =	sadd.s32 $0x28A50, s7;
	s7 =	sshrl.u32 s7, $0x3;
	[dreg:$0xa] =	wrdreg s8  }
0xd: {  	s6 =	sshrl.u32 s6, $0x3;
	s24 =	sshrl.u32 s9, $0x3;
	[dreg:$0x3] =	wrdreg s10  }
0xe: {  	s7 =	sadd.s32 $0x52A8, s7;
	s6 =	sadd.s32 s0, s6;
	s25 =	sadd.s32 s24, s5  }
0xf: {  	s0 =	sadd.s32 s2, s0;
	s26 =	sadd.s32 s24, s4;
	[dreg:$0xc] =	wrdreg s25  }
0x10: {  	s24 =	simm.s32 $0x180;
	s17 =	sadd.s32 s4, s7;
	[dreg:$0xd] =	wrdreg s26  }
0x11: {  	s7 =	sadd.s32 s5, s7;
	s19 =	sadd.s32 $0x15E00, s6;
	[dreg:$0x4] =	wrdreg s17  }
0x12: {  	s20 =	sadd.s32 $0x15E80, s6;
	s21 =	sadd.s32 $0x16800, s6;
	[dreg:$0x5] =	wrdreg s7  }
0x13: {  	s6 =	sadd.s32 $0x16880, s6;
	s14 =	sadd.s32 s23, s0;
	[dreg:$0x6] =	wrdreg s19  }
0x14: {  	s23 =	simm.s32 $0x80;
	s25 =	simm.s32 $0x2;
	[dreg:$0x7] =	wrdreg s20  }
0x15: {  	s26 =	simm.s32 $0x2A00;
	s0 =	simm.s32 $0x800;
	[dreg:$0x8] =	wrdreg s21  }
0x16: {  	[dreg:$0x9] =	wrdreg s6;
	s7 =	sadd.s32 $0x28A50, s22;
	s17 =	simm.s32 $0x100  }
0x17: {  	s19 =	simm.s32 $0x50;
	s20 =	simm.s32 $0x200;
	s21 =	simm.s32 $0x3  }
0x18: {  	s22 =	simm.s32 $0x5200;
	[dreg:$0xb] =	wrdreg s7;
	s7 =	simm.s32 $0x0  }
.LBB2_1:
0x19: {  	p0 =	por $0x1, $0x1  }
0x1a: {  	[dreg:$0xe] =	wrdreg s7;
	s2 =	simm.s32 @!p0 $0x7  }
0x1b: {  	_ =	swait.ge @!p0 [sflag:s2], $0x2800  }
0x1c: {  	[sflag:s2] =	ssyncset.done @!p0 $0x0  }
0x1d: {  	[sflag:s2] =	ssyncadd.s32 @!p0 $0xFFFFD800  }
0x1e: {  	_ =	swait.ge @!p0 [sflag:s2], $0x2800  }
0x1f: {  	[sflag:s2] =	ssyncset.done @!p0 $0x0  }
0x20: {  	s9 =	rddreg [dreg:$0xd];
	[sflag:s2] =	ssyncadd.s32 @!p0 $0xFFFFD800  }
0x21: {  	[tilespmem:s3], [sflag:$0x1] =	stream.linear.gather [hbm4b:s9+s3], $0x50, $0x38;
	[tilespmem:$0xA200] =	vst v63  }
0x22: {  	s8 =	rddreg [dreg:$0xc]  }
0x23: {  	[tilespmem:s17], [sflag:$0x3] =	stream.linear.gather [hbm4b:s8+s3], $0x50, $0x38;
	[tilespmem:$0xA200] =	vst v63  }
0x24: {  	_ =	swait.ge [sflag:s18], $0x50  }
0x25: {  	[sflag:s18] =	ssyncset.done $0x0  }
0x26: {  	[sflag:s18] =	ssyncadd.s32 $0xFFFFFFB0  }
0x27: {  	[tilespmem:s20], [sflag:$0x5] =	stream.indirect.gather [hbm4b:s1+s19], $0x80, s3, s19, $0xb8;
	[tilespmem:$0xA200] =	vst v63  }
0x28: {  	_ =	swait.ge [sflag:s21], $0x50  }
0x29: {  	[sflag:s21] =	ssyncset.done $0x0  }
0x2a: {  	s2 =	simm.s32 @!p0 $0x6;
	[sflag:s21] =	ssyncadd.s32 $0xFFFFFFB0  }
0x2b: {  	[tilespmem:s22], [sflag:$0x5] =	stream.indirect.gather [hbm4b:s1+s19], $0x80, s17, s19, $0xb8;
	[tilespmem:$0xA200] =	vst v63  }
0x2c: {  	_ =	swait.ge @!p0 [sflag:s2], $0x2800  }
0x2d: {  	[sflag:s2] =	ssyncset.done @!p0 $0x0  }
0x2e: {  	[sflag:s2] =	ssyncadd.s32 @!p0 $0xFFFFD800  }
0x2f: {  	s6 =	sadd.s32 @!p0 $0x0, s14;
	_ =	swait.ge @!p0 [sflag:s2], $0x2800  }
0x30: {  	s10 =	simm.s32 @!p0 $0x7A00;
	s11 =	simm.s32 @!p0 $0x400;
	[sflag:s2] =	ssyncset.done @!p0 $0x0  }
0x31: {  	s12 =	simm.s32 @!p0 $0x800;
	[sflag:s2] =	ssyncadd.s32 @!p0 $0xFFFFD800;
	s2 =	sadd.s32 @!p0 $0xFFFFF600, s6  }
0x32: {  	[hbm4b:s2+s11] =	stream.strided.scatter @!p0 [tilespmem:s10], [sflag:$0x8], $0x2800, s12, s11, $0x38;
	[tilespmem:$0xA200] =	vst v63  }
0x33: {  	s2 =	sadd.s32 @!p0 $0xFFFFF680, s6;
	s6 =	simm.s32 @!p0 $0x2A00;
	s10 =	simm.s32 @!p0 $0x8  }
0x34: {  	[hbm4b:s2+s11] =	stream.strided.scatter @!p0 [tilespmem:s6], [sflag:$0x8], $0x2800, s12, s11, $0x38;
	[tilespmem:$0xA200] =	vst v63  }
0x35: {  	_ =	swait.ge @!p0 [sflag:s10], $0x2800  }
0x36: {  	[sflag:s10] =	ssyncset.done @!p0 $0x0  }
0x37: {  	[sflag:s10] =	ssyncadd.s32 @!p0 $0xFFFFD800  }
0x38: {  	_ =	swait.ge @!p0 [sflag:s10], $0x2800  }
0x39: {  	s15 =	rddreg [dreg:$0xb]  }
0x3a: {  	s2 =	rddreg [dreg:$0x3];
	s6 =	smov.u32 s15  }
0x3b: {  	s6 =	smov.u32 @p0 s2  }
0x3c: {  	[sflag:s10] =	ssyncset.done @!p0 $0x0;
	s2 =	sshrl.u32 s6, $0x3  }
0x3d: {  	[sflag:s10] =	ssyncadd.s32 @!p0 $0xFFFFD800;
	s6 =	sadd.s32 s4, s2  }
0x3e: {  	[tilespmem:s23], [sflag:$0x2] =	stream.linear.gather [hbm4b:s6+s3], $0x50, $0x38;
	[tilespmem:$0xA200] =	vst v63  }
0x3f: {  	s2 =	sadd.s32 s5, s2  }
0x40: {  	[tilespmem:s24], [sflag:$0x4] =	stream.linear.gather [hbm4b:s2+s3], $0x50, $0x38;
	[tilespmem:$0xA200] =	vst v63  }
0x41: {  	_ =	swait.ge [sflag:s25], $0x50  }
0x42: {  	[sflag:s25] =	ssyncset.done $0x0  }
0x43: {  	[sflag:s25] =	ssyncadd.s32 $0xFFFFFFB0  }
0x44: {  	[tilespmem:s26], [sflag:$0x6] =	stream.indirect.gather [hbm4b:s1+s19], $0x80, s23, s19, $0xb8;
	[tilespmem:$0xA200] =	vst v63  }
0x45: {  	_ =	swait.ge [sflag:s28], $0x50  }
0x46: {  	[sflag:s28] =	ssyncset.done $0x0  }
0x47: {  	[sflag:s28] =	ssyncadd.s32 $0xFFFFFFB0  }
0x48: {  	[tilespmem:s29], [sflag:$0x6] =	stream.indirect.gather [hbm4b:s1+s19], $0x80, s24, s19, $0xb8;
	[tilespmem:$0xA200] =	vst v63  }
0x49: {  	_ =	swait.ge [sflag:s30], $0x2800  }
0x4a: {  	s16 =	simm.s32 $0x2800;
	[sflag:s30] =	ssyncset.done $0x0  }
0x4b: {  	s13 =	sadd.s32 $0x0, s14;
	s12 =	sadd.s32 $0x14, s9;
	[sflag:s30] =	ssyncadd.s32 $0xFFFFD800  }
0x4c: {  	s10 =	simm.s32 $0x1400;
	s11 =	sadd.s32 $0xA0, s15;
	_ =	swait.ge [sflag:s30], $0x2800  }
0x4d: {  	s15 =	sadd.s32 $0x14, s8;
	p0 =	por $0x0, $0x0;
	[sflag:s30] =	ssyncset.done $0x0  }
0x4e: {  	s6 =	sadd.s32 $0x80, s13;
	s2 =	sadd.s32 @!p0 $0x1400, s14;
	[sflag:s30] =	ssyncadd.s32 $0xFFFFD800  }
.LBB2_2:
0x4f: {  	[hbm4b:s13+s31] =	stream.strided.scatter [tilespmem:s22], [sflag:$0x7], $0x2800, s0, s31, $0x38;
	[tilespmem:$0xA200] =	vst v63  }
0x50: {  	s7 =	simm.s32 @!p0 $0x7  }
0x51: {  	[hbm4b:s6+s31] =	stream.strided.scatter [tilespmem:s20], [sflag:$0x7], $0x2800, s0, s31, $0x38;
	[tilespmem:$0xA200] =	vst v63  }
0x52: {  	_ =	swait.ge @!p0 [sflag:s7], $0x2800  }
0x53: {  	[sflag:s7] =	ssyncset.done @!p0 $0x0  }
0x54: {  	[sflag:s7] =	ssyncadd.s32 @!p0 $0xFFFFD800  }
0x55: {  	_ =	swait.ge @!p0 [sflag:s7], $0x2800  }
0x56: {  	[sflag:s7] =	ssyncset.done @!p0 $0x0  }
0x57: {  	[sflag:s7] =	ssyncadd.s32 @!p0 $0xFFFFD800  }
0x58: {  	[tilespmem:s3], [sflag:$0x1] =	stream.linear.gather [hbm4b:s12+s3], $0x50, $0x38;
	[tilespmem:$0xA200] =	vst v63  }
0x59: {  	_ = 	snop  }
0x5a: {  	[tilespmem:s17], [sflag:$0x3] =	stream.linear.gather [hbm4b:s15+s3], $0x50, $0x38;
	[tilespmem:$0xA200] =	vst v63  }
0x5b: {  	_ =	swait.ge [sflag:s18], $0x50  }
0x5c: {  	[sflag:s18] =	ssyncset.done $0x0  }
0x5d: {  	[sflag:s18] =	ssyncadd.s32 $0xFFFFFFB0  }
0x5e: {  	[tilespmem:s20], [sflag:$0x5] =	stream.indirect.gather [hbm4b:s1+s19], $0x80, s3, s19, $0xb8;
	[tilespmem:$0xA200] =	vst v63  }
0x5f: {  	_ =	swait.ge [sflag:s21], $0x50  }
0x60: {  	[sflag:s21] =	ssyncset.done $0x0  }
0x61: {  	s6 =	simm.s32 @!p0 $0x6;
	[sflag:s21] =	ssyncadd.s32 $0xFFFFFFB0  }
0x62: {  	[tilespmem:s22], [sflag:$0x5] =	stream.indirect.gather [hbm4b:s1+s19], $0x80, s17, s19, $0xb8;
	[tilespmem:$0xA200] =	vst v63  }
0x63: {  	_ =	swait.ge @!p0 [sflag:s6], $0x2800  }
0x64: {  	[sflag:s6] =	ssyncset.done @!p0 $0x0  }
0x65: {  	[sflag:s6] =	ssyncadd.s32 @!p0 $0xFFFFD800  }
0x66: {  	_ =	swait.ge @!p0 [sflag:s6], $0x2800  }
0x67: {  	s8 =	simm.s32 @!p0 $0x400;
	s9 =	simm.s32 @!p0 $0x800;
	[sflag:s6] =	ssyncset.done @!p0 $0x0  }
0x68: {  	s7 =	simm.s32 @!p0 $0x7A00;
	[sflag:s6] =	ssyncadd.s32 @!p0 $0xFFFFD800;
	s6 =	sadd.s32 @!p0 $0xFFFFF600, s2  }
0x69: {  	[hbm4b:s6+s8] =	stream.strided.scatter @!p0 [tilespmem:s7], [sflag:$0x8], $0x2800, s9, s8, $0x38;
	[tilespmem:$0xA200] =	vst v63  }
0x6a: {  	s2 =	sadd.s32 @!p0 $0xFFFFF680, s2;
	s6 =	simm.s32 @!p0 $0x2A00;
	s7 =	simm.s32 @!p0 $0x8  }
0x6b: {  	[hbm4b:s2+s8] =	stream.strided.scatter @!p0 [tilespmem:s6], [sflag:$0x8], $0x2800, s9, s8, $0x38;
	[tilespmem:$0xA200] =	vst v63  }
0x6c: {  	_ =	swait.ge @!p0 [sflag:s7], $0x2800  }
0x6d: {  	[sflag:s7] =	ssyncset.done @!p0 $0x0  }
0x6e: {  	[sflag:s7] =	ssyncadd.s32 @!p0 $0xFFFFD800  }
0x6f: {  	_ =	swait.ge @!p0 [sflag:s7], $0x2800  }
0x70: {  	s6 =	smov.u32 s11;
	s2 =	rddreg [dreg:$0x3]  }
0x71: {  	s6 =	smov.u32 @p0 s2  }
0x72: {  	[sflag:s7] =	ssyncset.done @!p0 $0x0;
	s2 =	sshrl.u32 s6, $0x3  }
0x73: {  	[sflag:s7] =	ssyncadd.s32 @!p0 $0xFFFFD800;
	s6 =	sadd.s32 s4, s2  }
0x74: {  	[tilespmem:s23], [sflag:$0x2] =	stream.linear.gather [hbm4b:s6+s3], $0x50, $0x38;
	[tilespmem:$0xA200] =	vst v63  }
0x75: {  	s2 =	sadd.s32 s5, s2  }
0x76: {  	[tilespmem:s24], [sflag:$0x4] =	stream.linear.gather [hbm4b:s2+s3], $0x50, $0x38;
	[tilespmem:$0xA200] =	vst v63  }
0x77: {  	_ =	swait.ge [sflag:s25], $0x50  }
0x78: {  	[sflag:s25] =	ssyncset.done $0x0  }
0x79: {  	[sflag:s25] =	ssyncadd.s32 $0xFFFFFFB0  }
0x7a: {  	[tilespmem:s26], [sflag:$0x6] =	stream.indirect.gather [hbm4b:s1+s19], $0x80, s23, s19, $0xb8;
	[tilespmem:$0xA200] =	vst v63  }
0x7b: {  	_ =	swait.ge [sflag:s28], $0x50  }
0x7c: {  	s13 =	smov.u32 s10;
	[sflag:s28] =	ssyncset.done $0x0  }
0x7d: {  	s10 =	smov.u32 s16;
	s16 =	sadd.s32 $0x1400, s16;
	[sflag:s28] =	ssyncadd.s32 $0xFFFFFFB0  }
0x7e: {  	[tilespmem:s29], [sflag:$0x6] =	stream.indirect.gather [hbm4b:s1+s19], $0x80, s24, s19, $0xb8;
	[tilespmem:$0xA200] =	vst v63  }
0x7f: {  	p1 =	sne.s32 s16, $0x16800;
	_ =	swait.ge [sflag:s30], $0x2800  }
.Ltmp0:
0x80: {  	[sflag:s30] =	ssyncset.done $0x0;
	(pc) =	sbr.rel @p1 .LBB2_2-.Ltmp0, $4  }
0x81: {  	s13 =	sadd.s32 s13, s14;
	[sflag:s30] =	ssyncadd.s32 $0xFFFFD800  }
0x82: {  	s12 =	sadd.s32 $0x14, s12;
	s15 =	sadd.s32 $0x14, s15;
	_ =	swait.ge [sflag:s30], $0x2800  }
0x83: {  	s11 =	sadd.s32 $0xA0, s11;
	p0 =	seq.s32 s10, $0x0;
	[sflag:s30] =	ssyncset.done $0x0  }
0x84: {  	s6 =	sadd.s32 $0x80, s13;
	s2 =	sadd.s32 @!p0 s10, s14;
	[sflag:s30] =	ssyncadd.s32 $0xFFFFD800  }
0x85: {  	[hbm4b:s13+s31] =	stream.strided.scatter [tilespmem:s22], [sflag:$0x7], $0x2800, s0, s31, $0x38;
	[tilespmem:$0xA200] =	vst v63  }
0x86: {  	s7 =	simm.s32 @!p0 $0x7  }
0x87: {  	[hbm4b:s6+s31] =	stream.strided.scatter [tilespmem:s20], [sflag:$0x7], $0x2800, s0, s31, $0x38;
	[tilespmem:$0xA200] =	vst v63  }
0x88: {  	_ =	swait.ge @!p0 [sflag:s7], $0x2800  }
0x89: {  	[sflag:s7] =	ssyncset.done @!p0 $0x0  }
0x8a: {  	[sflag:s7] =	ssyncadd.s32 @!p0 $0xFFFFD800  }
0x8b: {  	_ =	swait.ge @!p0 [sflag:s7], $0x2800  }
0x8c: {  	[sflag:s7] =	ssyncset.done @!p0 $0x0  }
0x8d: {  	[sflag:s7] =	ssyncadd.s32 @!p0 $0xFFFFD800  }
0x8e: {  	[tilespmem:s3], [sflag:$0x1] =	stream.linear.gather [hbm4b:s12+s3], $0x50, $0x38;
	[tilespmem:$0xA200] =	vst v63  }
0x8f: {  	_ = 	snop  }
0x90: {  	[tilespmem:s17], [sflag:$0x3] =	stream.linear.gather [hbm4b:s15+s3], $0x50, $0x38;
	[tilespmem:$0xA200] =	vst v63  }
0x91: {  	_ =	swait.ge [sflag:s18], $0x50  }
0x92: {  	[sflag:s18] =	ssyncset.done $0x0  }
0x93: {  	[sflag:s18] =	ssyncadd.s32 $0xFFFFFFB0  }
0x94: {  	[tilespmem:s20], [sflag:$0x5] =	stream.indirect.gather [hbm4b:s1+s19], $0x80, s3, s19, $0xb8;
	[tilespmem:$0xA200] =	vst v63  }
0x95: {  	_ =	swait.ge [sflag:s21], $0x50  }
0x96: {  	[sflag:s21] =	ssyncset.done $0x0  }
0x97: {  	s6 =	simm.s32 @!p0 $0x6;
	[sflag:s21] =	ssyncadd.s32 $0xFFFFFFB0  }
0x98: {  	[tilespmem:s22], [sflag:$0x5] =	stream.indirect.gather [hbm4b:s1+s19], $0x80, s17, s19, $0xb8;
	[tilespmem:$0xA200] =	vst v63  }
0x99: {  	_ =	swait.ge @!p0 [sflag:s6], $0x2800  }
0x9a: {  	[sflag:s6] =	ssyncset.done @!p0 $0x0  }
0x9b: {  	[sflag:s6] =	ssyncadd.s32 @!p0 $0xFFFFD800  }
0x9c: {  	_ =	swait.ge @!p0 [sflag:s6], $0x2800  }
0x9d: {  	s8 =	simm.s32 @!p0 $0x400;
	s9 =	simm.s32 @!p0 $0x800;
	[sflag:s6] =	ssyncset.done @!p0 $0x0  }
0x9e: {  	s7 =	simm.s32 @!p0 $0x7A00;
	[sflag:s6] =	ssyncadd.s32 @!p0 $0xFFFFD800;
	s6 =	sadd.s32 @!p0 $0xFFFFF600, s2  }
0x9f: {  	[hbm4b:s6+s8] =	stream.strided.scatter @!p0 [tilespmem:s7], [sflag:$0x8], $0x2800, s9, s8, $0x38;
	[tilespmem:$0xA200] =	vst v63  }
0xa0: {  	s2 =	sadd.s32 @!p0 $0xFFFFF680, s2;
	s6 =	simm.s32 @!p0 $0x2A00  }
0xa1: {  	[hbm4b:s2+s8] =	stream.strided.scatter @!p0 [tilespmem:s6], [sflag:$0x8], $0x2800, s9, s8, $0x38;
	[tilespmem:$0xA200] =	vst v63  }
0xa2: {  	s2 =	simm.s32 @!p0 $0x8  }
0xa3: {  	_ =	swait.ge @!p0 [sflag:s2], $0x2800  }
0xa4: {  	[sflag:s2] =	ssyncset.done @!p0 $0x0  }
0xa5: {  	[sflag:s2] =	ssyncadd.s32 @!p0 $0xFFFFD800  }
0xa6: {  	_ =	swait.ge @!p0 [sflag:s2], $0x2800  }
0xa7: {  	s6 =	rddreg [dreg:$0x3]  }
0xa8: {  	s11 =	smov.u32 @p0 s6  }
0xa9: {  	[sflag:s2] =	ssyncset.done @!p0 $0x0;
	s6 =	sshrl.u32 s11, $0x3  }
0xaa: {  	[sflag:s2] =	ssyncadd.s32 @!p0 $0xFFFFD800;
	s11 =	sadd.s32 s4, s6  }
0xab: {  	[tilespmem:s23], [sflag:$0x2] =	stream.linear.gather [hbm4b:s11+s3], $0x50, $0x38;
	[tilespmem:$0xA200] =	vst v63  }
0xac: {  	s12 =	sadd.s32 s5, s6  }
0xad: {  	[tilespmem:s24], [sflag:$0x4] =	stream.linear.gather [hbm4b:s12+s3], $0x50, $0x38;
	[tilespmem:$0xA200] =	vst v63  }
0xae: {  	_ =	swait.ge [sflag:s25], $0x50  }
0xaf: {  	[sflag:s25] =	ssyncset.done $0x0  }
0xb0: {  	[sflag:s25] =	ssyncadd.s32 $0xFFFFFFB0  }
0xb1: {  	[tilespmem:s26], [sflag:$0x6] =	stream.indirect.gather [hbm4b:s1+s19], $0x80, s23, s19, $0xb8;
	[tilespmem:$0xA200] =	vst v63  }
0xb2: {  	_ =	swait.ge [sflag:s28], $0x50  }
0xb3: {  	[sflag:s28] =	ssyncset.done $0x0  }
0xb4: {  	[sflag:s28] =	ssyncadd.s32 $0xFFFFFFB0  }
0xb5: {  	[tilespmem:s29], [sflag:$0x6] =	stream.indirect.gather [hbm4b:s1+s19], $0x80, s24, s19, $0xb8;
	[tilespmem:$0xA200] =	vst v63  }
0xb6: {  	_ =	swait.ge [sflag:s30], $0x2800  }
0xb7: {  	[sflag:s30] =	ssyncset.done $0x0  }
0xb8: {  	[sflag:s30] =	ssyncadd.s32 $0xFFFFD800  }
0xb9: {  	_ =	swait.ge [sflag:s30], $0x2800  }
0xba: {  	[sflag:s30] =	ssyncset.done $0x0  }
0xbb: {  	s13 =	sadd.s32 s10, s14;
	[sflag:s30] =	ssyncadd.s32 $0xFFFFD800  }
0xbc: {  	[hbm4b:s13+s31] =	stream.strided.scatter [tilespmem:s22], [sflag:$0x7], $0x2800, s0, s31, $0x38;
	[tilespmem:$0xA200] =	vst v63  }
0xbd: {  	s15 =	simm.s32 $0x7;
	s2 =	sadd.s32 $0x80, s13  }
0xbe: {  	[hbm4b:s2+s31] =	stream.strided.scatter [tilespmem:s20], [sflag:$0x7], $0x2800, s0, s31, $0x38;
	[tilespmem:$0xA200] =	vst v63  }
0xbf: {  	_ =	swait.ge [sflag:s15], $0x2800  }
0xc0: {  	[sflag:s15] =	ssyncset.done $0x0  }
0xc1: {  	[sflag:s15] =	ssyncadd.s32 $0xFFFFD800  }
0xc2: {  	_ =	swait.ge [sflag:s15], $0x2800  }
0xc3: {  	[sflag:s15] =	ssyncset.done $0x0  }
0xc4: {  	s16 =	rddreg [dreg:$0x4];
	[sflag:s15] =	ssyncadd.s32 $0xFFFFD800  }
0xc5: {  	[tilespmem:s3], [sflag:$0x1] =	stream.linear.gather [hbm4b:s16+s3], $0x50, $0x38;
	[tilespmem:$0xA200] =	vst v63  }
0xc6: {  	s6 =	rddreg [dreg:$0x5]  }
0xc7: {  	[tilespmem:s17], [sflag:$0x3] =	stream.linear.gather [hbm4b:s6+s3], $0x50, $0x38;
	[tilespmem:$0xA200] =	vst v63  }
0xc8: {  	_ =	swait.ge [sflag:s18], $0x50  }
0xc9: {  	[sflag:s18] =	ssyncset.done $0x0  }
0xca: {  	[sflag:s18] =	ssyncadd.s32 $0xFFFFFFB0  }
0xcb: {  	[tilespmem:s20], [sflag:$0x5] =	stream.indirect.gather [hbm4b:s1+s19], $0x80, s3, s19, $0xb8;
	[tilespmem:$0xA200] =	vst v63  }
0xcc: {  	_ =	swait.ge [sflag:s21], $0x50  }
0xcd: {  	[sflag:s21] =	ssyncset.done $0x0  }
0xce: {  	s7 =	simm.s32 $0x6;
	[sflag:s21] =	ssyncadd.s32 $0xFFFFFFB0  }
0xcf: {  	[tilespmem:s22], [sflag:$0x5] =	stream.indirect.gather [hbm4b:s1+s19], $0x80, s17, s19, $0xb8;
	[tilespmem:$0xA200] =	vst v63  }
0xd0: {  	_ =	swait.ge [sflag:s7], $0x2800  }
0xd1: {  	[sflag:s7] =	ssyncset.done $0x0  }
0xd2: {  	[sflag:s7] =	ssyncadd.s32 $0xFFFFD800  }
0xd3: {  	_ =	swait.ge [sflag:s7], $0x2800  }
0xd4: {  	[sflag:s7] =	ssyncset.done $0x0  }
0xd5: {  	s8 =	rddreg [dreg:$0x6];
	[sflag:s7] =	ssyncadd.s32 $0xFFFFD800  }
0xd6: {  	[hbm4b:s8+s31] =	stream.strided.scatter [tilespmem:s29], [sflag:$0x8], $0x2800, s0, s31, $0x38;
	[tilespmem:$0xA200] =	vst v63  }
0xd7: {  	s9 =	rddreg [dreg:$0x7]  }
0xd8: {  	[hbm4b:s9+s31] =	stream.strided.scatter [tilespmem:s26], [sflag:$0x8], $0x2800, s0, s31, $0x38;
	[tilespmem:$0xA200] =	vst v63  }
0xd9: {  	_ =	swait.ge [sflag:s30], $0x2800  }
0xda: {  	[sflag:s30] =	ssyncset.done $0x0  }
0xdb: {  	[sflag:s30] =	ssyncadd.s32 $0xFFFFD800  }
0xdc: {  	_ =	swait.ge [sflag:s30], $0x2800  }
0xdd: {  	[sflag:s30] =	ssyncset.done $0x0  }
0xde: {  	s11 =	simm.s32 $0x9;
	s10 =	rddreg [dreg:$0x8];
	[sflag:s30] =	ssyncadd.s32 $0xFFFFD800  }
0xdf: {  	[hbm4b:s10+s31] =	stream.strided.scatter [tilespmem:s22], [sflag:$0x9], $0x2800, s0, s31, $0x38;
	[tilespmem:$0xA200] =	vst v63  }
0xe0: {  	_ =	swait.ge [sflag:s11], $0x2800  }
0xe1: {  	[sflag:s11] =	ssyncset.done $0x0  }
0xe2: {  	s12 =	rddreg [dreg:$0x9];
	[sflag:s11] =	ssyncadd.s32 $0xFFFFD800  }
0xe3: {  	[hbm4b:s12+s31] =	stream.strided.scatter [tilespmem:s20], [sflag:$0x9], $0x2800, s0, s31, $0x38;
	[tilespmem:$0xA200] =	vst v63  }
0xe4: {  	_ =	swait.ge [sflag:s11], $0x2800  }
0xe5: {  	[sflag:s11] =	ssyncset.done $0x0  }
0xe6: {  	s13 =	simm.s32 $0x8;
	[sflag:s11] =	ssyncadd.s32 $0xFFFFD800  }
0xe7: {  	_ =	swait.ge [sflag:s13], $0x2800  }
0xe8: {  	[sflag:s13] =	ssyncset.done $0x0  }
0xe9: {  	[sflag:s13] =	ssyncadd.s32 $0xFFFFD800  }
0xea: {  	_ =	swait.ge [sflag:s13], $0x2800  }
0xeb: {  	s15 =	rddreg [dreg:$0xe]  }
0xec: {  	s16 =	rddreg [dreg:$0xa];
	s7 =	sadd.s32 $0x1, s15  }
0xed: {  	p0 =	sne.s32 s7, s16  }
.Ltmp1:
0xee: {  	_ = 	snop;
	(pc) =	sbr.rel @p0 .LBB2_1-.Ltmp1, $3  }
0xef: {  	_ =	sdelay $0x1  }
0xf0: {  	[sflag:s13] =	ssyncset.done $0x0  }
0xf1: {  	[sflag:s13] =	ssyncadd.s32 $0xFFFFD800  }
0xf2: {  	_ =	sfence.sel $0x180000  }
0xf3: {  	[bflag:$0x0] =	sbarrier.arrive $0xFFFF  }
0xf4: {  	_ =	strace $0x9000004A  }
0xf5: {  	s0 =	stileid.u32;
	[bflag:$0x2] =	sbarrier.arrive $0xFFFF  }
0xf6: {  	p0 =	sne.s32 s0, $0x0;
	s0 =	rddreg [dreg:$0x2]  }
0xf7: {  	s0 =	sadd.s32 @!p0 $0x100000, s0  }
0xf8: {  	[sflag:s0] =	ssyncadd.tile.s32 @!p0 $0x1;
	_ =	shalt  }
.Lfunc_end2:
_tile_overlayer_lowered:
.L_overlay_start_2:
0xf9: {  	(tag) =	ssettag $0x2  }
0xfa: {  	s0 =	rddreg [dreg:$0x0];
	s2 =	stileid.u32  }
0xfb: {  	s1 =	rddreg [dreg:$0x1];
	p0 =	sne.s32 s2, $0x0  }
0xfc: {  	s3 =	rddreg [dreg:$0x2];
	[bflag:$0x3] =	sbarrier.arrive $0xFFFF;
	s2 =	simm.s32 @!p0 $0x1C09  }
0xfd: {  	[timem:s3], [sflag:s2] =	dma.local @!p0 [hbm:s0], s1  }
0xfe: {  	s0 =	simm.s32 @!p0 $0x9  }
0xff: {  	_ =	swait.ge @!p0 [sflag:s0], s1  }
0x100: {  	s1 =	ssub.s32 @!p0 $0x0, s1;
	[sflag:s0] =	ssyncset.done @!p0 $0x0  }
0x101: {  	[sflag:s0] =	ssyncadd.s32 @!p0 s1  }
0x102: {  	[bflag:$0x3] =	sbarrier.arrive $0xFFFF  }
0x103: {  	_ =	shalt  }

// kernel: sc_gather_3.3.cloned.1.call-start
scs
__scs_entry_jumppad:
0x0: {  	(pc) =	sbr.rel $0x88, $3  }
0x1: {  	(tag) =	ssettag $0x0;
	lr =	simm.s32 $0x1  }
0x2: {  	[smem:$0x3F8F] =	sst lr;
	_ =	strace $0xD0000000  }
0x3: {  	_ = 	snop  }
0x4: {  	_ = 	snop  }
0x5: {  	_ = 	snop  }
0x6: {  	_ = 	snop  }
0x7: {  	_ = 	snop  }
__scs_overlays_trampoline_lowered:
0x8: {  	[smem:$0x3F9E] =	sst s0  }
0x9: {  	[smem:$0x3F9F] =	sst s1  }
0xa: {  	[smem:$0x3FA0] =	sst s2  }
0xb: {  	[smem:$0x3FA1] =	sst s3  }
0xc: {  	[smem:$0x3FA2] =	sst s4  }
0xd: {  	[smem:$0x3FA3] =	sst s5  }
0xe: {  	[smem:$0x3FA4] =	sst s6  }
0xf: {  	[smem:$0x3FA5] =	sst s7  }
0x10: {  	[smem:$0x3FA6] =	sst s8  }
0x11: {  	[smem:$0x3FA7] =	sst s9;
	s0 =	simm.s32 @!p0 $0x0  }
0x12: {  	s1 =	sld [smem:$0x3F8D];
	s0 =	simm.s32 @p0 $0x1  }
0x13: {  	[smem:$0x3FA8] =	sst s0;
	s0 =	simm.s32 @!p1 $0x0  }
0x14: {  	s2 =	sld [smem:$0x3F8C];
	s0 =	simm.s32 @p1 $0x1  }
0x15: {  	[smem:$0x3FA9] =	sst s0;
	s0 =	simm.s32 @!p2 $0x0  }
0x16: {  	s3 =	sld [smem:$0x3FDB];
	s0 =	simm.s32 @p2 $0x1  }
0x17: {  	s4 =	simm.s32 $0x1BF5;
	[smem:$0x3FAB] =	sst s0  }
0x18: {  	s0 =	sld [smem:$0x3F8E];
	_ =	swait.ge [sflag:s4], $0x0  }
0x19: {  	s7 =	sld [smem:$0x3F8F]  }
0x1a: {  	s8 =	sadd.s32 $0xFFFFE003, lr  }
0x1b: {  	s9 =	sadd.s32 $0xFFFFFEF7, lr;
	s5 =	simm.s32 $0xFFFFFFFF;
	p2 =	slt.u32 s8, $0xFFFFF086  }
0x1c: {  	p1 =	slt.u32 s9, $0xF7A;
	s5 =	simm.s32 @!p2 $0x0  }
0x1d: {  	s5 =	simm.s32 @p1 $0x1;
	p0 =	seq.s32 s7, s2  }
0x1e: {  	s7 =	smul.u32 @!p0 $0xF7A, s2;
	p2 =	seq.s32 @!p0 s5, $0x0  }
0x1f: {  	s9 =	smul.u32 $0xF7A, s1;
	s8 =	simm.s32 @!p0 $0x1BF5;
	p2 =	por !p2, p0  }
0x20: {  	[sflag:s8] =	ssyncset.s32 @!p0 $0xFFFFF086;
	s6 =	sadd.s32 @!p0 s3, s7;
	s7 =	simm.s32 @!p0 $0x108  }
0x21: {  	s3 =	sadd.s32 s3, s9;
	s6 =	sadd.s32 @!p0 $0x88, s6;
	s7 =	simm.s32 @p2 $0x1082  }
0x22: {  	[simem:s7], [sflag:s8] =	dma.local @!p0 [hbm:s6], $0xF7A  }
0x23: {  	s9 =	sor.u32 $0xD0000000, s2;
	s6 =	simm.s32 $0x108;
	_ =	swait.ge @!p0 [sflag:s8], $0x0  }
0x24: {  	s3 =	sadd.s32 $0x88, s3;
	s6 =	simm.s32 @!p1 $0x1082;
	[sflag:s4] =	ssyncset.s32 $0xFFFFF086  }
0x25: {  	[simem:s6], [sflag:s4] =	dma.local [hbm:s3], $0xF7A  }
0x26: {  	[smem:$0x3F8F] =	sst s1;
	(tag) =	ssettag s2;
	_ =	strace s9  }
0x27: {  	s1 =	sld [smem:$0x3F9F]  }
0x28: {  	s2 =	sld [smem:$0x3FA0]  }
0x29: {  	s4 =	sld [smem:$0x3FA2]  }
0x2a: {  	p0 =	seq.s32 s5, $0x0;
	s5 =	sld [smem:$0x3FA3]  }
0x2b: {  	s6 =	sld [smem:$0x3FA4]  }
0x2c: {  	s7 =	sld [smem:$0x3FA5]  }
0x2d: {  	s3 =	simm.s32 $0x108;
	s8 =	sld [smem:$0x3FA6]  }
0x2e: {  	s3 =	simm.s32 @!p0 $0x1082;
	s9 =	sld [smem:$0x3FA7]  }
0x2f: {  	lr =	sadd.s32 s0, s3;
	s0 =	sld [smem:$0x3F9E]  }
0x30: {  	s3 =	sld [smem:$0x3FA1]  }
0x31: {  	[smem:$0x3FAA] =	sst s10  }
0x32: {  	s10 =	sld [smem:$0x3FA8];
	_ =	sdelay $0x3  }
0x33: {  	p0 =	seq.s32 s10, $0x1;
	s10 =	sld [smem:$0x3FAA];
	_ =	sdelay $0x3  }
0x34: {  	[smem:$0x3FAA] =	sst s10  }
0x35: {  	s10 =	sld [smem:$0x3FA9];
	_ =	sdelay $0x3  }
0x36: {  	p1 =	seq.s32 s10, $0x1;
	s10 =	sld [smem:$0x3FAA];
	_ =	sdelay $0x3  }
0x37: {  	[smem:$0x3FAA] =	sst s10  }
0x38: {  	s10 =	sld [smem:$0x3FAB]  }
0x39: {  	_ = 	snop;
	(pc) =	sbr.ind lr, $3  }
0x3a: {  	_ = 	snop  }
0x3b: {  	_ = 	snop  }
0x3c: {  	p2 =	seq.s32 s10, $0x1;
	s10 =	sld [smem:$0x3FAA]  }
0x3d: {  	_ =	shalt  }
0x3e: {  	_ =	shalt  }
0x3f: {  	_ =	shalt  }
0x40: {  	_ =	shalt  }
0x41: {  	_ =	shalt  }
0x42: {  	_ =	shalt  }
0x43: {  	_ =	shalt  }
0x44: {  	_ =	shalt  }
0x45: {  	_ =	shalt  }
0x46: {  	_ =	shalt  }
0x47: {  	_ =	shalt  }
0x48: {  	_ =	shalt  }
0x49: {  	_ =	shalt  }
0x4a: {  	_ =	shalt  }
0x4b: {  	_ =	shalt  }
0x4c: {  	_ =	shalt  }
0x4d: {  	_ =	shalt  }
0x4e: {  	_ =	shalt  }
0x4f: {  	_ =	shalt  }
0x50: {  	_ =	shalt  }
0x51: {  	_ =	shalt  }
0x52: {  	_ =	shalt  }
0x53: {  	_ =	shalt  }
0x54: {  	_ =	shalt  }
0x55: {  	_ =	shalt  }
0x56: {  	_ =	shalt  }
0x57: {  	_ =	shalt  }
0x58: {  	_ =	shalt  }
0x59: {  	_ =	shalt  }
0x5a: {  	_ =	shalt  }
0x5b: {  	_ =	shalt  }
0x5c: {  	_ =	shalt  }
0x5d: {  	_ =	shalt  }
0x5e: {  	_ =	shalt  }
0x5f: {  	_ =	shalt  }
0x60: {  	_ =	shalt  }
0x61: {  	_ =	shalt  }
0x62: {  	_ =	shalt  }
0x63: {  	_ =	shalt  }
0x64: {  	_ =	shalt  }
0x65: {  	_ =	shalt  }
0x66: {  	_ =	shalt  }
0x67: {  	_ =	shalt  }
0x68: {  	_ =	shalt  }
0x69: {  	_ =	shalt  }
0x6a: {  	_ =	shalt  }
0x6b: {  	_ =	shalt  }
0x6c: {  	_ =	shalt  }
0x6d: {  	_ =	shalt  }
0x6e: {  	_ =	shalt  }
0x6f: {  	_ =	shalt  }
0x70: {  	_ =	shalt  }
0x71: {  	_ =	shalt  }
0x72: {  	_ =	shalt  }
0x73: {  	_ =	shalt  }
0x74: {  	_ =	shalt  }
0x75: {  	_ =	shalt  }
0x76: {  	_ =	shalt  }
0x77: {  	_ =	shalt  }
0x78: {  	_ =	shalt  }
0x79: {  	_ =	shalt  }
0x7a: {  	_ =	shalt  }
0x7b: {  	_ =	shalt  }
0x7c: {  	_ =	shalt  }
0x7d: {  	_ =	shalt  }
0x7e: {  	_ =	shalt  }
0x7f: {  	_ =	shalt  }
0x80: {  	_ =	shalt  }
0x81: {  	_ =	shalt  }
0x82: {  	_ =	shalt  }
0x83: {  	_ =	shalt  }
0x84: {  	_ =	shalt  }
0x85: {  	_ =	shalt  }
0x86: {  	_ =	shalt  }
0x87: {  	_ =	shalt  }
.Lfunc_end0:
.L_simem_size_0:
called_computation.3_lowered:
.L_overlay_start_0:
0x88: {  	s2 =	sld [smem:$0x3FD9]  }
0x89: {  	s3 =	sld [smem:$0x3FFE];
	_ =	sdelay $0x1  }
0x8a: {  	s1 =	srdreg.scid  }
0x8b: {  	s0 =	sand.u32 $0x1, s1  }
0x8c: {  	s17 =	sshll.u32 s0, $0xA;
	s2 =	sadd.s32 s3, s2  }
0x8d: {  	s2 =	sadd.s32 s2, s17  }
0x8e: {  	[smem:$0x3FB6] =	sst s2  }
0x8f: {  	_ = 	snop  }
0x90: {  	s18 =	sld [smem:$0x3FC9];
	(tm) =	ssettm $0x1  }
0x91: {  	s19 =	sld [smem:$0x3FFB];
	_ =	sdelay $0x3  }
0x92: {  	_ =	strace s19  }
0x93: {  	s2 =	sld [smem:$0x3FFC];
	_ =	sdelay $0x3  }
0x94: {  	_ =	strace s2  }
0x95: {  	s2 =	sld [smem:$0x3FFD];
	_ =	sdelay $0x3  }
0x96: {  	_ =	strace s2  }
0x97: {  	_ =	strace $0x8FFFFFFF  }
0x98: {  	s20 =	sld [smem:$0x3FDB];
	_ =	sdelay $0x1  }
0x99: {  	s4 =	simm.s32 $_scs_section_size  }
0x9a: {  	s5 =	simm.s32 $_size__tile_overlayer_lowered;
	s6 =	simm.s32 $_tile_overlayer_lowered  }
0x9b: {  	s7 =	simm.s32 $0x1BFF;
	s21 =	sshll.u32 s6, $0x1;
	s4 =	sadd.s32 s4, s20  }
0x9c: {  	s22 =	simm.s32 $0x0;
	s5 =	sshll.u32 s5, $0x1;
	s6 =	sadd.s32 s21, s4  }
0x9d: {  	[timem:s22], [sflag:s7] =	dma.local [hbm:s6], s5  }
0x9e: {  	_ =	swait.ge [sflag:s7], s5  }
0x9f: {  	s5 =	ssub.s32 $0x0, s5;
	[sflag:s7] =	ssyncset.done $0x0  }
0xa0: {  	[sflag:s7] =	ssyncadd.s32 s5;
	_ =	sdelay $0x1  }
0xa1: {  	s23 =	simm.s32 $0x1B8B  }
0xa2: {  	_ =	swait.ge [sflag:s23], $0x1  }
0xa3: {  	[sflag:s23] =	ssyncset.done $0x0  }
0xa4: {  	[sflag:s23] =	ssyncadd.s32 $0xFFFFFFFF  }
0xa5: {  	s5 =	sld [smem:$0x0]  }
0xa6: {  	s6 =	sand.u32 $0xFFFFFFFE, s1  }
0xa7: {  	p0 =	sne.s32 s1, s6  }
0xa8: {  	s6 =	sshll.u32 @p0 s6, $0xE  }
0xa9: {  	s6 =	sadd.s32 @p0 $0x11B8D, s6;
	s7 =	sshll.u32 @p0 s5, $0x11  }
0xaa: {  	s6 =	sor.u32 @p0 s7, s6  }
0xab: {  	[sflag:s6] =	ssyncadd.remote.s32 @p0 $0x1;
	_ =	sdelay $0x1  }
0xac: {  	s6 =	simm.s32 @p0 $0x1B8D  }
0xad: {  	_ =	swait.eq @p0 [sflag:s6], $0x1  }
0xae: {  	[sflag:s6] =	ssyncadd.s32 @p0 $0xFFFFFFFF  }
0xaf: {  	s7 =	sshll.u32 @!p0 s1, $0xE  }
0xb0: {  	s7 =	sor.u32 @!p0 $0x4000, s7;
	s6 =	simm.s32 @!p0 $0x1B8D  }
0xb1: {  	s5 =	sshll.u32 @!p0 s5, $0x11;
	s7 =	sadd.s32 @!p0 $0x11B8D, s7;
	_ =	swait.eq @!p0 [sflag:s6], $0x1  }
0xb2: {  	s5 =	sor.u32 @!p0 s5, s7;
	[sflag:s6] =	ssyncadd.s32 @!p0 $0xFFFFFFFF  }
0xb3: {  	s25 =	simm.s32 $0x1B8E;
	s24 =	sld [smem:$0x3FFE];
	[sflag:s5] =	ssyncadd.remote.s32 @!p0 $0x1  }
0xb4: {  	s26 =	simm.s32 $execute0_lowered;
	[smem:$0x3FD2] =	sst s25  }
0xb5: {  	s6 =	sshll.u32 s26, $0x1;
	_ =	strace $0x8000004F;
	[dreg:$0x1] =	wrdreg $0xFFFFFFFF  }
0xb6: {  	s28 =	simm.s32 $_size_execute0_lowered;
	s4 =	sadd.s32 s4, s6;
	[dreg:$0x0] =	wrdreg $0x0  }
0xb7: {  	s6 =	sshll.u32 s28, $0x1;
	[dreg:$0x2] =	wrdreg s4  }
0xb8: {  	[dreg:$0x3] =	wrdreg s6  }
0xb9: {  	[dreg:$0x4] =	wrdreg $0xC0  }
0xba: {  	_ =	task [dreg:s22], $0x5FFFF  }
0xbb: {  	[dreg:$0x1] =	wrdreg $0xFFFFFFFF  }
0xbc: {  	[dreg:$0x0] =	wrdreg $0x60  }
0xbd: {  	[dreg:$0x2] =	wrdreg s18  }
0xbe: {  	[dreg:$0x3] =	wrdreg s24  }
0xbf: {  	[dreg:$0x4] =	wrdreg $0x9  }
0xc0: {  	_ =	task.clear_ibuf [dreg:s22], $0x5FFFF;
	_ =	strace $0x9000004F  }
0xc1: {  	s29 =	simm.s32 $0x9;
	_ =	strace $0x80000051  }
0xc2: {  	_ =	swait.ge [sflag:s29], $0x1  }
0xc3: {  	[sflag:s29] =	ssyncadd.s32 $0xFFFFFFFF  }
0xc4: {  	_ =	strace $0x90000051  }
0xc5: {  	_ =	sfence  }
0xc6: {  	s30 =	sld [smem:$0x0];
	_ =	sdelay $0x2  }
0xc7: {  	s31 =	sshll.u32 s1, $0xD;
	s1 =	sshrl.u32 s1, $0x2  }
0xc8: {  	s4 =	sand.u32 $0x4000, s31;
	s1 =	sadd.s32 s1, s30  }
0xc9: {  	s0 =	sor.u32 s4, s0;
	s1 =	sshll.u32 s1, $0x11  }
0xca: {  	s0 =	sor.u32 s1, s0  }
0xcb: {  	s0 =	sadd.s32 $0x8F2B, s0  }
0xcc: {  	[sflag:s0] =	ssyncadd.remote.s32 $0x1  }
0xcd: {  	_ =	sfence.sel $0xFFFF  }
0xce: {  	[dreg:$0x0] =	wrdreg $0xFFFFFFFF;
	(pc) =	sbr.abs _section_cstart, $3  }
0xcf: {  	[dreg:$0x1] =	wrdreg $0xFFFFFFFF  }
0xd0: {  	_ =	task.clear_ibuf [dreg:s22], $0x2FFFF;
	_ =	strace $0x9FFFFFFF  }
0xd1: {  	(tm) =	ssettm $0x7FFFFFFF  }
tec
execute0_lowered:
.L_overlay_start_1:
0x0: {  	(tag) =	ssettag $0x1  }
0x1: {  	s1 =	rddreg [dreg:$0x0]  }
0x2: {  	s0 =	rddreg [dreg:$0x1];
	s2 =	srdreg.scid  }
0x3: {  	s3 =	simm.s32 $0x0;
	s11 =	stileid.u32;
	s28 =	simm.s32 $0x4  }
0x4: {  	s29 =	simm.s32 $0x7A00;
	s30 =	simm.s32 $0x5;
	s31 =	simm.s32 $0x400  }
0x5: {  	s2 =	sand.u32 $0x1, s2;
	[smem:$0x7FF] =	sst s3;
	s18 =	smul.u32 $0x730, s11  }
0x6: {  	s5 =	sadd.s32 $0xF400, s0;
	s23 =	smul.u32 $0xE600, s11;
	s4 =	sshll.u32 s2, $0x4  }
0x7: {  	_ =	strace $0x80000050;
	s8 =	ssub.s32 $0x2, s2;
	s16 =	smul.u32 $0x7300, s2  }
0x8: {  	s2 =	smul.u32 $0xE6000, s2;
	s6 =	sor.u32 s11, s4;
	s4 =	sadd.s32 $0x5600, s0  }
0x9: {  	s0 =	sadd.s32 $0x811200, s0;
	s9 =	sshrl.u32 s8, $0x1;
	s7 =	smul.u32 $0x730, s6  }
0xa: {  	s6 =	smul.u32 $0x73000, s6;
	s8 =	ssub.s32 s8, s9;
	s22 =	sadd.s32 s18, s16  }
0xb: {  	s18 =	simm.s32 $0x1;
	s9 =	sadd.s32 $0x3FC00, s22;
	s8 =	smax.u32 s8, $0x1  }
0xc: {  	s10 =	sadd.s32 $0x3FC50, s7;
	s7 =	sshrl.u32 s7, $0x3;
	[dreg:$0xa] =	wrdreg s8  }
0xd: {  	s6 =	sshrl.u32 s6, $0x3;
	s24 =	sshrl.u32 s9, $0x3;
	[dreg:$0x3] =	wrdreg s10  }
0xe: {  	s7 =	sadd.s32 $0x805C, s7;
	s6 =	sadd.s32 s0, s6;
	s25 =	sadd.s32 s24, s5  }
0xf: {  	s0 =	sadd.s32 s2, s0;
	s26 =	sadd.s32 s24, s4;
	[dreg:$0xc] =	wrdreg s25  }
0x10: {  	s24 =	simm.s32 $0x180;
	s17 =	sadd.s32 s4, s7;
	[dreg:$0xd] =	wrdreg s26  }
0x11: {  	s7 =	sadd.s32 s5, s7;
	s19 =	sadd.s32 $0xD200, s6;
	[dreg:$0x4] =	wrdreg s17  }
0x12: {  	s20 =	sadd.s32 $0xD280, s6;
	s21 =	sadd.s32 $0xDC00, s6;
	[dreg:$0x5] =	wrdreg s7  }
0x13: {  	s6 =	sadd.s32 $0xDC80, s6;
	s14 =	sadd.s32 s23, s0;
	[dreg:$0x6] =	wrdreg s19  }
0x14: {  	s23 =	simm.s32 $0x80;
	s25 =	simm.s32 $0x2;
	[dreg:$0x7] =	wrdreg s20  }
0x15: {  	s26 =	simm.s32 $0x2A00;
	s0 =	simm.s32 $0x800;
	[dreg:$0x8] =	wrdreg s21  }
0x16: {  	[dreg:$0x9] =	wrdreg s6;
	s7 =	sadd.s32 $0x3FC50, s22;
	s17 =	simm.s32 $0x100  }
0x17: {  	s19 =	simm.s32 $0x50;
	s20 =	simm.s32 $0x200;
	s21 =	simm.s32 $0x3  }
0x18: {  	s22 =	simm.s32 $0x5200;
	[dreg:$0xb] =	wrdreg s7;
	s7 =	simm.s32 $0x0  }
.LBB2_1:
0x19: {  	p0 =	por $0x1, $0x1  }
0x1a: {  	[dreg:$0xe] =	wrdreg s7;
	s2 =	simm.s32 @!p0 $0x7  }
0x1b: {  	_ =	swait.ge @!p0 [sflag:s2], $0x2800  }
0x1c: {  	[sflag:s2] =	ssyncset.done @!p0 $0x0  }
0x1d: {  	[sflag:s2] =	ssyncadd.s32 @!p0 $0xFFFFD800  }
0x1e: {  	_ =	swait.ge @!p0 [sflag:s2], $0x2800  }
0x1f: {  	[sflag:s2] =	ssyncset.done @!p0 $0x0  }
0x20: {  	s9 =	rddreg [dreg:$0xd];
	[sflag:s2] =	ssyncadd.s32 @!p0 $0xFFFFD800  }
0x21: {  	[tilespmem:s3], [sflag:$0x1] =	stream.linear.gather [hbm4b:s9+s3], $0x50, $0x38;
	[tilespmem:$0xA200] =	vst v63  }
0x22: {  	s8 =	rddreg [dreg:$0xc]  }
0x23: {  	[tilespmem:s17], [sflag:$0x3] =	stream.linear.gather [hbm4b:s8+s3], $0x50, $0x38;
	[tilespmem:$0xA200] =	vst v63  }
0x24: {  	_ =	swait.ge [sflag:s18], $0x50  }
0x25: {  	[sflag:s18] =	ssyncset.done $0x0  }
0x26: {  	[sflag:s18] =	ssyncadd.s32 $0xFFFFFFB0  }
0x27: {  	[tilespmem:s20], [sflag:$0x5] =	stream.indirect.gather [hbm4b:s1+s19], $0x80, s3, s19, $0xb8;
	[tilespmem:$0xA200] =	vst v63  }
0x28: {  	_ =	swait.ge [sflag:s21], $0x50  }
0x29: {  	[sflag:s21] =	ssyncset.done $0x0  }
0x2a: {  	s2 =	simm.s32 @!p0 $0x6;
	[sflag:s21] =	ssyncadd.s32 $0xFFFFFFB0  }
0x2b: {  	[tilespmem:s22], [sflag:$0x5] =	stream.indirect.gather [hbm4b:s1+s19], $0x80, s17, s19, $0xb8;
	[tilespmem:$0xA200] =	vst v63  }
0x2c: {  	_ =	swait.ge @!p0 [sflag:s2], $0x2800  }
0x2d: {  	[sflag:s2] =	ssyncset.done @!p0 $0x0  }
0x2e: {  	[sflag:s2] =	ssyncadd.s32 @!p0 $0xFFFFD800  }
0x2f: {  	s6 =	sadd.s32 @!p0 $0x0, s14;
	_ =	swait.ge @!p0 [sflag:s2], $0x2800  }
0x30: {  	s10 =	simm.s32 @!p0 $0x7A00;
	s11 =	simm.s32 @!p0 $0x400;
	[sflag:s2] =	ssyncset.done @!p0 $0x0  }
0x31: {  	s12 =	simm.s32 @!p0 $0x800;
	[sflag:s2] =	ssyncadd.s32 @!p0 $0xFFFFD800;
	s2 =	sadd.s32 @!p0 $0xFFFFF600, s6  }
0x32: {  	[hbm4b:s2+s11] =	stream.strided.scatter @!p0 [tilespmem:s10], [sflag:$0x8], $0x2800, s12, s11, $0x38;
	[tilespmem:$0xA200] =	vst v63  }
0x33: {  	s2 =	sadd.s32 @!p0 $0xFFFFF680, s6;
	s6 =	simm.s32 @!p0 $0x2A00;
	s10 =	simm.s32 @!p0 $0x8  }
0x34: {  	[hbm4b:s2+s11] =	stream.strided.scatter @!p0 [tilespmem:s6], [sflag:$0x8], $0x2800, s12, s11, $0x38;
	[tilespmem:$0xA200] =	vst v63  }
0x35: {  	_ =	swait.ge @!p0 [sflag:s10], $0x2800  }
0x36: {  	[sflag:s10] =	ssyncset.done @!p0 $0x0  }
0x37: {  	[sflag:s10] =	ssyncadd.s32 @!p0 $0xFFFFD800  }
0x38: {  	_ =	swait.ge @!p0 [sflag:s10], $0x2800  }
0x39: {  	s15 =	rddreg [dreg:$0xb]  }
0x3a: {  	s2 =	rddreg [dreg:$0x3];
	s6 =	smov.u32 s15  }
0x3b: {  	s6 =	smov.u32 @p0 s2  }
0x3c: {  	[sflag:s10] =	ssyncset.done @!p0 $0x0;
	s2 =	sshrl.u32 s6, $0x3  }
0x3d: {  	[sflag:s10] =	ssyncadd.s32 @!p0 $0xFFFFD800;
	s6 =	sadd.s32 s4, s2  }
0x3e: {  	[tilespmem:s23], [sflag:$0x2] =	stream.linear.gather [hbm4b:s6+s3], $0x50, $0x38;
	[tilespmem:$0xA200] =	vst v63  }
0x3f: {  	s2 =	sadd.s32 s5, s2  }
0x40: {  	[tilespmem:s24], [sflag:$0x4] =	stream.linear.gather [hbm4b:s2+s3], $0x50, $0x38;
	[tilespmem:$0xA200] =	vst v63  }
0x41: {  	_ =	swait.ge [sflag:s25], $0x50  }
0x42: {  	[sflag:s25] =	ssyncset.done $0x0  }
0x43: {  	[sflag:s25] =	ssyncadd.s32 $0xFFFFFFB0  }
0x44: {  	[tilespmem:s26], [sflag:$0x6] =	stream.indirect.gather [hbm4b:s1+s19], $0x80, s23, s19, $0xb8;
	[tilespmem:$0xA200] =	vst v63  }
0x45: {  	_ =	swait.ge [sflag:s28], $0x50  }
0x46: {  	[sflag:s28] =	ssyncset.done $0x0  }
0x47: {  	[sflag:s28] =	ssyncadd.s32 $0xFFFFFFB0  }
0x48: {  	[tilespmem:s29], [sflag:$0x6] =	stream.indirect.gather [hbm4b:s1+s19], $0x80, s24, s19, $0xb8;
	[tilespmem:$0xA200] =	vst v63  }
0x49: {  	_ =	swait.ge [sflag:s30], $0x2800  }
0x4a: {  	s16 =	simm.s32 $0x2800;
	[sflag:s30] =	ssyncset.done $0x0  }
0x4b: {  	s13 =	sadd.s32 $0x0, s14;
	s12 =	sadd.s32 $0x14, s9;
	[sflag:s30] =	ssyncadd.s32 $0xFFFFD800  }
0x4c: {  	s10 =	simm.s32 $0x1400;
	s11 =	sadd.s32 $0xA0, s15;
	_ =	swait.ge [sflag:s30], $0x2800  }
0x4d: {  	s15 =	sadd.s32 $0x14, s8;
	p0 =	por $0x0, $0x0;
	[sflag:s30] =	ssyncset.done $0x0  }
0x4e: {  	s6 =	sadd.s32 $0x80, s13;
	s2 =	sadd.s32 @!p0 $0x1400, s14;
	[sflag:s30] =	ssyncadd.s32 $0xFFFFD800  }
.LBB2_2:
0x4f: {  	[hbm4b:s13+s31] =	stream.strided.scatter [tilespmem:s22], [sflag:$0x7], $0x2800, s0, s31, $0x38;
	[tilespmem:$0xA200] =	vst v63  }
0x50: {  	s7 =	simm.s32 @!p0 $0x7  }
0x51: {  	[hbm4b:s6+s31] =	stream.strided.scatter [tilespmem:s20], [sflag:$0x7], $0x2800, s0, s31, $0x38;
	[tilespmem:$0xA200] =	vst v63  }
0x52: {  	_ =	swait.ge @!p0 [sflag:s7], $0x2800  }
0x53: {  	[sflag:s7] =	ssyncset.done @!p0 $0x0  }
0x54: {  	[sflag:s7] =	ssyncadd.s32 @!p0 $0xFFFFD800  }
0x55: {  	_ =	swait.ge @!p0 [sflag:s7], $0x2800  }
0x56: {  	[sflag:s7] =	ssyncset.done @!p0 $0x0  }
0x57: {  	[sflag:s7] =	ssyncadd.s32 @!p0 $0xFFFFD800  }
0x58: {  	[tilespmem:s3], [sflag:$0x1] =	stream.linear.gather [hbm4b:s12+s3], $0x50, $0x38;
	[tilespmem:$0xA200] =	vst v63  }
0x59: {  	_ = 	snop  }
0x5a: {  	[tilespmem:s17], [sflag:$0x3] =	stream.linear.gather [hbm4b:s15+s3], $0x50, $0x38;
	[tilespmem:$0xA200] =	vst v63  }
0x5b: {  	_ =	swait.ge [sflag:s18], $0x50  }
0x5c: {  	[sflag:s18] =	ssyncset.done $0x0  }
0x5d: {  	[sflag:s18] =	ssyncadd.s32 $0xFFFFFFB0  }
0x5e: {  	[tilespmem:s20], [sflag:$0x5] =	stream.indirect.gather [hbm4b:s1+s19], $0x80, s3, s19, $0xb8;
	[tilespmem:$0xA200] =	vst v63  }
0x5f: {  	_ =	swait.ge [sflag:s21], $0x50  }
0x60: {  	[sflag:s21] =	ssyncset.done $0x0  }
0x61: {  	s6 =	simm.s32 @!p0 $0x6;
	[sflag:s21] =	ssyncadd.s32 $0xFFFFFFB0  }
0x62: {  	[tilespmem:s22], [sflag:$0x5] =	stream.indirect.gather [hbm4b:s1+s19], $0x80, s17, s19, $0xb8;
	[tilespmem:$0xA200] =	vst v63  }
0x63: {  	_ =	swait.ge @!p0 [sflag:s6], $0x2800  }
0x64: {  	[sflag:s6] =	ssyncset.done @!p0 $0x0  }
0x65: {  	[sflag:s6] =	ssyncadd.s32 @!p0 $0xFFFFD800  }
0x66: {  	_ =	swait.ge @!p0 [sflag:s6], $0x2800  }
0x67: {  	s8 =	simm.s32 @!p0 $0x400;
	s9 =	simm.s32 @!p0 $0x800;
	[sflag:s6] =	ssyncset.done @!p0 $0x0  }
0x68: {  	s7 =	simm.s32 @!p0 $0x7A00;
	[sflag:s6] =	ssyncadd.s32 @!p0 $0xFFFFD800;
	s6 =	sadd.s32 @!p0 $0xFFFFF600, s2  }
0x69: {  	[hbm4b:s6+s8] =	stream.strided.scatter @!p0 [tilespmem:s7], [sflag:$0x8], $0x2800, s9, s8, $0x38;
	[tilespmem:$0xA200] =	vst v63  }
0x6a: {  	s2 =	sadd.s32 @!p0 $0xFFFFF680, s2;
	s6 =	simm.s32 @!p0 $0x2A00;
	s7 =	simm.s32 @!p0 $0x8  }
0x6b: {  	[hbm4b:s2+s8] =	stream.strided.scatter @!p0 [tilespmem:s6], [sflag:$0x8], $0x2800, s9, s8, $0x38;
	[tilespmem:$0xA200] =	vst v63  }
0x6c: {  	_ =	swait.ge @!p0 [sflag:s7], $0x2800  }
0x6d: {  	[sflag:s7] =	ssyncset.done @!p0 $0x0  }
0x6e: {  	[sflag:s7] =	ssyncadd.s32 @!p0 $0xFFFFD800  }
0x6f: {  	_ =	swait.ge @!p0 [sflag:s7], $0x2800  }
0x70: {  	s6 =	smov.u32 s11;
	s2 =	rddreg [dreg:$0x3]  }
0x71: {  	s6 =	smov.u32 @p0 s2  }
0x72: {  	[sflag:s7] =	ssyncset.done @!p0 $0x0;
	s2 =	sshrl.u32 s6, $0x3  }
0x73: {  	[sflag:s7] =	ssyncadd.s32 @!p0 $0xFFFFD800;
	s6 =	sadd.s32 s4, s2  }
0x74: {  	[tilespmem:s23], [sflag:$0x2] =	stream.linear.gather [hbm4b:s6+s3], $0x50, $0x38;
	[tilespmem:$0xA200] =	vst v63  }
0x75: {  	s2 =	sadd.s32 s5, s2  }
0x76: {  	[tilespmem:s24], [sflag:$0x4] =	stream.linear.gather [hbm4b:s2+s3], $0x50, $0x38;
	[tilespmem:$0xA200] =	vst v63  }
0x77: {  	_ =	swait.ge [sflag:s25], $0x50  }
0x78: {  	[sflag:s25] =	ssyncset.done $0x0  }
0x79: {  	[sflag:s25] =	ssyncadd.s32 $0xFFFFFFB0  }
0x7a: {  	[tilespmem:s26], [sflag:$0x6] =	stream.indirect.gather [hbm4b:s1+s19], $0x80, s23, s19, $0xb8;
	[tilespmem:$0xA200] =	vst v63  }
0x7b: {  	_ =	swait.ge [sflag:s28], $0x50  }
0x7c: {  	s13 =	smov.u32 s10;
	[sflag:s28] =	ssyncset.done $0x0  }
0x7d: {  	s10 =	smov.u32 s16;
	s16 =	sadd.s32 $0x1400, s16;
	[sflag:s28] =	ssyncadd.s32 $0xFFFFFFB0  }
0x7e: {  	[tilespmem:s29], [sflag:$0x6] =	stream.indirect.gather [hbm4b:s1+s19], $0x80, s24, s19, $0xb8;
	[tilespmem:$0xA200] =	vst v63  }
0x7f: {  	p1 =	sne.s32 s16, $0xDC00;
	_ =	swait.ge [sflag:s30], $0x2800  }
.Ltmp0:
0x80: {  	[sflag:s30] =	ssyncset.done $0x0;
	(pc) =	sbr.rel @p1 .LBB2_2-.Ltmp0, $4  }
0x81: {  	s13 =	sadd.s32 s13, s14;
	[sflag:s30] =	ssyncadd.s32 $0xFFFFD800  }
0x82: {  	s12 =	sadd.s32 $0x14, s12;
	s15 =	sadd.s32 $0x14, s15;
	_ =	swait.ge [sflag:s30], $0x2800  }
0x83: {  	s11 =	sadd.s32 $0xA0, s11;
	p0 =	seq.s32 s10, $0x0;
	[sflag:s30] =	ssyncset.done $0x0  }
0x84: {  	s6 =	sadd.s32 $0x80, s13;
	s2 =	sadd.s32 @!p0 s10, s14;
	[sflag:s30] =	ssyncadd.s32 $0xFFFFD800  }
0x85: {  	[hbm4b:s13+s31] =	stream.strided.scatter [tilespmem:s22], [sflag:$0x7], $0x2800, s0, s31, $0x38;
	[tilespmem:$0xA200] =	vst v63  }
0x86: {  	s7 =	simm.s32 @!p0 $0x7  }
0x87: {  	[hbm4b:s6+s31] =	stream.strided.scatter [tilespmem:s20], [sflag:$0x7], $0x2800, s0, s31, $0x38;
	[tilespmem:$0xA200] =	vst v63  }
0x88: {  	_ =	swait.ge @!p0 [sflag:s7], $0x2800  }
0x89: {  	[sflag:s7] =	ssyncset.done @!p0 $0x0  }
0x8a: {  	[sflag:s7] =	ssyncadd.s32 @!p0 $0xFFFFD800  }
0x8b: {  	_ =	swait.ge @!p0 [sflag:s7], $0x2800  }
0x8c: {  	[sflag:s7] =	ssyncset.done @!p0 $0x0  }
0x8d: {  	[sflag:s7] =	ssyncadd.s32 @!p0 $0xFFFFD800  }
0x8e: {  	[tilespmem:s3], [sflag:$0x1] =	stream.linear.gather [hbm4b:s12+s3], $0x50, $0x38;
	[tilespmem:$0xA200] =	vst v63  }
0x8f: {  	_ = 	snop  }
0x90: {  	[tilespmem:s17], [sflag:$0x3] =	stream.linear.gather [hbm4b:s15+s3], $0x50, $0x38;
	[tilespmem:$0xA200] =	vst v63  }
0x91: {  	_ =	swait.ge [sflag:s18], $0x50  }
0x92: {  	[sflag:s18] =	ssyncset.done $0x0  }
0x93: {  	[sflag:s18] =	ssyncadd.s32 $0xFFFFFFB0  }
0x94: {  	[tilespmem:s20], [sflag:$0x5] =	stream.indirect.gather [hbm4b:s1+s19], $0x80, s3, s19, $0xb8;
	[tilespmem:$0xA200] =	vst v63  }
0x95: {  	_ =	swait.ge [sflag:s21], $0x50  }
0x96: {  	[sflag:s21] =	ssyncset.done $0x0  }
0x97: {  	s6 =	simm.s32 @!p0 $0x6;
	[sflag:s21] =	ssyncadd.s32 $0xFFFFFFB0  }
0x98: {  	[tilespmem:s22], [sflag:$0x5] =	stream.indirect.gather [hbm4b:s1+s19], $0x80, s17, s19, $0xb8;
	[tilespmem:$0xA200] =	vst v63  }
0x99: {  	_ =	swait.ge @!p0 [sflag:s6], $0x2800  }
0x9a: {  	[sflag:s6] =	ssyncset.done @!p0 $0x0  }
0x9b: {  	[sflag:s6] =	ssyncadd.s32 @!p0 $0xFFFFD800  }
0x9c: {  	_ =	swait.ge @!p0 [sflag:s6], $0x2800  }
0x9d: {  	s8 =	simm.s32 @!p0 $0x400;
	s9 =	simm.s32 @!p0 $0x800;
	[sflag:s6] =	ssyncset.done @!p0 $0x0  }
0x9e: {  	s7 =	simm.s32 @!p0 $0x7A00;
	[sflag:s6] =	ssyncadd.s32 @!p0 $0xFFFFD800;
	s6 =	sadd.s32 @!p0 $0xFFFFF600, s2  }
0x9f: {  	[hbm4b:s6+s8] =	stream.strided.scatter @!p0 [tilespmem:s7], [sflag:$0x8], $0x2800, s9, s8, $0x38;
	[tilespmem:$0xA200] =	vst v63  }
0xa0: {  	s2 =	sadd.s32 @!p0 $0xFFFFF680, s2;
	s6 =	simm.s32 @!p0 $0x2A00  }
0xa1: {  	[hbm4b:s2+s8] =	stream.strided.scatter @!p0 [tilespmem:s6], [sflag:$0x8], $0x2800, s9, s8, $0x38;
	[tilespmem:$0xA200] =	vst v63  }
0xa2: {  	s2 =	simm.s32 @!p0 $0x8  }
0xa3: {  	_ =	swait.ge @!p0 [sflag:s2], $0x2800  }
0xa4: {  	[sflag:s2] =	ssyncset.done @!p0 $0x0  }
0xa5: {  	[sflag:s2] =	ssyncadd.s32 @!p0 $0xFFFFD800  }
0xa6: {  	_ =	swait.ge @!p0 [sflag:s2], $0x2800  }
0xa7: {  	s6 =	rddreg [dreg:$0x3]  }
0xa8: {  	s11 =	smov.u32 @p0 s6  }
0xa9: {  	[sflag:s2] =	ssyncset.done @!p0 $0x0;
	s6 =	sshrl.u32 s11, $0x3  }
0xaa: {  	[sflag:s2] =	ssyncadd.s32 @!p0 $0xFFFFD800;
	s11 =	sadd.s32 s4, s6  }
0xab: {  	[tilespmem:s23], [sflag:$0x2] =	stream.linear.gather [hbm4b:s11+s3], $0x50, $0x38;
	[tilespmem:$0xA200] =	vst v63  }
0xac: {  	s12 =	sadd.s32 s5, s6  }
0xad: {  	[tilespmem:s24], [sflag:$0x4] =	stream.linear.gather [hbm4b:s12+s3], $0x50, $0x38;
	[tilespmem:$0xA200] =	vst v63  }
0xae: {  	_ =	swait.ge [sflag:s25], $0x50  }
0xaf: {  	[sflag:s25] =	ssyncset.done $0x0  }
0xb0: {  	[sflag:s25] =	ssyncadd.s32 $0xFFFFFFB0  }
0xb1: {  	[tilespmem:s26], [sflag:$0x6] =	stream.indirect.gather [hbm4b:s1+s19], $0x80, s23, s19, $0xb8;
	[tilespmem:$0xA200] =	vst v63  }
0xb2: {  	_ =	swait.ge [sflag:s28], $0x50  }
0xb3: {  	[sflag:s28] =	ssyncset.done $0x0  }
0xb4: {  	[sflag:s28] =	ssyncadd.s32 $0xFFFFFFB0  }
0xb5: {  	[tilespmem:s29], [sflag:$0x6] =	stream.indirect.gather [hbm4b:s1+s19], $0x80, s24, s19, $0xb8;
	[tilespmem:$0xA200] =	vst v63  }
0xb6: {  	_ =	swait.ge [sflag:s30], $0x2800  }
0xb7: {  	[sflag:s30] =	ssyncset.done $0x0  }
0xb8: {  	[sflag:s30] =	ssyncadd.s32 $0xFFFFD800  }
0xb9: {  	_ =	swait.ge [sflag:s30], $0x2800  }
0xba: {  	[sflag:s30] =	ssyncset.done $0x0  }
0xbb: {  	s13 =	sadd.s32 s10, s14;
	[sflag:s30] =	ssyncadd.s32 $0xFFFFD800  }
0xbc: {  	[hbm4b:s13+s31] =	stream.strided.scatter [tilespmem:s22], [sflag:$0x7], $0x2800, s0, s31, $0x38;
	[tilespmem:$0xA200] =	vst v63  }
0xbd: {  	s15 =	simm.s32 $0x7;
	s2 =	sadd.s32 $0x80, s13  }
0xbe: {  	[hbm4b:s2+s31] =	stream.strided.scatter [tilespmem:s20], [sflag:$0x7], $0x2800, s0, s31, $0x38;
	[tilespmem:$0xA200] =	vst v63  }
0xbf: {  	_ =	swait.ge [sflag:s15], $0x2800  }
0xc0: {  	[sflag:s15] =	ssyncset.done $0x0  }
0xc1: {  	[sflag:s15] =	ssyncadd.s32 $0xFFFFD800  }
0xc2: {  	_ =	swait.ge [sflag:s15], $0x2800  }
0xc3: {  	[sflag:s15] =	ssyncset.done $0x0  }
0xc4: {  	s16 =	rddreg [dreg:$0x4];
	[sflag:s15] =	ssyncadd.s32 $0xFFFFD800  }
0xc5: {  	[tilespmem:s3], [sflag:$0x1] =	stream.linear.gather [hbm4b:s16+s3], $0x50, $0x38;
	[tilespmem:$0xA200] =	vst v63  }
0xc6: {  	s6 =	rddreg [dreg:$0x5]  }
0xc7: {  	[tilespmem:s17], [sflag:$0x3] =	stream.linear.gather [hbm4b:s6+s3], $0x50, $0x38;
	[tilespmem:$0xA200] =	vst v63  }
0xc8: {  	_ =	swait.ge [sflag:s18], $0x50  }
0xc9: {  	[sflag:s18] =	ssyncset.done $0x0  }
0xca: {  	[sflag:s18] =	ssyncadd.s32 $0xFFFFFFB0  }
0xcb: {  	[tilespmem:s20], [sflag:$0x5] =	stream.indirect.gather [hbm4b:s1+s19], $0x80, s3, s19, $0xb8;
	[tilespmem:$0xA200] =	vst v63  }
0xcc: {  	_ =	swait.ge [sflag:s21], $0x50  }
0xcd: {  	[sflag:s21] =	ssyncset.done $0x0  }
0xce: {  	s7 =	simm.s32 $0x6;
	[sflag:s21] =	ssyncadd.s32 $0xFFFFFFB0  }
0xcf: {  	[tilespmem:s22], [sflag:$0x5] =	stream.indirect.gather [hbm4b:s1+s19], $0x80, s17, s19, $0xb8;
	[tilespmem:$0xA200] =	vst v63  }
0xd0: {  	_ =	swait.ge [sflag:s7], $0x2800  }
0xd1: {  	[sflag:s7] =	ssyncset.done $0x0  }
0xd2: {  	[sflag:s7] =	ssyncadd.s32 $0xFFFFD800  }
0xd3: {  	_ =	swait.ge [sflag:s7], $0x2800  }
0xd4: {  	[sflag:s7] =	ssyncset.done $0x0  }
0xd5: {  	s8 =	rddreg [dreg:$0x6];
	[sflag:s7] =	ssyncadd.s32 $0xFFFFD800  }
0xd6: {  	[hbm4b:s8+s31] =	stream.strided.scatter [tilespmem:s29], [sflag:$0x8], $0x2800, s0, s31, $0x38;
	[tilespmem:$0xA200] =	vst v63  }
0xd7: {  	s9 =	rddreg [dreg:$0x7]  }
0xd8: {  	[hbm4b:s9+s31] =	stream.strided.scatter [tilespmem:s26], [sflag:$0x8], $0x2800, s0, s31, $0x38;
	[tilespmem:$0xA200] =	vst v63  }
0xd9: {  	_ =	swait.ge [sflag:s30], $0x2800  }
0xda: {  	[sflag:s30] =	ssyncset.done $0x0  }
0xdb: {  	[sflag:s30] =	ssyncadd.s32 $0xFFFFD800  }
0xdc: {  	_ =	swait.ge [sflag:s30], $0x2800  }
0xdd: {  	[sflag:s30] =	ssyncset.done $0x0  }
0xde: {  	s11 =	simm.s32 $0x9;
	s10 =	rddreg [dreg:$0x8];
	[sflag:s30] =	ssyncadd.s32 $0xFFFFD800  }
0xdf: {  	[hbm4b:s10+s31] =	stream.strided.scatter [tilespmem:s22], [sflag:$0x9], $0x2800, s0, s31, $0x38;
	[tilespmem:$0xA200] =	vst v63  }
0xe0: {  	_ =	swait.ge [sflag:s11], $0x2800  }
0xe1: {  	[sflag:s11] =	ssyncset.done $0x0  }
0xe2: {  	s12 =	rddreg [dreg:$0x9];
	[sflag:s11] =	ssyncadd.s32 $0xFFFFD800  }
0xe3: {  	[hbm4b:s12+s31] =	stream.strided.scatter [tilespmem:s20], [sflag:$0x9], $0x2800, s0, s31, $0x38;
	[tilespmem:$0xA200] =	vst v63  }
0xe4: {  	_ =	swait.ge [sflag:s11], $0x2800  }
0xe5: {  	[sflag:s11] =	ssyncset.done $0x0  }
0xe6: {  	s13 =	simm.s32 $0x8;
	[sflag:s11] =	ssyncadd.s32 $0xFFFFD800  }
0xe7: {  	_ =	swait.ge [sflag:s13], $0x2800  }
0xe8: {  	[sflag:s13] =	ssyncset.done $0x0  }
0xe9: {  	[sflag:s13] =	ssyncadd.s32 $0xFFFFD800  }
0xea: {  	_ =	swait.ge [sflag:s13], $0x2800  }
0xeb: {  	s15 =	rddreg [dreg:$0xe]  }
0xec: {  	s16 =	rddreg [dreg:$0xa];
	s7 =	sadd.s32 $0x1, s15  }
0xed: {  	p0 =	sne.s32 s7, s16  }
.Ltmp1:
0xee: {  	_ = 	snop;
	(pc) =	sbr.rel @p0 .LBB2_1-.Ltmp1, $3  }
0xef: {  	_ =	sdelay $0x1  }
0xf0: {  	[sflag:s13] =	ssyncset.done $0x0  }
0xf1: {  	[sflag:s13] =	ssyncadd.s32 $0xFFFFD800  }
0xf2: {  	_ =	sfence.sel $0x180000  }
0xf3: {  	[bflag:$0x0] =	sbarrier.arrive $0xFFFF  }
0xf4: {  	_ =	strace $0x90000050  }
0xf5: {  	s0 =	stileid.u32;
	[bflag:$0x2] =	sbarrier.arrive $0xFFFF  }
0xf6: {  	p0 =	sne.s32 s0, $0x0;
	s0 =	rddreg [dreg:$0x2]  }
0xf7: {  	s0 =	sadd.s32 @!p0 $0x100000, s0  }
0xf8: {  	[sflag:s0] =	ssyncadd.tile.s32 @!p0 $0x1;
	_ =	shalt  }
.Lfunc_end2:
_tile_overlayer_lowered:
.L_overlay_start_2:
0xf9: {  	(tag) =	ssettag $0x2  }
0xfa: {  	s0 =	rddreg [dreg:$0x0];
	s2 =	stileid.u32  }
0xfb: {  	s1 =	rddreg [dreg:$0x1];
	p0 =	sne.s32 s2, $0x0  }
0xfc: {  	s3 =	rddreg [dreg:$0x2];
	[bflag:$0x3] =	sbarrier.arrive $0xFFFF;
	s2 =	simm.s32 @!p0 $0x1C09  }
0xfd: {  	[timem:s3], [sflag:s2] =	dma.local @!p0 [hbm:s0], s1  }
0xfe: {  	s0 =	simm.s32 @!p0 $0x9  }
0xff: {  	_ =	swait.ge @!p0 [sflag:s0], s1  }
0x100: {  	s1 =	ssub.s32 @!p0 $0x0, s1;
	[sflag:s0] =	ssyncset.done @!p0 $0x0  }
0x101: {  	[sflag:s0] =	ssyncadd.s32 @!p0 s1  }
0x102: {  	[bflag:$0x3] =	sbarrier.arrive $0xFFFF  }
0x103: {  	_ =	shalt  }

// kernel: sc_scatter_0.3.cloned.1.call-start
scs
__scs_entry_jumppad:
0x0: {  	(pc) =	sbr.rel $0x88, $3  }
0x1: {  	(tag) =	ssettag $0x0;
	lr =	simm.s32 $0x1  }
0x2: {  	[smem:$0x3F8F] =	sst lr;
	_ =	strace $0xD0000000  }
0x3: {  	_ = 	snop  }
0x4: {  	_ = 	snop  }
0x5: {  	_ = 	snop  }
0x6: {  	_ = 	snop  }
0x7: {  	_ = 	snop  }
__scs_overlays_trampoline_lowered:
0x8: {  	[smem:$0x3F9E] =	sst s0  }
0x9: {  	[smem:$0x3F9F] =	sst s1  }
0xa: {  	[smem:$0x3FA0] =	sst s2  }
0xb: {  	[smem:$0x3FA1] =	sst s3  }
0xc: {  	[smem:$0x3FA2] =	sst s4  }
0xd: {  	[smem:$0x3FA3] =	sst s5  }
0xe: {  	[smem:$0x3FA4] =	sst s6  }
0xf: {  	[smem:$0x3FA5] =	sst s7  }
0x10: {  	[smem:$0x3FA6] =	sst s8  }
0x11: {  	[smem:$0x3FA7] =	sst s9;
	s0 =	simm.s32 @!p0 $0x0  }
0x12: {  	s1 =	sld [smem:$0x3F8D];
	s0 =	simm.s32 @p0 $0x1  }
0x13: {  	[smem:$0x3FA8] =	sst s0;
	s0 =	simm.s32 @!p1 $0x0  }
0x14: {  	s2 =	sld [smem:$0x3F8C];
	s0 =	simm.s32 @p1 $0x1  }
0x15: {  	[smem:$0x3FA9] =	sst s0;
	s0 =	simm.s32 @!p2 $0x0  }
0x16: {  	s3 =	sld [smem:$0x3FDB];
	s0 =	simm.s32 @p2 $0x1  }
0x17: {  	s4 =	simm.s32 $0x1BF5;
	[smem:$0x3FAB] =	sst s0  }
0x18: {  	s0 =	sld [smem:$0x3F8E];
	_ =	swait.ge [sflag:s4], $0x0  }
0x19: {  	s7 =	sld [smem:$0x3F8F]  }
0x1a: {  	s8 =	sadd.s32 $0xFFFFE003, lr  }
0x1b: {  	s9 =	sadd.s32 $0xFFFFFEF7, lr;
	s5 =	simm.s32 $0xFFFFFFFF;
	p2 =	slt.u32 s8, $0xFFFFF086  }
0x1c: {  	p1 =	slt.u32 s9, $0xF7A;
	s5 =	simm.s32 @!p2 $0x0  }
0x1d: {  	s5 =	simm.s32 @p1 $0x1;
	p0 =	seq.s32 s7, s2  }
0x1e: {  	s7 =	smul.u32 @!p0 $0xF7A, s2;
	p2 =	seq.s32 @!p0 s5, $0x0  }
0x1f: {  	s9 =	smul.u32 $0xF7A, s1;
	s8 =	simm.s32 @!p0 $0x1BF5;
	p2 =	por !p2, p0  }
0x20: {  	[sflag:s8] =	ssyncset.s32 @!p0 $0xFFFFF086;
	s6 =	sadd.s32 @!p0 s3, s7;
	s7 =	simm.s32 @!p0 $0x108  }
0x21: {  	s3 =	sadd.s32 s3, s9;
	s6 =	sadd.s32 @!p0 $0x88, s6;
	s7 =	simm.s32 @p2 $0x1082  }
0x22: {  	[simem:s7], [sflag:s8] =	dma.local @!p0 [hbm:s6], $0xF7A  }
0x23: {  	s9 =	sor.u32 $0xD0000000, s2;
	s6 =	simm.s32 $0x108;
	_ =	swait.ge @!p0 [sflag:s8], $0x0  }
0x24: {  	s3 =	sadd.s32 $0x88, s3;
	s6 =	simm.s32 @!p1 $0x1082;
	[sflag:s4] =	ssyncset.s32 $0xFFFFF086  }
0x25: {  	[simem:s6], [sflag:s4] =	dma.local [hbm:s3], $0xF7A  }
0x26: {  	[smem:$0x3F8F] =	sst s1;
	(tag) =	ssettag s2;
	_ =	strace s9  }
0x27: {  	s1 =	sld [smem:$0x3F9F]  }
0x28: {  	s2 =	sld [smem:$0x3FA0]  }
0x29: {  	s4 =	sld [smem:$0x3FA2]  }
0x2a: {  	p0 =	seq.s32 s5, $0x0;
	s5 =	sld [smem:$0x3FA3]  }
0x2b: {  	s6 =	sld [smem:$0x3FA4]  }
0x2c: {  	s7 =	sld [smem:$0x3FA5]  }
0x2d: {  	s3 =	simm.s32 $0x108;
	s8 =	sld [smem:$0x3FA6]  }
0x2e: {  	s3 =	simm.s32 @!p0 $0x1082;
	s9 =	sld [smem:$0x3FA7]  }
0x2f: {  	lr =	sadd.s32 s0, s3;
	s0 =	sld [smem:$0x3F9E]  }
0x30: {  	s3 =	sld [smem:$0x3FA1]  }
0x31: {  	[smem:$0x3FAA] =	sst s10  }
0x32: {  	s10 =	sld [smem:$0x3FA8];
	_ =	sdelay $0x3  }
0x33: {  	p0 =	seq.s32 s10, $0x1;
	s10 =	sld [smem:$0x3FAA];
	_ =	sdelay $0x3  }
0x34: {  	[smem:$0x3FAA] =	sst s10  }
0x35: {  	s10 =	sld [smem:$0x3FA9];
	_ =	sdelay $0x3  }
0x36: {  	p1 =	seq.s32 s10, $0x1;
	s10 =	sld [smem:$0x3FAA];
	_ =	sdelay $0x3  }
0x37: {  	[smem:$0x3FAA] =	sst s10  }
0x38: {  	s10 =	sld [smem:$0x3FAB]  }
0x39: {  	_ = 	snop;
	(pc) =	sbr.ind lr, $3  }
0x3a: {  	_ = 	snop  }
0x3b: {  	_ = 	snop  }
0x3c: {  	p2 =	seq.s32 s10, $0x1;
	s10 =	sld [smem:$0x3FAA]  }
0x3d: {  	_ =	shalt  }
0x3e: {  	_ =	shalt  }
0x3f: {  	_ =	shalt  }
0x40: {  	_ =	shalt  }
0x41: {  	_ =	shalt  }
0x42: {  	_ =	shalt  }
0x43: {  	_ =	shalt  }
0x44: {  	_ =	shalt  }
0x45: {  	_ =	shalt  }
0x46: {  	_ =	shalt  }
0x47: {  	_ =	shalt  }
0x48: {  	_ =	shalt  }
0x49: {  	_ =	shalt  }
0x4a: {  	_ =	shalt  }
0x4b: {  	_ =	shalt  }
0x4c: {  	_ =	shalt  }
0x4d: {  	_ =	shalt  }
0x4e: {  	_ =	shalt  }
0x4f: {  	_ =	shalt  }
0x50: {  	_ =	shalt  }
0x51: {  	_ =	shalt  }
0x52: {  	_ =	shalt  }
0x53: {  	_ =	shalt  }
0x54: {  	_ =	shalt  }
0x55: {  	_ =	shalt  }
0x56: {  	_ =	shalt  }
0x57: {  	_ =	shalt  }
0x58: {  	_ =	shalt  }
0x59: {  	_ =	shalt  }
0x5a: {  	_ =	shalt  }
0x5b: {  	_ =	shalt  }
0x5c: {  	_ =	shalt  }
0x5d: {  	_ =	shalt  }
0x5e: {  	_ =	shalt  }
0x5f: {  	_ =	shalt  }
0x60: {  	_ =	shalt  }
0x61: {  	_ =	shalt  }
0x62: {  	_ =	shalt  }
0x63: {  	_ =	shalt  }
0x64: {  	_ =	shalt  }
0x65: {  	_ =	shalt  }
0x66: {  	_ =	shalt  }
0x67: {  	_ =	shalt  }
0x68: {  	_ =	shalt  }
0x69: {  	_ =	shalt  }
0x6a: {  	_ =	shalt  }
0x6b: {  	_ =	shalt  }
0x6c: {  	_ =	shalt  }
0x6d: {  	_ =	shalt  }
0x6e: {  	_ =	shalt  }
0x6f: {  	_ =	shalt  }
0x70: {  	_ =	shalt  }
0x71: {  	_ =	shalt  }
0x72: {  	_ =	shalt  }
0x73: {  	_ =	shalt  }
0x74: {  	_ =	shalt  }
0x75: {  	_ =	shalt  }
0x76: {  	_ =	shalt  }
0x77: {  	_ =	shalt  }
0x78: {  	_ =	shalt  }
0x79: {  	_ =	shalt  }
0x7a: {  	_ =	shalt  }
0x7b: {  	_ =	shalt  }
0x7c: {  	_ =	shalt  }
0x7d: {  	_ =	shalt  }
0x7e: {  	_ =	shalt  }
0x7f: {  	_ =	shalt  }
0x80: {  	_ =	shalt  }
0x81: {  	_ =	shalt  }
0x82: {  	_ =	shalt  }
0x83: {  	_ =	shalt  }
0x84: {  	_ =	shalt  }
0x85: {  	_ =	shalt  }
0x86: {  	_ =	shalt  }
0x87: {  	_ =	shalt  }
.Lfunc_end0:
.L_simem_size_0:
called_computation.4_lowered:
.L_overlay_start_0:
0x88: {  	s2 =	sld [smem:$0x3FD9]  }
0x89: {  	s3 =	sld [smem:$0x3FFE];
	_ =	sdelay $0x1  }
0x8a: {  	s1 =	srdreg.scid  }
0x8b: {  	s0 =	sand.u32 $0x1, s1  }
0x8c: {  	s17 =	sshll.u32 s0, $0xA;
	s2 =	sadd.s32 s3, s2  }
0x8d: {  	s2 =	sadd.s32 s2, s17  }
0x8e: {  	[smem:$0x3FB6] =	sst s2  }
0x8f: {  	_ = 	snop  }
0x90: {  	(tm) =	ssettm $0x1  }
0x91: {  	s18 =	sld [smem:$0x3FFB];
	_ =	sdelay $0x3  }
0x92: {  	_ =	strace s18  }
0x93: {  	s2 =	sld [smem:$0x3FFC];
	_ =	sdelay $0x3  }
0x94: {  	_ =	strace s2  }
0x95: {  	s2 =	sld [smem:$0x3FFD];
	_ =	sdelay $0x3  }
0x96: {  	_ =	strace s2  }
0x97: {  	_ =	strace $0x8FFFFFFF  }
0x98: {  	s19 =	sld [smem:$0x3FDB];
	_ =	sdelay $0x1  }
0x99: {  	s20 =	simm.s32 $_scs_section_size  }
0x9a: {  	s4 =	simm.s32 $_size__tile_overlayer_lowered;
	s5 =	simm.s32 $_tile_overlayer_lowered  }
0x9b: {  	s6 =	simm.s32 $0x1BFF;
	s21 =	sshll.u32 s5, $0x1;
	s3 =	sadd.s32 s20, s19  }
0x9c: {  	s22 =	simm.s32 $0x0;
	s4 =	sshll.u32 s4, $0x1;
	s5 =	sadd.s32 s21, s3  }
0x9d: {  	[timem:s22], [sflag:s6] =	dma.local [hbm:s5], s4  }
0x9e: {  	_ =	swait.ge [sflag:s6], s4  }
0x9f: {  	s4 =	ssub.s32 $0x0, s4;
	[sflag:s6] =	ssyncset.done $0x0  }
0xa0: {  	[sflag:s6] =	ssyncadd.s32 s4;
	_ =	sdelay $0x1  }
0xa1: {  	s23 =	simm.s32 $0x1B8B  }
0xa2: {  	_ =	swait.ge [sflag:s23], $0x1  }
0xa3: {  	[sflag:s23] =	ssyncset.done $0x0  }
0xa4: {  	[sflag:s23] =	ssyncadd.s32 $0xFFFFFFFF  }
0xa5: {  	s4 =	sld [smem:$0x0]  }
0xa6: {  	s5 =	sand.u32 $0xFFFFFFFE, s1  }
0xa7: {  	p0 =	sne.s32 s1, s5  }
0xa8: {  	s5 =	sshll.u32 @p0 s5, $0xE  }
0xa9: {  	s5 =	sadd.s32 @p0 $0x11B8D, s5;
	s6 =	sshll.u32 @p0 s4, $0x11  }
0xaa: {  	s5 =	sor.u32 @p0 s6, s5  }
0xab: {  	[sflag:s5] =	ssyncadd.remote.s32 @p0 $0x1;
	_ =	sdelay $0x1  }
0xac: {  	s5 =	simm.s32 @p0 $0x1B8D  }
0xad: {  	_ =	swait.eq @p0 [sflag:s5], $0x1  }
0xae: {  	[sflag:s5] =	ssyncadd.s32 @p0 $0xFFFFFFFF  }
0xaf: {  	s6 =	sshll.u32 @!p0 s1, $0xE  }
0xb0: {  	s6 =	sor.u32 @!p0 $0x4000, s6;
	s5 =	simm.s32 @!p0 $0x1B8D  }
0xb1: {  	s4 =	sshll.u32 @!p0 s4, $0x11;
	s6 =	sadd.s32 @!p0 $0x11B8D, s6;
	_ =	swait.eq @!p0 [sflag:s5], $0x1  }
0xb2: {  	s4 =	sor.u32 @!p0 s4, s6;
	[sflag:s5] =	ssyncadd.s32 @!p0 $0xFFFFFFFF  }
0xb3: {  	s25 =	simm.s32 $0x1B8E;
	s24 =	sld [smem:$0x3FFE];
	[sflag:s4] =	ssyncadd.remote.s32 @!p0 $0x1  }
0xb4: {  	s26 =	simm.s32 $execute0_lowered;
	[smem:$0x3FD2] =	sst s25  }
0xb5: {  	s5 =	sshll.u32 s26, $0x1;
	_ =	strace $0x80000058;
	[dreg:$0x1] =	wrdreg $0xFFFFFFFF  }
0xb6: {  	s28 =	simm.s32 $_size_execute0_lowered;
	s3 =	sadd.s32 s3, s5;
	[dreg:$0x0] =	wrdreg $0x0  }
0xb7: {  	s5 =	sshll.u32 s28, $0x1;
	[dreg:$0x2] =	wrdreg s3  }
0xb8: {  	[dreg:$0x3] =	wrdreg s5  }
0xb9: {  	[dreg:$0x4] =	wrdreg $0xC0  }
0xba: {  	_ =	task [dreg:s22], $0x5FFFF  }
0xbb: {  	[dreg:$0x1] =	wrdreg $0xFFFFFFFF  }
0xbc: {  	[dreg:$0x0] =	wrdreg $0x60  }
0xbd: {  	[dreg:$0x2] =	wrdreg s24  }
0xbe: {  	[dreg:$0x3] =	wrdreg $0x51000  }
0xbf: {  	[dreg:$0x4] =	wrdreg $0xB  }
0xc0: {  	_ =	task.clear_ibuf [dreg:s22], $0x5FFFF;
	_ =	strace $0x90000058  }
0xc1: {  	s29 =	simm.s32 $0xB;
	_ =	strace $0x8000005A  }
0xc2: {  	_ =	swait.ge [sflag:s29], $0x1  }
0xc3: {  	[sflag:s29] =	ssyncadd.s32 $0xFFFFFFFF  }
0xc4: {  	_ =	strace $0x9000005A  }
0xc5: {  	_ =	sfence  }
0xc6: {  	s30 =	sld [smem:$0x0];
	_ =	sdelay $0x2  }
0xc7: {  	s31 =	sshll.u32 s1, $0xD;
	s1 =	sshrl.u32 s1, $0x2  }
0xc8: {  	s4 =	sand.u32 $0x4000, s31;
	s1 =	sadd.s32 s1, s30  }
0xc9: {  	s0 =	sor.u32 s4, s0;
	s1 =	sshll.u32 s1, $0x11  }
0xca: {  	s0 =	sor.u32 s1, s0  }
0xcb: {  	s0 =	sadd.s32 $0x8F2B, s0  }
0xcc: {  	[sflag:s0] =	ssyncadd.remote.s32 $0x1  }
0xcd: {  	_ =	sfence.sel $0xFFFF  }
0xce: {  	[dreg:$0x0] =	wrdreg $0xFFFFFFFF;
	(pc) =	sbr.abs _section_cstart, $3  }
0xcf: {  	[dreg:$0x1] =	wrdreg $0xFFFFFFFF  }
0xd0: {  	_ =	task.clear_ibuf [dreg:s22], $0x2FFFF;
	_ =	strace $0x9FFFFFFF  }
0xd1: {  	(tm) =	ssettm $0x7FFFFFFF  }
tec
execute0_lowered:
.L_overlay_start_1:
0x0: {  	(tag) =	ssettag $0x1  }
0x1: {  	s0 =	rddreg [dreg:$0x0]  }
0x2: {  	s1 =	rddreg [dreg:$0x1];
	s2 =	simm.s32 $0x0  }
0x3: {  	s3 =	srdreg.scid;
	s20 =	stileid.u32;
	s18 =	simm.s32 $0x1  }
0x4: {  	s28 =	simm.s32 $0x6;
	s29 =	simm.s32 $0x0;
	s12 =	smul.u32 $0x50000, s20  }
0x5: {  	[smem:$0x7FF] =	sst s2;
	s11 =	sadd.s32 $0x22DA00, s0;
	s24 =	smul.u32 $0x2800, s20  }
0x6: {  	s10 =	sand.u32 $0x1, s3;
	s4 =	sadd.s32 $0xF400, s0;
	s16 =	smul.u32 $0x8C0, s20  }
0x7: {  	s19 =	sadd.s32 $0x19200, s0;
	s23 =	sshll.u32 s20, $0x6;
	s17 =	smul.u32 $0x8C00, s20  }
0x8: {  	_ =	strace $0x80000059;
	[dreg:$0x3] =	wrdreg s19;
	s6 =	smul.u32 $0x28000, s10  }
0x9: {  	s7 =	ssub.s32 $0x2, s10;
	s8 =	sshll.u32 s10, $0x4;
	s14 =	smul.u32 $0x8C00, s10  }
0xa: {  	s30 =	smul.u32 $0x8C000, s10;
	s19 =	simm.s32 $0x3;
	s9 =	sshrl.u32 s7, $0x1  }
0xb: {  	s8 =	sor.u32 s20, s8;
	s22 =	sshrl.u32 s12, $0x2;
	s20 =	simm.s32 $0x50  }
0xc: {  	s0 =	sadd.s32 s6, s0;
	s7 =	ssub.s32 s7, s9;
	s21 =	smul.u32 $0x8C0, s8  }
0xd: {  	s15 =	sadd.s32 s22, s1;
	s6 =	sor.u32 $0x1C07, s23;
	s25 =	smul.u32 $0x8C00, s8  }
0xe: {  	s14 =	sadd.s32 s16, s14;
	s12 =	sadd.s32 s30, s11;
	s22 =	simm.s32 $0x2900  }
0xf: {  	s23 =	simm.s32 $0x2;
	s0 =	sadd.s32 $0x345A00, s0;
	s7 =	smax.u32 s7, $0x1  }
0x10: {  	s16 =	sadd.s32 $0xF0, s14;
	s12 =	sadd.s32 s17, s12;
	s14 =	sadd.s32 $0xA0, s14  }
0x11: {  	s15 =	sshrl.u32 s15, $0x3;
	s17 =	simm.s32 $0x100;
	s13 =	sadd.s32 $0x50, s21  }
0x12: {  	s26 =	sshrl.u32 s21, $0x3;
	s9 =	sadd.s32 s11, s25;
	s16 =	sshrl.u32 s16, $0x3  }
0x13: {  	s12 =	sadd.s32 $0xF00, s12;
	s21 =	simm.s32 $0x80;
	s24 =	sadd.s32 s24, s0  }
0x14: {  	s25 =	simm.s32 $0x4;
	s8 =	sadd.s32 s4, s26;
	s31 =	sshrl.u32 s13, $0x3  }
0x15: {  	s13 =	sshll.u32 s13, $0x4;
	s26 =	simm.s32 $0x5;
	s10 =	sadd.s32 s4, s31  }
0x16: {  	s11 =	sadd.s32 s11, s13;
	s13 =	sadd.s32 s16, s4;
	s16 =	simm.s32 $0x7  }
.LBB2_1:
0x17: {  	s0 =	rddreg [dreg:$0x3]  }
0x18: {  	[spmem:s15], [sflag:s6] =	dma.local [hbm:s0], $0x2800  }
0x19: {  	_ =	swait.ge [sflag:s16], $0x2800  }
0x1a: {  	[sflag:s16] =	ssyncset.done $0x0  }
0x1b: {  	[sflag:s16] =	ssyncadd.s32 $0xFFFFD800  }
0x1c: {  	[bflag:$0x0] =	sbarrier.arrive $0xFFFF  }
0x1d: {  	[tilespmem:s2], [sflag:$0x1] =	stream.linear.gather [hbm4b:s8+s2], $0x50, $0x38;
	[tilespmem:$0x19100] =	vst v63  }
0x1e: {  	_ = 	snop  }
0x1f: {  	[tilespmem:s17], [sflag:$0x3] =	stream.linear.gather [hbm4b:s9+s2], $0x2800, $0x38;
	[tilespmem:$0x19100] =	vst v63  }
0x20: {  	_ =	swait.ge [sflag:s18], $0x50  }
0x21: {  	[sflag:s18] =	ssyncset.done $0x0  }
0x22: {  	[sflag:s18] =	ssyncadd.s32 $0xFFFFFFB0  }
0x23: {  	_ =	swait.ge [sflag:s19], $0x2800  }
0x24: {  	[sflag:s19] =	ssyncset.done $0x0  }
0x25: {  	[sflag:s19] =	ssyncadd.s32 $0xFFFFD800  }
0x26: {  	[spmem:s1] =	stream.indirect.scatter.add.f32 [tilespmem:s17], [sflag:$0x5], $0x80, s2, s20, $0xb8;
	[tilespmem:$0x19100] =	vst v63  }
0x27: {  	_ = 	snop  }
0x28: {  	[tilespmem:s21], [sflag:$0x2] =	stream.linear.gather [hbm4b:s10+s2], $0x50, $0x38;
	[tilespmem:$0x19100] =	vst v63  }
0x29: {  	_ = 	snop  }
0x2a: {  	[tilespmem:s22], [sflag:$0x4] =	stream.linear.gather [hbm4b:s11+s2], $0x2800, $0x38;
	[tilespmem:$0x19100] =	vst v63  }
0x2b: {  	_ =	swait.ge [sflag:s23], $0x50  }
0x2c: {  	[sflag:s23] =	ssyncset.done $0x0  }
0x2d: {  	[sflag:s23] =	ssyncadd.s32 $0xFFFFFFB0  }
0x2e: {  	_ =	swait.ge [sflag:s25], $0x2800  }
0x2f: {  	[sflag:s25] =	ssyncset.done $0x0  }
0x30: {  	[sflag:s25] =	ssyncadd.s32 $0xFFFFD800  }
0x31: {  	[spmem:s1] =	stream.indirect.scatter.add.f32 [tilespmem:s22], [sflag:$0x6], $0x80, s21, s20, $0xb8;
	[tilespmem:$0x19100] =	vst v63  }
0x32: {  	_ =	swait.ge [sflag:s26], $0x2800  }
0x33: {  	s5 =	sshrl.u32 s14, $0x3;
	[sflag:s26] =	ssyncset.done $0x0  }
0x34: {  	s0 =	sadd.s32 s4, s5;
	[sflag:s26] =	ssyncadd.s32 $0xFFFFD800  }
0x35: {  	[tilespmem:s2], [sflag:$0x1] =	stream.linear.gather [hbm4b:s0+s2], $0x50, $0x38;
	[tilespmem:$0x19100] =	vst v63  }
0x36: {  	s3 =	sadd.s32 $0xFFFFFB00, s12  }
0x37: {  	[tilespmem:s17], [sflag:$0x3] =	stream.linear.gather [hbm4b:s3+s2], $0x2800, $0x38;
	[tilespmem:$0x19100] =	vst v63  }
0x38: {  	_ =	swait.ge [sflag:s18], $0x50  }
0x39: {  	[sflag:s18] =	ssyncset.done $0x0  }
0x3a: {  	[sflag:s18] =	ssyncadd.s32 $0xFFFFFFB0  }
0x3b: {  	_ =	swait.ge [sflag:s19], $0x2800  }
0x3c: {  	[sflag:s19] =	ssyncset.done $0x0  }
0x3d: {  	[sflag:s19] =	ssyncadd.s32 $0xFFFFD800  }
0x3e: {  	[spmem:s1] =	stream.indirect.scatter.add.f32 [tilespmem:s17], [sflag:$0x5], $0x80, s2, s20, $0xb8;
	[tilespmem:$0x19100] =	vst v63  }
0x3f: {  	_ =	swait.ge [sflag:s28], $0x2800  }
0x40: {  	[sflag:s28] =	ssyncset.done $0x0  }
0x41: {  	s5 =	sadd.s32 $0x0, s13;
	[sflag:s28] =	ssyncadd.s32 $0xFFFFD800  }
0x42: {  	[tilespmem:s21], [sflag:$0x2] =	stream.linear.gather [hbm4b:s5+s2], $0x50, $0x38;
	[tilespmem:$0x19100] =	vst v63  }
0x43: {  	_ = 	snop  }
0x44: {  	[tilespmem:s22], [sflag:$0x4] =	stream.linear.gather [hbm4b:s12+s2], $0x2800, $0x38;
	[tilespmem:$0x19100] =	vst v63  }
0x45: {  	_ =	swait.ge [sflag:s23], $0x50  }
0x46: {  	[sflag:s23] =	ssyncset.done $0x0  }
0x47: {  	[sflag:s23] =	ssyncadd.s32 $0xFFFFFFB0  }
0x48: {  	_ =	swait.ge [sflag:s25], $0x2800  }
0x49: {  	s30 =	simm.s32 $0x14;
	[sflag:s25] =	ssyncset.done $0x0  }
0x4a: {  	s31 =	sadd.s32 $0xA00, s12;
	s0 =	sadd.s32 $0xA0, s14;
	[sflag:s25] =	ssyncadd.s32 $0xFFFFD800  }
.LBB2_2:
0x4b: {  	[spmem:s1] =	stream.indirect.scatter.add.f32 [tilespmem:s22], [sflag:$0x6], $0x80, s21, s20, $0xb8;
	[tilespmem:$0x19100] =	vst v63  }
0x4c: {  	s3 =	smov.u32 s30  }
0x4d: {  	p0 =	sne.s32 s30, $0xF0;
	s30 =	sadd.s32 $0x14, s30;
	_ =	swait.ge [sflag:s26], $0x2800  }
0x4e: {  	s5 =	sshrl.u32 s0, $0x3;
	[sflag:s26] =	ssyncset.done $0x0  }
0x4f: {  	s5 =	sadd.s32 s4, s5;
	[sflag:s26] =	ssyncadd.s32 $0xFFFFD800  }
0x50: {  	[tilespmem:s2], [sflag:$0x1] =	stream.linear.gather [hbm4b:s5+s2], $0x50, $0x38;
	[tilespmem:$0x19100] =	vst v63  }
0x51: {  	s5 =	sadd.s32 $0xFFFFFB00, s31  }
0x52: {  	[tilespmem:s17], [sflag:$0x3] =	stream.linear.gather [hbm4b:s5+s2], $0x2800, $0x38;
	[tilespmem:$0x19100] =	vst v63  }
0x53: {  	_ =	swait.ge [sflag:s18], $0x50  }
0x54: {  	[sflag:s18] =	ssyncset.done $0x0  }
0x55: {  	[sflag:s18] =	ssyncadd.s32 $0xFFFFFFB0  }
0x56: {  	_ =	swait.ge [sflag:s19], $0x2800  }
0x57: {  	[sflag:s19] =	ssyncset.done $0x0  }
0x58: {  	[sflag:s19] =	ssyncadd.s32 $0xFFFFD800  }
0x59: {  	[spmem:s1] =	stream.indirect.scatter.add.f32 [tilespmem:s17], [sflag:$0x5], $0x80, s2, s20, $0xb8;
	[tilespmem:$0x19100] =	vst v63  }
0x5a: {  	_ =	swait.ge [sflag:s28], $0x2800  }
0x5b: {  	[sflag:s28] =	ssyncset.done $0x0  }
0x5c: {  	s3 =	sadd.s32 s3, s13;
	[sflag:s28] =	ssyncadd.s32 $0xFFFFD800  }
0x5d: {  	[tilespmem:s21], [sflag:$0x2] =	stream.linear.gather [hbm4b:s3+s2], $0x50, $0x38;
	[tilespmem:$0x19100] =	vst v63  }
0x5e: {  	_ = 	snop  }
0x5f: {  	[tilespmem:s22], [sflag:$0x4] =	stream.linear.gather [hbm4b:s31+s2], $0x2800, $0x38;
	[tilespmem:$0x19100] =	vst v63  }
0x60: {  	_ =	swait.ge [sflag:s23], $0x50  }
.Ltmp0:
0x61: {  	[sflag:s23] =	ssyncset.done $0x0;
	(pc) =	sbr.rel @p0 .LBB2_2-.Ltmp0, $4  }
0x62: {  	[sflag:s23] =	ssyncadd.s32 $0xFFFFFFB0  }
0x63: {  	_ =	swait.ge [sflag:s25], $0x2800  }
0x64: {  	[sflag:s25] =	ssyncset.done $0x0  }
0x65: {  	s0 =	sadd.s32 $0xA0, s0;
	s31 =	sadd.s32 $0xA00, s31;
	[sflag:s25] =	ssyncadd.s32 $0xFFFFD800  }
0x66: {  	[spmem:s1] =	stream.indirect.scatter.add.f32 [tilespmem:s22], [sflag:$0x6], $0x80, s21, s20, $0xb8;
	[tilespmem:$0x19100] =	vst v63  }
0x67: {  	_ =	swait.ge [sflag:s28], $0x2800  }
0x68: {  	[sflag:s28] =	ssyncset.done $0x0  }
0x69: {  	[sflag:s28] =	ssyncadd.s32 $0xFFFFD800  }
0x6a: {  	_ =	swait.ge [sflag:s26], $0x2800  }
0x6b: {  	s29 =	sadd.s32 $0x1, s29;
	[sflag:s26] =	ssyncset.done $0x0  }
0x6c: {  	p0 =	sne.s32 s29, s7;
	[sflag:s26] =	ssyncadd.s32 $0xFFFFD800  }
.Ltmp1:
0x6d: {  	[bflag:$0x0] =	sbarrier.arrive $0xFFFF;
	(pc) =	sbr.rel @p0 .LBB2_1-.Ltmp1, $4  }
0x6e: {  	[hbm:s24], [sflag:s6] =	dma.local [spmem:s15], $0x2800  }
0x6f: {  	_ =	swait.ge [sflag:s16], $0x2800  }
0x70: {  	[sflag:s16] =	ssyncset.done $0x0  }
0x71: {  	[sflag:s16] =	ssyncadd.s32 $0xFFFFD800  }
0x72: {  	_ =	sfence.sel $0x180000  }
0x73: {  	[bflag:$0x0] =	sbarrier.arrive $0xFFFF  }
0x74: {  	_ =	strace $0x90000059  }
0x75: {  	s0 =	stileid.u32;
	[bflag:$0x2] =	sbarrier.arrive $0xFFFF  }
0x76: {  	p0 =	sne.s32 s0, $0x0;
	s0 =	rddreg [dreg:$0x2]  }
0x77: {  	s0 =	sadd.s32 @!p0 $0x100000, s0  }
0x78: {  	[sflag:s0] =	ssyncadd.tile.s32 @!p0 $0x1;
	_ =	shalt  }
.Lfunc_end2:
_tile_overlayer_lowered:
.L_overlay_start_2:
0x79: {  	(tag) =	ssettag $0x2  }
0x7a: {  	s0 =	rddreg [dreg:$0x0];
	s2 =	stileid.u32  }
0x7b: {  	s1 =	rddreg [dreg:$0x1];
	p0 =	sne.s32 s2, $0x0  }
0x7c: {  	s3 =	rddreg [dreg:$0x2];
	[bflag:$0x3] =	sbarrier.arrive $0xFFFF;
	s2 =	simm.s32 @!p0 $0x1C07  }
0x7d: {  	[timem:s3], [sflag:s2] =	dma.local @!p0 [hbm:s0], s1  }
0x7e: {  	s0 =	simm.s32 @!p0 $0x7  }
0x7f: {  	_ =	swait.ge @!p0 [sflag:s0], s1  }
0x80: {  	s1 =	ssub.s32 @!p0 $0x0, s1;
	[sflag:s0] =	ssyncset.done @!p0 $0x0  }
0x81: {  	[sflag:s0] =	ssyncadd.s32 @!p0 s1  }
0x82: {  	[bflag:$0x3] =	sbarrier.arrive $0xFFFF  }
0x83: {  	_ =	shalt  }

// kernel: sc_scatter_1.3.cloned.1.call-start
scs
__scs_entry_jumppad:
0x0: {  	(pc) =	sbr.rel $0x88, $3  }
0x1: {  	(tag) =	ssettag $0x0;
	lr =	simm.s32 $0x1  }
0x2: {  	[smem:$0x3F8F] =	sst lr;
	_ =	strace $0xD0000000  }
0x3: {  	_ = 	snop  }
0x4: {  	_ = 	snop  }
0x5: {  	_ = 	snop  }
0x6: {  	_ = 	snop  }
0x7: {  	_ = 	snop  }
__scs_overlays_trampoline_lowered:
0x8: {  	[smem:$0x3F9E] =	sst s0  }
0x9: {  	[smem:$0x3F9F] =	sst s1  }
0xa: {  	[smem:$0x3FA0] =	sst s2  }
0xb: {  	[smem:$0x3FA1] =	sst s3  }
0xc: {  	[smem:$0x3FA2] =	sst s4  }
0xd: {  	[smem:$0x3FA3] =	sst s5  }
0xe: {  	[smem:$0x3FA4] =	sst s6  }
0xf: {  	[smem:$0x3FA5] =	sst s7  }
0x10: {  	[smem:$0x3FA6] =	sst s8  }
0x11: {  	[smem:$0x3FA7] =	sst s9;
	s0 =	simm.s32 @!p0 $0x0  }
0x12: {  	s1 =	sld [smem:$0x3F8D];
	s0 =	simm.s32 @p0 $0x1  }
0x13: {  	[smem:$0x3FA8] =	sst s0;
	s0 =	simm.s32 @!p1 $0x0  }
0x14: {  	s2 =	sld [smem:$0x3F8C];
	s0 =	simm.s32 @p1 $0x1  }
0x15: {  	[smem:$0x3FA9] =	sst s0;
	s0 =	simm.s32 @!p2 $0x0  }
0x16: {  	s3 =	sld [smem:$0x3FDB];
	s0 =	simm.s32 @p2 $0x1  }
0x17: {  	s4 =	simm.s32 $0x1BF5;
	[smem:$0x3FAB] =	sst s0  }
0x18: {  	s0 =	sld [smem:$0x3F8E];
	_ =	swait.ge [sflag:s4], $0x0  }
0x19: {  	s7 =	sld [smem:$0x3F8F]  }
0x1a: {  	s8 =	sadd.s32 $0xFFFFE003, lr  }
0x1b: {  	s9 =	sadd.s32 $0xFFFFFEF7, lr;
	s5 =	simm.s32 $0xFFFFFFFF;
	p2 =	slt.u32 s8, $0xFFFFF086  }
0x1c: {  	p1 =	slt.u32 s9, $0xF7A;
	s5 =	simm.s32 @!p2 $0x0  }
0x1d: {  	s5 =	simm.s32 @p1 $0x1;
	p0 =	seq.s32 s7, s2  }
0x1e: {  	s7 =	smul.u32 @!p0 $0xF7A, s2;
	p2 =	seq.s32 @!p0 s5, $0x0  }
0x1f: {  	s9 =	smul.u32 $0xF7A, s1;
	s8 =	simm.s32 @!p0 $0x1BF5;
	p2 =	por !p2, p0  }
0x20: {  	[sflag:s8] =	ssyncset.s32 @!p0 $0xFFFFF086;
	s6 =	sadd.s32 @!p0 s3, s7;
	s7 =	simm.s32 @!p0 $0x108  }
0x21: {  	s3 =	sadd.s32 s3, s9;
	s6 =	sadd.s32 @!p0 $0x88, s6;
	s7 =	simm.s32 @p2 $0x1082  }
0x22: {  	[simem:s7], [sflag:s8] =	dma.local @!p0 [hbm:s6], $0xF7A  }
0x23: {  	s9 =	sor.u32 $0xD0000000, s2;
	s6 =	simm.s32 $0x108;
	_ =	swait.ge @!p0 [sflag:s8], $0x0  }
0x24: {  	s3 =	sadd.s32 $0x88, s3;
	s6 =	simm.s32 @!p1 $0x1082;
	[sflag:s4] =	ssyncset.s32 $0xFFFFF086  }
0x25: {  	[simem:s6], [sflag:s4] =	dma.local [hbm:s3], $0xF7A  }
0x26: {  	[smem:$0x3F8F] =	sst s1;
	(tag) =	ssettag s2;
	_ =	strace s9  }
0x27: {  	s1 =	sld [smem:$0x3F9F]  }
0x28: {  	s2 =	sld [smem:$0x3FA0]  }
0x29: {  	s4 =	sld [smem:$0x3FA2]  }
0x2a: {  	p0 =	seq.s32 s5, $0x0;
	s5 =	sld [smem:$0x3FA3]  }
0x2b: {  	s6 =	sld [smem:$0x3FA4]  }
0x2c: {  	s7 =	sld [smem:$0x3FA5]  }
0x2d: {  	s3 =	simm.s32 $0x108;
	s8 =	sld [smem:$0x3FA6]  }
0x2e: {  	s3 =	simm.s32 @!p0 $0x1082;
	s9 =	sld [smem:$0x3FA7]  }
0x2f: {  	lr =	sadd.s32 s0, s3;
	s0 =	sld [smem:$0x3F9E]  }
0x30: {  	s3 =	sld [smem:$0x3FA1]  }
0x31: {  	[smem:$0x3FAA] =	sst s10  }
0x32: {  	s10 =	sld [smem:$0x3FA8];
	_ =	sdelay $0x3  }
0x33: {  	p0 =	seq.s32 s10, $0x1;
	s10 =	sld [smem:$0x3FAA];
	_ =	sdelay $0x3  }
0x34: {  	[smem:$0x3FAA] =	sst s10  }
0x35: {  	s10 =	sld [smem:$0x3FA9];
	_ =	sdelay $0x3  }
0x36: {  	p1 =	seq.s32 s10, $0x1;
	s10 =	sld [smem:$0x3FAA];
	_ =	sdelay $0x3  }
0x37: {  	[smem:$0x3FAA] =	sst s10  }
0x38: {  	s10 =	sld [smem:$0x3FAB]  }
0x39: {  	_ = 	snop;
	(pc) =	sbr.ind lr, $3  }
0x3a: {  	_ = 	snop  }
0x3b: {  	_ = 	snop  }
0x3c: {  	p2 =	seq.s32 s10, $0x1;
	s10 =	sld [smem:$0x3FAA]  }
0x3d: {  	_ =	shalt  }
0x3e: {  	_ =	shalt  }
0x3f: {  	_ =	shalt  }
0x40: {  	_ =	shalt  }
0x41: {  	_ =	shalt  }
0x42: {  	_ =	shalt  }
0x43: {  	_ =	shalt  }
0x44: {  	_ =	shalt  }
0x45: {  	_ =	shalt  }
0x46: {  	_ =	shalt  }
0x47: {  	_ =	shalt  }
0x48: {  	_ =	shalt  }
0x49: {  	_ =	shalt  }
0x4a: {  	_ =	shalt  }
0x4b: {  	_ =	shalt  }
0x4c: {  	_ =	shalt  }
0x4d: {  	_ =	shalt  }
0x4e: {  	_ =	shalt  }
0x4f: {  	_ =	shalt  }
0x50: {  	_ =	shalt  }
0x51: {  	_ =	shalt  }
0x52: {  	_ =	shalt  }
0x53: {  	_ =	shalt  }
0x54: {  	_ =	shalt  }
0x55: {  	_ =	shalt  }
0x56: {  	_ =	shalt  }
0x57: {  	_ =	shalt  }
0x58: {  	_ =	shalt  }
0x59: {  	_ =	shalt  }
0x5a: {  	_ =	shalt  }
0x5b: {  	_ =	shalt  }
0x5c: {  	_ =	shalt  }
0x5d: {  	_ =	shalt  }
0x5e: {  	_ =	shalt  }
0x5f: {  	_ =	shalt  }
0x60: {  	_ =	shalt  }
0x61: {  	_ =	shalt  }
0x62: {  	_ =	shalt  }
0x63: {  	_ =	shalt  }
0x64: {  	_ =	shalt  }
0x65: {  	_ =	shalt  }
0x66: {  	_ =	shalt  }
0x67: {  	_ =	shalt  }
0x68: {  	_ =	shalt  }
0x69: {  	_ =	shalt  }
0x6a: {  	_ =	shalt  }
0x6b: {  	_ =	shalt  }
0x6c: {  	_ =	shalt  }
0x6d: {  	_ =	shalt  }
0x6e: {  	_ =	shalt  }
0x6f: {  	_ =	shalt  }
0x70: {  	_ =	shalt  }
0x71: {  	_ =	shalt  }
0x72: {  	_ =	shalt  }
0x73: {  	_ =	shalt  }
0x74: {  	_ =	shalt  }
0x75: {  	_ =	shalt  }
0x76: {  	_ =	shalt  }
0x77: {  	_ =	shalt  }
0x78: {  	_ =	shalt  }
0x79: {  	_ =	shalt  }
0x7a: {  	_ =	shalt  }
0x7b: {  	_ =	shalt  }
0x7c: {  	_ =	shalt  }
0x7d: {  	_ =	shalt  }
0x7e: {  	_ =	shalt  }
0x7f: {  	_ =	shalt  }
0x80: {  	_ =	shalt  }
0x81: {  	_ =	shalt  }
0x82: {  	_ =	shalt  }
0x83: {  	_ =	shalt  }
0x84: {  	_ =	shalt  }
0x85: {  	_ =	shalt  }
0x86: {  	_ =	shalt  }
0x87: {  	_ =	shalt  }
.Lfunc_end0:
.L_simem_size_0:
called_computation.5_lowered:
.L_overlay_start_0:
0x88: {  	s2 =	sld [smem:$0x3FD9]  }
0x89: {  	s3 =	sld [smem:$0x3FFE];
	_ =	sdelay $0x1  }
0x8a: {  	s1 =	srdreg.scid  }
0x8b: {  	s0 =	sand.u32 $0x1, s1  }
0x8c: {  	s17 =	sshll.u32 s0, $0xA;
	s2 =	sadd.s32 s3, s2  }
0x8d: {  	s2 =	sadd.s32 s2, s17  }
0x8e: {  	[smem:$0x3FB6] =	sst s2  }
0x8f: {  	_ = 	snop  }
0x90: {  	(tm) =	ssettm $0x1  }
0x91: {  	s18 =	sld [smem:$0x3FFB];
	_ =	sdelay $0x3  }
0x92: {  	_ =	strace s18  }
0x93: {  	s2 =	sld [smem:$0x3FFC];
	_ =	sdelay $0x3  }
0x94: {  	_ =	strace s2  }
0x95: {  	s2 =	sld [smem:$0x3FFD];
	_ =	sdelay $0x3  }
0x96: {  	_ =	strace s2  }
0x97: {  	_ =	strace $0x8FFFFFFF  }
0x98: {  	s19 =	sld [smem:$0x3FDB];
	_ =	sdelay $0x1  }
0x99: {  	s20 =	simm.s32 $_scs_section_size  }
0x9a: {  	s4 =	simm.s32 $_size__tile_overlayer_lowered;
	s5 =	simm.s32 $_tile_overlayer_lowered  }
0x9b: {  	s6 =	simm.s32 $0x1BFF;
	s21 =	sshll.u32 s5, $0x1;
	s3 =	sadd.s32 s20, s19  }
0x9c: {  	s22 =	simm.s32 $0x0;
	s4 =	sshll.u32 s4, $0x1;
	s5 =	sadd.s32 s21, s3  }
0x9d: {  	[timem:s22], [sflag:s6] =	dma.local [hbm:s5], s4  }
0x9e: {  	_ =	swait.ge [sflag:s6], s4  }
0x9f: {  	s4 =	ssub.s32 $0x0, s4;
	[sflag:s6] =	ssyncset.done $0x0  }
0xa0: {  	[sflag:s6] =	ssyncadd.s32 s4;
	_ =	sdelay $0x1  }
0xa1: {  	s23 =	simm.s32 $0x1B8B  }
0xa2: {  	_ =	swait.ge [sflag:s23], $0x1  }
0xa3: {  	[sflag:s23] =	ssyncset.done $0x0  }
0xa4: {  	[sflag:s23] =	ssyncadd.s32 $0xFFFFFFFF  }
0xa5: {  	s4 =	sld [smem:$0x0]  }
0xa6: {  	s5 =	sand.u32 $0xFFFFFFFE, s1  }
0xa7: {  	p0 =	sne.s32 s1, s5  }
0xa8: {  	s5 =	sshll.u32 @p0 s5, $0xE  }
0xa9: {  	s5 =	sadd.s32 @p0 $0x11B8D, s5;
	s6 =	sshll.u32 @p0 s4, $0x11  }
0xaa: {  	s5 =	sor.u32 @p0 s6, s5  }
0xab: {  	[sflag:s5] =	ssyncadd.remote.s32 @p0 $0x1;
	_ =	sdelay $0x1  }
0xac: {  	s5 =	simm.s32 @p0 $0x1B8D  }
0xad: {  	_ =	swait.eq @p0 [sflag:s5], $0x1  }
0xae: {  	[sflag:s5] =	ssyncadd.s32 @p0 $0xFFFFFFFF  }
0xaf: {  	s6 =	sshll.u32 @!p0 s1, $0xE  }
0xb0: {  	s6 =	sor.u32 @!p0 $0x4000, s6;
	s5 =	simm.s32 @!p0 $0x1B8D  }
0xb1: {  	s4 =	sshll.u32 @!p0 s4, $0x11;
	s6 =	sadd.s32 @!p0 $0x11B8D, s6;
	_ =	swait.eq @!p0 [sflag:s5], $0x1  }
0xb2: {  	s4 =	sor.u32 @!p0 s4, s6;
	[sflag:s5] =	ssyncadd.s32 @!p0 $0xFFFFFFFF  }
0xb3: {  	s25 =	simm.s32 $0x1B8E;
	s24 =	sld [smem:$0x3FFE];
	[sflag:s4] =	ssyncadd.remote.s32 @!p0 $0x1  }
0xb4: {  	s26 =	simm.s32 $execute0_lowered;
	[smem:$0x3FD2] =	sst s25  }
0xb5: {  	s5 =	sshll.u32 s26, $0x1;
	_ =	strace $0x80000052;
	[dreg:$0x1] =	wrdreg $0xFFFFFFFF  }
0xb6: {  	s28 =	simm.s32 $_size_execute0_lowered;
	s3 =	sadd.s32 s3, s5;
	[dreg:$0x0] =	wrdreg $0x0  }
0xb7: {  	s5 =	sshll.u32 s28, $0x1;
	[dreg:$0x2] =	wrdreg s3  }
0xb8: {  	[dreg:$0x3] =	wrdreg s5  }
0xb9: {  	[dreg:$0x4] =	wrdreg $0xC0  }
0xba: {  	_ =	task [dreg:s22], $0x5FFFF  }
0xbb: {  	[dreg:$0x1] =	wrdreg $0xFFFFFFFF  }
0xbc: {  	[dreg:$0x0] =	wrdreg $0x60  }
0xbd: {  	[dreg:$0x2] =	wrdreg s24  }
0xbe: {  	[dreg:$0x3] =	wrdreg $0x51000  }
0xbf: {  	[dreg:$0x4] =	wrdreg $0xA  }
0xc0: {  	_ =	task.clear_ibuf [dreg:s22], $0x5FFFF;
	_ =	strace $0x90000052  }
0xc1: {  	s29 =	simm.s32 $0xA;
	_ =	strace $0x80000054  }
0xc2: {  	_ =	swait.ge [sflag:s29], $0x1  }
0xc3: {  	[sflag:s29] =	ssyncadd.s32 $0xFFFFFFFF  }
0xc4: {  	_ =	strace $0x90000054  }
0xc5: {  	_ =	sfence  }
0xc6: {  	s30 =	sld [smem:$0x0];
	_ =	sdelay $0x2  }
0xc7: {  	s31 =	sshll.u32 s1, $0xD;
	s1 =	sshrl.u32 s1, $0x2  }
0xc8: {  	s4 =	sand.u32 $0x4000, s31;
	s1 =	sadd.s32 s1, s30  }
0xc9: {  	s0 =	sor.u32 s4, s0;
	s1 =	sshll.u32 s1, $0x11  }
0xca: {  	s0 =	sor.u32 s1, s0  }
0xcb: {  	s0 =	sadd.s32 $0x8F2B, s0  }
0xcc: {  	[sflag:s0] =	ssyncadd.remote.s32 $0x1  }
0xcd: {  	_ =	sfence.sel $0xFFFF  }
0xce: {  	[dreg:$0x0] =	wrdreg $0xFFFFFFFF;
	(pc) =	sbr.abs _section_cstart, $3  }
0xcf: {  	[dreg:$0x1] =	wrdreg $0xFFFFFFFF  }
0xd0: {  	_ =	task.clear_ibuf [dreg:s22], $0x2FFFF;
	_ =	strace $0x9FFFFFFF  }
0xd1: {  	(tm) =	ssettm $0x7FFFFFFF  }
tec
execute0_lowered:
.L_overlay_start_1:
0x0: {  	(tag) =	ssettag $0x1  }
0x1: {  	s0 =	rddreg [dreg:$0x0]  }
0x2: {  	s1 =	rddreg [dreg:$0x1];
	s2 =	simm.s32 $0x0;
	s3 =	srdreg.scid  }
0x3: {  	s4 =	stileid.u32;
	s28 =	simm.s32 $0x5;
	s29 =	simm.s32 $0x6  }
0x4: {  	s30 =	simm.s32 $0x0;
	[smem:$0x7FF] =	sst s2;
	s7 =	smul.u32 $0x50000, s4  }
0x5: {  	s13 =	sadd.s32 $0x9DD200, s0;
	s15 =	sadd.s32 $0xF400, s0;
	s18 =	smul.u32 $0xB90, s4  }
0x6: {  	s12 =	sand.u32 $0x1, s3;
	s31 =	sadd.s32 $0x19200, s0;
	s26 =	smul.u32 $0xB900, s4  }
0x7: {  	s23 =	sshll.u32 s4, $0x6;
	_ =	strace $0x80000053;
	s5 =	smul.u32 $0x28000, s12  }
0x8: {  	[dreg:$0x3] =	wrdreg s31;
	s8 =	sshll.u32 s12, $0x4;
	s17 =	smul.u32 $0xB900, s12  }
0x9: {  	s6 =	ssub.s32 $0x2, s12;
	s19 =	smul.u32 $0xB9000, s12;
	s8 =	sor.u32 s4, s8  }
0xa: {  	s20 =	sshrl.u32 s6, $0x1;
	s21 =	sshrl.u32 s7, $0x2;
	s22 =	smul.u32 $0xB90, s8  }
0xb: {  	s0 =	sadd.s32 s5, s0;
	s9 =	ssub.s32 s6, s20;
	s24 =	smul.u32 $0x5C800, s8  }
0xc: {  	s16 =	sadd.s32 s21, s1;
	s5 =	sor.u32 $0x1C07, s23;
	s10 =	smul.u32 $0xB900, s8  }
0xd: {  	s17 =	sadd.s32 s18, s17;
	s20 =	simm.s32 $0x3;
	s21 =	simm.s32 $0x50  }
0xe: {  	s23 =	simm.s32 $0x2900;
	s0 =	sadd.s32 $0x1BA00, s0;
	s8 =	smax.u32 s9, $0x1  }
0xf: {  	s18 =	sadd.s32 $0x118F0, s17;
	s17 =	sadd.s32 $0x118A0, s17;
	s16 =	sshrl.u32 s16, $0x3  }
0x10: {  	s14 =	sshll.u32 s22, $0x4;
	s6 =	sshrl.u32 s22, $0x3;
	s7 =	sshrl.u32 s24, $0x3  }
0x11: {  	s24 =	smul.u32 $0x2800, s4;
	s10 =	sadd.s32 s13, s10;
	s31 =	sshrl.u32 s18, $0x3  }
0x12: {  	s17 =	sshrl.u32 s17, $0x3;
	s18 =	simm.s32 $0x100;
	s22 =	simm.s32 $0x80  }
0x13: {  	s11 =	sadd.s32 s15, s6;
	s7 =	sadd.s32 s13, s7;
	s25 =	sadd.s32 s13, s14  }
0x14: {  	s13 =	sadd.s32 s19, s13;
	s14 =	sadd.s32 s31, s15;
	s15 =	sadd.s32 s17, s15  }
0x15: {  	s17 =	simm.s32 $0x7;
	s19 =	simm.s32 $0x1;
	s6 =	sadd.s32 $0x2468, s11  }
0x16: {  	s7 =	sadd.s32 $0xB400, s7;
	s9 =	sadd.s32 $0x2300, s11;
	s11 =	sadd.s32 $0x230A, s11  }
0x17: {  	s12 =	sadd.s32 $0x500, s25;
	s13 =	sadd.s32 s26, s13;
	s24 =	sadd.s32 s24, s0  }
0x18: {  	s25 =	simm.s32 $0x2;
	s26 =	simm.s32 $0x4;
	s13 =	sadd.s32 $0xF00, s13  }
.LBB2_1:
0x19: {  	s0 =	rddreg [dreg:$0x3]  }
0x1a: {  	[spmem:s16], [sflag:s5] =	dma.local [hbm:s0], $0x2800  }
0x1b: {  	_ =	swait.ge [sflag:s17], $0x2800  }
0x1c: {  	[sflag:s17] =	ssyncset.done $0x0  }
0x1d: {  	[sflag:s17] =	ssyncadd.s32 $0xFFFFD800  }
0x1e: {  	[bflag:$0x0] =	sbarrier.arrive $0xFFFF  }
0x1f: {  	[tilespmem:s2], [sflag:$0x1] =	stream.linear.gather [hbm4b:s9+s2], $0x50, $0x38;
	[tilespmem:$0x19100] =	vst v63  }
0x20: {  	_ = 	snop  }
0x21: {  	[tilespmem:s18], [sflag:$0x3] =	stream.linear.gather [hbm4b:s10+s2], $0x2800, $0x38;
	[tilespmem:$0x19100] =	vst v63  }
0x22: {  	_ =	swait.ge [sflag:s19], $0x50  }
0x23: {  	[sflag:s19] =	ssyncset.done $0x0  }
0x24: {  	[sflag:s19] =	ssyncadd.s32 $0xFFFFFFB0  }
0x25: {  	_ =	swait.ge [sflag:s20], $0x2800  }
0x26: {  	[sflag:s20] =	ssyncset.done $0x0  }
0x27: {  	[sflag:s20] =	ssyncadd.s32 $0xFFFFD800  }
0x28: {  	[spmem:s1] =	stream.indirect.scatter.add.f32 [tilespmem:s18], [sflag:$0x5], $0x80, s2, s21, $0xb8;
	[tilespmem:$0x19100] =	vst v63  }
0x29: {  	_ = 	snop  }
0x2a: {  	[tilespmem:s22], [sflag:$0x2] =	stream.linear.gather [hbm4b:s11+s2], $0x50, $0x38;
	[tilespmem:$0x19100] =	vst v63  }
0x2b: {  	_ = 	snop  }
0x2c: {  	[tilespmem:s23], [sflag:$0x4] =	stream.linear.gather [hbm4b:s12+s2], $0x2800, $0x38;
	[tilespmem:$0x19100] =	vst v63  }
0x2d: {  	_ =	swait.ge [sflag:s25], $0x50  }
0x2e: {  	[sflag:s25] =	ssyncset.done $0x0  }
0x2f: {  	[sflag:s25] =	ssyncadd.s32 $0xFFFFFFB0  }
0x30: {  	_ =	swait.ge [sflag:s26], $0x2800  }
0x31: {  	[sflag:s26] =	ssyncset.done $0x0  }
0x32: {  	[sflag:s26] =	ssyncadd.s32 $0xFFFFD800  }
0x33: {  	[spmem:s1] =	stream.indirect.scatter.add.f32 [tilespmem:s23], [sflag:$0x6], $0x80, s22, s21, $0xb8;
	[tilespmem:$0x19100] =	vst v63  }
0x34: {  	_ =	swait.ge [sflag:s28], $0x2800  }
0x35: {  	[sflag:s28] =	ssyncset.done $0x0  }
0x36: {  	s4 =	sadd.s32 $0x0, s15;
	[sflag:s28] =	ssyncadd.s32 $0xFFFFD800  }
0x37: {  	[tilespmem:s2], [sflag:$0x1] =	stream.linear.gather [hbm4b:s4+s2], $0x50, $0x38;
	[tilespmem:$0x19100] =	vst v63  }
0x38: {  	s3 =	sadd.s32 $0xFFFFFB00, s13  }
0x39: {  	[tilespmem:s18], [sflag:$0x3] =	stream.linear.gather [hbm4b:s3+s2], $0x2800, $0x38;
	[tilespmem:$0x19100] =	vst v63  }
0x3a: {  	_ =	swait.ge [sflag:s19], $0x50  }
0x3b: {  	[sflag:s19] =	ssyncset.done $0x0  }
0x3c: {  	[sflag:s19] =	ssyncadd.s32 $0xFFFFFFB0  }
0x3d: {  	_ =	swait.ge [sflag:s20], $0x2800  }
0x3e: {  	[sflag:s20] =	ssyncset.done $0x0  }
0x3f: {  	[sflag:s20] =	ssyncadd.s32 $0xFFFFD800  }
0x40: {  	[spmem:s1] =	stream.indirect.scatter.add.f32 [tilespmem:s18], [sflag:$0x5], $0x80, s2, s21, $0xb8;
	[tilespmem:$0x19100] =	vst v63  }
0x41: {  	_ =	swait.ge [sflag:s29], $0x2800  }
0x42: {  	[sflag:s29] =	ssyncset.done $0x0  }
0x43: {  	s4 =	sadd.s32 $0x0, s14;
	[sflag:s29] =	ssyncadd.s32 $0xFFFFD800  }
0x44: {  	[tilespmem:s22], [sflag:$0x2] =	stream.linear.gather [hbm4b:s4+s2], $0x50, $0x38;
	[tilespmem:$0x19100] =	vst v63  }
0x45: {  	_ = 	snop  }
0x46: {  	[tilespmem:s23], [sflag:$0x4] =	stream.linear.gather [hbm4b:s13+s2], $0x2800, $0x38;
	[tilespmem:$0x19100] =	vst v63  }
0x47: {  	_ =	swait.ge [sflag:s25], $0x50  }
0x48: {  	[sflag:s25] =	ssyncset.done $0x0  }
0x49: {  	[sflag:s25] =	ssyncadd.s32 $0xFFFFFFB0  }
0x4a: {  	_ =	swait.ge [sflag:s26], $0x2800  }
0x4b: {  	[sflag:s26] =	ssyncset.done $0x0  }
0x4c: {  	s31 =	simm.s32 $0x14;
	s0 =	sadd.s32 $0xA00, s13;
	[sflag:s26] =	ssyncadd.s32 $0xFFFFD800  }
.LBB2_2:
0x4d: {  	[spmem:s1] =	stream.indirect.scatter.add.f32 [tilespmem:s23], [sflag:$0x6], $0x80, s22, s21, $0xb8;
	[tilespmem:$0x19100] =	vst v63  }
0x4e: {  	s3 =	smov.u32 s31  }
0x4f: {  	p0 =	sne.s32 s31, $0x140;
	s31 =	sadd.s32 $0x14, s31;
	_ =	swait.ge [sflag:s28], $0x2800  }
0x50: {  	[sflag:s28] =	ssyncset.done $0x0  }
0x51: {  	s4 =	sadd.s32 s3, s15;
	[sflag:s28] =	ssyncadd.s32 $0xFFFFD800  }
0x52: {  	[tilespmem:s2], [sflag:$0x1] =	stream.linear.gather [hbm4b:s4+s2], $0x50, $0x38;
	[tilespmem:$0x19100] =	vst v63  }
0x53: {  	s4 =	sadd.s32 $0xFFFFFB00, s0  }
0x54: {  	[tilespmem:s18], [sflag:$0x3] =	stream.linear.gather [hbm4b:s4+s2], $0x2800, $0x38;
	[tilespmem:$0x19100] =	vst v63  }
0x55: {  	_ =	swait.ge [sflag:s19], $0x50  }
0x56: {  	[sflag:s19] =	ssyncset.done $0x0  }
0x57: {  	[sflag:s19] =	ssyncadd.s32 $0xFFFFFFB0  }
0x58: {  	_ =	swait.ge [sflag:s20], $0x2800  }
0x59: {  	[sflag:s20] =	ssyncset.done $0x0  }
0x5a: {  	[sflag:s20] =	ssyncadd.s32 $0xFFFFD800  }
0x5b: {  	[spmem:s1] =	stream.indirect.scatter.add.f32 [tilespmem:s18], [sflag:$0x5], $0x80, s2, s21, $0xb8;
	[tilespmem:$0x19100] =	vst v63  }
0x5c: {  	_ =	swait.ge [sflag:s29], $0x2800  }
0x5d: {  	[sflag:s29] =	ssyncset.done $0x0  }
0x5e: {  	s3 =	sadd.s32 s3, s14;
	[sflag:s29] =	ssyncadd.s32 $0xFFFFD800  }
0x5f: {  	[tilespmem:s22], [sflag:$0x2] =	stream.linear.gather [hbm4b:s3+s2], $0x50, $0x38;
	[tilespmem:$0x19100] =	vst v63  }
0x60: {  	_ = 	snop  }
0x61: {  	[tilespmem:s23], [sflag:$0x4] =	stream.linear.gather [hbm4b:s0+s2], $0x2800, $0x38;
	[tilespmem:$0x19100] =	vst v63  }
0x62: {  	_ =	swait.ge [sflag:s25], $0x50  }
.Ltmp0:
0x63: {  	[sflag:s25] =	ssyncset.done $0x0;
	(pc) =	sbr.rel @p0 .LBB2_2-.Ltmp0, $4  }
0x64: {  	[sflag:s25] =	ssyncadd.s32 $0xFFFFFFB0  }
0x65: {  	_ =	swait.ge [sflag:s26], $0x2800  }
0x66: {  	[sflag:s26] =	ssyncset.done $0x0  }
0x67: {  	s0 =	sadd.s32 $0xA00, s0;
	[sflag:s26] =	ssyncadd.s32 $0xFFFFD800  }
0x68: {  	[spmem:s1] =	stream.indirect.scatter.add.f32 [tilespmem:s23], [sflag:$0x6], $0x80, s22, s21, $0xb8;
	[tilespmem:$0x19100] =	vst v63  }
0x69: {  	_ =	swait.ge [sflag:s28], $0x2800  }
0x6a: {  	[sflag:s28] =	ssyncset.done $0x0  }
0x6b: {  	[sflag:s28] =	ssyncadd.s32 $0xFFFFD800  }
0x6c: {  	[tilespmem:s2], [sflag:$0x1] =	stream.linear.gather [hbm4b:s6+s2], $0x50, $0x38;
	[tilespmem:$0x19100] =	vst v63  }
0x6d: {  	_ = 	snop  }
0x6e: {  	[tilespmem:s18], [sflag:$0x3] =	stream.linear.gather [hbm4b:s7+s2], $0x2800, $0x38;
	[tilespmem:$0x19100] =	vst v63  }
0x6f: {  	_ =	swait.ge [sflag:s19], $0x50  }
0x70: {  	[sflag:s19] =	ssyncset.done $0x0  }
0x71: {  	[sflag:s19] =	ssyncadd.s32 $0xFFFFFFB0  }
0x72: {  	_ =	swait.ge [sflag:s20], $0x2800  }
0x73: {  	[sflag:s20] =	ssyncset.done $0x0  }
0x74: {  	[sflag:s20] =	ssyncadd.s32 $0xFFFFD800  }
0x75: {  	[spmem:s1] =	stream.indirect.scatter.add.f32 [tilespmem:s18], [sflag:$0x5], $0x80, s2, s21, $0xb8;
	[tilespmem:$0x19100] =	vst v63  }
0x76: {  	_ =	swait.ge [sflag:s28], $0x2800  }
0x77: {  	[sflag:s28] =	ssyncset.done $0x0  }
0x78: {  	[sflag:s28] =	ssyncadd.s32 $0xFFFFD800  }
0x79: {  	_ =	swait.ge [sflag:s29], $0x2800  }
0x7a: {  	s30 =	sadd.s32 $0x1, s30;
	[sflag:s29] =	ssyncset.done $0x0  }
0x7b: {  	p0 =	sne.s32 s30, s8;
	[sflag:s29] =	ssyncadd.s32 $0xFFFFD800  }
.Ltmp1:
0x7c: {  	[bflag:$0x0] =	sbarrier.arrive $0xFFFF;
	(pc) =	sbr.rel @p0 .LBB2_1-.Ltmp1, $4  }
0x7d: {  	[hbm:s24], [sflag:s5] =	dma.local [spmem:s16], $0x2800  }
0x7e: {  	_ =	swait.ge [sflag:s17], $0x2800  }
0x7f: {  	[sflag:s17] =	ssyncset.done $0x0  }
0x80: {  	[sflag:s17] =	ssyncadd.s32 $0xFFFFD800  }
0x81: {  	_ =	sfence.sel $0x180000  }
0x82: {  	[bflag:$0x0] =	sbarrier.arrive $0xFFFF  }
0x83: {  	_ =	strace $0x90000053  }
0x84: {  	s0 =	stileid.u32;
	[bflag:$0x2] =	sbarrier.arrive $0xFFFF  }
0x85: {  	p0 =	sne.s32 s0, $0x0;
	s0 =	rddreg [dreg:$0x2]  }
0x86: {  	s0 =	sadd.s32 @!p0 $0x100000, s0  }
0x87: {  	[sflag:s0] =	ssyncadd.tile.s32 @!p0 $0x1;
	_ =	shalt  }
.Lfunc_end2:
_tile_overlayer_lowered:
.L_overlay_start_2:
0x88: {  	(tag) =	ssettag $0x2  }
0x89: {  	s0 =	rddreg [dreg:$0x0];
	s2 =	stileid.u32  }
0x8a: {  	s1 =	rddreg [dreg:$0x1];
	p0 =	sne.s32 s2, $0x0  }
0x8b: {  	s3 =	rddreg [dreg:$0x2];
	[bflag:$0x3] =	sbarrier.arrive $0xFFFF;
	s2 =	simm.s32 @!p0 $0x1C07  }
0x8c: {  	[timem:s3], [sflag:s2] =	dma.local @!p0 [hbm:s0], s1  }
0x8d: {  	s0 =	simm.s32 @!p0 $0x7  }
0x8e: {  	_ =	swait.ge @!p0 [sflag:s0], s1  }
0x8f: {  	s1 =	ssub.s32 @!p0 $0x0, s1;
	[sflag:s0] =	ssyncset.done @!p0 $0x0  }
0x90: {  	[sflag:s0] =	ssyncadd.s32 @!p0 s1  }
0x91: {  	[bflag:$0x3] =	sbarrier.arrive $0xFFFF  }
0x92: {  	_ =	shalt  }

// kernel: sc_scatter_2.3.cloned.1.call-start
scs
__scs_entry_jumppad:
0x0: {  	(pc) =	sbr.rel $0x88, $3  }
0x1: {  	(tag) =	ssettag $0x0;
	lr =	simm.s32 $0x1  }
0x2: {  	[smem:$0x3F8F] =	sst lr;
	_ =	strace $0xD0000000  }
0x3: {  	_ = 	snop  }
0x4: {  	_ = 	snop  }
0x5: {  	_ = 	snop  }
0x6: {  	_ = 	snop  }
0x7: {  	_ = 	snop  }
__scs_overlays_trampoline_lowered:
0x8: {  	[smem:$0x3F9E] =	sst s0  }
0x9: {  	[smem:$0x3F9F] =	sst s1  }
0xa: {  	[smem:$0x3FA0] =	sst s2  }
0xb: {  	[smem:$0x3FA1] =	sst s3  }
0xc: {  	[smem:$0x3FA2] =	sst s4  }
0xd: {  	[smem:$0x3FA3] =	sst s5  }
0xe: {  	[smem:$0x3FA4] =	sst s6  }
0xf: {  	[smem:$0x3FA5] =	sst s7  }
0x10: {  	[smem:$0x3FA6] =	sst s8  }
0x11: {  	[smem:$0x3FA7] =	sst s9;
	s0 =	simm.s32 @!p0 $0x0  }
0x12: {  	s1 =	sld [smem:$0x3F8D];
	s0 =	simm.s32 @p0 $0x1  }
0x13: {  	[smem:$0x3FA8] =	sst s0;
	s0 =	simm.s32 @!p1 $0x0  }
0x14: {  	s2 =	sld [smem:$0x3F8C];
	s0 =	simm.s32 @p1 $0x1  }
0x15: {  	[smem:$0x3FA9] =	sst s0;
	s0 =	simm.s32 @!p2 $0x0  }
0x16: {  	s3 =	sld [smem:$0x3FDB];
	s0 =	simm.s32 @p2 $0x1  }
0x17: {  	s4 =	simm.s32 $0x1BF5;
	[smem:$0x3FAB] =	sst s0  }
0x18: {  	s0 =	sld [smem:$0x3F8E];
	_ =	swait.ge [sflag:s4], $0x0  }
0x19: {  	s7 =	sld [smem:$0x3F8F]  }
0x1a: {  	s8 =	sadd.s32 $0xFFFFE003, lr  }
0x1b: {  	s9 =	sadd.s32 $0xFFFFFEF7, lr;
	s5 =	simm.s32 $0xFFFFFFFF;
	p2 =	slt.u32 s8, $0xFFFFF086  }
0x1c: {  	p1 =	slt.u32 s9, $0xF7A;
	s5 =	simm.s32 @!p2 $0x0  }
0x1d: {  	s5 =	simm.s32 @p1 $0x1;
	p0 =	seq.s32 s7, s2  }
0x1e: {  	s7 =	smul.u32 @!p0 $0xF7A, s2;
	p2 =	seq.s32 @!p0 s5, $0x0  }
0x1f: {  	s9 =	smul.u32 $0xF7A, s1;
	s8 =	simm.s32 @!p0 $0x1BF5;
	p2 =	por !p2, p0  }
0x20: {  	[sflag:s8] =	ssyncset.s32 @!p0 $0xFFFFF086;
	s6 =	sadd.s32 @!p0 s3, s7;
	s7 =	simm.s32 @!p0 $0x108  }
0x21: {  	s3 =	sadd.s32 s3, s9;
	s6 =	sadd.s32 @!p0 $0x88, s6;
	s7 =	simm.s32 @p2 $0x1082  }
0x22: {  	[simem:s7], [sflag:s8] =	dma.local @!p0 [hbm:s6], $0xF7A  }
0x23: {  	s9 =	sor.u32 $0xD0000000, s2;
	s6 =	simm.s32 $0x108;
	_ =	swait.ge @!p0 [sflag:s8], $0x0  }
0x24: {  	s3 =	sadd.s32 $0x88, s3;
	s6 =	simm.s32 @!p1 $0x1082;
	[sflag:s4] =	ssyncset.s32 $0xFFFFF086  }
0x25: {  	[simem:s6], [sflag:s4] =	dma.local [hbm:s3], $0xF7A  }
0x26: {  	[smem:$0x3F8F] =	sst s1;
	(tag) =	ssettag s2;
	_ =	strace s9  }
0x27: {  	s1 =	sld [smem:$0x3F9F]  }
0x28: {  	s2 =	sld [smem:$0x3FA0]  }
0x29: {  	s4 =	sld [smem:$0x3FA2]  }
0x2a: {  	p0 =	seq.s32 s5, $0x0;
	s5 =	sld [smem:$0x3FA3]  }
0x2b: {  	s6 =	sld [smem:$0x3FA4]  }
0x2c: {  	s7 =	sld [smem:$0x3FA5]  }
0x2d: {  	s3 =	simm.s32 $0x108;
	s8 =	sld [smem:$0x3FA6]  }
0x2e: {  	s3 =	simm.s32 @!p0 $0x1082;
	s9 =	sld [smem:$0x3FA7]  }
0x2f: {  	lr =	sadd.s32 s0, s3;
	s0 =	sld [smem:$0x3F9E]  }
0x30: {  	s3 =	sld [smem:$0x3FA1]  }
0x31: {  	[smem:$0x3FAA] =	sst s10  }
0x32: {  	s10 =	sld [smem:$0x3FA8];
	_ =	sdelay $0x3  }
0x33: {  	p0 =	seq.s32 s10, $0x1;
	s10 =	sld [smem:$0x3FAA];
	_ =	sdelay $0x3  }
0x34: {  	[smem:$0x3FAA] =	sst s10  }
0x35: {  	s10 =	sld [smem:$0x3FA9];
	_ =	sdelay $0x3  }
0x36: {  	p1 =	seq.s32 s10, $0x1;
	s10 =	sld [smem:$0x3FAA];
	_ =	sdelay $0x3  }
0x37: {  	[smem:$0x3FAA] =	sst s10  }
0x38: {  	s10 =	sld [smem:$0x3FAB]  }
0x39: {  	_ = 	snop;
	(pc) =	sbr.ind lr, $3  }
0x3a: {  	_ = 	snop  }
0x3b: {  	_ = 	snop  }
0x3c: {  	p2 =	seq.s32 s10, $0x1;
	s10 =	sld [smem:$0x3FAA]  }
0x3d: {  	_ =	shalt  }
0x3e: {  	_ =	shalt  }
0x3f: {  	_ =	shalt  }
0x40: {  	_ =	shalt  }
0x41: {  	_ =	shalt  }
0x42: {  	_ =	shalt  }
0x43: {  	_ =	shalt  }
0x44: {  	_ =	shalt  }
0x45: {  	_ =	shalt  }
0x46: {  	_ =	shalt  }
0x47: {  	_ =	shalt  }
0x48: {  	_ =	shalt  }
0x49: {  	_ =	shalt  }
0x4a: {  	_ =	shalt  }
0x4b: {  	_ =	shalt  }
0x4c: {  	_ =	shalt  }
0x4d: {  	_ =	shalt  }
0x4e: {  	_ =	shalt  }
0x4f: {  	_ =	shalt  }
0x50: {  	_ =	shalt  }
0x51: {  	_ =	shalt  }
0x52: {  	_ =	shalt  }
0x53: {  	_ =	shalt  }
0x54: {  	_ =	shalt  }
0x55: {  	_ =	shalt  }
0x56: {  	_ =	shalt  }
0x57: {  	_ =	shalt  }
0x58: {  	_ =	shalt  }
0x59: {  	_ =	shalt  }
0x5a: {  	_ =	shalt  }
0x5b: {  	_ =	shalt  }
0x5c: {  	_ =	shalt  }
0x5d: {  	_ =	shalt  }
0x5e: {  	_ =	shalt  }
0x5f: {  	_ =	shalt  }
0x60: {  	_ =	shalt  }
0x61: {  	_ =	shalt  }
0x62: {  	_ =	shalt  }
0x63: {  	_ =	shalt  }
0x64: {  	_ =	shalt  }
0x65: {  	_ =	shalt  }
0x66: {  	_ =	shalt  }
0x67: {  	_ =	shalt  }
0x68: {  	_ =	shalt  }
0x69: {  	_ =	shalt  }
0x6a: {  	_ =	shalt  }
0x6b: {  	_ =	shalt  }
0x6c: {  	_ =	shalt  }
0x6d: {  	_ =	shalt  }
0x6e: {  	_ =	shalt  }
0x6f: {  	_ =	shalt  }
0x70: {  	_ =	shalt  }
0x71: {  	_ =	shalt  }
0x72: {  	_ =	shalt  }
0x73: {  	_ =	shalt  }
0x74: {  	_ =	shalt  }
0x75: {  	_ =	shalt  }
0x76: {  	_ =	shalt  }
0x77: {  	_ =	shalt  }
0x78: {  	_ =	shalt  }
0x79: {  	_ =	shalt  }
0x7a: {  	_ =	shalt  }
0x7b: {  	_ =	shalt  }
0x7c: {  	_ =	shalt  }
0x7d: {  	_ =	shalt  }
0x7e: {  	_ =	shalt  }
0x7f: {  	_ =	shalt  }
0x80: {  	_ =	shalt  }
0x81: {  	_ =	shalt  }
0x82: {  	_ =	shalt  }
0x83: {  	_ =	shalt  }
0x84: {  	_ =	shalt  }
0x85: {  	_ =	shalt  }
0x86: {  	_ =	shalt  }
0x87: {  	_ =	shalt  }
.Lfunc_end0:
.L_simem_size_0:
called_computation.6_lowered:
.L_overlay_start_0:
0x88: {  	s2 =	sld [smem:$0x3FD9]  }
0x89: {  	s3 =	sld [smem:$0x3FFE];
	_ =	sdelay $0x1  }
0x8a: {  	s1 =	srdreg.scid  }
0x8b: {  	s0 =	sand.u32 $0x1, s1  }
0x8c: {  	s17 =	sshll.u32 s0, $0xA;
	s2 =	sadd.s32 s3, s2  }
0x8d: {  	s2 =	sadd.s32 s2, s17  }
0x8e: {  	[smem:$0x3FB6] =	sst s2  }
0x8f: {  	_ = 	snop  }
0x90: {  	(tm) =	ssettm $0x1  }
0x91: {  	s18 =	sld [smem:$0x3FFB];
	_ =	sdelay $0x3  }
0x92: {  	_ =	strace s18  }
0x93: {  	s2 =	sld [smem:$0x3FFC];
	_ =	sdelay $0x3  }
0x94: {  	_ =	strace s2  }
0x95: {  	s2 =	sld [smem:$0x3FFD];
	_ =	sdelay $0x3  }
0x96: {  	_ =	strace s2  }
0x97: {  	_ =	strace $0x8FFFFFFF  }
0x98: {  	s19 =	sld [smem:$0x3FDB];
	_ =	sdelay $0x1  }
0x99: {  	s20 =	simm.s32 $_scs_section_size  }
0x9a: {  	s4 =	simm.s32 $_size__tile_overlayer_lowered;
	s5 =	simm.s32 $_tile_overlayer_lowered  }
0x9b: {  	s6 =	simm.s32 $0x1BFF;
	s21 =	sshll.u32 s5, $0x1;
	s3 =	sadd.s32 s20, s19  }
0x9c: {  	s22 =	simm.s32 $0x0;
	s4 =	sshll.u32 s4, $0x1;
	s5 =	sadd.s32 s21, s3  }
0x9d: {  	[timem:s22], [sflag:s6] =	dma.local [hbm:s5], s4  }
0x9e: {  	_ =	swait.ge [sflag:s6], s4  }
0x9f: {  	s4 =	ssub.s32 $0x0, s4;
	[sflag:s6] =	ssyncset.done $0x0  }
0xa0: {  	[sflag:s6] =	ssyncadd.s32 s4;
	_ =	sdelay $0x1  }
0xa1: {  	s23 =	simm.s32 $0x1B8B  }
0xa2: {  	_ =	swait.ge [sflag:s23], $0x1  }
0xa3: {  	[sflag:s23] =	ssyncset.done $0x0  }
0xa4: {  	[sflag:s23] =	ssyncadd.s32 $0xFFFFFFFF  }
0xa5: {  	s4 =	sld [smem:$0x0]  }
0xa6: {  	s5 =	sand.u32 $0xFFFFFFFE, s1  }
0xa7: {  	p0 =	sne.s32 s1, s5  }
0xa8: {  	s5 =	sshll.u32 @p0 s5, $0xE  }
0xa9: {  	s5 =	sadd.s32 @p0 $0x11B8D, s5;
	s6 =	sshll.u32 @p0 s4, $0x11  }
0xaa: {  	s5 =	sor.u32 @p0 s6, s5  }
0xab: {  	[sflag:s5] =	ssyncadd.remote.s32 @p0 $0x1;
	_ =	sdelay $0x1  }
0xac: {  	s5 =	simm.s32 @p0 $0x1B8D  }
0xad: {  	_ =	swait.eq @p0 [sflag:s5], $0x1  }
0xae: {  	[sflag:s5] =	ssyncadd.s32 @p0 $0xFFFFFFFF  }
0xaf: {  	s6 =	sshll.u32 @!p0 s1, $0xE  }
0xb0: {  	s6 =	sor.u32 @!p0 $0x4000, s6;
	s5 =	simm.s32 @!p0 $0x1B8D  }
0xb1: {  	s4 =	sshll.u32 @!p0 s4, $0x11;
	s6 =	sadd.s32 @!p0 $0x11B8D, s6;
	_ =	swait.eq @!p0 [sflag:s5], $0x1  }
0xb2: {  	s4 =	sor.u32 @!p0 s4, s6;
	[sflag:s5] =	ssyncadd.s32 @!p0 $0xFFFFFFFF  }
0xb3: {  	s25 =	simm.s32 $0x1B8E;
	s24 =	sld [smem:$0x3FFE];
	[sflag:s4] =	ssyncadd.remote.s32 @!p0 $0x1  }
0xb4: {  	s26 =	simm.s32 $execute0_lowered;
	[smem:$0x3FD2] =	sst s25  }
0xb5: {  	s5 =	sshll.u32 s26, $0x1;
	_ =	strace $0x80000055;
	[dreg:$0x1] =	wrdreg $0xFFFFFFFF  }
0xb6: {  	s28 =	simm.s32 $_size_execute0_lowered;
	s3 =	sadd.s32 s3, s5;
	[dreg:$0x0] =	wrdreg $0x0  }
0xb7: {  	s5 =	sshll.u32 s28, $0x1;
	[dreg:$0x2] =	wrdreg s3  }
0xb8: {  	[dreg:$0x3] =	wrdreg s5  }
0xb9: {  	[dreg:$0x4] =	wrdreg $0xC0  }
0xba: {  	_ =	task [dreg:s22], $0x5FFFF  }
0xbb: {  	[dreg:$0x1] =	wrdreg $0xFFFFFFFF  }
0xbc: {  	[dreg:$0x0] =	wrdreg $0x60  }
0xbd: {  	[dreg:$0x2] =	wrdreg s24  }
0xbe: {  	[dreg:$0x3] =	wrdreg $0x51000  }
0xbf: {  	[dreg:$0x4] =	wrdreg $0xC  }
0xc0: {  	_ =	task.clear_ibuf [dreg:s22], $0x5FFFF;
	_ =	strace $0x90000055  }
0xc1: {  	s29 =	simm.s32 $0xC;
	_ =	strace $0x80000057  }
0xc2: {  	_ =	swait.ge [sflag:s29], $0x1  }
0xc3: {  	[sflag:s29] =	ssyncadd.s32 $0xFFFFFFFF  }
0xc4: {  	_ =	strace $0x90000057  }
0xc5: {  	_ =	sfence  }
0xc6: {  	s30 =	sld [smem:$0x0];
	_ =	sdelay $0x2  }
0xc7: {  	s31 =	sshll.u32 s1, $0xD;
	s1 =	sshrl.u32 s1, $0x2  }
0xc8: {  	s4 =	sand.u32 $0x4000, s31;
	s1 =	sadd.s32 s1, s30  }
0xc9: {  	s0 =	sor.u32 s4, s0;
	s1 =	sshll.u32 s1, $0x11  }
0xca: {  	s0 =	sor.u32 s1, s0  }
0xcb: {  	s0 =	sadd.s32 $0x8F2B, s0  }
0xcc: {  	[sflag:s0] =	ssyncadd.remote.s32 $0x1  }
0xcd: {  	_ =	sfence.sel $0xFFFF  }
0xce: {  	[dreg:$0x0] =	wrdreg $0xFFFFFFFF;
	(pc) =	sbr.abs _section_cstart, $3  }
0xcf: {  	[dreg:$0x1] =	wrdreg $0xFFFFFFFF  }
0xd0: {  	_ =	task.clear_ibuf [dreg:s22], $0x2FFFF;
	_ =	strace $0x9FFFFFFF  }
0xd1: {  	(tm) =	ssettm $0x7FFFFFFF  }
tec
execute0_lowered:
.L_overlay_start_1:
0x0: {  	(tag) =	ssettag $0x1  }
0x1: {  	s0 =	rddreg [dreg:$0x0]  }
0x2: {  	s1 =	rddreg [dreg:$0x1];
	s2 =	simm.s32 $0x0;
	s3 =	srdreg.scid  }
0x3: {  	s4 =	stileid.u32;
	s28 =	simm.s32 $0x5;
	s29 =	simm.s32 $0x6  }
0x4: {  	s30 =	simm.s32 $0x0;
	[smem:$0x7FF] =	sst s2;
	s7 =	smul.u32 $0x50000, s4  }
0x5: {  	s13 =	sadd.s32 $0x6BA00, s0;
	s15 =	sadd.s32 $0xF400, s0;
	s18 =	smul.u32 $0xB90, s4  }
0x6: {  	s12 =	sand.u32 $0x1, s3;
	s31 =	sadd.s32 $0x19200, s0;
	s26 =	smul.u32 $0xB900, s4  }
0x7: {  	s23 =	sshll.u32 s4, $0x6;
	_ =	strace $0x80000056;
	s5 =	smul.u32 $0x28000, s12  }
0x8: {  	[dreg:$0x3] =	wrdreg s31;
	s8 =	sshll.u32 s12, $0x4;
	s17 =	smul.u32 $0xB900, s12  }
0x9: {  	s6 =	ssub.s32 $0x2, s12;
	s19 =	smul.u32 $0xB9000, s12;
	s8 =	sor.u32 s4, s8  }
0xa: {  	s20 =	sshrl.u32 s6, $0x1;
	s21 =	sshrl.u32 s7, $0x2;
	s22 =	smul.u32 $0xB90, s8  }
0xb: {  	s0 =	sadd.s32 s5, s0;
	s9 =	ssub.s32 s6, s20;
	s24 =	smul.u32 $0x5C800, s8  }
0xc: {  	s16 =	sadd.s32 s21, s1;
	s5 =	sor.u32 $0x1C07, s23;
	s10 =	smul.u32 $0xB900, s8  }
0xd: {  	s17 =	sadd.s32 s18, s17;
	s20 =	simm.s32 $0x3;
	s21 =	simm.s32 $0x50  }
0xe: {  	s23 =	simm.s32 $0x2900;
	s0 =	sadd.s32 $0x1DDA00, s0;
	s8 =	smax.u32 s9, $0x1  }
0xf: {  	s18 =	sadd.s32 $0x28AF0, s17;
	s17 =	sadd.s32 $0x28AA0, s17;
	s16 =	sshrl.u32 s16, $0x3  }
0x10: {  	s14 =	sshll.u32 s22, $0x4;
	s6 =	sshrl.u32 s22, $0x3;
	s7 =	sshrl.u32 s24, $0x3  }
0x11: {  	s24 =	smul.u32 $0x2800, s4;
	s10 =	sadd.s32 s13, s10;
	s31 =	sshrl.u32 s18, $0x3  }
0x12: {  	s17 =	sshrl.u32 s17, $0x3;
	s18 =	simm.s32 $0x100;
	s22 =	simm.s32 $0x80  }
0x13: {  	s11 =	sadd.s32 s15, s6;
	s7 =	sadd.s32 s13, s7;
	s25 =	sadd.s32 s13, s14  }
0x14: {  	s13 =	sadd.s32 s19, s13;
	s14 =	sadd.s32 s31, s15;
	s15 =	sadd.s32 s17, s15  }
0x15: {  	s17 =	simm.s32 $0x7;
	s19 =	simm.s32 $0x1;
	s6 =	sadd.s32 $0x52A8, s11  }
0x16: {  	s7 =	sadd.s32 $0xB400, s7;
	s9 =	sadd.s32 $0x5140, s11;
	s11 =	sadd.s32 $0x514A, s11  }
0x17: {  	s12 =	sadd.s32 $0x500, s25;
	s13 =	sadd.s32 s26, s13;
	s24 =	sadd.s32 s24, s0  }
0x18: {  	s25 =	simm.s32 $0x2;
	s26 =	simm.s32 $0x4;
	s13 =	sadd.s32 $0xF00, s13  }
.LBB2_1:
0x19: {  	s0 =	rddreg [dreg:$0x3]  }
0x1a: {  	[spmem:s16], [sflag:s5] =	dma.local [hbm:s0], $0x2800  }
0x1b: {  	_ =	swait.ge [sflag:s17], $0x2800  }
0x1c: {  	[sflag:s17] =	ssyncset.done $0x0  }
0x1d: {  	[sflag:s17] =	ssyncadd.s32 $0xFFFFD800  }
0x1e: {  	[bflag:$0x0] =	sbarrier.arrive $0xFFFF  }
0x1f: {  	[tilespmem:s2], [sflag:$0x1] =	stream.linear.gather [hbm4b:s9+s2], $0x50, $0x38;
	[tilespmem:$0x19100] =	vst v63  }
0x20: {  	_ = 	snop  }
0x21: {  	[tilespmem:s18], [sflag:$0x3] =	stream.linear.gather [hbm4b:s10+s2], $0x2800, $0x38;
	[tilespmem:$0x19100] =	vst v63  }
0x22: {  	_ =	swait.ge [sflag:s19], $0x50  }
0x23: {  	[sflag:s19] =	ssyncset.done $0x0  }
0x24: {  	[sflag:s19] =	ssyncadd.s32 $0xFFFFFFB0  }
0x25: {  	_ =	swait.ge [sflag:s20], $0x2800  }
0x26: {  	[sflag:s20] =	ssyncset.done $0x0  }
0x27: {  	[sflag:s20] =	ssyncadd.s32 $0xFFFFD800  }
0x28: {  	[spmem:s1] =	stream.indirect.scatter.add.f32 [tilespmem:s18], [sflag:$0x5], $0x80, s2, s21, $0xb8;
	[tilespmem:$0x19100] =	vst v63  }
0x29: {  	_ = 	snop  }
0x2a: {  	[tilespmem:s22], [sflag:$0x2] =	stream.linear.gather [hbm4b:s11+s2], $0x50, $0x38;
	[tilespmem:$0x19100] =	vst v63  }
0x2b: {  	_ = 	snop  }
0x2c: {  	[tilespmem:s23], [sflag:$0x4] =	stream.linear.gather [hbm4b:s12+s2], $0x2800, $0x38;
	[tilespmem:$0x19100] =	vst v63  }
0x2d: {  	_ =	swait.ge [sflag:s25], $0x50  }
0x2e: {  	[sflag:s25] =	ssyncset.done $0x0  }
0x2f: {  	[sflag:s25] =	ssyncadd.s32 $0xFFFFFFB0  }
0x30: {  	_ =	swait.ge [sflag:s26], $0x2800  }
0x31: {  	[sflag:s26] =	ssyncset.done $0x0  }
0x32: {  	[sflag:s26] =	ssyncadd.s32 $0xFFFFD800  }
0x33: {  	[spmem:s1] =	stream.indirect.scatter.add.f32 [tilespmem:s23], [sflag:$0x6], $0x80, s22, s21, $0xb8;
	[tilespmem:$0x19100] =	vst v63  }
0x34: {  	_ =	swait.ge [sflag:s28], $0x2800  }
0x35: {  	[sflag:s28] =	ssyncset.done $0x0  }
0x36: {  	s4 =	sadd.s32 $0x0, s15;
	[sflag:s28] =	ssyncadd.s32 $0xFFFFD800  }
0x37: {  	[tilespmem:s2], [sflag:$0x1] =	stream.linear.gather [hbm4b:s4+s2], $0x50, $0x38;
	[tilespmem:$0x19100] =	vst v63  }
0x38: {  	s3 =	sadd.s32 $0xFFFFFB00, s13  }
0x39: {  	[tilespmem:s18], [sflag:$0x3] =	stream.linear.gather [hbm4b:s3+s2], $0x2800, $0x38;
	[tilespmem:$0x19100] =	vst v63  }
0x3a: {  	_ =	swait.ge [sflag:s19], $0x50  }
0x3b: {  	[sflag:s19] =	ssyncset.done $0x0  }
0x3c: {  	[sflag:s19] =	ssyncadd.s32 $0xFFFFFFB0  }
0x3d: {  	_ =	swait.ge [sflag:s20], $0x2800  }
0x3e: {  	[sflag:s20] =	ssyncset.done $0x0  }
0x3f: {  	[sflag:s20] =	ssyncadd.s32 $0xFFFFD800  }
0x40: {  	[spmem:s1] =	stream.indirect.scatter.add.f32 [tilespmem:s18], [sflag:$0x5], $0x80, s2, s21, $0xb8;
	[tilespmem:$0x19100] =	vst v63  }
0x41: {  	_ =	swait.ge [sflag:s29], $0x2800  }
0x42: {  	[sflag:s29] =	ssyncset.done $0x0  }
0x43: {  	s4 =	sadd.s32 $0x0, s14;
	[sflag:s29] =	ssyncadd.s32 $0xFFFFD800  }
0x44: {  	[tilespmem:s22], [sflag:$0x2] =	stream.linear.gather [hbm4b:s4+s2], $0x50, $0x38;
	[tilespmem:$0x19100] =	vst v63  }
0x45: {  	_ = 	snop  }
0x46: {  	[tilespmem:s23], [sflag:$0x4] =	stream.linear.gather [hbm4b:s13+s2], $0x2800, $0x38;
	[tilespmem:$0x19100] =	vst v63  }
0x47: {  	_ =	swait.ge [sflag:s25], $0x50  }
0x48: {  	[sflag:s25] =	ssyncset.done $0x0  }
0x49: {  	[sflag:s25] =	ssyncadd.s32 $0xFFFFFFB0  }
0x4a: {  	_ =	swait.ge [sflag:s26], $0x2800  }
0x4b: {  	[sflag:s26] =	ssyncset.done $0x0  }
0x4c: {  	s31 =	simm.s32 $0x14;
	s0 =	sadd.s32 $0xA00, s13;
	[sflag:s26] =	ssyncadd.s32 $0xFFFFD800  }
.LBB2_2:
0x4d: {  	[spmem:s1] =	stream.indirect.scatter.add.f32 [tilespmem:s23], [sflag:$0x6], $0x80, s22, s21, $0xb8;
	[tilespmem:$0x19100] =	vst v63  }
0x4e: {  	s3 =	smov.u32 s31  }
0x4f: {  	p0 =	sne.s32 s31, $0x140;
	s31 =	sadd.s32 $0x14, s31;
	_ =	swait.ge [sflag:s28], $0x2800  }
0x50: {  	[sflag:s28] =	ssyncset.done $0x0  }
0x51: {  	s4 =	sadd.s32 s3, s15;
	[sflag:s28] =	ssyncadd.s32 $0xFFFFD800  }
0x52: {  	[tilespmem:s2], [sflag:$0x1] =	stream.linear.gather [hbm4b:s4+s2], $0x50, $0x38;
	[tilespmem:$0x19100] =	vst v63  }
0x53: {  	s4 =	sadd.s32 $0xFFFFFB00, s0  }
0x54: {  	[tilespmem:s18], [sflag:$0x3] =	stream.linear.gather [hbm4b:s4+s2], $0x2800, $0x38;
	[tilespmem:$0x19100] =	vst v63  }
0x55: {  	_ =	swait.ge [sflag:s19], $0x50  }
0x56: {  	[sflag:s19] =	ssyncset.done $0x0  }
0x57: {  	[sflag:s19] =	ssyncadd.s32 $0xFFFFFFB0  }
0x58: {  	_ =	swait.ge [sflag:s20], $0x2800  }
0x59: {  	[sflag:s20] =	ssyncset.done $0x0  }
0x5a: {  	[sflag:s20] =	ssyncadd.s32 $0xFFFFD800  }
0x5b: {  	[spmem:s1] =	stream.indirect.scatter.add.f32 [tilespmem:s18], [sflag:$0x5], $0x80, s2, s21, $0xb8;
	[tilespmem:$0x19100] =	vst v63  }
0x5c: {  	_ =	swait.ge [sflag:s29], $0x2800  }
0x5d: {  	[sflag:s29] =	ssyncset.done $0x0  }
0x5e: {  	s3 =	sadd.s32 s3, s14;
	[sflag:s29] =	ssyncadd.s32 $0xFFFFD800  }
0x5f: {  	[tilespmem:s22], [sflag:$0x2] =	stream.linear.gather [hbm4b:s3+s2], $0x50, $0x38;
	[tilespmem:$0x19100] =	vst v63  }
0x60: {  	_ = 	snop  }
0x61: {  	[tilespmem:s23], [sflag:$0x4] =	stream.linear.gather [hbm4b:s0+s2], $0x2800, $0x38;
	[tilespmem:$0x19100] =	vst v63  }
0x62: {  	_ =	swait.ge [sflag:s25], $0x50  }
.Ltmp0:
0x63: {  	[sflag:s25] =	ssyncset.done $0x0;
	(pc) =	sbr.rel @p0 .LBB2_2-.Ltmp0, $4  }
0x64: {  	[sflag:s25] =	ssyncadd.s32 $0xFFFFFFB0  }
0x65: {  	_ =	swait.ge [sflag:s26], $0x2800  }
0x66: {  	[sflag:s26] =	ssyncset.done $0x0  }
0x67: {  	s0 =	sadd.s32 $0xA00, s0;
	[sflag:s26] =	ssyncadd.s32 $0xFFFFD800  }
0x68: {  	[spmem:s1] =	stream.indirect.scatter.add.f32 [tilespmem:s23], [sflag:$0x6], $0x80, s22, s21, $0xb8;
	[tilespmem:$0x19100] =	vst v63  }
0x69: {  	_ =	swait.ge [sflag:s28], $0x2800  }
0x6a: {  	[sflag:s28] =	ssyncset.done $0x0  }
0x6b: {  	[sflag:s28] =	ssyncadd.s32 $0xFFFFD800  }
0x6c: {  	[tilespmem:s2], [sflag:$0x1] =	stream.linear.gather [hbm4b:s6+s2], $0x50, $0x38;
	[tilespmem:$0x19100] =	vst v63  }
0x6d: {  	_ = 	snop  }
0x6e: {  	[tilespmem:s18], [sflag:$0x3] =	stream.linear.gather [hbm4b:s7+s2], $0x2800, $0x38;
	[tilespmem:$0x19100] =	vst v63  }
0x6f: {  	_ =	swait.ge [sflag:s19], $0x50  }
0x70: {  	[sflag:s19] =	ssyncset.done $0x0  }
0x71: {  	[sflag:s19] =	ssyncadd.s32 $0xFFFFFFB0  }
0x72: {  	_ =	swait.ge [sflag:s20], $0x2800  }
0x73: {  	[sflag:s20] =	ssyncset.done $0x0  }
0x74: {  	[sflag:s20] =	ssyncadd.s32 $0xFFFFD800  }
0x75: {  	[spmem:s1] =	stream.indirect.scatter.add.f32 [tilespmem:s18], [sflag:$0x5], $0x80, s2, s21, $0xb8;
	[tilespmem:$0x19100] =	vst v63  }
0x76: {  	_ =	swait.ge [sflag:s28], $0x2800  }
0x77: {  	[sflag:s28] =	ssyncset.done $0x0  }
0x78: {  	[sflag:s28] =	ssyncadd.s32 $0xFFFFD800  }
0x79: {  	_ =	swait.ge [sflag:s29], $0x2800  }
0x7a: {  	s30 =	sadd.s32 $0x1, s30;
	[sflag:s29] =	ssyncset.done $0x0  }
0x7b: {  	p0 =	sne.s32 s30, s8;
	[sflag:s29] =	ssyncadd.s32 $0xFFFFD800  }
.Ltmp1:
0x7c: {  	[bflag:$0x0] =	sbarrier.arrive $0xFFFF;
	(pc) =	sbr.rel @p0 .LBB2_1-.Ltmp1, $4  }
0x7d: {  	[hbm:s24], [sflag:s5] =	dma.local [spmem:s16], $0x2800  }
0x7e: {  	_ =	swait.ge [sflag:s17], $0x2800  }
0x7f: {  	[sflag:s17] =	ssyncset.done $0x0  }
0x80: {  	[sflag:s17] =	ssyncadd.s32 $0xFFFFD800  }
0x81: {  	_ =	sfence.sel $0x180000  }
0x82: {  	[bflag:$0x0] =	sbarrier.arrive $0xFFFF  }
0x83: {  	_ =	strace $0x90000056  }
0x84: {  	s0 =	stileid.u32;
	[bflag:$0x2] =	sbarrier.arrive $0xFFFF  }
0x85: {  	p0 =	sne.s32 s0, $0x0;
	s0 =	rddreg [dreg:$0x2]  }
0x86: {  	s0 =	sadd.s32 @!p0 $0x100000, s0  }
0x87: {  	[sflag:s0] =	ssyncadd.tile.s32 @!p0 $0x1;
	_ =	shalt  }
.Lfunc_end2:
_tile_overlayer_lowered:
.L_overlay_start_2:
0x88: {  	(tag) =	ssettag $0x2  }
0x89: {  	s0 =	rddreg [dreg:$0x0];
	s2 =	stileid.u32  }
0x8a: {  	s1 =	rddreg [dreg:$0x1];
	p0 =	sne.s32 s2, $0x0  }
0x8b: {  	s3 =	rddreg [dreg:$0x2];
	[bflag:$0x3] =	sbarrier.arrive $0xFFFF;
	s2 =	simm.s32 @!p0 $0x1C07  }
0x8c: {  	[timem:s3], [sflag:s2] =	dma.local @!p0 [hbm:s0], s1  }
0x8d: {  	s0 =	simm.s32 @!p0 $0x7  }
0x8e: {  	_ =	swait.ge @!p0 [sflag:s0], s1  }
0x8f: {  	s1 =	ssub.s32 @!p0 $0x0, s1;
	[sflag:s0] =	ssyncset.done @!p0 $0x0  }
0x90: {  	[sflag:s0] =	ssyncadd.s32 @!p0 s1  }
0x91: {  	[bflag:$0x3] =	sbarrier.arrive $0xFFFF  }
0x92: {  	_ =	shalt  }

// kernel: sc_scatter_3.3.cloned.1.call-start
scs
__scs_entry_jumppad:
0x0: {  	(pc) =	sbr.rel $0x88, $3  }
0x1: {  	(tag) =	ssettag $0x0;
	lr =	simm.s32 $0x1  }
0x2: {  	[smem:$0x3F8F] =	sst lr;
	_ =	strace $0xD0000000  }
0x3: {  	_ = 	snop  }
0x4: {  	_ = 	snop  }
0x5: {  	_ = 	snop  }
0x6: {  	_ = 	snop  }
0x7: {  	_ = 	snop  }
__scs_overlays_trampoline_lowered:
0x8: {  	[smem:$0x3F9E] =	sst s0  }
0x9: {  	[smem:$0x3F9F] =	sst s1  }
0xa: {  	[smem:$0x3FA0] =	sst s2  }
0xb: {  	[smem:$0x3FA1] =	sst s3  }
0xc: {  	[smem:$0x3FA2] =	sst s4  }
0xd: {  	[smem:$0x3FA3] =	sst s5  }
0xe: {  	[smem:$0x3FA4] =	sst s6  }
0xf: {  	[smem:$0x3FA5] =	sst s7  }
0x10: {  	[smem:$0x3FA6] =	sst s8  }
0x11: {  	[smem:$0x3FA7] =	sst s9;
	s0 =	simm.s32 @!p0 $0x0  }
0x12: {  	s1 =	sld [smem:$0x3F8D];
	s0 =	simm.s32 @p0 $0x1  }
0x13: {  	[smem:$0x3FA8] =	sst s0;
	s0 =	simm.s32 @!p1 $0x0  }
0x14: {  	s2 =	sld [smem:$0x3F8C];
	s0 =	simm.s32 @p1 $0x1  }
0x15: {  	[smem:$0x3FA9] =	sst s0;
	s0 =	simm.s32 @!p2 $0x0  }
0x16: {  	s3 =	sld [smem:$0x3FDB];
	s0 =	simm.s32 @p2 $0x1  }
0x17: {  	s4 =	simm.s32 $0x1BF5;
	[smem:$0x3FAB] =	sst s0  }
0x18: {  	s0 =	sld [smem:$0x3F8E];
	_ =	swait.ge [sflag:s4], $0x0  }
0x19: {  	s7 =	sld [smem:$0x3F8F]  }
0x1a: {  	s8 =	sadd.s32 $0xFFFFE003, lr  }
0x1b: {  	s9 =	sadd.s32 $0xFFFFFEF7, lr;
	s5 =	simm.s32 $0xFFFFFFFF;
	p2 =	slt.u32 s8, $0xFFFFF086  }
0x1c: {  	p1 =	slt.u32 s9, $0xF7A;
	s5 =	simm.s32 @!p2 $0x0  }
0x1d: {  	s5 =	simm.s32 @p1 $0x1;
	p0 =	seq.s32 s7, s2  }
0x1e: {  	s7 =	smul.u32 @!p0 $0xF7A, s2;
	p2 =	seq.s32 @!p0 s5, $0x0  }
0x1f: {  	s9 =	smul.u32 $0xF7A, s1;
	s8 =	simm.s32 @!p0 $0x1BF5;
	p2 =	por !p2, p0  }
0x20: {  	[sflag:s8] =	ssyncset.s32 @!p0 $0xFFFFF086;
	s6 =	sadd.s32 @!p0 s3, s7;
	s7 =	simm.s32 @!p0 $0x108  }
0x21: {  	s3 =	sadd.s32 s3, s9;
	s6 =	sadd.s32 @!p0 $0x88, s6;
	s7 =	simm.s32 @p2 $0x1082  }
0x22: {  	[simem:s7], [sflag:s8] =	dma.local @!p0 [hbm:s6], $0xF7A  }
0x23: {  	s9 =	sor.u32 $0xD0000000, s2;
	s6 =	simm.s32 $0x108;
	_ =	swait.ge @!p0 [sflag:s8], $0x0  }
0x24: {  	s3 =	sadd.s32 $0x88, s3;
	s6 =	simm.s32 @!p1 $0x1082;
	[sflag:s4] =	ssyncset.s32 $0xFFFFF086  }
0x25: {  	[simem:s6], [sflag:s4] =	dma.local [hbm:s3], $0xF7A  }
0x26: {  	[smem:$0x3F8F] =	sst s1;
	(tag) =	ssettag s2;
	_ =	strace s9  }
0x27: {  	s1 =	sld [smem:$0x3F9F]  }
0x28: {  	s2 =	sld [smem:$0x3FA0]  }
0x29: {  	s4 =	sld [smem:$0x3FA2]  }
0x2a: {  	p0 =	seq.s32 s5, $0x0;
	s5 =	sld [smem:$0x3FA3]  }
0x2b: {  	s6 =	sld [smem:$0x3FA4]  }
0x2c: {  	s7 =	sld [smem:$0x3FA5]  }
0x2d: {  	s3 =	simm.s32 $0x108;
	s8 =	sld [smem:$0x3FA6]  }
0x2e: {  	s3 =	simm.s32 @!p0 $0x1082;
	s9 =	sld [smem:$0x3FA7]  }
0x2f: {  	lr =	sadd.s32 s0, s3;
	s0 =	sld [smem:$0x3F9E]  }
0x30: {  	s3 =	sld [smem:$0x3FA1]  }
0x31: {  	[smem:$0x3FAA] =	sst s10  }
0x32: {  	s10 =	sld [smem:$0x3FA8];
	_ =	sdelay $0x3  }
0x33: {  	p0 =	seq.s32 s10, $0x1;
	s10 =	sld [smem:$0x3FAA];
	_ =	sdelay $0x3  }
0x34: {  	[smem:$0x3FAA] =	sst s10  }
0x35: {  	s10 =	sld [smem:$0x3FA9];
	_ =	sdelay $0x3  }
0x36: {  	p1 =	seq.s32 s10, $0x1;
	s10 =	sld [smem:$0x3FAA];
	_ =	sdelay $0x3  }
0x37: {  	[smem:$0x3FAA] =	sst s10  }
0x38: {  	s10 =	sld [smem:$0x3FAB]  }
0x39: {  	_ = 	snop;
	(pc) =	sbr.ind lr, $3  }
0x3a: {  	_ = 	snop  }
0x3b: {  	_ = 	snop  }
0x3c: {  	p2 =	seq.s32 s10, $0x1;
	s10 =	sld [smem:$0x3FAA]  }
0x3d: {  	_ =	shalt  }
0x3e: {  	_ =	shalt  }
0x3f: {  	_ =	shalt  }
0x40: {  	_ =	shalt  }
0x41: {  	_ =	shalt  }
0x42: {  	_ =	shalt  }
0x43: {  	_ =	shalt  }
0x44: {  	_ =	shalt  }
0x45: {  	_ =	shalt  }
0x46: {  	_ =	shalt  }
0x47: {  	_ =	shalt  }
0x48: {  	_ =	shalt  }
0x49: {  	_ =	shalt  }
0x4a: {  	_ =	shalt  }
0x4b: {  	_ =	shalt  }
0x4c: {  	_ =	shalt  }
0x4d: {  	_ =	shalt  }
0x4e: {  	_ =	shalt  }
0x4f: {  	_ =	shalt  }
0x50: {  	_ =	shalt  }
0x51: {  	_ =	shalt  }
0x52: {  	_ =	shalt  }
0x53: {  	_ =	shalt  }
0x54: {  	_ =	shalt  }
0x55: {  	_ =	shalt  }
0x56: {  	_ =	shalt  }
0x57: {  	_ =	shalt  }
0x58: {  	_ =	shalt  }
0x59: {  	_ =	shalt  }
0x5a: {  	_ =	shalt  }
0x5b: {  	_ =	shalt  }
0x5c: {  	_ =	shalt  }
0x5d: {  	_ =	shalt  }
0x5e: {  	_ =	shalt  }
0x5f: {  	_ =	shalt  }
0x60: {  	_ =	shalt  }
0x61: {  	_ =	shalt  }
0x62: {  	_ =	shalt  }
0x63: {  	_ =	shalt  }
0x64: {  	_ =	shalt  }
0x65: {  	_ =	shalt  }
0x66: {  	_ =	shalt  }
0x67: {  	_ =	shalt  }
0x68: {  	_ =	shalt  }
0x69: {  	_ =	shalt  }
0x6a: {  	_ =	shalt  }
0x6b: {  	_ =	shalt  }
0x6c: {  	_ =	shalt  }
0x6d: {  	_ =	shalt  }
0x6e: {  	_ =	shalt  }
0x6f: {  	_ =	shalt  }
0x70: {  	_ =	shalt  }
0x71: {  	_ =	shalt  }
0x72: {  	_ =	shalt  }
0x73: {  	_ =	shalt  }
0x74: {  	_ =	shalt  }
0x75: {  	_ =	shalt  }
0x76: {  	_ =	shalt  }
0x77: {  	_ =	shalt  }
0x78: {  	_ =	shalt  }
0x79: {  	_ =	shalt  }
0x7a: {  	_ =	shalt  }
0x7b: {  	_ =	shalt  }
0x7c: {  	_ =	shalt  }
0x7d: {  	_ =	shalt  }
0x7e: {  	_ =	shalt  }
0x7f: {  	_ =	shalt  }
0x80: {  	_ =	shalt  }
0x81: {  	_ =	shalt  }
0x82: {  	_ =	shalt  }
0x83: {  	_ =	shalt  }
0x84: {  	_ =	shalt  }
0x85: {  	_ =	shalt  }
0x86: {  	_ =	shalt  }
0x87: {  	_ =	shalt  }
.Lfunc_end0:
.L_simem_size_0:
called_computation.7_lowered:
.L_overlay_start_0:
0x88: {  	s2 =	sld [smem:$0x3FD9]  }
0x89: {  	s3 =	sld [smem:$0x3FFE];
	_ =	sdelay $0x1  }
0x8a: {  	s1 =	srdreg.scid  }
0x8b: {  	s0 =	sand.u32 $0x1, s1  }
0x8c: {  	s17 =	sshll.u32 s0, $0xA;
	s2 =	sadd.s32 s3, s2  }
0x8d: {  	s2 =	sadd.s32 s2, s17  }
0x8e: {  	[smem:$0x3FB6] =	sst s2  }
0x8f: {  	_ = 	snop  }
0x90: {  	(tm) =	ssettm $0x1  }
0x91: {  	s18 =	sld [smem:$0x3FFB];
	_ =	sdelay $0x3  }
0x92: {  	_ =	strace s18  }
0x93: {  	s2 =	sld [smem:$0x3FFC];
	_ =	sdelay $0x3  }
0x94: {  	_ =	strace s2  }
0x95: {  	s2 =	sld [smem:$0x3FFD];
	_ =	sdelay $0x3  }
0x96: {  	_ =	strace s2  }
0x97: {  	_ =	strace $0x8FFFFFFF  }
0x98: {  	s19 =	sld [smem:$0x3FDB];
	_ =	sdelay $0x1  }
0x99: {  	s20 =	simm.s32 $_scs_section_size  }
0x9a: {  	s4 =	simm.s32 $_size__tile_overlayer_lowered;
	s5 =	simm.s32 $_tile_overlayer_lowered  }
0x9b: {  	s6 =	simm.s32 $0x1BFF;
	s21 =	sshll.u32 s5, $0x1;
	s3 =	sadd.s32 s20, s19  }
0x9c: {  	s22 =	simm.s32 $0x0;
	s4 =	sshll.u32 s4, $0x1;
	s5 =	sadd.s32 s21, s3  }
0x9d: {  	[timem:s22], [sflag:s6] =	dma.local [hbm:s5], s4  }
0x9e: {  	_ =	swait.ge [sflag:s6], s4  }
0x9f: {  	s4 =	ssub.s32 $0x0, s4;
	[sflag:s6] =	ssyncset.done $0x0  }
0xa0: {  	[sflag:s6] =	ssyncadd.s32 s4;
	_ =	sdelay $0x1  }
0xa1: {  	s23 =	simm.s32 $0x1B8B  }
0xa2: {  	_ =	swait.ge [sflag:s23], $0x1  }
0xa3: {  	[sflag:s23] =	ssyncset.done $0x0  }
0xa4: {  	[sflag:s23] =	ssyncadd.s32 $0xFFFFFFFF  }
0xa5: {  	s4 =	sld [smem:$0x0]  }
0xa6: {  	s5 =	sand.u32 $0xFFFFFFFE, s1  }
0xa7: {  	p0 =	sne.s32 s1, s5  }
0xa8: {  	s5 =	sshll.u32 @p0 s5, $0xE  }
0xa9: {  	s5 =	sadd.s32 @p0 $0x11B8D, s5;
	s6 =	sshll.u32 @p0 s4, $0x11  }
0xaa: {  	s5 =	sor.u32 @p0 s6, s5  }
0xab: {  	[sflag:s5] =	ssyncadd.remote.s32 @p0 $0x1;
	_ =	sdelay $0x1  }
0xac: {  	s5 =	simm.s32 @p0 $0x1B8D  }
0xad: {  	_ =	swait.eq @p0 [sflag:s5], $0x1  }
0xae: {  	[sflag:s5] =	ssyncadd.s32 @p0 $0xFFFFFFFF  }
0xaf: {  	s6 =	sshll.u32 @!p0 s1, $0xE  }
0xb0: {  	s6 =	sor.u32 @!p0 $0x4000, s6;
	s5 =	simm.s32 @!p0 $0x1B8D  }
0xb1: {  	s4 =	sshll.u32 @!p0 s4, $0x11;
	s6 =	sadd.s32 @!p0 $0x11B8D, s6;
	_ =	swait.eq @!p0 [sflag:s5], $0x1  }
0xb2: {  	s4 =	sor.u32 @!p0 s4, s6;
	[sflag:s5] =	ssyncadd.s32 @!p0 $0xFFFFFFFF  }
0xb3: {  	s25 =	simm.s32 $0x1B8E;
	s24 =	sld [smem:$0x3FFE];
	[sflag:s4] =	ssyncadd.remote.s32 @!p0 $0x1  }
0xb4: {  	s26 =	simm.s32 $execute0_lowered;
	[smem:$0x3FD2] =	sst s25  }
0xb5: {  	s5 =	sshll.u32 s26, $0x1;
	_ =	strace $0x8000005B;
	[dreg:$0x1] =	wrdreg $0xFFFFFFFF  }
0xb6: {  	s28 =	simm.s32 $_size_execute0_lowered;
	s3 =	sadd.s32 s3, s5;
	[dreg:$0x0] =	wrdreg $0x0  }
0xb7: {  	s5 =	sshll.u32 s28, $0x1;
	[dreg:$0x2] =	wrdreg s3  }
0xb8: {  	[dreg:$0x3] =	wrdreg s5  }
0xb9: {  	[dreg:$0x4] =	wrdreg $0xC0  }
0xba: {  	_ =	task [dreg:s22], $0x5FFFF  }
0xbb: {  	[dreg:$0x1] =	wrdreg $0xFFFFFFFF  }
0xbc: {  	[dreg:$0x0] =	wrdreg $0x60  }
0xbd: {  	[dreg:$0x2] =	wrdreg s24  }
0xbe: {  	[dreg:$0x3] =	wrdreg $0x51000  }
0xbf: {  	[dreg:$0x4] =	wrdreg $0x9  }
0xc0: {  	_ =	task.clear_ibuf [dreg:s22], $0x5FFFF;
	_ =	strace $0x9000005B  }
0xc1: {  	s29 =	simm.s32 $0x9;
	_ =	strace $0x8000005D  }
0xc2: {  	_ =	swait.ge [sflag:s29], $0x1  }
0xc3: {  	[sflag:s29] =	ssyncadd.s32 $0xFFFFFFFF  }
0xc4: {  	_ =	strace $0x9000005D  }
0xc5: {  	_ =	sfence  }
0xc6: {  	s30 =	sld [smem:$0x0];
	_ =	sdelay $0x2  }
0xc7: {  	s31 =	sshll.u32 s1, $0xD;
	s1 =	sshrl.u32 s1, $0x2  }
0xc8: {  	s4 =	sand.u32 $0x4000, s31;
	s1 =	sadd.s32 s1, s30  }
0xc9: {  	s0 =	sor.u32 s4, s0;
	s1 =	sshll.u32 s1, $0x11  }
0xca: {  	s0 =	sor.u32 s1, s0  }
0xcb: {  	s0 =	sadd.s32 $0x8F2B, s0  }
0xcc: {  	[sflag:s0] =	ssyncadd.remote.s32 $0x1  }
0xcd: {  	_ =	sfence.sel $0xFFFF  }
0xce: {  	[dreg:$0x0] =	wrdreg $0xFFFFFFFF;
	(pc) =	sbr.abs _section_cstart, $3  }
0xcf: {  	[dreg:$0x1] =	wrdreg $0xFFFFFFFF  }
0xd0: {  	_ =	task.clear_ibuf [dreg:s22], $0x2FFFF;
	_ =	strace $0x9FFFFFFF  }
0xd1: {  	(tm) =	ssettm $0x7FFFFFFF  }
tec
execute0_lowered:
.L_overlay_start_1:
0x0: {  	(tag) =	ssettag $0x1  }
0x1: {  	s0 =	rddreg [dreg:$0x0]  }
0x2: {  	s1 =	rddreg [dreg:$0x1];
	s2 =	simm.s32 $0x0;
	s3 =	srdreg.scid  }
0x3: {  	s4 =	stileid.u32;
	s28 =	simm.s32 $0x5;
	s29 =	simm.s32 $0x6  }
0x4: {  	s30 =	simm.s32 $0x0;
	[smem:$0x7FF] =	sst s2;
	s7 =	smul.u32 $0x50000, s4  }
0x5: {  	s13 =	sadd.s32 $0x395A00, s0;
	s15 =	sadd.s32 $0xF400, s0;
	s18 =	smul.u32 $0x730, s4  }
0x6: {  	s12 =	sand.u32 $0x1, s3;
	s31 =	sadd.s32 $0x19200, s0;
	s26 =	smul.u32 $0x7300, s4  }
0x7: {  	s23 =	sshll.u32 s4, $0x6;
	_ =	strace $0x8000005C;
	s5 =	smul.u32 $0x28000, s12  }
0x8: {  	[dreg:$0x3] =	wrdreg s31;
	s8 =	sshll.u32 s12, $0x4;
	s17 =	smul.u32 $0x7300, s12  }
0x9: {  	s6 =	ssub.s32 $0x2, s12;
	s19 =	smul.u32 $0x73000, s12;
	s8 =	sor.u32 s4, s8  }
0xa: {  	s20 =	sshrl.u32 s6, $0x1;
	s21 =	sshrl.u32 s7, $0x2;
	s22 =	smul.u32 $0x730, s8  }
0xb: {  	s0 =	sadd.s32 s5, s0;
	s9 =	ssub.s32 s6, s20;
	s24 =	smul.u32 $0x39800, s8  }
0xc: {  	s16 =	sadd.s32 s21, s1;
	s5 =	sor.u32 $0x1C07, s23;
	s10 =	smul.u32 $0x7300, s8  }
0xd: {  	s17 =	sadd.s32 s18, s17;
	s20 =	simm.s32 $0x3;
	s21 =	simm.s32 $0x50  }
0xe: {  	s23 =	simm.s32 $0x2900;
	s0 =	sadd.s32 $0x47BA00, s0;
	s8 =	smax.u32 s9, $0x1  }
0xf: {  	s18 =	sadd.s32 $0x3FCF0, s17;
	s17 =	sadd.s32 $0x3FCA0, s17;
	s16 =	sshrl.u32 s16, $0x3  }
0x10: {  	s14 =	sshll.u32 s22, $0x4;
	s6 =	sshrl.u32 s22, $0x3;
	s7 =	sshrl.u32 s24, $0x3  }
0x11: {  	s24 =	smul.u32 $0x2800, s4;
	s10 =	sadd.s32 s13, s10;
	s31 =	sshrl.u32 s18, $0x3  }
0x12: {  	s17 =	sshrl.u32 s17, $0x3;
	s18 =	simm.s32 $0x100;
	s22 =	simm.s32 $0x80  }
0x13: {  	s11 =	sadd.s32 s15, s6;
	s7 =	sadd.s32 s13, s7;
	s25 =	sadd.s32 s13, s14  }
0x14: {  	s13 =	sadd.s32 s19, s13;
	s14 =	sadd.s32 s31, s15;
	s15 =	sadd.s32 s17, s15  }
0x15: {  	s17 =	simm.s32 $0x7;
	s19 =	simm.s32 $0x1;
	s6 =	sadd.s32 $0x805C, s11  }
0x16: {  	s7 =	sadd.s32 $0x6E00, s7;
	s9 =	sadd.s32 $0x7F80, s11;
	s11 =	sadd.s32 $0x7F8A, s11  }
0x17: {  	s12 =	sadd.s32 $0x500, s25;
	s13 =	sadd.s32 s26, s13;
	s24 =	sadd.s32 s24, s0  }
0x18: {  	s25 =	simm.s32 $0x2;
	s26 =	simm.s32 $0x4;
	s13 =	sadd.s32 $0xF00, s13  }
.LBB2_1:
0x19: {  	s0 =	rddreg [dreg:$0x3]  }
0x1a: {  	[spmem:s16], [sflag:s5] =	dma.local [hbm:s0], $0x2800  }
0x1b: {  	_ =	swait.ge [sflag:s17], $0x2800  }
0x1c: {  	[sflag:s17] =	ssyncset.done $0x0  }
0x1d: {  	[sflag:s17] =	ssyncadd.s32 $0xFFFFD800  }
0x1e: {  	[bflag:$0x0] =	sbarrier.arrive $0xFFFF  }
0x1f: {  	[tilespmem:s2], [sflag:$0x1] =	stream.linear.gather [hbm4b:s9+s2], $0x50, $0x38;
	[tilespmem:$0x19100] =	vst v63  }
0x20: {  	_ = 	snop  }
0x21: {  	[tilespmem:s18], [sflag:$0x3] =	stream.linear.gather [hbm4b:s10+s2], $0x2800, $0x38;
	[tilespmem:$0x19100] =	vst v63  }
0x22: {  	_ =	swait.ge [sflag:s19], $0x50  }
0x23: {  	[sflag:s19] =	ssyncset.done $0x0  }
0x24: {  	[sflag:s19] =	ssyncadd.s32 $0xFFFFFFB0  }
0x25: {  	_ =	swait.ge [sflag:s20], $0x2800  }
0x26: {  	[sflag:s20] =	ssyncset.done $0x0  }
0x27: {  	[sflag:s20] =	ssyncadd.s32 $0xFFFFD800  }
0x28: {  	[spmem:s1] =	stream.indirect.scatter.add.f32 [tilespmem:s18], [sflag:$0x5], $0x80, s2, s21, $0xb8;
	[tilespmem:$0x19100] =	vst v63  }
0x29: {  	_ = 	snop  }
0x2a: {  	[tilespmem:s22], [sflag:$0x2] =	stream.linear.gather [hbm4b:s11+s2], $0x50, $0x38;
	[tilespmem:$0x19100] =	vst v63  }
0x2b: {  	_ = 	snop  }
0x2c: {  	[tilespmem:s23], [sflag:$0x4] =	stream.linear.gather [hbm4b:s12+s2], $0x2800, $0x38;
	[tilespmem:$0x19100] =	vst v63  }
0x2d: {  	_ =	swait.ge [sflag:s25], $0x50  }
0x2e: {  	[sflag:s25] =	ssyncset.done $0x0  }
0x2f: {  	[sflag:s25] =	ssyncadd.s32 $0xFFFFFFB0  }
0x30: {  	_ =	swait.ge [sflag:s26], $0x2800  }
0x31: {  	[sflag:s26] =	ssyncset.done $0x0  }
0x32: {  	[sflag:s26] =	ssyncadd.s32 $0xFFFFD800  }
0x33: {  	[spmem:s1] =	stream.indirect.scatter.add.f32 [tilespmem:s23], [sflag:$0x6], $0x80, s22, s21, $0xb8;
	[tilespmem:$0x19100] =	vst v63  }
0x34: {  	_ =	swait.ge [sflag:s28], $0x2800  }
0x35: {  	[sflag:s28] =	ssyncset.done $0x0  }
0x36: {  	s4 =	sadd.s32 $0x0, s15;
	[sflag:s28] =	ssyncadd.s32 $0xFFFFD800  }
0x37: {  	[tilespmem:s2], [sflag:$0x1] =	stream.linear.gather [hbm4b:s4+s2], $0x50, $0x38;
	[tilespmem:$0x19100] =	vst v63  }
0x38: {  	s3 =	sadd.s32 $0xFFFFFB00, s13  }
0x39: {  	[tilespmem:s18], [sflag:$0x3] =	stream.linear.gather [hbm4b:s3+s2], $0x2800, $0x38;
	[tilespmem:$0x19100] =	vst v63  }
0x3a: {  	_ =	swait.ge [sflag:s19], $0x50  }
0x3b: {  	[sflag:s19] =	ssyncset.done $0x0  }
0x3c: {  	[sflag:s19] =	ssyncadd.s32 $0xFFFFFFB0  }
0x3d: {  	_ =	swait.ge [sflag:s20], $0x2800  }
0x3e: {  	[sflag:s20] =	ssyncset.done $0x0  }
0x3f: {  	[sflag:s20] =	ssyncadd.s32 $0xFFFFD800  }
0x40: {  	[spmem:s1] =	stream.indirect.scatter.add.f32 [tilespmem:s18], [sflag:$0x5], $0x80, s2, s21, $0xb8;
	[tilespmem:$0x19100] =	vst v63  }
0x41: {  	_ =	swait.ge [sflag:s29], $0x2800  }
0x42: {  	[sflag:s29] =	ssyncset.done $0x0  }
0x43: {  	s4 =	sadd.s32 $0x0, s14;
	[sflag:s29] =	ssyncadd.s32 $0xFFFFD800  }
0x44: {  	[tilespmem:s22], [sflag:$0x2] =	stream.linear.gather [hbm4b:s4+s2], $0x50, $0x38;
	[tilespmem:$0x19100] =	vst v63  }
0x45: {  	_ = 	snop  }
0x46: {  	[tilespmem:s23], [sflag:$0x4] =	stream.linear.gather [hbm4b:s13+s2], $0x2800, $0x38;
	[tilespmem:$0x19100] =	vst v63  }
0x47: {  	_ =	swait.ge [sflag:s25], $0x50  }
0x48: {  	[sflag:s25] =	ssyncset.done $0x0  }
0x49: {  	[sflag:s25] =	ssyncadd.s32 $0xFFFFFFB0  }
0x4a: {  	_ =	swait.ge [sflag:s26], $0x2800  }
0x4b: {  	[sflag:s26] =	ssyncset.done $0x0  }
0x4c: {  	s31 =	simm.s32 $0x14;
	s0 =	sadd.s32 $0xA00, s13;
	[sflag:s26] =	ssyncadd.s32 $0xFFFFD800  }
.LBB2_2:
0x4d: {  	[spmem:s1] =	stream.indirect.scatter.add.f32 [tilespmem:s23], [sflag:$0x6], $0x80, s22, s21, $0xb8;
	[tilespmem:$0x19100] =	vst v63  }
0x4e: {  	s3 =	smov.u32 s31  }
0x4f: {  	p0 =	sne.s32 s31, $0xB4;
	s31 =	sadd.s32 $0x14, s31;
	_ =	swait.ge [sflag:s28], $0x2800  }
0x50: {  	[sflag:s28] =	ssyncset.done $0x0  }
0x51: {  	s4 =	sadd.s32 s3, s15;
	[sflag:s28] =	ssyncadd.s32 $0xFFFFD800  }
0x52: {  	[tilespmem:s2], [sflag:$0x1] =	stream.linear.gather [hbm4b:s4+s2], $0x50, $0x38;
	[tilespmem:$0x19100] =	vst v63  }
0x53: {  	s4 =	sadd.s32 $0xFFFFFB00, s0  }
0x54: {  	[tilespmem:s18], [sflag:$0x3] =	stream.linear.gather [hbm4b:s4+s2], $0x2800, $0x38;
	[tilespmem:$0x19100] =	vst v63  }
0x55: {  	_ =	swait.ge [sflag:s19], $0x50  }
0x56: {  	[sflag:s19] =	ssyncset.done $0x0  }
0x57: {  	[sflag:s19] =	ssyncadd.s32 $0xFFFFFFB0  }
0x58: {  	_ =	swait.ge [sflag:s20], $0x2800  }
0x59: {  	[sflag:s20] =	ssyncset.done $0x0  }
0x5a: {  	[sflag:s20] =	ssyncadd.s32 $0xFFFFD800  }
0x5b: {  	[spmem:s1] =	stream.indirect.scatter.add.f32 [tilespmem:s18], [sflag:$0x5], $0x80, s2, s21, $0xb8;
	[tilespmem:$0x19100] =	vst v63  }
0x5c: {  	_ =	swait.ge [sflag:s29], $0x2800  }
0x5d: {  	[sflag:s29] =	ssyncset.done $0x0  }
0x5e: {  	s3 =	sadd.s32 s3, s14;
	[sflag:s29] =	ssyncadd.s32 $0xFFFFD800  }
0x5f: {  	[tilespmem:s22], [sflag:$0x2] =	stream.linear.gather [hbm4b:s3+s2], $0x50, $0x38;
	[tilespmem:$0x19100] =	vst v63  }
0x60: {  	_ = 	snop  }
0x61: {  	[tilespmem:s23], [sflag:$0x4] =	stream.linear.gather [hbm4b:s0+s2], $0x2800, $0x38;
	[tilespmem:$0x19100] =	vst v63  }
0x62: {  	_ =	swait.ge [sflag:s25], $0x50  }
.Ltmp0:
0x63: {  	[sflag:s25] =	ssyncset.done $0x0;
	(pc) =	sbr.rel @p0 .LBB2_2-.Ltmp0, $4  }
0x64: {  	[sflag:s25] =	ssyncadd.s32 $0xFFFFFFB0  }
0x65: {  	_ =	swait.ge [sflag:s26], $0x2800  }
0x66: {  	[sflag:s26] =	ssyncset.done $0x0  }
0x67: {  	s0 =	sadd.s32 $0xA00, s0;
	[sflag:s26] =	ssyncadd.s32 $0xFFFFD800  }
0x68: {  	[spmem:s1] =	stream.indirect.scatter.add.f32 [tilespmem:s23], [sflag:$0x6], $0x80, s22, s21, $0xb8;
	[tilespmem:$0x19100] =	vst v63  }
0x69: {  	_ =	swait.ge [sflag:s28], $0x2800  }
0x6a: {  	[sflag:s28] =	ssyncset.done $0x0  }
0x6b: {  	[sflag:s28] =	ssyncadd.s32 $0xFFFFD800  }
0x6c: {  	[tilespmem:s2], [sflag:$0x1] =	stream.linear.gather [hbm4b:s6+s2], $0x50, $0x38;
	[tilespmem:$0x19100] =	vst v63  }
0x6d: {  	_ = 	snop  }
0x6e: {  	[tilespmem:s18], [sflag:$0x3] =	stream.linear.gather [hbm4b:s7+s2], $0x2800, $0x38;
	[tilespmem:$0x19100] =	vst v63  }
0x6f: {  	_ =	swait.ge [sflag:s19], $0x50  }
0x70: {  	[sflag:s19] =	ssyncset.done $0x0  }
0x71: {  	[sflag:s19] =	ssyncadd.s32 $0xFFFFFFB0  }
0x72: {  	_ =	swait.ge [sflag:s20], $0x2800  }
0x73: {  	[sflag:s20] =	ssyncset.done $0x0  }
0x74: {  	[sflag:s20] =	ssyncadd.s32 $0xFFFFD800  }
0x75: {  	[spmem:s1] =	stream.indirect.scatter.add.f32 [tilespmem:s18], [sflag:$0x5], $0x80, s2, s21, $0xb8;
	[tilespmem:$0x19100] =	vst v63  }
0x76: {  	_ =	swait.ge [sflag:s28], $0x2800  }
0x77: {  	[sflag:s28] =	ssyncset.done $0x0  }
0x78: {  	[sflag:s28] =	ssyncadd.s32 $0xFFFFD800  }
0x79: {  	_ =	swait.ge [sflag:s29], $0x2800  }
0x7a: {  	s30 =	sadd.s32 $0x1, s30;
	[sflag:s29] =	ssyncset.done $0x0  }
0x7b: {  	p0 =	sne.s32 s30, s8;
	[sflag:s29] =	ssyncadd.s32 $0xFFFFD800  }
.Ltmp1:
0x7c: {  	[bflag:$0x0] =	sbarrier.arrive $0xFFFF;
	(pc) =	sbr.rel @p0 .LBB2_1-.Ltmp1, $4  }
0x7d: {  	[hbm:s24], [sflag:s5] =	dma.local [spmem:s16], $0x2800  }
0x7e: {  	_ =	swait.ge [sflag:s17], $0x2800  }
0x7f: {  	[sflag:s17] =	ssyncset.done $0x0  }
0x80: {  	[sflag:s17] =	ssyncadd.s32 $0xFFFFD800  }
0x81: {  	_ =	sfence.sel $0x180000  }
0x82: {  	[bflag:$0x0] =	sbarrier.arrive $0xFFFF  }
0x83: {  	_ =	strace $0x9000005C  }
0x84: {  	s0 =	stileid.u32;
	[bflag:$0x2] =	sbarrier.arrive $0xFFFF  }
0x85: {  	p0 =	sne.s32 s0, $0x0;
	s0 =	rddreg [dreg:$0x2]  }
0x86: {  	s0 =	sadd.s32 @!p0 $0x100000, s0  }
0x87: {  	[sflag:s0] =	ssyncadd.tile.s32 @!p0 $0x1;
	_ =	shalt  }
.Lfunc_end2:
_tile_overlayer_lowered:
.L_overlay_start_2:
0x88: {  	(tag) =	ssettag $0x2  }
0x89: {  	s0 =	rddreg [dreg:$0x0];
	s2 =	stileid.u32  }
0x8a: {  	s1 =	rddreg [dreg:$0x1];
	p0 =	sne.s32 s2, $0x0  }
0x8b: {  	s3 =	rddreg [dreg:$0x2];
	[bflag:$0x3] =	sbarrier.arrive $0xFFFF;
	s2 =	simm.s32 @!p0 $0x1C07  }
0x8c: {  	[timem:s3], [sflag:s2] =	dma.local @!p0 [hbm:s0], s1  }
0x8d: {  	s0 =	simm.s32 @!p0 $0x7  }
0x8e: {  	_ =	swait.ge @!p0 [sflag:s0], s1  }
0x8f: {  	s1 =	ssub.s32 @!p0 $0x0, s1;
	[sflag:s0] =	ssyncset.done @!p0 $0x0  }
0x90: {  	[sflag:s0] =	ssyncadd.s32 @!p0 s1  }
0x91: {  	[bflag:$0x3] =	sbarrier.arrive $0xFFFF  }
0x92: {  	_ =	shalt  }

</sc_bundles>
